<compile_context>
chip_gen: v7x
topology: tpu7x:2x2x1
jax: 0.10.2.dev20260603
libtpu: 0.0.44.dev20260713+nightly
codegen_flags: <defaults>
</compile_context>

<pallas_src>
import jax
import jax.numpy as jnp
from jax import lax
from jax.experimental import pallas as pl
from jax.experimental.pallas import tpu as pltpu
from jax.experimental.pallas import tpu_sc as plsc

B, C, H, W = 4, 96, 224, 224
CP = 128
CPI = CP // 2
HW = H * W
PAD = 256
HWP = HW + PAD
P = B * HW
NC, NS = 2, 16
NW = NC * NS
PPW = P // NW
WPB = HW // PPW
CHUNK = 128
NCHUNK = PPW // CHUNK
NPAIR = (NCHUNK - 1) // 2
OBLK = 128
OROWS = B * C * (HW // OBLK)
ORPB = HW // OBLK
PXR = HWP + W


def _sc_body(table, gxy, out,
             gxall, gyall,
             ia0, ia1, w00a, w01a, w10a, w11a, ra0, ra1,
             ib0, ib1, w00b, w01b, w10b, w11b, rb0, rb1,
             out_t, idx_o, sem_a, sem_b, sem_o):
    core = lax.axis_index("c")
    sub = lax.axis_index("s")
    wid = core * NS + sub
    b = wid // WPB
    row_base = b * HWP
    obase = b * C * ORPB + (wid % WPB) * (PPW // OBLK)
    iota16 = lax.iota(jnp.int32, 16)
    zeros16 = jnp.zeros((16,), jnp.int32)
    ch_ev = [32 * k + 2 * iota16 for k in range(C // 32)]
    ch_od = [32 * k + 2 * iota16 + 1 for k in range(C // 32)]

    inb = (wid % WPB) * PPW
    pltpu.sync_copy(gxy.at[pl.ds(2 * b * HW + inb, PPW)], gxall)
    pltpu.sync_copy(gxy.at[pl.ds((2 * b + 1) * HW + inb, PPW)], gyall)

    def prep(t, i0, i1, w00s, w01s, w10s, w11s):
        for g in range(CHUNK // 16):
            src = pl.ds(t * CHUNK + g * 16, 16)
            dst = pl.ds(g * 16, 16)
            xv = gxall[src] * jnp.float32(W - 1)
            yv = gyall[src] * jnp.float32(H - 1)
            x0 = xv.astype(jnp.int32)
            y0 = yv.astype(jnp.int32)
            wx = xv - x0.astype(jnp.float32)
            wy = yv - y0.astype(jnp.float32)
            one_m_wx = 1.0 - wx
            one_m_wy = 1.0 - wy
            w00s[dst] = one_m_wx * one_m_wy
            w01s[dst] = wx * one_m_wy
            w10s[dst] = one_m_wx * wy
            w11s[dst] = wx * wy
            idx = row_base + y0 * W + x0
            i0[dst] = idx
            i1[dst] = jnp.minimum(idx + 1, row_base + HW - 1)

    def issue(i0, i1, r0, r1, sem):
        pltpu.async_copy(table.at[i0], r0, sem)
        pltpu.async_copy(table.at[i1], r1, sem)

    def drain_gather(r0, r1, sem):
        for r in (r0, r1):
            pltpu.make_async_copy(table.at[pl.ds(0, CHUNK)], r, sem).wait()

    def combine(w00s, w01s, w10s, w11s, r0, r1):
        def point(p, carry):
            pw = p + zeros16
            po = pw
            b00 = plsc.load_gather(w00s, [pw])
            b01 = plsc.load_gather(w01s, [pw])
            b10 = plsc.load_gather(w10s, [pw])
            b11 = plsc.load_gather(w11s, [pw])
            for k in range(C // 32):
                sl0 = pl.ds(16 * k, 16)
                sl1 = pl.ds(CPI + 16 * k, 16)

                def dec(v):
                    return plsc.unpack(plsc.bitcast(v, jnp.bfloat16),
                                       format=plsc.PackFormat.INTERLEAVED)

                e0, o0 = dec(r0[p, sl0])
                e1, o1 = dec(r1[p, sl0])
                e2, o2 = dec(r0[p, sl1])
                e3, o3 = dec(r1[p, sl1])
                ve = b00 * e0 + b01 * e1 + b10 * e2 + b11 * e3
                vo = b00 * o0 + b01 * o1 + b10 * o2 + b11 * o3
                plsc.store_scatter(out_t, [ch_ev[k], po], ve)
                plsc.store_scatter(out_t, [ch_od[k], po], vo)
            return carry

        lax.fori_loop(0, CHUNK, point, 0)

    def scatter_out(pair):
        blk = obase + pair
        for g in range(C // 16):
            c16 = g * 16 + iota16
            idx_o[pl.ds(g * 16, 16)] = blk + c16 * ORPB
        pltpu.async_copy(out_t, out.at[idx_o], sem_o)

    def drain_out():
        pltpu.make_async_copy(out.at[pl.ds(0, C)], out_t, sem_o).wait()

    prep(0, ia0, ia1, w00a, w01a, w10a, w11a)
    issue(ia0, ia1, ra0, ra1, sem_a)

    def pair_body(i, carry):
        prep(2 * i + 1, ib0, ib1, w00b, w01b, w10b, w11b)
        issue(ib0, ib1, rb0, rb1, sem_b)
        drain_gather(ra0, ra1, sem_a)

        @pl.when(i > 0)
        def _():
            drain_out()

        combine(w00a, w01a, w10a, w11a, ra0, ra1)
        scatter_out(2 * i)
        prep(2 * i + 2, ia0, ia1, w00a, w01a, w10a, w11a)
        issue(ia0, ia1, ra0, ra1, sem_a)
        drain_gather(rb0, rb1, sem_b)
        drain_out()
        combine(w00b, w01b, w10b, w11b, rb0, rb1)
        scatter_out(2 * i + 1)
        return carry

    lax.fori_loop(0, NPAIR, pair_body, 0)
    drain_gather(ra0, ra1, sem_a)
    drain_out()
    combine(w00a, w01a, w10a, w11a, ra0, ra1)
    scatter_out(NCHUNK - 1)
    drain_out()


_MESH = plsc.VectorSubcoreMesh(core_axis_name="c", subcore_axis_name="s",
                               num_cores=NC, num_subcores=NS)

_IDX = pltpu.VMEM((CHUNK,), jnp.int32)
_WGT = pltpu.VMEM((CHUNK,), jnp.float32)
_ROWS = pltpu.VMEM((CHUNK, 2 * CPI), jnp.int32)

_sc_interp = pl.kernel(
    _sc_body,
    out_type=jax.ShapeDtypeStruct((OROWS, OBLK), jnp.float32),
    mesh=_MESH,
    compiler_params=pltpu.CompilerParams(needs_layout_passes=False),
    scratch_types=[
        pltpu.VMEM((PPW,), jnp.float32),
        pltpu.VMEM((PPW,), jnp.float32),
        _IDX, _IDX, _WGT, _WGT, _WGT, _WGT, _ROWS, _ROWS,
        _IDX, _IDX, _WGT, _WGT, _WGT, _WGT, _ROWS, _ROWS,
        pltpu.VMEM((C, OBLK), jnp.float32),
        pltpu.VMEM((C,), jnp.int32),
        pltpu.SemaphoreType.DMA,
        pltpu.SemaphoreType.DMA,
        pltpu.SemaphoreType.DMA,
    ],
)


@jax.jit
def kernel(im0, grid):
    a = jnp.transpose(im0.astype(jnp.bfloat16), (0, 2, 3, 1))
    a = jnp.pad(a.reshape(B, HW, C), ((0, 0), (0, PAD + W), (0, CP - C)))
    px = jax.lax.bitcast_convert_type(
        a.reshape(B, PXR, CPI, 2), jnp.int32)
    imt = jnp.concatenate([px[:, :HWP], px[:, W:]], axis=-1)
    imt = imt.reshape(B * HWP, 2 * CPI)
    outf = _sc_interp(imt, grid.reshape(2 * P))
    return outf.reshape(B, C, H, W)

# --- scband reference (transcript-rebuilt; emitter-appended) ---
"""Pipeline reference for scband-griddata-cuda-28475633173083 (READ-ONLY COPY).

The authoritative reference and input builder live on the scoring server;
editing this copy changes nothing except your own understanding.
"""

import jax, jax.numpy as jnp
import numpy as np

B, C, H, W = 4, 96, 224, 224

def setup_inputs(seed: int = 0) -> dict:
    key = jax.random.key(seed)
    k1, k2 = jax.random.split(key)
    im0 = jax.random.normal(k1, (B, C, H, W), dtype=jnp.float32)
    grid = jax.random.uniform(k2, (B, 2, H, W), dtype=jnp.float32)
    return {"im0": im0, "grid": grid}

def reference(im0, grid):
    # Griddata: bilinear interpolation of im0 at continuous sample locations
    # given by grid. grid[:,0] = x coordinate (normalized [0,1] across width),
    # grid[:,1] = y coordinate (normalized [0,1] across height).
    Bb, Cc, Hh, Ww = im0.shape
    x = grid[:, 0] * (Ww - 1)
    y = grid[:, 1] * (Hh - 1)
    x0 = jnp.floor(x)
    y0 = jnp.floor(y)
    wx = x - x0
    wy = y - y0
    x0i = jnp.clip(x0, 0, Ww - 1).astype(jnp.int32)
    x1i = jnp.clip(x0 + 1, 0, Ww - 1).astype(jnp.int32)
    y0i = jnp.clip(y0, 0, Hh - 1).astype(jnp.int32)
    y1i = jnp.clip(y0 + 1, 0, Hh - 1).astype(jnp.int32)
    imf = im0.reshape(Bb, Cc, Hh * Ww)
    def gat(yi, xi):
        idx = (yi * Ww + xi).reshape(Bb, 1, Hh * Ww)
        idx = jnp.broadcast_to(idx, (Bb, Cc, Hh * Ww))
        return jnp.take_along_axis(imf, idx, axis=2).reshape(Bb, Cc, Hh, Ww)
    v00 = gat(y0i, x0i)
    v01 = gat(y0i, x1i)
    v10 = gat(y1i, x0i)
    v11 = gat(y1i, x1i)
    wxb = wx[:, None, :, :]
    wyb = wy[:, None, :, :]
    out = (v00 * (1.0 - wxb) * (1.0 - wyb)
           + v01 * wxb * (1.0 - wyb)
           + v10 * (1.0 - wxb) * wyb
           + v11 * wxb * wyb)
    return out

if __name__ == "__main__":
    import jax
    _d = setup_inputs()
    print(jax.jit(kernel)(*tuple(_d.values())))

</pallas_src>

<mosaic_0001>
#map = affine_map<(d0, d1) -> (0, 0)>
#map1 = affine_map<(d0, d1) -> (0)>
module attributes {stable_mosaic.version = 14 : i64} {
  func.func @_sc_body(%arg0: i32, %arg1: i32, %arg2: memref<201728x128xi32, #tpu.memory_space<hbm>>, %arg3: memref<401408xf32, #tpu.memory_space<hbm>>, %arg4: memref<150528x128xf32, #tpu.memory_space<hbm>>, %arg5: memref<6272xf32, #tpu.memory_space<vmem>>, %arg6: memref<6272xf32, #tpu.memory_space<vmem>>, %arg7: memref<128xi32, #tpu.memory_space<vmem>>, %arg8: memref<128xi32, #tpu.memory_space<vmem>>, %arg9: memref<128xf32, #tpu.memory_space<vmem>>, %arg10: memref<128xf32, #tpu.memory_space<vmem>>, %arg11: memref<128xf32, #tpu.memory_space<vmem>>, %arg12: memref<128xf32, #tpu.memory_space<vmem>>, %arg13: memref<128x128xi32, #tpu.memory_space<vmem>>, %arg14: memref<128x128xi32, #tpu.memory_space<vmem>>, %arg15: memref<128xi32, #tpu.memory_space<vmem>>, %arg16: memref<128xi32, #tpu.memory_space<vmem>>, %arg17: memref<128xf32, #tpu.memory_space<vmem>>, %arg18: memref<128xf32, #tpu.memory_space<vmem>>, %arg19: memref<128xf32, #tpu.memory_space<vmem>>, %arg20: memref<128xf32, #tpu.memory_space<vmem>>, %arg21: memref<128x128xi32, #tpu.memory_space<vmem>>, %arg22: memref<128x128xi32, #tpu.memory_space<vmem>>, %arg23: memref<96x128xf32, #tpu.memory_space<vmem>>, %arg24: memref<96xi32, #tpu.memory_space<vmem>>, %arg25: memref<!tpu.dma_semaphore, #tpu.memory_space<semaphore_mem>>, %arg26: memref<!tpu.dma_semaphore, #tpu.memory_space<semaphore_mem>>, %arg27: memref<!tpu.dma_semaphore, #tpu.memory_space<semaphore_mem>>) attributes {dimension_semantics = [#tpu.dimension_semantics<core_parallel>, #tpu.dimension_semantics<subcore_parallel>], iteration_bounds = array<i64: 2, 16>, scalar_prefetch = 0 : i64, scratch_operands = 23 : i64, tpu.core_type = #tpu.core_type<sc_vector_subcore>, window_params = [{transform_indices = #map}, {transform_indices = #map1}, {transform_indices = #map}]} {
    %mul3A = arith.constant 16 : i32
    %mul3A_0 = arith.muli %arg0, %mul3A : i32
    %add3A = arith.addi %mul3A_0, %arg1 : i32
    %jit3A = arith.constant 8 : i32
    %div3A = arith.divsi %add3A, %jit3A : i32
    %sign3A = arith.constant 0 : i32
    %sign3A_1 = arith.cmpi sgt, %add3A, %sign3A : i32
    %sign3A_2 = arith.extui %sign3A_1 : i1 to i32
    %sign3A_3 = arith.constant 0 : i32
    %sign3A_4 = arith.cmpi slt, %add3A, %sign3A_3 : i32
    %sign3A_5 = arith.extui %sign3A_4 : i1 to i32
    %sign3A_6 = arith.subi %sign3A_2, %sign3A_5 : i32
    %sign3A_7 = arith.constant 0 : i32
    %sign3A_8 = arith.cmpi sgt, %jit3A, %sign3A_7 : i32
    %sign3A_9 = arith.extui %sign3A_8 : i1 to i32
    %sign3A_10 = arith.constant 0 : i32
    %sign3A_11 = arith.cmpi slt, %jit3A, %sign3A_10 : i32
    %sign3A_12 = arith.extui %sign3A_11 : i1 to i32
    %sign3A_13 = arith.subi %sign3A_9, %sign3A_12 : i32
    %ne3A = arith.cmpi ne, %sign3A_6, %sign3A_13 : i32
    %rem3A = arith.remsi %add3A, %jit3A : i32
    %ne3A_14 = arith.constant 0 : i32
    %ne3A_15 = arith.cmpi ne, %rem3A, %ne3A_14 : i32
    %and3A = arith.andi %ne3A, %ne3A_15 : i1
    %sub3A = arith.constant 1 : i32
    %sub3A_16 = arith.subi %div3A, %sub3A : i32
    %select_n3A = arith.select %and3A, %sub3A_16, %div3A : i32
    %mul3A_17 = arith.constant 50432 : i32
    %mul3A_18 = arith.muli %select_n3A, %mul3A_17 : i32
    %mul3A_19 = arith.constant 96 : i32
    %mul3A_20 = arith.muli %select_n3A, %mul3A_19 : i32
    %mul3A_21 = arith.constant 392 : i32
    %mul3A_22 = arith.muli %mul3A_20, %mul3A_21 : i32
    %jit3A_23 = arith.constant 8 : i32
    %eq3A = arith.constant 0 : i32
    %eq3A_24 = arith.cmpi eq, %jit3A_23, %eq3A : i32
    %jit3A_25 = arith.constant 1 : i32
    %select_n3A_26 = arith.select %eq3A_24, %jit3A_25, %jit3A_23 : i32
    %rem3A_27 = arith.remsi %add3A, %select_n3A_26 : i32
    %ne3A_28 = arith.constant 0 : i32
    %ne3A_29 = arith.cmpi ne, %rem3A_27, %ne3A_28 : i32
    %lt3A = arith.constant 0 : i32
    %lt3A_30 = arith.cmpi slt, %rem3A_27, %lt3A : i32
    %lt3A_31 = arith.constant 0 : i32
    %lt3A_32 = arith.cmpi slt, %select_n3A_26, %lt3A_31 : i32
    %ne3A_33 = arith.xori %lt3A_30, %lt3A_32 : i1
    %and3A_34 = arith.andi %ne3A_33, %ne3A_29 : i1
    %add3A_35 = arith.addi %rem3A_27, %select_n3A_26 : i32
    %select_n3A_36 = arith.select %and3A_34, %add3A_35, %rem3A_27 : i32
    %mul3A_37 = arith.constant 49 : i32
    %mul3A_38 = arith.muli %select_n3A_36, %mul3A_37 : i32
    %add3A_39 = arith.addi %mul3A_22, %mul3A_38 : i32
    %iota3A = tpu.iota {dimensions = array<i32: 0>} : vector<16xi32>
    %broadcast_in_dim3A = arith.constant 0 : i32
    %broadcast_in_dim3A_40 = vector.broadcast %broadcast_in_dim3A : i32 to vector<16xi32>
    %mul3A_41 = arith.constant 2 : i32
    %mul3A_42 = vector.broadcast %mul3A_41 : i32 to vector<16xi32>
    %mul3A_43 = arith.muli %mul3A_42, %iota3A : vector<16xi32>
    %add3A_44 = arith.constant 0 : i32
    %add3A_45 = vector.broadcast %add3A_44 : i32 to vector<16xi32>
    %add3A_46 = arith.addi %add3A_45, %mul3A_43 : vector<16xi32>
    %mul3A_47 = arith.constant 2 : i32
    %mul3A_48 = vector.broadcast %mul3A_47 : i32 to vector<16xi32>
    %mul3A_49 = arith.muli %mul3A_48, %iota3A : vector<16xi32>
    %add3A_50 = arith.constant 32 : i32
    %add3A_51 = vector.broadcast %add3A_50 : i32 to vector<16xi32>
    %add3A_52 = arith.addi %add3A_51, %mul3A_49 : vector<16xi32>
    %mul3A_53 = arith.constant 2 : i32
    %mul3A_54 = vector.broadcast %mul3A_53 : i32 to vector<16xi32>
    %mul3A_55 = arith.muli %mul3A_54, %iota3A : vector<16xi32>
    %add3A_56 = arith.constant 64 : i32
    %add3A_57 = vector.broadcast %add3A_56 : i32 to vector<16xi32>
    %add3A_58 = arith.addi %add3A_57, %mul3A_55 : vector<16xi32>
    %mul3A_59 = arith.constant 2 : i32
    %mul3A_60 = vector.broadcast %mul3A_59 : i32 to vector<16xi32>
    %mul3A_61 = arith.muli %mul3A_60, %iota3A : vector<16xi32>
    %add3A_62 = arith.constant 0 : i32
    %add3A_63 = vector.broadcast %add3A_62 : i32 to vector<16xi32>
    %add3A_64 = arith.addi %add3A_63, %mul3A_61 : vector<16xi32>
    %add3A_65 = arith.constant 1 : i32
    %add3A_66 = vector.broadcast %add3A_65 : i32 to vector<16xi32>
    %add3A_67 = arith.addi %add3A_64, %add3A_66 : vector<16xi32>
    %mul3A_68 = arith.constant 2 : i32
    %mul3A_69 = vector.broadcast %mul3A_68 : i32 to vector<16xi32>
    %mul3A_70 = arith.muli %mul3A_69, %iota3A : vector<16xi32>
    %add3A_71 = arith.constant 32 : i32
    %add3A_72 = vector.broadcast %add3A_71 : i32 to vector<16xi32>
    %add3A_73 = arith.addi %add3A_72, %mul3A_70 : vector<16xi32>
    %add3A_74 = arith.constant 1 : i32
    %add3A_75 = vector.broadcast %add3A_74 : i32 to vector<16xi32>
    %add3A_76 = arith.addi %add3A_73, %add3A_75 : vector<16xi32>
    %mul3A_77 = arith.constant 2 : i32
    %mul3A_78 = vector.broadcast %mul3A_77 : i32 to vector<16xi32>
    %mul3A_79 = arith.muli %mul3A_78, %iota3A : vector<16xi32>
    %add3A_80 = arith.constant 64 : i32
    %add3A_81 = vector.broadcast %add3A_80 : i32 to vector<16xi32>
    %add3A_82 = arith.addi %add3A_81, %mul3A_79 : vector<16xi32>
    %add3A_83 = arith.constant 1 : i32
    %add3A_84 = vector.broadcast %add3A_83 : i32 to vector<16xi32>
    %add3A_85 = arith.addi %add3A_82, %add3A_84 : vector<16xi32>
    %jit3A_86 = arith.constant 8 : i32
    %eq3A_87 = arith.constant 0 : i32
    %eq3A_88 = arith.cmpi eq, %jit3A_86, %eq3A_87 : i32
    %jit3A_89 = arith.constant 1 : i32
    %select_n3A_90 = arith.select %eq3A_88, %jit3A_89, %jit3A_86 : i32
    %rem3A_91 = arith.remsi %add3A, %select_n3A_90 : i32
    %ne3A_92 = arith.constant 0 : i32
    %ne3A_93 = arith.cmpi ne, %rem3A_91, %ne3A_92 : i32
    %lt3A_94 = arith.constant 0 : i32
    %lt3A_95 = arith.cmpi slt, %rem3A_91, %lt3A_94 : i32
    %lt3A_96 = arith.constant 0 : i32
    %lt3A_97 = arith.cmpi slt, %select_n3A_90, %lt3A_96 : i32
    %ne3A_98 = arith.xori %lt3A_95, %lt3A_97 : i1
    %and3A_99 = arith.andi %ne3A_98, %ne3A_93 : i1
    %add3A_100 = arith.addi %rem3A_91, %select_n3A_90 : i32
    %select_n3A_101 = arith.select %and3A_99, %add3A_100, %rem3A_91 : i32
    %mul3A_102 = arith.constant 6272 : i32
    %mul3A_103 = arith.muli %select_n3A_101, %mul3A_102 : i32
    %mul3A_104 = arith.constant 2 : i32
    %mul3A_105 = arith.muli %mul3A_104, %select_n3A : i32
    %mul3A_106 = arith.constant 50176 : i32
    %mul3A_107 = arith.muli %mul3A_105, %mul3A_106 : i32
    %add3A_108 = arith.addi %mul3A_107, %mul3A_103 : i32
    "tpu.region"() ({
      %run_scoped3A = tpu.sem_alloc : memref<!tpu.dma_semaphore, #tpu.memory_space<semaphore_mem>>
      %dma_start3A_640 = tpu.memref_slice %arg3[%add3A_108] : memref<401408xf32, #tpu.memory_space<hbm>> -> memref<6272xf32, #tpu.memory_space<hbm>>
      %dma_start3A_641 = tpu.memref_slice %arg3[%add3A_108] : memref<401408xf32, #tpu.memory_space<hbm>> -> memref<6272xf32, #tpu.memory_space<hbm>>
      tpu.enqueue_dma source(%dma_start3A_641 : memref<6272xf32, #tpu.memory_space<hbm>>) target(%arg5 : memref<6272xf32, #tpu.memory_space<vmem>>) target_semaphore(%run_scoped3A : memref<!tpu.dma_semaphore, #tpu.memory_space<semaphore_mem>>)
      %dma_wait3A_642 = tpu.memref_slice %arg3[%add3A_108] : memref<401408xf32, #tpu.memory_space<hbm>> -> memref<6272xf32, #tpu.memory_space<hbm>>
      %dma_wait3A_643 = tpu.memref_slice %arg3[%add3A_108] : memref<401408xf32, #tpu.memory_space<hbm>> -> memref<6272xf32, #tpu.memory_space<hbm>>
      tpu.wait_dma2 semaphore(%run_scoped3A : memref<!tpu.dma_semaphore, #tpu.memory_space<semaphore_mem>>) src(%dma_wait3A_643 : memref<6272xf32, #tpu.memory_space<hbm>>) dst(%arg5 : memref<6272xf32, #tpu.memory_space<vmem>>)
      tpu.yield
    }) : () -> ()
    %mul3A_109 = arith.constant 2 : i32
    %mul3A_110 = arith.muli %mul3A_109, %select_n3A : i32
    %add3A_111 = arith.constant 1 : i32
    %add3A_112 = arith.addi %mul3A_110, %add3A_111 : i32
    %mul3A_113 = arith.constant 50176 : i32
    %mul3A_114 = arith.muli %add3A_112, %mul3A_113 : i32
    %add3A_115 = arith.addi %mul3A_114, %mul3A_103 : i32
    "tpu.region"() ({
      %run_scoped3A = tpu.sem_alloc : memref<!tpu.dma_semaphore, #tpu.memory_space<semaphore_mem>>
      %dma_start3A_640 = tpu.memref_slice %arg3[%add3A_115] : memref<401408xf32, #tpu.memory_space<hbm>> -> memref<6272xf32, #tpu.memory_space<hbm>>
      %dma_start3A_641 = tpu.memref_slice %arg3[%add3A_115] : memref<401408xf32, #tpu.memory_space<hbm>> -> memref<6272xf32, #tpu.memory_space<hbm>>
      tpu.enqueue_dma source(%dma_start3A_641 : memref<6272xf32, #tpu.memory_space<hbm>>) target(%arg6 : memref<6272xf32, #tpu.memory_space<vmem>>) target_semaphore(%run_scoped3A : memref<!tpu.dma_semaphore, #tpu.memory_space<semaphore_mem>>)
      %dma_wait3A_642 = tpu.memref_slice %arg3[%add3A_115] : memref<401408xf32, #tpu.memory_space<hbm>> -> memref<6272xf32, #tpu.memory_space<hbm>>
      %dma_wait3A_643 = tpu.memref_slice %arg3[%add3A_115] : memref<401408xf32, #tpu.memory_space<hbm>> -> memref<6272xf32, #tpu.memory_space<hbm>>
      tpu.wait_dma2 semaphore(%run_scoped3A : memref<!tpu.dma_semaphore, #tpu.memory_space<semaphore_mem>>) src(%dma_wait3A_643 : memref<6272xf32, #tpu.memory_space<hbm>>) dst(%arg6 : memref<6272xf32, #tpu.memory_space<vmem>>)
      tpu.yield
    }) : () -> ()
    %get3A = arith.constant 0 : index
    %get3A_116 = tpu.vector_load %arg5[%get3A] {strides = array<i32>} : memref<6272xf32, #tpu.memory_space<vmem>>, vector<16xf32>,
    %mul3A_117 = arith.constant 2.230000e+02 : f32
    %mul3A_118 = vector.broadcast %mul3A_117 : f32 to vector<16xf32>
    %mul3A_119 = arith.mulf %get3A_116, %mul3A_118 : vector<16xf32>
    %get3A_120 = arith.constant 0 : index
    %get3A_121 = tpu.vector_load %arg6[%get3A_120] {strides = array<i32>} : memref<6272xf32, #tpu.memory_space<vmem>>, vector<16xf32>,
    %mul3A_122 = arith.constant 2.230000e+02 : f32
    %mul3A_123 = vector.broadcast %mul3A_122 : f32 to vector<16xf32>
    %mul3A_124 = arith.mulf %get3A_121, %mul3A_123 : vector<16xf32>
    %convert_element_type3A = arith.fptosi %mul3A_119 : vector<16xf32> to vector<16xi32>
    %convert_element_type3A_125 = arith.fptosi %mul3A_124 : vector<16xf32> to vector<16xi32>
    %convert_element_type3A_126 = arith.sitofp %convert_element_type3A : vector<16xi32> to vector<16xf32>
    %sub3A_127 = arith.subf %mul3A_119, %convert_element_type3A_126 : vector<16xf32>
    %convert_element_type3A_128 = arith.sitofp %convert_element_type3A_125 : vector<16xi32> to vector<16xf32>
    %sub3A_129 = arith.subf %mul3A_124, %convert_element_type3A_128 : vector<16xf32>
    %sub3A_130 = arith.constant 1.000000e+00 : f32
    %sub3A_131 = vector.broadcast %sub3A_130 : f32 to vector<16xf32>
    %sub3A_132 = arith.subf %sub3A_131, %sub3A_127 : vector<16xf32>
    %sub3A_133 = arith.constant 1.000000e+00 : f32
    %sub3A_134 = vector.broadcast %sub3A_133 : f32 to vector<16xf32>
    %sub3A_135 = arith.subf %sub3A_134, %sub3A_129 : vector<16xf32>
    %mul3A_136 = arith.mulf %sub3A_132, %sub3A_135 : vector<16xf32>
    %swap3A = arith.constant 0 : index
    %swap3A_137 = tpu.vector_load %arg9[%swap3A] {strides = array<i32>} : memref<128xf32, #tpu.memory_space<vmem>>, vector<16xf32>,
    tpu.vector_store %arg9[%swap3A], %mul3A_136 {strides = array<i32>} : memref<128xf32, #tpu.memory_space<vmem>>, vector<16xf32>,
    %mul3A_138 = arith.mulf %sub3A_127, %sub3A_135 : vector<16xf32>
    %swap3A_139 = arith.constant 0 : index
    %swap3A_140 = tpu.vector_load %arg10[%swap3A_139] {strides = array<i32>} : memref<128xf32, #tpu.memory_space<vmem>>, vector<16xf32>,
    tpu.vector_store %arg10[%swap3A_139], %mul3A_138 {strides = array<i32>} : memref<128xf32, #tpu.memory_space<vmem>>, vector<16xf32>,
    %mul3A_141 = arith.mulf %sub3A_132, %sub3A_129 : vector<16xf32>
    %swap3A_142 = arith.constant 0 : index
    %swap3A_143 = tpu.vector_load %arg11[%swap3A_142] {strides = array<i32>} : memref<128xf32, #tpu.memory_space<vmem>>, vector<16xf32>,
    tpu.vector_store %arg11[%swap3A_142], %mul3A_141 {strides = array<i32>} : memref<128xf32, #tpu.memory_space<vmem>>, vector<16xf32>,
    %mul3A_144 = arith.mulf %sub3A_127, %sub3A_129 : vector<16xf32>
    %swap3A_145 = arith.constant 0 : index
    %swap3A_146 = tpu.vector_load %arg12[%swap3A_145] {strides = array<i32>} : memref<128xf32, #tpu.memory_space<vmem>>, vector<16xf32>,
    tpu.vector_store %arg12[%swap3A_145], %mul3A_144 {strides = array<i32>} : memref<128xf32, #tpu.memory_space<vmem>>, vector<16xf32>,
    %mul3A_147 = arith.constant 224 : i32
    %mul3A_148 = vector.broadcast %mul3A_147 : i32 to vector<16xi32>
    %mul3A_149 = arith.muli %convert_element_type3A_125, %mul3A_148 : vector<16xi32>
    %add3A_150 = vector.broadcast %mul3A_18 : i32 to vector<16xi32>
    %add3A_151 = arith.addi %add3A_150, %mul3A_149 : vector<16xi32>
    %add3A_152 = arith.addi %add3A_151, %convert_element_type3A : vector<16xi32>
    %swap3A_153 = arith.constant 0 : index
    %swap3A_154 = tpu.vector_load %arg7[%swap3A_153] {strides = array<i32>} : memref<128xi32, #tpu.memory_space<vmem>>, vector<16xi32>,
    tpu.vector_store %arg7[%swap3A_153], %add3A_152 {strides = array<i32>} : memref<128xi32, #tpu.memory_space<vmem>>, vector<16xi32>,
    %add3A_155 = arith.constant 1 : i32
    %add3A_156 = vector.broadcast %add3A_155 : i32 to vector<16xi32>
    %add3A_157 = arith.addi %add3A_152, %add3A_156 : vector<16xi32>
    %add3A_158 = arith.constant 50176 : i32
    %add3A_159 = arith.addi %mul3A_18, %add3A_158 : i32
    %sub3A_160 = arith.constant 1 : i32
    %sub3A_161 = arith.subi %add3A_159, %sub3A_160 : i32
    %min3A = vector.broadcast %sub3A_161 : i32 to vector<16xi32>
    %min3A_162 = arith.minsi %add3A_157, %min3A : vector<16xi32>
    %swap3A_163 = arith.constant 0 : index
    %swap3A_164 = tpu.vector_load %arg8[%swap3A_163] {strides = array<i32>} : memref<128xi32, #tpu.memory_space<vmem>>, vector<16xi32>,
    tpu.vector_store %arg8[%swap3A_163], %min3A_162 {strides = array<i32>} : memref<128xi32, #tpu.memory_space<vmem>>, vector<16xi32>,
    %get3A_165 = arith.constant 16 : index
    %get3A_166 = tpu.vector_load %arg5[%get3A_165] {strides = array<i32>} : memref<6272xf32, #tpu.memory_space<vmem>>, vector<16xf32>,
    %mul3A_167 = arith.constant 2.230000e+02 : f32
    %mul3A_168 = vector.broadcast %mul3A_167 : f32 to vector<16xf32>
    %mul3A_169 = arith.mulf %get3A_166, %mul3A_168 : vector<16xf32>
    %get3A_170 = arith.constant 16 : index
    %get3A_171 = tpu.vector_load %arg6[%get3A_170] {strides = array<i32>} : memref<6272xf32, #tpu.memory_space<vmem>>, vector<16xf32>,
    %mul3A_172 = arith.constant 2.230000e+02 : f32
    %mul3A_173 = vector.broadcast %mul3A_172 : f32 to vector<16xf32>
    %mul3A_174 = arith.mulf %get3A_171, %mul3A_173 : vector<16xf32>
    %convert_element_type3A_175 = arith.fptosi %mul3A_169 : vector<16xf32> to vector<16xi32>
    %convert_element_type3A_176 = arith.fptosi %mul3A_174 : vector<16xf32> to vector<16xi32>
    %convert_element_type3A_177 = arith.sitofp %convert_element_type3A_175 : vector<16xi32> to vector<16xf32>
    %sub3A_178 = arith.subf %mul3A_169, %convert_element_type3A_177 : vector<16xf32>
    %convert_element_type3A_179 = arith.sitofp %convert_element_type3A_176 : vector<16xi32> to vector<16xf32>
    %sub3A_180 = arith.subf %mul3A_174, %convert_element_type3A_179 : vector<16xf32>
    %sub3A_181 = arith.constant 1.000000e+00 : f32
    %sub3A_182 = vector.broadcast %sub3A_181 : f32 to vector<16xf32>
    %sub3A_183 = arith.subf %sub3A_182, %sub3A_178 : vector<16xf32>
    %sub3A_184 = arith.constant 1.000000e+00 : f32
    %sub3A_185 = vector.broadcast %sub3A_184 : f32 to vector<16xf32>
    %sub3A_186 = arith.subf %sub3A_185, %sub3A_180 : vector<16xf32>
    %mul3A_187 = arith.mulf %sub3A_183, %sub3A_186 : vector<16xf32>
    %swap3A_188 = arith.constant 16 : index
    %swap3A_189 = tpu.vector_load %arg9[%swap3A_188] {strides = array<i32>} : memref<128xf32, #tpu.memory_space<vmem>>, vector<16xf32>,
    tpu.vector_store %arg9[%swap3A_188], %mul3A_187 {strides = array<i32>} : memref<128xf32, #tpu.memory_space<vmem>>, vector<16xf32>,
    %mul3A_190 = arith.mulf %sub3A_178, %sub3A_186 : vector<16xf32>
    %swap3A_191 = arith.constant 16 : index
    %swap3A_192 = tpu.vector_load %arg10[%swap3A_191] {strides = array<i32>} : memref<128xf32, #tpu.memory_space<vmem>>, vector<16xf32>,
    tpu.vector_store %arg10[%swap3A_191], %mul3A_190 {strides = array<i32>} : memref<128xf32, #tpu.memory_space<vmem>>, vector<16xf32>,
    %mul3A_193 = arith.mulf %sub3A_183, %sub3A_180 : vector<16xf32>
    %swap3A_194 = arith.constant 16 : index
    %swap3A_195 = tpu.vector_load %arg11[%swap3A_194] {strides = array<i32>} : memref<128xf32, #tpu.memory_space<vmem>>, vector<16xf32>,
    tpu.vector_store %arg11[%swap3A_194], %mul3A_193 {strides = array<i32>} : memref<128xf32, #tpu.memory_space<vmem>>, vector<16xf32>,
    %mul3A_196 = arith.mulf %sub3A_178, %sub3A_180 : vector<16xf32>
    %swap3A_197 = arith.constant 16 : index
    %swap3A_198 = tpu.vector_load %arg12[%swap3A_197] {strides = array<i32>} : memref<128xf32, #tpu.memory_space<vmem>>, vector<16xf32>,
    tpu.vector_store %arg12[%swap3A_197], %mul3A_196 {strides = array<i32>} : memref<128xf32, #tpu.memory_space<vmem>>, vector<16xf32>,
    %mul3A_199 = arith.constant 224 : i32
    %mul3A_200 = vector.broadcast %mul3A_199 : i32 to vector<16xi32>
    %mul3A_201 = arith.muli %convert_element_type3A_176, %mul3A_200 : vector<16xi32>
    %add3A_202 = vector.broadcast %mul3A_18 : i32 to vector<16xi32>
    %add3A_203 = arith.addi %add3A_202, %mul3A_201 : vector<16xi32>
    %add3A_204 = arith.addi %add3A_203, %convert_element_type3A_175 : vector<16xi32>
    %swap3A_205 = arith.constant 16 : index
    %swap3A_206 = tpu.vector_load %arg7[%swap3A_205] {strides = array<i32>} : memref<128xi32, #tpu.memory_space<vmem>>, vector<16xi32>,
    tpu.vector_store %arg7[%swap3A_205], %add3A_204 {strides = array<i32>} : memref<128xi32, #tpu.memory_space<vmem>>, vector<16xi32>,
    %add3A_207 = arith.constant 1 : i32
    %add3A_208 = vector.broadcast %add3A_207 : i32 to vector<16xi32>
    %add3A_209 = arith.addi %add3A_204, %add3A_208 : vector<16xi32>
    %add3A_210 = arith.constant 50176 : i32
    %add3A_211 = arith.addi %mul3A_18, %add3A_210 : i32
    %sub3A_212 = arith.constant 1 : i32
    %sub3A_213 = arith.subi %add3A_211, %sub3A_212 : i32
    %min3A_214 = vector.broadcast %sub3A_213 : i32 to vector<16xi32>
    %min3A_215 = arith.minsi %add3A_209, %min3A_214 : vector<16xi32>
    %swap3A_216 = arith.constant 16 : index
    %swap3A_217 = tpu.vector_load %arg8[%swap3A_216] {strides = array<i32>} : memref<128xi32, #tpu.memory_space<vmem>>, vector<16xi32>,
    tpu.vector_store %arg8[%swap3A_216], %min3A_215 {strides = array<i32>} : memref<128xi32, #tpu.memory_space<vmem>>, vector<16xi32>,
    %get3A_218 = arith.constant 32 : index
    %get3A_219 = tpu.vector_load %arg5[%get3A_218] {strides = array<i32>} : memref<6272xf32, #tpu.memory_space<vmem>>, vector<16xf32>,
    %mul3A_220 = arith.constant 2.230000e+02 : f32
    %mul3A_221 = vector.broadcast %mul3A_220 : f32 to vector<16xf32>
    %mul3A_222 = arith.mulf %get3A_219, %mul3A_221 : vector<16xf32>
    %get3A_223 = arith.constant 32 : index
    %get3A_224 = tpu.vector_load %arg6[%get3A_223] {strides = array<i32>} : memref<6272xf32, #tpu.memory_space<vmem>>, vector<16xf32>,
    %mul3A_225 = arith.constant 2.230000e+02 : f32
    %mul3A_226 = vector.broadcast %mul3A_225 : f32 to vector<16xf32>
    %mul3A_227 = arith.mulf %get3A_224, %mul3A_226 : vector<16xf32>
    %convert_element_type3A_228 = arith.fptosi %mul3A_222 : vector<16xf32> to vector<16xi32>
    %convert_element_type3A_229 = arith.fptosi %mul3A_227 : vector<16xf32> to vector<16xi32>
    %convert_element_type3A_230 = arith.sitofp %convert_element_type3A_228 : vector<16xi32> to vector<16xf32>
    %sub3A_231 = arith.subf %mul3A_222, %convert_element_type3A_230 : vector<16xf32>
    %convert_element_type3A_232 = arith.sitofp %convert_element_type3A_229 : vector<16xi32> to vector<16xf32>
    %sub3A_233 = arith.subf %mul3A_227, %convert_element_type3A_232 : vector<16xf32>
    %sub3A_234 = arith.constant 1.000000e+00 : f32
    %sub3A_235 = vector.broadcast %sub3A_234 : f32 to vector<16xf32>
    %sub3A_236 = arith.subf %sub3A_235, %sub3A_231 : vector<16xf32>
    %sub3A_237 = arith.constant 1.000000e+00 : f32
    %sub3A_238 = vector.broadcast %sub3A_237 : f32 to vector<16xf32>
    %sub3A_239 = arith.subf %sub3A_238, %sub3A_233 : vector<16xf32>
    %mul3A_240 = arith.mulf %sub3A_236, %sub3A_239 : vector<16xf32>
    %swap3A_241 = arith.constant 32 : index
    %swap3A_242 = tpu.vector_load %arg9[%swap3A_241] {strides = array<i32>} : memref<128xf32, #tpu.memory_space<vmem>>, vector<16xf32>,
    tpu.vector_store %arg9[%swap3A_241], %mul3A_240 {strides = array<i32>} : memref<128xf32, #tpu.memory_space<vmem>>, vector<16xf32>,
    %mul3A_243 = arith.mulf %sub3A_231, %sub3A_239 : vector<16xf32>
    %swap3A_244 = arith.constant 32 : index
    %swap3A_245 = tpu.vector_load %arg10[%swap3A_244] {strides = array<i32>} : memref<128xf32, #tpu.memory_space<vmem>>, vector<16xf32>,
    tpu.vector_store %arg10[%swap3A_244], %mul3A_243 {strides = array<i32>} : memref<128xf32, #tpu.memory_space<vmem>>, vector<16xf32>,
    %mul3A_246 = arith.mulf %sub3A_236, %sub3A_233 : vector<16xf32>
    %swap3A_247 = arith.constant 32 : index
    %swap3A_248 = tpu.vector_load %arg11[%swap3A_247] {strides = array<i32>} : memref<128xf32, #tpu.memory_space<vmem>>, vector<16xf32>,
    tpu.vector_store %arg11[%swap3A_247], %mul3A_246 {strides = array<i32>} : memref<128xf32, #tpu.memory_space<vmem>>, vector<16xf32>,
    %mul3A_249 = arith.mulf %sub3A_231, %sub3A_233 : vector<16xf32>
    %swap3A_250 = arith.constant 32 : index
    %swap3A_251 = tpu.vector_load %arg12[%swap3A_250] {strides = array<i32>} : memref<128xf32, #tpu.memory_space<vmem>>, vector<16xf32>,
    tpu.vector_store %arg12[%swap3A_250], %mul3A_249 {strides = array<i32>} : memref<128xf32, #tpu.memory_space<vmem>>, vector<16xf32>,
    %mul3A_252 = arith.constant 224 : i32
    %mul3A_253 = vector.broadcast %mul3A_252 : i32 to vector<16xi32>
    %mul3A_254 = arith.muli %convert_element_type3A_229, %mul3A_253 : vector<16xi32>
    %add3A_255 = vector.broadcast %mul3A_18 : i32 to vector<16xi32>
    %add3A_256 = arith.addi %add3A_255, %mul3A_254 : vector<16xi32>
    %add3A_257 = arith.addi %add3A_256, %convert_element_type3A_228 : vector<16xi32>
    %swap3A_258 = arith.constant 32 : index
    %swap3A_259 = tpu.vector_load %arg7[%swap3A_258] {strides = array<i32>} : memref<128xi32, #tpu.memory_space<vmem>>, vector<16xi32>,
    tpu.vector_store %arg7[%swap3A_258], %add3A_257 {strides = array<i32>} : memref<128xi32, #tpu.memory_space<vmem>>, vector<16xi32>,
    %add3A_260 = arith.constant 1 : i32
    %add3A_261 = vector.broadcast %add3A_260 : i32 to vector<16xi32>
    %add3A_262 = arith.addi %add3A_257, %add3A_261 : vector<16xi32>
    %add3A_263 = arith.constant 50176 : i32
    %add3A_264 = arith.addi %mul3A_18, %add3A_263 : i32
    %sub3A_265 = arith.constant 1 : i32
    %sub3A_266 = arith.subi %add3A_264, %sub3A_265 : i32
    %min3A_267 = vector.broadcast %sub3A_266 : i32 to vector<16xi32>
    %min3A_268 = arith.minsi %add3A_262, %min3A_267 : vector<16xi32>
    %swap3A_269 = arith.constant 32 : index
    %swap3A_270 = tpu.vector_load %arg8[%swap3A_269] {strides = array<i32>} : memref<128xi32, #tpu.memory_space<vmem>>, vector<16xi32>,
    tpu.vector_store %arg8[%swap3A_269], %min3A_268 {strides = array<i32>} : memref<128xi32, #tpu.memory_space<vmem>>, vector<16xi32>,
    %get3A_271 = arith.constant 48 : index
    %get3A_272 = tpu.vector_load %arg5[%get3A_271] {strides = array<i32>} : memref<6272xf32, #tpu.memory_space<vmem>>, vector<16xf32>,
    %mul3A_273 = arith.constant 2.230000e+02 : f32
    %mul3A_274 = vector.broadcast %mul3A_273 : f32 to vector<16xf32>
    %mul3A_275 = arith.mulf %get3A_272, %mul3A_274 : vector<16xf32>
    %get3A_276 = arith.constant 48 : index
    %get3A_277 = tpu.vector_load %arg6[%get3A_276] {strides = array<i32>} : memref<6272xf32, #tpu.memory_space<vmem>>, vector<16xf32>,
    %mul3A_278 = arith.constant 2.230000e+02 : f32
    %mul3A_279 = vector.broadcast %mul3A_278 : f32 to vector<16xf32>
    %mul3A_280 = arith.mulf %get3A_277, %mul3A_279 : vector<16xf32>
    %convert_element_type3A_281 = arith.fptosi %mul3A_275 : vector<16xf32> to vector<16xi32>
    %convert_element_type3A_282 = arith.fptosi %mul3A_280 : vector<16xf32> to vector<16xi32>
    %convert_element_type3A_283 = arith.sitofp %convert_element_type3A_281 : vector<16xi32> to vector<16xf32>
    %sub3A_284 = arith.subf %mul3A_275, %convert_element_type3A_283 : vector<16xf32>
    %convert_element_type3A_285 = arith.sitofp %convert_element_type3A_282 : vector<16xi32> to vector<16xf32>
    %sub3A_286 = arith.subf %mul3A_280, %convert_element_type3A_285 : vector<16xf32>
    %sub3A_287 = arith.constant 1.000000e+00 : f32
    %sub3A_288 = vector.broadcast %sub3A_287 : f32 to vector<16xf32>
    %sub3A_289 = arith.subf %sub3A_288, %sub3A_284 : vector<16xf32>
    %sub3A_290 = arith.constant 1.000000e+00 : f32
    %sub3A_291 = vector.broadcast %sub3A_290 : f32 to vector<16xf32>
    %sub3A_292 = arith.subf %sub3A_291, %sub3A_286 : vector<16xf32>
    %mul3A_293 = arith.mulf %sub3A_289, %sub3A_292 : vector<16xf32>
    %swap3A_294 = arith.constant 48 : index
    %swap3A_295 = tpu.vector_load %arg9[%swap3A_294] {strides = array<i32>} : memref<128xf32, #tpu.memory_space<vmem>>, vector<16xf32>,
    tpu.vector_store %arg9[%swap3A_294], %mul3A_293 {strides = array<i32>} : memref<128xf32, #tpu.memory_space<vmem>>, vector<16xf32>,
    %mul3A_296 = arith.mulf %sub3A_284, %sub3A_292 : vector<16xf32>
    %swap3A_297 = arith.constant 48 : index
    %swap3A_298 = tpu.vector_load %arg10[%swap3A_297] {strides = array<i32>} : memref<128xf32, #tpu.memory_space<vmem>>, vector<16xf32>,
    tpu.vector_store %arg10[%swap3A_297], %mul3A_296 {strides = array<i32>} : memref<128xf32, #tpu.memory_space<vmem>>, vector<16xf32>,
    %mul3A_299 = arith.mulf %sub3A_289, %sub3A_286 : vector<16xf32>
    %swap3A_300 = arith.constant 48 : index
    %swap3A_301 = tpu.vector_load %arg11[%swap3A_300] {strides = array<i32>} : memref<128xf32, #tpu.memory_space<vmem>>, vector<16xf32>,
    tpu.vector_store %arg11[%swap3A_300], %mul3A_299 {strides = array<i32>} : memref<128xf32, #tpu.memory_space<vmem>>, vector<16xf32>,
    %mul3A_302 = arith.mulf %sub3A_284, %sub3A_286 : vector<16xf32>
    %swap3A_303 = arith.constant 48 : index
    %swap3A_304 = tpu.vector_load %arg12[%swap3A_303] {strides = array<i32>} : memref<128xf32, #tpu.memory_space<vmem>>, vector<16xf32>,
    tpu.vector_store %arg12[%swap3A_303], %mul3A_302 {strides = array<i32>} : memref<128xf32, #tpu.memory_space<vmem>>, vector<16xf32>,
    %mul3A_305 = arith.constant 224 : i32
    %mul3A_306 = vector.broadcast %mul3A_305 : i32 to vector<16xi32>
    %mul3A_307 = arith.muli %convert_element_type3A_282, %mul3A_306 : vector<16xi32>
    %add3A_308 = vector.broadcast %mul3A_18 : i32 to vector<16xi32>
    %add3A_309 = arith.addi %add3A_308, %mul3A_307 : vector<16xi32>
    %add3A_310 = arith.addi %add3A_309, %convert_element_type3A_281 : vector<16xi32>
    %swap3A_311 = arith.constant 48 : index
    %swap3A_312 = tpu.vector_load %arg7[%swap3A_311] {strides = array<i32>} : memref<128xi32, #tpu.memory_space<vmem>>, vector<16xi32>,
    tpu.vector_store %arg7[%swap3A_311], %add3A_310 {strides = array<i32>} : memref<128xi32, #tpu.memory_space<vmem>>, vector<16xi32>,
    %add3A_313 = arith.constant 1 : i32
    %add3A_314 = vector.broadcast %add3A_313 : i32 to vector<16xi32>
    %add3A_315 = arith.addi %add3A_310, %add3A_314 : vector<16xi32>
    %add3A_316 = arith.constant 50176 : i32
    %add3A_317 = arith.addi %mul3A_18, %add3A_316 : i32
    %sub3A_318 = arith.constant 1 : i32
    %sub3A_319 = arith.subi %add3A_317, %sub3A_318 : i32
    %min3A_320 = vector.broadcast %sub3A_319 : i32 to vector<16xi32>
    %min3A_321 = arith.minsi %add3A_315, %min3A_320 : vector<16xi32>
    %swap3A_322 = arith.constant 48 : index
    %swap3A_323 = tpu.vector_load %arg8[%swap3A_322] {strides = array<i32>} : memref<128xi32, #tpu.memory_space<vmem>>, vector<16xi32>,
    tpu.vector_store %arg8[%swap3A_322], %min3A_321 {strides = array<i32>} : memref<128xi32, #tpu.memory_space<vmem>>, vector<16xi32>,
    %get3A_324 = arith.constant 64 : index
    %get3A_325 = tpu.vector_load %arg5[%get3A_324] {strides = array<i32>} : memref<6272xf32, #tpu.memory_space<vmem>>, vector<16xf32>,
    %mul3A_326 = arith.constant 2.230000e+02 : f32
    %mul3A_327 = vector.broadcast %mul3A_326 : f32 to vector<16xf32>
    %mul3A_328 = arith.mulf %get3A_325, %mul3A_327 : vector<16xf32>
    %get3A_329 = arith.constant 64 : index
    %get3A_330 = tpu.vector_load %arg6[%get3A_329] {strides = array<i32>} : memref<6272xf32, #tpu.memory_space<vmem>>, vector<16xf32>,
    %mul3A_331 = arith.constant 2.230000e+02 : f32
    %mul3A_332 = vector.broadcast %mul3A_331 : f32 to vector<16xf32>
    %mul3A_333 = arith.mulf %get3A_330, %mul3A_332 : vector<16xf32>
    %convert_element_type3A_334 = arith.fptosi %mul3A_328 : vector<16xf32> to vector<16xi32>
    %convert_element_type3A_335 = arith.fptosi %mul3A_333 : vector<16xf32> to vector<16xi32>
    %convert_element_type3A_336 = arith.sitofp %convert_element_type3A_334 : vector<16xi32> to vector<16xf32>
    %sub3A_337 = arith.subf %mul3A_328, %convert_element_type3A_336 : vector<16xf32>
    %convert_element_type3A_338 = arith.sitofp %convert_element_type3A_335 : vector<16xi32> to vector<16xf32>
    %sub3A_339 = arith.subf %mul3A_333, %convert_element_type3A_338 : vector<16xf32>
    %sub3A_340 = arith.constant 1.000000e+00 : f32
    %sub3A_341 = vector.broadcast %sub3A_340 : f32 to vector<16xf32>
    %sub3A_342 = arith.subf %sub3A_341, %sub3A_337 : vector<16xf32>
    %sub3A_343 = arith.constant 1.000000e+00 : f32
    %sub3A_344 = vector.broadcast %sub3A_343 : f32 to vector<16xf32>
    %sub3A_345 = arith.subf %sub3A_344, %sub3A_339 : vector<16xf32>
    %mul3A_346 = arith.mulf %sub3A_342, %sub3A_345 : vector<16xf32>
    %swap3A_347 = arith.constant 64 : index
    %swap3A_348 = tpu.vector_load %arg9[%swap3A_347] {strides = array<i32>} : memref<128xf32, #tpu.memory_space<vmem>>, vector<16xf32>,
    tpu.vector_store %arg9[%swap3A_347], %mul3A_346 {strides = array<i32>} : memref<128xf32, #tpu.memory_space<vmem>>, vector<16xf32>,
    %mul3A_349 = arith.mulf %sub3A_337, %sub3A_345 : vector<16xf32>
    %swap3A_350 = arith.constant 64 : index
    %swap3A_351 = tpu.vector_load %arg10[%swap3A_350] {strides = array<i32>} : memref<128xf32, #tpu.memory_space<vmem>>, vector<16xf32>,
    tpu.vector_store %arg10[%swap3A_350], %mul3A_349 {strides = array<i32>} : memref<128xf32, #tpu.memory_space<vmem>>, vector<16xf32>,
    %mul3A_352 = arith.mulf %sub3A_342, %sub3A_339 : vector<16xf32>
    %swap3A_353 = arith.constant 64 : index
    %swap3A_354 = tpu.vector_load %arg11[%swap3A_353] {strides = array<i32>} : memref<128xf32, #tpu.memory_space<vmem>>, vector<16xf32>,
    tpu.vector_store %arg11[%swap3A_353], %mul3A_352 {strides = array<i32>} : memref<128xf32, #tpu.memory_space<vmem>>, vector<16xf32>,
    %mul3A_355 = arith.mulf %sub3A_337, %sub3A_339 : vector<16xf32>
    %swap3A_356 = arith.constant 64 : index
    %swap3A_357 = tpu.vector_load %arg12[%swap3A_356] {strides = array<i32>} : memref<128xf32, #tpu.memory_space<vmem>>, vector<16xf32>,
    tpu.vector_store %arg12[%swap3A_356], %mul3A_355 {strides = array<i32>} : memref<128xf32, #tpu.memory_space<vmem>>, vector<16xf32>,
    %mul3A_358 = arith.constant 224 : i32
    %mul3A_359 = vector.broadcast %mul3A_358 : i32 to vector<16xi32>
    %mul3A_360 = arith.muli %convert_element_type3A_335, %mul3A_359 : vector<16xi32>
    %add3A_361 = vector.broadcast %mul3A_18 : i32 to vector<16xi32>
    %add3A_362 = arith.addi %add3A_361, %mul3A_360 : vector<16xi32>
    %add3A_363 = arith.addi %add3A_362, %convert_element_type3A_334 : vector<16xi32>
    %swap3A_364 = arith.constant 64 : index
    %swap3A_365 = tpu.vector_load %arg7[%swap3A_364] {strides = array<i32>} : memref<128xi32, #tpu.memory_space<vmem>>, vector<16xi32>,
    tpu.vector_store %arg7[%swap3A_364], %add3A_363 {strides = array<i32>} : memref<128xi32, #tpu.memory_space<vmem>>, vector<16xi32>,
    %add3A_366 = arith.constant 1 : i32
    %add3A_367 = vector.broadcast %add3A_366 : i32 to vector<16xi32>
    %add3A_368 = arith.addi %add3A_363, %add3A_367 : vector<16xi32>
    %add3A_369 = arith.constant 50176 : i32
    %add3A_370 = arith.addi %mul3A_18, %add3A_369 : i32
    %sub3A_371 = arith.constant 1 : i32
    %sub3A_372 = arith.subi %add3A_370, %sub3A_371 : i32
    %min3A_373 = vector.broadcast %sub3A_372 : i32 to vector<16xi32>
    %min3A_374 = arith.minsi %add3A_368, %min3A_373 : vector<16xi32>
    %swap3A_375 = arith.constant 64 : index
    %swap3A_376 = tpu.vector_load %arg8[%swap3A_375] {strides = array<i32>} : memref<128xi32, #tpu.memory_space<vmem>>, vector<16xi32>,
    tpu.vector_store %arg8[%swap3A_375], %min3A_374 {strides = array<i32>} : memref<128xi32, #tpu.memory_space<vmem>>, vector<16xi32>,
    %get3A_377 = arith.constant 80 : index
    %get3A_378 = tpu.vector_load %arg5[%get3A_377] {strides = array<i32>} : memref<6272xf32, #tpu.memory_space<vmem>>, vector<16xf32>,
    %mul3A_379 = arith.constant 2.230000e+02 : f32
    %mul3A_380 = vector.broadcast %mul3A_379 : f32 to vector<16xf32>
    %mul3A_381 = arith.mulf %get3A_378, %mul3A_380 : vector<16xf32>
    %get3A_382 = arith.constant 80 : index
    %get3A_383 = tpu.vector_load %arg6[%get3A_382] {strides = array<i32>} : memref<6272xf32, #tpu.memory_space<vmem>>, vector<16xf32>,
    %mul3A_384 = arith.constant 2.230000e+02 : f32
    %mul3A_385 = vector.broadcast %mul3A_384 : f32 to vector<16xf32>
    %mul3A_386 = arith.mulf %get3A_383, %mul3A_385 : vector<16xf32>
    %convert_element_type3A_387 = arith.fptosi %mul3A_381 : vector<16xf32> to vector<16xi32>
    %convert_element_type3A_388 = arith.fptosi %mul3A_386 : vector<16xf32> to vector<16xi32>
    %convert_element_type3A_389 = arith.sitofp %convert_element_type3A_387 : vector<16xi32> to vector<16xf32>
    %sub3A_390 = arith.subf %mul3A_381, %convert_element_type3A_389 : vector<16xf32>
    %convert_element_type3A_391 = arith.sitofp %convert_element_type3A_388 : vector<16xi32> to vector<16xf32>
    %sub3A_392 = arith.subf %mul3A_386, %convert_element_type3A_391 : vector<16xf32>
    %sub3A_393 = arith.constant 1.000000e+00 : f32
    %sub3A_394 = vector.broadcast %sub3A_393 : f32 to vector<16xf32>
    %sub3A_395 = arith.subf %sub3A_394, %sub3A_390 : vector<16xf32>
    %sub3A_396 = arith.constant 1.000000e+00 : f32
    %sub3A_397 = vector.broadcast %sub3A_396 : f32 to vector<16xf32>
    %sub3A_398 = arith.subf %sub3A_397, %sub3A_392 : vector<16xf32>
    %mul3A_399 = arith.mulf %sub3A_395, %sub3A_398 : vector<16xf32>
    %swap3A_400 = arith.constant 80 : index
    %swap3A_401 = tpu.vector_load %arg9[%swap3A_400] {strides = array<i32>} : memref<128xf32, #tpu.memory_space<vmem>>, vector<16xf32>,
    tpu.vector_store %arg9[%swap3A_400], %mul3A_399 {strides = array<i32>} : memref<128xf32, #tpu.memory_space<vmem>>, vector<16xf32>,
    %mul3A_402 = arith.mulf %sub3A_390, %sub3A_398 : vector<16xf32>
    %swap3A_403 = arith.constant 80 : index
    %swap3A_404 = tpu.vector_load %arg10[%swap3A_403] {strides = array<i32>} : memref<128xf32, #tpu.memory_space<vmem>>, vector<16xf32>,
    tpu.vector_store %arg10[%swap3A_403], %mul3A_402 {strides = array<i32>} : memref<128xf32, #tpu.memory_space<vmem>>, vector<16xf32>,
    %mul3A_405 = arith.mulf %sub3A_395, %sub3A_392 : vector<16xf32>
    %swap3A_406 = arith.constant 80 : index
    %swap3A_407 = tpu.vector_load %arg11[%swap3A_406] {strides = array<i32>} : memref<128xf32, #tpu.memory_space<vmem>>, vector<16xf32>,
    tpu.vector_store %arg11[%swap3A_406], %mul3A_405 {strides = array<i32>} : memref<128xf32, #tpu.memory_space<vmem>>, vector<16xf32>,
    %mul3A_408 = arith.mulf %sub3A_390, %sub3A_392 : vector<16xf32>
    %swap3A_409 = arith.constant 80 : index
    %swap3A_410 = tpu.vector_load %arg12[%swap3A_409] {strides = array<i32>} : memref<128xf32, #tpu.memory_space<vmem>>, vector<16xf32>,
    tpu.vector_store %arg12[%swap3A_409], %mul3A_408 {strides = array<i32>} : memref<128xf32, #tpu.memory_space<vmem>>, vector<16xf32>,
    %mul3A_411 = arith.constant 224 : i32
    %mul3A_412 = vector.broadcast %mul3A_411 : i32 to vector<16xi32>
    %mul3A_413 = arith.muli %convert_element_type3A_388, %mul3A_412 : vector<16xi32>
    %add3A_414 = vector.broadcast %mul3A_18 : i32 to vector<16xi32>
    %add3A_415 = arith.addi %add3A_414, %mul3A_413 : vector<16xi32>
    %add3A_416 = arith.addi %add3A_415, %convert_element_type3A_387 : vector<16xi32>
    %swap3A_417 = arith.constant 80 : index
    %swap3A_418 = tpu.vector_load %arg7[%swap3A_417] {strides = array<i32>} : memref<128xi32, #tpu.memory_space<vmem>>, vector<16xi32>,
    tpu.vector_store %arg7[%swap3A_417], %add3A_416 {strides = array<i32>} : memref<128xi32, #tpu.memory_space<vmem>>, vector<16xi32>,
    %add3A_419 = arith.constant 1 : i32
    %add3A_420 = vector.broadcast %add3A_419 : i32 to vector<16xi32>
    %add3A_421 = arith.addi %add3A_416, %add3A_420 : vector<16xi32>
    %add3A_422 = arith.constant 50176 : i32
    %add3A_423 = arith.addi %mul3A_18, %add3A_422 : i32
    %sub3A_424 = arith.constant 1 : i32
    %sub3A_425 = arith.subi %add3A_423, %sub3A_424 : i32
    %min3A_426 = vector.broadcast %sub3A_425 : i32 to vector<16xi32>
    %min3A_427 = arith.minsi %add3A_421, %min3A_426 : vector<16xi32>
    %swap3A_428 = arith.constant 80 : index
    %swap3A_429 = tpu.vector_load %arg8[%swap3A_428] {strides = array<i32>} : memref<128xi32, #tpu.memory_space<vmem>>, vector<16xi32>,
    tpu.vector_store %arg8[%swap3A_428], %min3A_427 {strides = array<i32>} : memref<128xi32, #tpu.memory_space<vmem>>, vector<16xi32>,
    %get3A_430 = arith.constant 96 : index
    %get3A_431 = tpu.vector_load %arg5[%get3A_430] {strides = array<i32>} : memref<6272xf32, #tpu.memory_space<vmem>>, vector<16xf32>,
    %mul3A_432 = arith.constant 2.230000e+02 : f32
    %mul3A_433 = vector.broadcast %mul3A_432 : f32 to vector<16xf32>
    %mul3A_434 = arith.mulf %get3A_431, %mul3A_433 : vector<16xf32>
    %get3A_435 = arith.constant 96 : index
    %get3A_436 = tpu.vector_load %arg6[%get3A_435] {strides = array<i32>} : memref<6272xf32, #tpu.memory_space<vmem>>, vector<16xf32>,
    %mul3A_437 = arith.constant 2.230000e+02 : f32
    %mul3A_438 = vector.broadcast %mul3A_437 : f32 to vector<16xf32>
    %mul3A_439 = arith.mulf %get3A_436, %mul3A_438 : vector<16xf32>
    %convert_element_type3A_440 = arith.fptosi %mul3A_434 : vector<16xf32> to vector<16xi32>
    %convert_element_type3A_441 = arith.fptosi %mul3A_439 : vector<16xf32> to vector<16xi32>
    %convert_element_type3A_442 = arith.sitofp %convert_element_type3A_440 : vector<16xi32> to vector<16xf32>
    %sub3A_443 = arith.subf %mul3A_434, %convert_element_type3A_442 : vector<16xf32>
    %convert_element_type3A_444 = arith.sitofp %convert_element_type3A_441 : vector<16xi32> to vector<16xf32>
    %sub3A_445 = arith.subf %mul3A_439, %convert_element_type3A_444 : vector<16xf32>
    %sub3A_446 = arith.constant 1.000000e+00 : f32
    %sub3A_447 = vector.broadcast %sub3A_446 : f32 to vector<16xf32>
    %sub3A_448 = arith.subf %sub3A_447, %sub3A_443 : vector<16xf32>
    %sub3A_449 = arith.constant 1.000000e+00 : f32
    %sub3A_450 = vector.broadcast %sub3A_449 : f32 to vector<16xf32>
    %sub3A_451 = arith.subf %sub3A_450, %sub3A_445 : vector<16xf32>
    %mul3A_452 = arith.mulf %sub3A_448, %sub3A_451 : vector<16xf32>
    %swap3A_453 = arith.constant 96 : index
    %swap3A_454 = tpu.vector_load %arg9[%swap3A_453] {strides = array<i32>} : memref<128xf32, #tpu.memory_space<vmem>>, vector<16xf32>,
    tpu.vector_store %arg9[%swap3A_453], %mul3A_452 {strides = array<i32>} : memref<128xf32, #tpu.memory_space<vmem>>, vector<16xf32>,
    %mul3A_455 = arith.mulf %sub3A_443, %sub3A_451 : vector<16xf32>
    %swap3A_456 = arith.constant 96 : index
    %swap3A_457 = tpu.vector_load %arg10[%swap3A_456] {strides = array<i32>} : memref<128xf32, #tpu.memory_space<vmem>>, vector<16xf32>,
    tpu.vector_store %arg10[%swap3A_456], %mul3A_455 {strides = array<i32>} : memref<128xf32, #tpu.memory_space<vmem>>, vector<16xf32>,
    %mul3A_458 = arith.mulf %sub3A_448, %sub3A_445 : vector<16xf32>
    %swap3A_459 = arith.constant 96 : index
    %swap3A_460 = tpu.vector_load %arg11[%swap3A_459] {strides = array<i32>} : memref<128xf32, #tpu.memory_space<vmem>>, vector<16xf32>,
    tpu.vector_store %arg11[%swap3A_459], %mul3A_458 {strides = array<i32>} : memref<128xf32, #tpu.memory_space<vmem>>, vector<16xf32>,
    %mul3A_461 = arith.mulf %sub3A_443, %sub3A_445 : vector<16xf32>
    %swap3A_462 = arith.constant 96 : index
    %swap3A_463 = tpu.vector_load %arg12[%swap3A_462] {strides = array<i32>} : memref<128xf32, #tpu.memory_space<vmem>>, vector<16xf32>,
    tpu.vector_store %arg12[%swap3A_462], %mul3A_461 {strides = array<i32>} : memref<128xf32, #tpu.memory_space<vmem>>, vector<16xf32>,
    %mul3A_464 = arith.constant 224 : i32
    %mul3A_465 = vector.broadcast %mul3A_464 : i32 to vector<16xi32>
    %mul3A_466 = arith.muli %convert_element_type3A_441, %mul3A_465 : vector<16xi32>
    %add3A_467 = vector.broadcast %mul3A_18 : i32 to vector<16xi32>
    %add3A_468 = arith.addi %add3A_467, %mul3A_466 : vector<16xi32>
    %add3A_469 = arith.addi %add3A_468, %convert_element_type3A_440 : vector<16xi32>
    %swap3A_470 = arith.constant 96 : index
    %swap3A_471 = tpu.vector_load %arg7[%swap3A_470] {strides = array<i32>} : memref<128xi32, #tpu.memory_space<vmem>>, vector<16xi32>,
    tpu.vector_store %arg7[%swap3A_470], %add3A_469 {strides = array<i32>} : memref<128xi32, #tpu.memory_space<vmem>>, vector<16xi32>,
    %add3A_472 = arith.constant 1 : i32
    %add3A_473 = vector.broadcast %add3A_472 : i32 to vector<16xi32>
    %add3A_474 = arith.addi %add3A_469, %add3A_473 : vector<16xi32>
    %add3A_475 = arith.constant 50176 : i32
    %add3A_476 = arith.addi %mul3A_18, %add3A_475 : i32
    %sub3A_477 = arith.constant 1 : i32
    %sub3A_478 = arith.subi %add3A_476, %sub3A_477 : i32
    %min3A_479 = vector.broadcast %sub3A_478 : i32 to vector<16xi32>
    %min3A_480 = arith.minsi %add3A_474, %min3A_479 : vector<16xi32>
    %swap3A_481 = arith.constant 96 : index
    %swap3A_482 = tpu.vector_load %arg8[%swap3A_481] {strides = array<i32>} : memref<128xi32, #tpu.memory_space<vmem>>, vector<16xi32>,
    tpu.vector_store %arg8[%swap3A_481], %min3A_480 {strides = array<i32>} : memref<128xi32, #tpu.memory_space<vmem>>, vector<16xi32>,
    %get3A_483 = arith.constant 112 : index
    %get3A_484 = tpu.vector_load %arg5[%get3A_483] {strides = array<i32>} : memref<6272xf32, #tpu.memory_space<vmem>>, vector<16xf32>,
    %mul3A_485 = arith.constant 2.230000e+02 : f32
    %mul3A_486 = vector.broadcast %mul3A_485 : f32 to vector<16xf32>
    %mul3A_487 = arith.mulf %get3A_484, %mul3A_486 : vector<16xf32>
    %get3A_488 = arith.constant 112 : index
    %get3A_489 = tpu.vector_load %arg6[%get3A_488] {strides = array<i32>} : memref<6272xf32, #tpu.memory_space<vmem>>, vector<16xf32>,
    %mul3A_490 = arith.constant 2.230000e+02 : f32
    %mul3A_491 = vector.broadcast %mul3A_490 : f32 to vector<16xf32>
    %mul3A_492 = arith.mulf %get3A_489, %mul3A_491 : vector<16xf32>
    %convert_element_type3A_493 = arith.fptosi %mul3A_487 : vector<16xf32> to vector<16xi32>
    %convert_element_type3A_494 = arith.fptosi %mul3A_492 : vector<16xf32> to vector<16xi32>
    %convert_element_type3A_495 = arith.sitofp %convert_element_type3A_493 : vector<16xi32> to vector<16xf32>
    %sub3A_496 = arith.subf %mul3A_487, %convert_element_type3A_495 : vector<16xf32>
    %convert_element_type3A_497 = arith.sitofp %convert_element_type3A_494 : vector<16xi32> to vector<16xf32>
    %sub3A_498 = arith.subf %mul3A_492, %convert_element_type3A_497 : vector<16xf32>
    %sub3A_499 = arith.constant 1.000000e+00 : f32
    %sub3A_500 = vector.broadcast %sub3A_499 : f32 to vector<16xf32>
    %sub3A_501 = arith.subf %sub3A_500, %sub3A_496 : vector<16xf32>
    %sub3A_502 = arith.constant 1.000000e+00 : f32
    %sub3A_503 = vector.broadcast %sub3A_502 : f32 to vector<16xf32>
    %sub3A_504 = arith.subf %sub3A_503, %sub3A_498 : vector<16xf32>
    %mul3A_505 = arith.mulf %sub3A_501, %sub3A_504 : vector<16xf32>
    %swap3A_506 = arith.constant 112 : index
    %swap3A_507 = tpu.vector_load %arg9[%swap3A_506] {strides = array<i32>} : memref<128xf32, #tpu.memory_space<vmem>>, vector<16xf32>,
    tpu.vector_store %arg9[%swap3A_506], %mul3A_505 {strides = array<i32>} : memref<128xf32, #tpu.memory_space<vmem>>, vector<16xf32>,
    %mul3A_508 = arith.mulf %sub3A_496, %sub3A_504 : vector<16xf32>
    %swap3A_509 = arith.constant 112 : index
    %swap3A_510 = tpu.vector_load %arg10[%swap3A_509] {strides = array<i32>} : memref<128xf32, #tpu.memory_space<vmem>>, vector<16xf32>,
    tpu.vector_store %arg10[%swap3A_509], %mul3A_508 {strides = array<i32>} : memref<128xf32, #tpu.memory_space<vmem>>, vector<16xf32>,
    %mul3A_511 = arith.mulf %sub3A_501, %sub3A_498 : vector<16xf32>
    %swap3A_512 = arith.constant 112 : index
    %swap3A_513 = tpu.vector_load %arg11[%swap3A_512] {strides = array<i32>} : memref<128xf32, #tpu.memory_space<vmem>>, vector<16xf32>,
    tpu.vector_store %arg11[%swap3A_512], %mul3A_511 {strides = array<i32>} : memref<128xf32, #tpu.memory_space<vmem>>, vector<16xf32>,
    %mul3A_514 = arith.mulf %sub3A_496, %sub3A_498 : vector<16xf32>
    %swap3A_515 = arith.constant 112 : index
    %swap3A_516 = tpu.vector_load %arg12[%swap3A_515] {strides = array<i32>} : memref<128xf32, #tpu.memory_space<vmem>>, vector<16xf32>,
    tpu.vector_store %arg12[%swap3A_515], %mul3A_514 {strides = array<i32>} : memref<128xf32, #tpu.memory_space<vmem>>, vector<16xf32>,
    %mul3A_517 = arith.constant 224 : i32
    %mul3A_518 = vector.broadcast %mul3A_517 : i32 to vector<16xi32>
    %mul3A_519 = arith.muli %convert_element_type3A_494, %mul3A_518 : vector<16xi32>
    %add3A_520 = vector.broadcast %mul3A_18 : i32 to vector<16xi32>
    %add3A_521 = arith.addi %add3A_520, %mul3A_519 : vector<16xi32>
    %add3A_522 = arith.addi %add3A_521, %convert_element_type3A_493 : vector<16xi32>
    %swap3A_523 = arith.constant 112 : index
    %swap3A_524 = tpu.vector_load %arg7[%swap3A_523] {strides = array<i32>} : memref<128xi32, #tpu.memory_space<vmem>>, vector<16xi32>,
    tpu.vector_store %arg7[%swap3A_523], %add3A_522 {strides = array<i32>} : memref<128xi32, #tpu.memory_space<vmem>>, vector<16xi32>,
    %add3A_525 = arith.constant 1 : i32
    %add3A_526 = vector.broadcast %add3A_525 : i32 to vector<16xi32>
    %add3A_527 = arith.addi %add3A_522, %add3A_526 : vector<16xi32>
    %add3A_528 = arith.constant 50176 : i32
    %add3A_529 = arith.addi %mul3A_18, %add3A_528 : i32
    %sub3A_530 = arith.constant 1 : i32
    %sub3A_531 = arith.subi %add3A_529, %sub3A_530 : i32
    %min3A_532 = vector.broadcast %sub3A_531 : i32 to vector<16xi32>
    %min3A_533 = arith.minsi %add3A_527, %min3A_532 : vector<16xi32>
    %swap3A_534 = arith.constant 112 : index
    %swap3A_535 = tpu.vector_load %arg8[%swap3A_534] {strides = array<i32>} : memref<128xi32, #tpu.memory_space<vmem>>, vector<16xi32>,
    tpu.vector_store %arg8[%swap3A_534], %min3A_533 {strides = array<i32>} : memref<128xi32, #tpu.memory_space<vmem>>, vector<16xi32>,
    %dma_start3A = arith.constant 0 : i32
    %dma_start3A_536 = arith.constant 0 : i32
    %dma_start3A_537 = tpu.memref_slice %arg2[%dma_start3A, %dma_start3A_536] : memref<201728x128xi32, #tpu.memory_space<hbm>> -> memref<201728x128xi32, #tpu.memory_space<hbm>>
    tpu.enqueue_indirect_dma source(%dma_start3A_537 : memref<201728x128xi32, #tpu.memory_space<hbm>>) target(%arg13 : memref<128x128xi32, #tpu.memory_space<vmem>>) offsets(%arg7 : memref<128xi32, #tpu.memory_space<vmem>>) semaphore(%arg25 : memref<!tpu.dma_semaphore, #tpu.memory_space<semaphore_mem>>)
    %dma_start3A_538 = arith.constant 0 : i32
    %dma_start3A_539 = arith.constant 0 : i32
    %dma_start3A_540 = tpu.memref_slice %arg2[%dma_start3A_538, %dma_start3A_539] : memref<201728x128xi32, #tpu.memory_space<hbm>> -> memref<201728x128xi32, #tpu.memory_space<hbm>>
    tpu.enqueue_indirect_dma source(%dma_start3A_540 : memref<201728x128xi32, #tpu.memory_space<hbm>>) target(%arg14 : memref<128x128xi32, #tpu.memory_space<vmem>>) offsets(%arg8 : memref<128xi32, #tpu.memory_space<vmem>>) semaphore(%arg25 : memref<!tpu.dma_semaphore, #tpu.memory_space<semaphore_mem>>)
    %scan3A = arith.constant 0 : i32
    %scan3A_541 = arith.constant 0 : i32
    %scan3A_542 = arith.constant 24 : i32
    %scan3A_543 = arith.addi %scan3A_541, %scan3A_542 : i32
    %scan3A_544 = arith.constant 1 : i32
    scf.for %scan3A_640 = %scan3A_541 to %scan3A_543 step %scan3A_544  : i32 {
      %mul3A_641 = arith.constant 2 : i32
      %mul3A_642 = arith.muli %mul3A_641, %scan3A_640 : i32
      %add3A_643 = arith.constant 1 : i32
      %add3A_644 = arith.addi %mul3A_642, %add3A_643 : i32
      %mul3A_645 = arith.constant 128 : i32
      %mul3A_646 = arith.muli %add3A_644, %mul3A_645 : i32
      %add3A_647 = arith.constant 0 : i32
      %add3A_648 = arith.addi %mul3A_646, %add3A_647 : i32
      %get3A_649 = arith.index_cast %add3A_648 : i32 to index
      %get3A_650 = tpu.vector_load %arg5[%get3A_649] {strides = array<i32>} : memref<6272xf32, #tpu.memory_space<vmem>>, vector<16xf32>,
      %mul3A_651 = arith.constant 2.230000e+02 : f32
      %mul3A_652 = vector.broadcast %mul3A_651 : f32 to vector<16xf32>
      %mul3A_653 = arith.mulf %get3A_650, %mul3A_652 : vector<16xf32>
      %get3A_654 = arith.index_cast %add3A_648 : i32 to index
      %get3A_655 = tpu.vector_load %arg6[%get3A_654] {strides = array<i32>} : memref<6272xf32, #tpu.memory_space<vmem>>, vector<16xf32>,
      %mul3A_656 = arith.constant 2.230000e+02 : f32
      %mul3A_657 = vector.broadcast %mul3A_656 : f32 to vector<16xf32>
      %mul3A_658 = arith.mulf %get3A_655, %mul3A_657 : vector<16xf32>
      %convert_element_type3A_659 = arith.fptosi %mul3A_653 : vector<16xf32> to vector<16xi32>
      %convert_element_type3A_660 = arith.fptosi %mul3A_658 : vector<16xf32> to vector<16xi32>
      %convert_element_type3A_661 = arith.sitofp %convert_element_type3A_659 : vector<16xi32> to vector<16xf32>
      %sub3A_662 = arith.subf %mul3A_653, %convert_element_type3A_661 : vector<16xf32>
      %convert_element_type3A_663 = arith.sitofp %convert_element_type3A_660 : vector<16xi32> to vector<16xf32>
      %sub3A_664 = arith.subf %mul3A_658, %convert_element_type3A_663 : vector<16xf32>
      %sub3A_665 = arith.constant 1.000000e+00 : f32
      %sub3A_666 = vector.broadcast %sub3A_665 : f32 to vector<16xf32>
      %sub3A_667 = arith.subf %sub3A_666, %sub3A_662 : vector<16xf32>
      %sub3A_668 = arith.constant 1.000000e+00 : f32
      %sub3A_669 = vector.broadcast %sub3A_668 : f32 to vector<16xf32>
      %sub3A_670 = arith.subf %sub3A_669, %sub3A_664 : vector<16xf32>
      %mul3A_671 = arith.mulf %sub3A_667, %sub3A_670 : vector<16xf32>
      %swap3A_672 = arith.constant 0 : index
      %swap3A_673 = tpu.vector_load %arg17[%swap3A_672] {strides = array<i32>} : memref<128xf32, #tpu.memory_space<vmem>>, vector<16xf32>,
      tpu.vector_store %arg17[%swap3A_672], %mul3A_671 {strides = array<i32>} : memref<128xf32, #tpu.memory_space<vmem>>, vector<16xf32>,
      %mul3A_674 = arith.mulf %sub3A_662, %sub3A_670 : vector<16xf32>
      %swap3A_675 = arith.constant 0 : index
      %swap3A_676 = tpu.vector_load %arg18[%swap3A_675] {strides = array<i32>} : memref<128xf32, #tpu.memory_space<vmem>>, vector<16xf32>,
      tpu.vector_store %arg18[%swap3A_675], %mul3A_674 {strides = array<i32>} : memref<128xf32, #tpu.memory_space<vmem>>, vector<16xf32>,
      %mul3A_677 = arith.mulf %sub3A_667, %sub3A_664 : vector<16xf32>
      %swap3A_678 = arith.constant 0 : index
      %swap3A_679 = tpu.vector_load %arg19[%swap3A_678] {strides = array<i32>} : memref<128xf32, #tpu.memory_space<vmem>>, vector<16xf32>,
      tpu.vector_store %arg19[%swap3A_678], %mul3A_677 {strides = array<i32>} : memref<128xf32, #tpu.memory_space<vmem>>, vector<16xf32>,
      %mul3A_680 = arith.mulf %sub3A_662, %sub3A_664 : vector<16xf32>
      %swap3A_681 = arith.constant 0 : index
      %swap3A_682 = tpu.vector_load %arg20[%swap3A_681] {strides = array<i32>} : memref<128xf32, #tpu.memory_space<vmem>>, vector<16xf32>,
      tpu.vector_store %arg20[%swap3A_681], %mul3A_680 {strides = array<i32>} : memref<128xf32, #tpu.memory_space<vmem>>, vector<16xf32>,
      %mul3A_683 = arith.constant 224 : i32
      %mul3A_684 = vector.broadcast %mul3A_683 : i32 to vector<16xi32>
      %mul3A_685 = arith.muli %convert_element_type3A_660, %mul3A_684 : vector<16xi32>
      %add3A_686 = vector.broadcast %mul3A_18 : i32 to vector<16xi32>
      %add3A_687 = arith.addi %add3A_686, %mul3A_685 : vector<16xi32>
      %add3A_688 = arith.addi %add3A_687, %convert_element_type3A_659 : vector<16xi32>
      %swap3A_689 = arith.constant 0 : index
      %swap3A_690 = tpu.vector_load %arg15[%swap3A_689] {strides = array<i32>} : memref<128xi32, #tpu.memory_space<vmem>>, vector<16xi32>,
      tpu.vector_store %arg15[%swap3A_689], %add3A_688 {strides = array<i32>} : memref<128xi32, #tpu.memory_space<vmem>>, vector<16xi32>,
      %add3A_691 = arith.constant 1 : i32
      %add3A_692 = vector.broadcast %add3A_691 : i32 to vector<16xi32>
      %add3A_693 = arith.addi %add3A_688, %add3A_692 : vector<16xi32>
      %add3A_694 = arith.constant 50176 : i32
      %add3A_695 = arith.addi %mul3A_18, %add3A_694 : i32
      %sub3A_696 = arith.constant 1 : i32
      %sub3A_697 = arith.subi %add3A_695, %sub3A_696 : i32
      %min3A_698 = vector.broadcast %sub3A_697 : i32 to vector<16xi32>
      %min3A_699 = arith.minsi %add3A_693, %min3A_698 : vector<16xi32>
      %swap3A_700 = arith.constant 0 : index
      %swap3A_701 = tpu.vector_load %arg16[%swap3A_700] {strides = array<i32>} : memref<128xi32, #tpu.memory_space<vmem>>, vector<16xi32>,
      tpu.vector_store %arg16[%swap3A_700], %min3A_699 {strides = array<i32>} : memref<128xi32, #tpu.memory_space<vmem>>, vector<16xi32>,
      %mul3A_702 = arith.constant 128 : i32
      %mul3A_703 = arith.muli %add3A_644, %mul3A_702 : i32
      %add3A_704 = arith.constant 16 : i32
      %add3A_705 = arith.addi %mul3A_703, %add3A_704 : i32
      %get3A_706 = arith.index_cast %add3A_705 : i32 to index
      %get3A_707 = tpu.vector_load %arg5[%get3A_706] {strides = array<i32>} : memref<6272xf32, #tpu.memory_space<vmem>>, vector<16xf32>,
      %mul3A_708 = arith.constant 2.230000e+02 : f32
      %mul3A_709 = vector.broadcast %mul3A_708 : f32 to vector<16xf32>
      %mul3A_710 = arith.mulf %get3A_707, %mul3A_709 : vector<16xf32>
      %get3A_711 = arith.index_cast %add3A_705 : i32 to index
      %get3A_712 = tpu.vector_load %arg6[%get3A_711] {strides = array<i32>} : memref<6272xf32, #tpu.memory_space<vmem>>, vector<16xf32>,
      %mul3A_713 = arith.constant 2.230000e+02 : f32
      %mul3A_714 = vector.broadcast %mul3A_713 : f32 to vector<16xf32>
      %mul3A_715 = arith.mulf %get3A_712, %mul3A_714 : vector<16xf32>
      %convert_element_type3A_716 = arith.fptosi %mul3A_710 : vector<16xf32> to vector<16xi32>
      %convert_element_type3A_717 = arith.fptosi %mul3A_715 : vector<16xf32> to vector<16xi32>
      %convert_element_type3A_718 = arith.sitofp %convert_element_type3A_716 : vector<16xi32> to vector<16xf32>
      %sub3A_719 = arith.subf %mul3A_710, %convert_element_type3A_718 : vector<16xf32>
      %convert_element_type3A_720 = arith.sitofp %convert_element_type3A_717 : vector<16xi32> to vector<16xf32>
      %sub3A_721 = arith.subf %mul3A_715, %convert_element_type3A_720 : vector<16xf32>
      %sub3A_722 = arith.constant 1.000000e+00 : f32
      %sub3A_723 = vector.broadcast %sub3A_722 : f32 to vector<16xf32>
      %sub3A_724 = arith.subf %sub3A_723, %sub3A_719 : vector<16xf32>
      %sub3A_725 = arith.constant 1.000000e+00 : f32
      %sub3A_726 = vector.broadcast %sub3A_725 : f32 to vector<16xf32>
      %sub3A_727 = arith.subf %sub3A_726, %sub3A_721 : vector<16xf32>
      %mul3A_728 = arith.mulf %sub3A_724, %sub3A_727 : vector<16xf32>
      %swap3A_729 = arith.constant 16 : index
      %swap3A_730 = tpu.vector_load %arg17[%swap3A_729] {strides = array<i32>} : memref<128xf32, #tpu.memory_space<vmem>>, vector<16xf32>,
      tpu.vector_store %arg17[%swap3A_729], %mul3A_728 {strides = array<i32>} : memref<128xf32, #tpu.memory_space<vmem>>, vector<16xf32>,
      %mul3A_731 = arith.mulf %sub3A_719, %sub3A_727 : vector<16xf32>
      %swap3A_732 = arith.constant 16 : index
      %swap3A_733 = tpu.vector_load %arg18[%swap3A_732] {strides = array<i32>} : memref<128xf32, #tpu.memory_space<vmem>>, vector<16xf32>,
      tpu.vector_store %arg18[%swap3A_732], %mul3A_731 {strides = array<i32>} : memref<128xf32, #tpu.memory_space<vmem>>, vector<16xf32>,
      %mul3A_734 = arith.mulf %sub3A_724, %sub3A_721 : vector<16xf32>
      %swap3A_735 = arith.constant 16 : index
      %swap3A_736 = tpu.vector_load %arg19[%swap3A_735] {strides = array<i32>} : memref<128xf32, #tpu.memory_space<vmem>>, vector<16xf32>,
      tpu.vector_store %arg19[%swap3A_735], %mul3A_734 {strides = array<i32>} : memref<128xf32, #tpu.memory_space<vmem>>, vector<16xf32>,
      %mul3A_737 = arith.mulf %sub3A_719, %sub3A_721 : vector<16xf32>
      %swap3A_738 = arith.constant 16 : index
      %swap3A_739 = tpu.vector_load %arg20[%swap3A_738] {strides = array<i32>} : memref<128xf32, #tpu.memory_space<vmem>>, vector<16xf32>,
      tpu.vector_store %arg20[%swap3A_738], %mul3A_737 {strides = array<i32>} : memref<128xf32, #tpu.memory_space<vmem>>, vector<16xf32>,
      %mul3A_740 = arith.constant 224 : i32
      %mul3A_741 = vector.broadcast %mul3A_740 : i32 to vector<16xi32>
      %mul3A_742 = arith.muli %convert_element_type3A_717, %mul3A_741 : vector<16xi32>
      %add3A_743 = vector.broadcast %mul3A_18 : i32 to vector<16xi32>
      %add3A_744 = arith.addi %add3A_743, %mul3A_742 : vector<16xi32>
      %add3A_745 = arith.addi %add3A_744, %convert_element_type3A_716 : vector<16xi32>
      %swap3A_746 = arith.constant 16 : index
      %swap3A_747 = tpu.vector_load %arg15[%swap3A_746] {strides = array<i32>} : memref<128xi32, #tpu.memory_space<vmem>>, vector<16xi32>,
      tpu.vector_store %arg15[%swap3A_746], %add3A_745 {strides = array<i32>} : memref<128xi32, #tpu.memory_space<vmem>>, vector<16xi32>,
      %add3A_748 = arith.constant 1 : i32
      %add3A_749 = vector.broadcast %add3A_748 : i32 to vector<16xi32>
      %add3A_750 = arith.addi %add3A_745, %add3A_749 : vector<16xi32>
      %add3A_751 = arith.constant 50176 : i32
      %add3A_752 = arith.addi %mul3A_18, %add3A_751 : i32
      %sub3A_753 = arith.constant 1 : i32
      %sub3A_754 = arith.subi %add3A_752, %sub3A_753 : i32
      %min3A_755 = vector.broadcast %sub3A_754 : i32 to vector<16xi32>
      %min3A_756 = arith.minsi %add3A_750, %min3A_755 : vector<16xi32>
      %swap3A_757 = arith.constant 16 : index
      %swap3A_758 = tpu.vector_load %arg16[%swap3A_757] {strides = array<i32>} : memref<128xi32, #tpu.memory_space<vmem>>, vector<16xi32>,
      tpu.vector_store %arg16[%swap3A_757], %min3A_756 {strides = array<i32>} : memref<128xi32, #tpu.memory_space<vmem>>, vector<16xi32>,
      %mul3A_759 = arith.constant 128 : i32
      %mul3A_760 = arith.muli %add3A_644, %mul3A_759 : i32
      %add3A_761 = arith.constant 32 : i32
      %add3A_762 = arith.addi %mul3A_760, %add3A_761 : i32
      %get3A_763 = arith.index_cast %add3A_762 : i32 to index
      %get3A_764 = tpu.vector_load %arg5[%get3A_763] {strides = array<i32>} : memref<6272xf32, #tpu.memory_space<vmem>>, vector<16xf32>,
      %mul3A_765 = arith.constant 2.230000e+02 : f32
      %mul3A_766 = vector.broadcast %mul3A_765 : f32 to vector<16xf32>
      %mul3A_767 = arith.mulf %get3A_764, %mul3A_766 : vector<16xf32>
      %get3A_768 = arith.index_cast %add3A_762 : i32 to index
      %get3A_769 = tpu.vector_load %arg6[%get3A_768] {strides = array<i32>} : memref<6272xf32, #tpu.memory_space<vmem>>, vector<16xf32>,
      %mul3A_770 = arith.constant 2.230000e+02 : f32
      %mul3A_771 = vector.broadcast %mul3A_770 : f32 to vector<16xf32>
      %mul3A_772 = arith.mulf %get3A_769, %mul3A_771 : vector<16xf32>
      %convert_element_type3A_773 = arith.fptosi %mul3A_767 : vector<16xf32> to vector<16xi32>
      %convert_element_type3A_774 = arith.fptosi %mul3A_772 : vector<16xf32> to vector<16xi32>
      %convert_element_type3A_775 = arith.sitofp %convert_element_type3A_773 : vector<16xi32> to vector<16xf32>
      %sub3A_776 = arith.subf %mul3A_767, %convert_element_type3A_775 : vector<16xf32>
      %convert_element_type3A_777 = arith.sitofp %convert_element_type3A_774 : vector<16xi32> to vector<16xf32>
      %sub3A_778 = arith.subf %mul3A_772, %convert_element_type3A_777 : vector<16xf32>
      %sub3A_779 = arith.constant 1.000000e+00 : f32
      %sub3A_780 = vector.broadcast %sub3A_779 : f32 to vector<16xf32>
      %sub3A_781 = arith.subf %sub3A_780, %sub3A_776 : vector<16xf32>
      %sub3A_782 = arith.constant 1.000000e+00 : f32
      %sub3A_783 = vector.broadcast %sub3A_782 : f32 to vector<16xf32>
      %sub3A_784 = arith.subf %sub3A_783, %sub3A_778 : vector<16xf32>
      %mul3A_785 = arith.mulf %sub3A_781, %sub3A_784 : vector<16xf32>
      %swap3A_786 = arith.constant 32 : index
      %swap3A_787 = tpu.vector_load %arg17[%swap3A_786] {strides = array<i32>} : memref<128xf32, #tpu.memory_space<vmem>>, vector<16xf32>,
      tpu.vector_store %arg17[%swap3A_786], %mul3A_785 {strides = array<i32>} : memref<128xf32, #tpu.memory_space<vmem>>, vector<16xf32>,
      %mul3A_788 = arith.mulf %sub3A_776, %sub3A_784 : vector<16xf32>
      %swap3A_789 = arith.constant 32 : index
      %swap3A_790 = tpu.vector_load %arg18[%swap3A_789] {strides = array<i32>} : memref<128xf32, #tpu.memory_space<vmem>>, vector<16xf32>,
      tpu.vector_store %arg18[%swap3A_789], %mul3A_788 {strides = array<i32>} : memref<128xf32, #tpu.memory_space<vmem>>, vector<16xf32>,
      %mul3A_791 = arith.mulf %sub3A_781, %sub3A_778 : vector<16xf32>
      %swap3A_792 = arith.constant 32 : index
      %swap3A_793 = tpu.vector_load %arg19[%swap3A_792] {strides = array<i32>} : memref<128xf32, #tpu.memory_space<vmem>>, vector<16xf32>,
      tpu.vector_store %arg19[%swap3A_792], %mul3A_791 {strides = array<i32>} : memref<128xf32, #tpu.memory_space<vmem>>, vector<16xf32>,
      %mul3A_794 = arith.mulf %sub3A_776, %sub3A_778 : vector<16xf32>
      %swap3A_795 = arith.constant 32 : index
      %swap3A_796 = tpu.vector_load %arg20[%swap3A_795] {strides = array<i32>} : memref<128xf32, #tpu.memory_space<vmem>>, vector<16xf32>,
      tpu.vector_store %arg20[%swap3A_795], %mul3A_794 {strides = array<i32>} : memref<128xf32, #tpu.memory_space<vmem>>, vector<16xf32>,
      %mul3A_797 = arith.constant 224 : i32
      %mul3A_798 = vector.broadcast %mul3A_797 : i32 to vector<16xi32>
      %mul3A_799 = arith.muli %convert_element_type3A_774, %mul3A_798 : vector<16xi32>
      %add3A_800 = vector.broadcast %mul3A_18 : i32 to vector<16xi32>
      %add3A_801 = arith.addi %add3A_800, %mul3A_799 : vector<16xi32>
      %add3A_802 = arith.addi %add3A_801, %convert_element_type3A_773 : vector<16xi32>
      %swap3A_803 = arith.constant 32 : index
      %swap3A_804 = tpu.vector_load %arg15[%swap3A_803] {strides = array<i32>} : memref<128xi32, #tpu.memory_space<vmem>>, vector<16xi32>,
      tpu.vector_store %arg15[%swap3A_803], %add3A_802 {strides = array<i32>} : memref<128xi32, #tpu.memory_space<vmem>>, vector<16xi32>,
      %add3A_805 = arith.constant 1 : i32
      %add3A_806 = vector.broadcast %add3A_805 : i32 to vector<16xi32>
      %add3A_807 = arith.addi %add3A_802, %add3A_806 : vector<16xi32>
      %add3A_808 = arith.constant 50176 : i32
      %add3A_809 = arith.addi %mul3A_18, %add3A_808 : i32
      %sub3A_810 = arith.constant 1 : i32
      %sub3A_811 = arith.subi %add3A_809, %sub3A_810 : i32
      %min3A_812 = vector.broadcast %sub3A_811 : i32 to vector<16xi32>
      %min3A_813 = arith.minsi %add3A_807, %min3A_812 : vector<16xi32>
      %swap3A_814 = arith.constant 32 : index
      %swap3A_815 = tpu.vector_load %arg16[%swap3A_814] {strides = array<i32>} : memref<128xi32, #tpu.memory_space<vmem>>, vector<16xi32>,
      tpu.vector_store %arg16[%swap3A_814], %min3A_813 {strides = array<i32>} : memref<128xi32, #tpu.memory_space<vmem>>, vector<16xi32>,
      %mul3A_816 = arith.constant 128 : i32
      %mul3A_817 = arith.muli %add3A_644, %mul3A_816 : i32
      %add3A_818 = arith.constant 48 : i32
      %add3A_819 = arith.addi %mul3A_817, %add3A_818 : i32
      %get3A_820 = arith.index_cast %add3A_819 : i32 to index
      %get3A_821 = tpu.vector_load %arg5[%get3A_820] {strides = array<i32>} : memref<6272xf32, #tpu.memory_space<vmem>>, vector<16xf32>,
      %mul3A_822 = arith.constant 2.230000e+02 : f32
      %mul3A_823 = vector.broadcast %mul3A_822 : f32 to vector<16xf32>
      %mul3A_824 = arith.mulf %get3A_821, %mul3A_823 : vector<16xf32>
      %get3A_825 = arith.index_cast %add3A_819 : i32 to index
      %get3A_826 = tpu.vector_load %arg6[%get3A_825] {strides = array<i32>} : memref<6272xf32, #tpu.memory_space<vmem>>, vector<16xf32>,
      %mul3A_827 = arith.constant 2.230000e+02 : f32
      %mul3A_828 = vector.broadcast %mul3A_827 : f32 to vector<16xf32>
      %mul3A_829 = arith.mulf %get3A_826, %mul3A_828 : vector<16xf32>
      %convert_element_type3A_830 = arith.fptosi %mul3A_824 : vector<16xf32> to vector<16xi32>
      %convert_element_type3A_831 = arith.fptosi %mul3A_829 : vector<16xf32> to vector<16xi32>
      %convert_element_type3A_832 = arith.sitofp %convert_element_type3A_830 : vector<16xi32> to vector<16xf32>
      %sub3A_833 = arith.subf %mul3A_824, %convert_element_type3A_832 : vector<16xf32>
      %convert_element_type3A_834 = arith.sitofp %convert_element_type3A_831 : vector<16xi32> to vector<16xf32>
      %sub3A_835 = arith.subf %mul3A_829, %convert_element_type3A_834 : vector<16xf32>
      %sub3A_836 = arith.constant 1.000000e+00 : f32
      %sub3A_837 = vector.broadcast %sub3A_836 : f32 to vector<16xf32>
      %sub3A_838 = arith.subf %sub3A_837, %sub3A_833 : vector<16xf32>
      %sub3A_839 = arith.constant 1.000000e+00 : f32
      %sub3A_840 = vector.broadcast %sub3A_839 : f32 to vector<16xf32>
      %sub3A_841 = arith.subf %sub3A_840, %sub3A_835 : vector<16xf32>
      %mul3A_842 = arith.mulf %sub3A_838, %sub3A_841 : vector<16xf32>
      %swap3A_843 = arith.constant 48 : index
      %swap3A_844 = tpu.vector_load %arg17[%swap3A_843] {strides = array<i32>} : memref<128xf32, #tpu.memory_space<vmem>>, vector<16xf32>,
      tpu.vector_store %arg17[%swap3A_843], %mul3A_842 {strides = array<i32>} : memref<128xf32, #tpu.memory_space<vmem>>, vector<16xf32>,
      %mul3A_845 = arith.mulf %sub3A_833, %sub3A_841 : vector<16xf32>
      %swap3A_846 = arith.constant 48 : index
      %swap3A_847 = tpu.vector_load %arg18[%swap3A_846] {strides = array<i32>} : memref<128xf32, #tpu.memory_space<vmem>>, vector<16xf32>,
      tpu.vector_store %arg18[%swap3A_846], %mul3A_845 {strides = array<i32>} : memref<128xf32, #tpu.memory_space<vmem>>, vector<16xf32>,
      %mul3A_848 = arith.mulf %sub3A_838, %sub3A_835 : vector<16xf32>
      %swap3A_849 = arith.constant 48 : index
      %swap3A_850 = tpu.vector_load %arg19[%swap3A_849] {strides = array<i32>} : memref<128xf32, #tpu.memory_space<vmem>>, vector<16xf32>,
      tpu.vector_store %arg19[%swap3A_849], %mul3A_848 {strides = array<i32>} : memref<128xf32, #tpu.memory_space<vmem>>, vector<16xf32>,
      %mul3A_851 = arith.mulf %sub3A_833, %sub3A_835 : vector<16xf32>
      %swap3A_852 = arith.constant 48 : index
      %swap3A_853 = tpu.vector_load %arg20[%swap3A_852] {strides = array<i32>} : memref<128xf32, #tpu.memory_space<vmem>>, vector<16xf32>,
      tpu.vector_store %arg20[%swap3A_852], %mul3A_851 {strides = array<i32>} : memref<128xf32, #tpu.memory_space<vmem>>, vector<16xf32>,
      %mul3A_854 = arith.constant 224 : i32
      %mul3A_855 = vector.broadcast %mul3A_854 : i32 to vector<16xi32>
      %mul3A_856 = arith.muli %convert_element_type3A_831, %mul3A_855 : vector<16xi32>
      %add3A_857 = vector.broadcast %mul3A_18 : i32 to vector<16xi32>
      %add3A_858 = arith.addi %add3A_857, %mul3A_856 : vector<16xi32>
      %add3A_859 = arith.addi %add3A_858, %convert_element_type3A_830 : vector<16xi32>
      %swap3A_860 = arith.constant 48 : index
      %swap3A_861 = tpu.vector_load %arg15[%swap3A_860] {strides = array<i32>} : memref<128xi32, #tpu.memory_space<vmem>>, vector<16xi32>,
      tpu.vector_store %arg15[%swap3A_860], %add3A_859 {strides = array<i32>} : memref<128xi32, #tpu.memory_space<vmem>>, vector<16xi32>,
      %add3A_862 = arith.constant 1 : i32
      %add3A_863 = vector.broadcast %add3A_862 : i32 to vector<16xi32>
      %add3A_864 = arith.addi %add3A_859, %add3A_863 : vector<16xi32>
      %add3A_865 = arith.constant 50176 : i32
      %add3A_866 = arith.addi %mul3A_18, %add3A_865 : i32
      %sub3A_867 = arith.constant 1 : i32
      %sub3A_868 = arith.subi %add3A_866, %sub3A_867 : i32
      %min3A_869 = vector.broadcast %sub3A_868 : i32 to vector<16xi32>
      %min3A_870 = arith.minsi %add3A_864, %min3A_869 : vector<16xi32>
      %swap3A_871 = arith.constant 48 : index
      %swap3A_872 = tpu.vector_load %arg16[%swap3A_871] {strides = array<i32>} : memref<128xi32, #tpu.memory_space<vmem>>, vector<16xi32>,
      tpu.vector_store %arg16[%swap3A_871], %min3A_870 {strides = array<i32>} : memref<128xi32, #tpu.memory_space<vmem>>, vector<16xi32>,
      %mul3A_873 = arith.constant 128 : i32
      %mul3A_874 = arith.muli %add3A_644, %mul3A_873 : i32
      %add3A_875 = arith.constant 64 : i32
      %add3A_876 = arith.addi %mul3A_874, %add3A_875 : i32
      %get3A_877 = arith.index_cast %add3A_876 : i32 to index
      %get3A_878 = tpu.vector_load %arg5[%get3A_877] {strides = array<i32>} : memref<6272xf32, #tpu.memory_space<vmem>>, vector<16xf32>,
      %mul3A_879 = arith.constant 2.230000e+02 : f32
      %mul3A_880 = vector.broadcast %mul3A_879 : f32 to vector<16xf32>
      %mul3A_881 = arith.mulf %get3A_878, %mul3A_880 : vector<16xf32>
      %get3A_882 = arith.index_cast %add3A_876 : i32 to index
      %get3A_883 = tpu.vector_load %arg6[%get3A_882] {strides = array<i32>} : memref<6272xf32, #tpu.memory_space<vmem>>, vector<16xf32>,
      %mul3A_884 = arith.constant 2.230000e+02 : f32
      %mul3A_885 = vector.broadcast %mul3A_884 : f32 to vector<16xf32>
      %mul3A_886 = arith.mulf %get3A_883, %mul3A_885 : vector<16xf32>
      %convert_element_type3A_887 = arith.fptosi %mul3A_881 : vector<16xf32> to vector<16xi32>
      %convert_element_type3A_888 = arith.fptosi %mul3A_886 : vector<16xf32> to vector<16xi32>
      %convert_element_type3A_889 = arith.sitofp %convert_element_type3A_887 : vector<16xi32> to vector<16xf32>
      %sub3A_890 = arith.subf %mul3A_881, %convert_element_type3A_889 : vector<16xf32>
      %convert_element_type3A_891 = arith.sitofp %convert_element_type3A_888 : vector<16xi32> to vector<16xf32>
      %sub3A_892 = arith.subf %mul3A_886, %convert_element_type3A_891 : vector<16xf32>
      %sub3A_893 = arith.constant 1.000000e+00 : f32
      %sub3A_894 = vector.broadcast %sub3A_893 : f32 to vector<16xf32>
      %sub3A_895 = arith.subf %sub3A_894, %sub3A_890 : vector<16xf32>
      %sub3A_896 = arith.constant 1.000000e+00 : f32
      %sub3A_897 = vector.broadcast %sub3A_896 : f32 to vector<16xf32>
      %sub3A_898 = arith.subf %sub3A_897, %sub3A_892 : vector<16xf32>
      %mul3A_899 = arith.mulf %sub3A_895, %sub3A_898 : vector<16xf32>
      %swap3A_900 = arith.constant 64 : index
      %swap3A_901 = tpu.vector_load %arg17[%swap3A_900] {strides = array<i32>} : memref<128xf32, #tpu.memory_space<vmem>>, vector<16xf32>,
      tpu.vector_store %arg17[%swap3A_900], %mul3A_899 {strides = array<i32>} : memref<128xf32, #tpu.memory_space<vmem>>, vector<16xf32>,
      %mul3A_902 = arith.mulf %sub3A_890, %sub3A_898 : vector<16xf32>
      %swap3A_903 = arith.constant 64 : index
      %swap3A_904 = tpu.vector_load %arg18[%swap3A_903] {strides = array<i32>} : memref<128xf32, #tpu.memory_space<vmem>>, vector<16xf32>,
      tpu.vector_store %arg18[%swap3A_903], %mul3A_902 {strides = array<i32>} : memref<128xf32, #tpu.memory_space<vmem>>, vector<16xf32>,
      %mul3A_905 = arith.mulf %sub3A_895, %sub3A_892 : vector<16xf32>
      %swap3A_906 = arith.constant 64 : index
      %swap3A_907 = tpu.vector_load %arg19[%swap3A_906] {strides = array<i32>} : memref<128xf32, #tpu.memory_space<vmem>>, vector<16xf32>,
      tpu.vector_store %arg19[%swap3A_906], %mul3A_905 {strides = array<i32>} : memref<128xf32, #tpu.memory_space<vmem>>, vector<16xf32>,
      %mul3A_908 = arith.mulf %sub3A_890, %sub3A_892 : vector<16xf32>
      %swap3A_909 = arith.constant 64 : index
      %swap3A_910 = tpu.vector_load %arg20[%swap3A_909] {strides = array<i32>} : memref<128xf32, #tpu.memory_space<vmem>>, vector<16xf32>,
      tpu.vector_store %arg20[%swap3A_909], %mul3A_908 {strides = array<i32>} : memref<128xf32, #tpu.memory_space<vmem>>, vector<16xf32>,
      %mul3A_911 = arith.constant 224 : i32
      %mul3A_912 = vector.broadcast %mul3A_911 : i32 to vector<16xi32>
      %mul3A_913 = arith.muli %convert_element_type3A_888, %mul3A_912 : vector<16xi32>
      %add3A_914 = vector.broadcast %mul3A_18 : i32 to vector<16xi32>
      %add3A_915 = arith.addi %add3A_914, %mul3A_913 : vector<16xi32>
      %add3A_916 = arith.addi %add3A_915, %convert_element_type3A_887 : vector<16xi32>
      %swap3A_917 = arith.constant 64 : index
      %swap3A_918 = tpu.vector_load %arg15[%swap3A_917] {strides = array<i32>} : memref<128xi32, #tpu.memory_space<vmem>>, vector<16xi32>,
      tpu.vector_store %arg15[%swap3A_917], %add3A_916 {strides = array<i32>} : memref<128xi32, #tpu.memory_space<vmem>>, vector<16xi32>,
      %add3A_919 = arith.constant 1 : i32
      %add3A_920 = vector.broadcast %add3A_919 : i32 to vector<16xi32>
      %add3A_921 = arith.addi %add3A_916, %add3A_920 : vector<16xi32>
      %add3A_922 = arith.constant 50176 : i32
      %add3A_923 = arith.addi %mul3A_18, %add3A_922 : i32
      %sub3A_924 = arith.constant 1 : i32
      %sub3A_925 = arith.subi %add3A_923, %sub3A_924 : i32
      %min3A_926 = vector.broadcast %sub3A_925 : i32 to vector<16xi32>
      %min3A_927 = arith.minsi %add3A_921, %min3A_926 : vector<16xi32>
      %swap3A_928 = arith.constant 64 : index
      %swap3A_929 = tpu.vector_load %arg16[%swap3A_928] {strides = array<i32>} : memref<128xi32, #tpu.memory_space<vmem>>, vector<16xi32>,
      tpu.vector_store %arg16[%swap3A_928], %min3A_927 {strides = array<i32>} : memref<128xi32, #tpu.memory_space<vmem>>, vector<16xi32>,
      %mul3A_930 = arith.constant 128 : i32
      %mul3A_931 = arith.muli %add3A_644, %mul3A_930 : i32
      %add3A_932 = arith.constant 80 : i32
      %add3A_933 = arith.addi %mul3A_931, %add3A_932 : i32
      %get3A_934 = arith.index_cast %add3A_933 : i32 to index
      %get3A_935 = tpu.vector_load %arg5[%get3A_934] {strides = array<i32>} : memref<6272xf32, #tpu.memory_space<vmem>>, vector<16xf32>,
      %mul3A_936 = arith.constant 2.230000e+02 : f32
      %mul3A_937 = vector.broadcast %mul3A_936 : f32 to vector<16xf32>
      %mul3A_938 = arith.mulf %get3A_935, %mul3A_937 : vector<16xf32>
      %get3A_939 = arith.index_cast %add3A_933 : i32 to index
      %get3A_940 = tpu.vector_load %arg6[%get3A_939] {strides = array<i32>} : memref<6272xf32, #tpu.memory_space<vmem>>, vector<16xf32>,
      %mul3A_941 = arith.constant 2.230000e+02 : f32
      %mul3A_942 = vector.broadcast %mul3A_941 : f32 to vector<16xf32>
      %mul3A_943 = arith.mulf %get3A_940, %mul3A_942 : vector<16xf32>
      %convert_element_type3A_944 = arith.fptosi %mul3A_938 : vector<16xf32> to vector<16xi32>
      %convert_element_type3A_945 = arith.fptosi %mul3A_943 : vector<16xf32> to vector<16xi32>
      %convert_element_type3A_946 = arith.sitofp %convert_element_type3A_944 : vector<16xi32> to vector<16xf32>
      %sub3A_947 = arith.subf %mul3A_938, %convert_element_type3A_946 : vector<16xf32>
      %convert_element_type3A_948 = arith.sitofp %convert_element_type3A_945 : vector<16xi32> to vector<16xf32>
      %sub3A_949 = arith.subf %mul3A_943, %convert_element_type3A_948 : vector<16xf32>
      %sub3A_950 = arith.constant 1.000000e+00 : f32
      %sub3A_951 = vector.broadcast %sub3A_950 : f32 to vector<16xf32>
      %sub3A_952 = arith.subf %sub3A_951, %sub3A_947 : vector<16xf32>
      %sub3A_953 = arith.constant 1.000000e+00 : f32
      %sub3A_954 = vector.broadcast %sub3A_953 : f32 to vector<16xf32>
      %sub3A_955 = arith.subf %sub3A_954, %sub3A_949 : vector<16xf32>
      %mul3A_956 = arith.mulf %sub3A_952, %sub3A_955 : vector<16xf32>
      %swap3A_957 = arith.constant 80 : index
      %swap3A_958 = tpu.vector_load %arg17[%swap3A_957] {strides = array<i32>} : memref<128xf32, #tpu.memory_space<vmem>>, vector<16xf32>,
      tpu.vector_store %arg17[%swap3A_957], %mul3A_956 {strides = array<i32>} : memref<128xf32, #tpu.memory_space<vmem>>, vector<16xf32>,
      %mul3A_959 = arith.mulf %sub3A_947, %sub3A_955 : vector<16xf32>
      %swap3A_960 = arith.constant 80 : index
      %swap3A_961 = tpu.vector_load %arg18[%swap3A_960] {strides = array<i32>} : memref<128xf32, #tpu.memory_space<vmem>>, vector<16xf32>,
      tpu.vector_store %arg18[%swap3A_960], %mul3A_959 {strides = array<i32>} : memref<128xf32, #tpu.memory_space<vmem>>, vector<16xf32>,
      %mul3A_962 = arith.mulf %sub3A_952, %sub3A_949 : vector<16xf32>
      %swap3A_963 = arith.constant 80 : index
      %swap3A_964 = tpu.vector_load %arg19[%swap3A_963] {strides = array<i32>} : memref<128xf32, #tpu.memory_space<vmem>>, vector<16xf32>,
      tpu.vector_store %arg19[%swap3A_963], %mul3A_962 {strides = array<i32>} : memref<128xf32, #tpu.memory_space<vmem>>, vector<16xf32>,
      %mul3A_965 = arith.mulf %sub3A_947, %sub3A_949 : vector<16xf32>
      %swap3A_966 = arith.constant 80 : index
      %swap3A_967 = tpu.vector_load %arg20[%swap3A_966] {strides = array<i32>} : memref<128xf32, #tpu.memory_space<vmem>>, vector<16xf32>,
      tpu.vector_store %arg20[%swap3A_966], %mul3A_965 {strides = array<i32>} : memref<128xf32, #tpu.memory_space<vmem>>, vector<16xf32>,
      %mul3A_968 = arith.constant 224 : i32
      %mul3A_969 = vector.broadcast %mul3A_968 : i32 to vector<16xi32>
      %mul3A_970 = arith.muli %convert_element_type3A_945, %mul3A_969 : vector<16xi32>
      %add3A_971 = vector.broadcast %mul3A_18 : i32 to vector<16xi32>
      %add3A_972 = arith.addi %add3A_971, %mul3A_970 : vector<16xi32>
      %add3A_973 = arith.addi %add3A_972, %convert_element_type3A_944 : vector<16xi32>
      %swap3A_974 = arith.constant 80 : index
      %swap3A_975 = tpu.vector_load %arg15[%swap3A_974] {strides = array<i32>} : memref<128xi32, #tpu.memory_space<vmem>>, vector<16xi32>,
      tpu.vector_store %arg15[%swap3A_974], %add3A_973 {strides = array<i32>} : memref<128xi32, #tpu.memory_space<vmem>>, vector<16xi32>,
      %add3A_976 = arith.constant 1 : i32
      %add3A_977 = vector.broadcast %add3A_976 : i32 to vector<16xi32>
      %add3A_978 = arith.addi %add3A_973, %add3A_977 : vector<16xi32>
      %add3A_979 = arith.constant 50176 : i32
      %add3A_980 = arith.addi %mul3A_18, %add3A_979 : i32
      %sub3A_981 = arith.constant 1 : i32
      %sub3A_982 = arith.subi %add3A_980, %sub3A_981 : i32
      %min3A_983 = vector.broadcast %sub3A_982 : i32 to vector<16xi32>
      %min3A_984 = arith.minsi %add3A_978, %min3A_983 : vector<16xi32>
      %swap3A_985 = arith.constant 80 : index
      %swap3A_986 = tpu.vector_load %arg16[%swap3A_985] {strides = array<i32>} : memref<128xi32, #tpu.memory_space<vmem>>, vector<16xi32>,
      tpu.vector_store %arg16[%swap3A_985], %min3A_984 {strides = array<i32>} : memref<128xi32, #tpu.memory_space<vmem>>, vector<16xi32>,
      %mul3A_987 = arith.constant 128 : i32
      %mul3A_988 = arith.muli %add3A_644, %mul3A_987 : i32
      %add3A_989 = arith.constant 96 : i32
      %add3A_990 = arith.addi %mul3A_988, %add3A_989 : i32
      %get3A_991 = arith.index_cast %add3A_990 : i32 to index
      %get3A_992 = tpu.vector_load %arg5[%get3A_991] {strides = array<i32>} : memref<6272xf32, #tpu.memory_space<vmem>>, vector<16xf32>,
      %mul3A_993 = arith.constant 2.230000e+02 : f32
      %mul3A_994 = vector.broadcast %mul3A_993 : f32 to vector<16xf32>
      %mul3A_995 = arith.mulf %get3A_992, %mul3A_994 : vector<16xf32>
      %get3A_996 = arith.index_cast %add3A_990 : i32 to index
      %get3A_997 = tpu.vector_load %arg6[%get3A_996] {strides = array<i32>} : memref<6272xf32, #tpu.memory_space<vmem>>, vector<16xf32>,
      %mul3A_998 = arith.constant 2.230000e+02 : f32
      %mul3A_999 = vector.broadcast %mul3A_998 : f32 to vector<16xf32>
      %mul3A_1000 = arith.mulf %get3A_997, %mul3A_999 : vector<16xf32>
      %convert_element_type3A_1001 = arith.fptosi %mul3A_995 : vector<16xf32> to vector<16xi32>
      %convert_element_type3A_1002 = arith.fptosi %mul3A_1000 : vector<16xf32> to vector<16xi32>
      %convert_element_type3A_1003 = arith.sitofp %convert_element_type3A_1001 : vector<16xi32> to vector<16xf32>
      %sub3A_1004 = arith.subf %mul3A_995, %convert_element_type3A_1003 : vector<16xf32>
      %convert_element_type3A_1005 = arith.sitofp %convert_element_type3A_1002 : vector<16xi32> to vector<16xf32>
      %sub3A_1006 = arith.subf %mul3A_1000, %convert_element_type3A_1005 : vector<16xf32>
      %sub3A_1007 = arith.constant 1.000000e+00 : f32
      %sub3A_1008 = vector.broadcast %sub3A_1007 : f32 to vector<16xf32>
      %sub3A_1009 = arith.subf %sub3A_1008, %sub3A_1004 : vector<16xf32>
      %sub3A_1010 = arith.constant 1.000000e+00 : f32
      %sub3A_1011 = vector.broadcast %sub3A_1010 : f32 to vector<16xf32>
      %sub3A_1012 = arith.subf %sub3A_1011, %sub3A_1006 : vector<16xf32>
      %mul3A_1013 = arith.mulf %sub3A_1009, %sub3A_1012 : vector<16xf32>
      %swap3A_1014 = arith.constant 96 : index
      %swap3A_1015 = tpu.vector_load %arg17[%swap3A_1014] {strides = array<i32>} : memref<128xf32, #tpu.memory_space<vmem>>, vector<16xf32>,
      tpu.vector_store %arg17[%swap3A_1014], %mul3A_1013 {strides = array<i32>} : memref<128xf32, #tpu.memory_space<vmem>>, vector<16xf32>,
      %mul3A_1016 = arith.mulf %sub3A_1004, %sub3A_1012 : vector<16xf32>
      %swap3A_1017 = arith.constant 96 : index
      %swap3A_1018 = tpu.vector_load %arg18[%swap3A_1017] {strides = array<i32>} : memref<128xf32, #tpu.memory_space<vmem>>, vector<16xf32>,
      tpu.vector_store %arg18[%swap3A_1017], %mul3A_1016 {strides = array<i32>} : memref<128xf32, #tpu.memory_space<vmem>>, vector<16xf32>,
      %mul3A_1019 = arith.mulf %sub3A_1009, %sub3A_1006 : vector<16xf32>
      %swap3A_1020 = arith.constant 96 : index
      %swap3A_1021 = tpu.vector_load %arg19[%swap3A_1020] {strides = array<i32>} : memref<128xf32, #tpu.memory_space<vmem>>, vector<16xf32>,
      tpu.vector_store %arg19[%swap3A_1020], %mul3A_1019 {strides = array<i32>} : memref<128xf32, #tpu.memory_space<vmem>>, vector<16xf32>,
      %mul3A_1022 = arith.mulf %sub3A_1004, %sub3A_1006 : vector<16xf32>
      %swap3A_1023 = arith.constant 96 : index
      %swap3A_1024 = tpu.vector_load %arg20[%swap3A_1023] {strides = array<i32>} : memref<128xf32, #tpu.memory_space<vmem>>, vector<16xf32>,
      tpu.vector_store %arg20[%swap3A_1023], %mul3A_1022 {strides = array<i32>} : memref<128xf32, #tpu.memory_space<vmem>>, vector<16xf32>,
      %mul3A_1025 = arith.constant 224 : i32
      %mul3A_1026 = vector.broadcast %mul3A_1025 : i32 to vector<16xi32>
      %mul3A_1027 = arith.muli %convert_element_type3A_1002, %mul3A_1026 : vector<16xi32>
      %add3A_1028 = vector.broadcast %mul3A_18 : i32 to vector<16xi32>
      %add3A_1029 = arith.addi %add3A_1028, %mul3A_1027 : vector<16xi32>
      %add3A_1030 = arith.addi %add3A_1029, %convert_element_type3A_1001 : vector<16xi32>
      %swap3A_1031 = arith.constant 96 : index
      %swap3A_1032 = tpu.vector_load %arg15[%swap3A_1031] {strides = array<i32>} : memref<128xi32, #tpu.memory_space<vmem>>, vector<16xi32>,
      tpu.vector_store %arg15[%swap3A_1031], %add3A_1030 {strides = array<i32>} : memref<128xi32, #tpu.memory_space<vmem>>, vector<16xi32>,
      %add3A_1033 = arith.constant 1 : i32
      %add3A_1034 = vector.broadcast %add3A_1033 : i32 to vector<16xi32>
      %add3A_1035 = arith.addi %add3A_1030, %add3A_1034 : vector<16xi32>
      %add3A_1036 = arith.constant 50176 : i32
      %add3A_1037 = arith.addi %mul3A_18, %add3A_1036 : i32
      %sub3A_1038 = arith.constant 1 : i32
      %sub3A_1039 = arith.subi %add3A_1037, %sub3A_1038 : i32
      %min3A_1040 = vector.broadcast %sub3A_1039 : i32 to vector<16xi32>
      %min3A_1041 = arith.minsi %add3A_1035, %min3A_1040 : vector<16xi32>
      %swap3A_1042 = arith.constant 96 : index
      %swap3A_1043 = tpu.vector_load %arg16[%swap3A_1042] {strides = array<i32>} : memref<128xi32, #tpu.memory_space<vmem>>, vector<16xi32>,
      tpu.vector_store %arg16[%swap3A_1042], %min3A_1041 {strides = array<i32>} : memref<128xi32, #tpu.memory_space<vmem>>, vector<16xi32>,
      %mul3A_1044 = arith.constant 128 : i32
      %mul3A_1045 = arith.muli %add3A_644, %mul3A_1044 : i32
      %add3A_1046 = arith.constant 112 : i32
      %add3A_1047 = arith.addi %mul3A_1045, %add3A_1046 : i32
      %get3A_1048 = arith.index_cast %add3A_1047 : i32 to index
      %get3A_1049 = tpu.vector_load %arg5[%get3A_1048] {strides = array<i32>} : memref<6272xf32, #tpu.memory_space<vmem>>, vector<16xf32>,
      %mul3A_1050 = arith.constant 2.230000e+02 : f32
      %mul3A_1051 = vector.broadcast %mul3A_1050 : f32 to vector<16xf32>
      %mul3A_1052 = arith.mulf %get3A_1049, %mul3A_1051 : vector<16xf32>
      %get3A_1053 = arith.index_cast %add3A_1047 : i32 to index
      %get3A_1054 = tpu.vector_load %arg6[%get3A_1053] {strides = array<i32>} : memref<6272xf32, #tpu.memory_space<vmem>>, vector<16xf32>,
      %mul3A_1055 = arith.constant 2.230000e+02 : f32
      %mul3A_1056 = vector.broadcast %mul3A_1055 : f32 to vector<16xf32>
      %mul3A_1057 = arith.mulf %get3A_1054, %mul3A_1056 : vector<16xf32>
      %convert_element_type3A_1058 = arith.fptosi %mul3A_1052 : vector<16xf32> to vector<16xi32>
      %convert_element_type3A_1059 = arith.fptosi %mul3A_1057 : vector<16xf32> to vector<16xi32>
      %convert_element_type3A_1060 = arith.sitofp %convert_element_type3A_1058 : vector<16xi32> to vector<16xf32>
      %sub3A_1061 = arith.subf %mul3A_1052, %convert_element_type3A_1060 : vector<16xf32>
      %convert_element_type3A_1062 = arith.sitofp %convert_element_type3A_1059 : vector<16xi32> to vector<16xf32>
      %sub3A_1063 = arith.subf %mul3A_1057, %convert_element_type3A_1062 : vector<16xf32>
      %sub3A_1064 = arith.constant 1.000000e+00 : f32
      %sub3A_1065 = vector.broadcast %sub3A_1064 : f32 to vector<16xf32>
      %sub3A_1066 = arith.subf %sub3A_1065, %sub3A_1061 : vector<16xf32>
      %sub3A_1067 = arith.constant 1.000000e+00 : f32
      %sub3A_1068 = vector.broadcast %sub3A_1067 : f32 to vector<16xf32>
      %sub3A_1069 = arith.subf %sub3A_1068, %sub3A_1063 : vector<16xf32>
      %mul3A_1070 = arith.mulf %sub3A_1066, %sub3A_1069 : vector<16xf32>
      %swap3A_1071 = arith.constant 112 : index
      %swap3A_1072 = tpu.vector_load %arg17[%swap3A_1071] {strides = array<i32>} : memref<128xf32, #tpu.memory_space<vmem>>, vector<16xf32>,
      tpu.vector_store %arg17[%swap3A_1071], %mul3A_1070 {strides = array<i32>} : memref<128xf32, #tpu.memory_space<vmem>>, vector<16xf32>,
      %mul3A_1073 = arith.mulf %sub3A_1061, %sub3A_1069 : vector<16xf32>
      %swap3A_1074 = arith.constant 112 : index
      %swap3A_1075 = tpu.vector_load %arg18[%swap3A_1074] {strides = array<i32>} : memref<128xf32, #tpu.memory_space<vmem>>, vector<16xf32>,
      tpu.vector_store %arg18[%swap3A_1074], %mul3A_1073 {strides = array<i32>} : memref<128xf32, #tpu.memory_space<vmem>>, vector<16xf32>,
      %mul3A_1076 = arith.mulf %sub3A_1066, %sub3A_1063 : vector<16xf32>
      %swap3A_1077 = arith.constant 112 : index
      %swap3A_1078 = tpu.vector_load %arg19[%swap3A_1077] {strides = array<i32>} : memref<128xf32, #tpu.memory_space<vmem>>, vector<16xf32>,
      tpu.vector_store %arg19[%swap3A_1077], %mul3A_1076 {strides = array<i32>} : memref<128xf32, #tpu.memory_space<vmem>>, vector<16xf32>,
      %mul3A_1079 = arith.mulf %sub3A_1061, %sub3A_1063 : vector<16xf32>
      %swap3A_1080 = arith.constant 112 : index
      %swap3A_1081 = tpu.vector_load %arg20[%swap3A_1080] {strides = array<i32>} : memref<128xf32, #tpu.memory_space<vmem>>, vector<16xf32>,
      tpu.vector_store %arg20[%swap3A_1080], %mul3A_1079 {strides = array<i32>} : memref<128xf32, #tpu.memory_space<vmem>>, vector<16xf32>,
      %mul3A_1082 = arith.constant 224 : i32
      %mul3A_1083 = vector.broadcast %mul3A_1082 : i32 to vector<16xi32>
      %mul3A_1084 = arith.muli %convert_element_type3A_1059, %mul3A_1083 : vector<16xi32>
      %add3A_1085 = vector.broadcast %mul3A_18 : i32 to vector<16xi32>
      %add3A_1086 = arith.addi %add3A_1085, %mul3A_1084 : vector<16xi32>
      %add3A_1087 = arith.addi %add3A_1086, %convert_element_type3A_1058 : vector<16xi32>
      %swap3A_1088 = arith.constant 112 : index
      %swap3A_1089 = tpu.vector_load %arg15[%swap3A_1088] {strides = array<i32>} : memref<128xi32, #tpu.memory_space<vmem>>, vector<16xi32>,
      tpu.vector_store %arg15[%swap3A_1088], %add3A_1087 {strides = array<i32>} : memref<128xi32, #tpu.memory_space<vmem>>, vector<16xi32>,
      %add3A_1090 = arith.constant 1 : i32
      %add3A_1091 = vector.broadcast %add3A_1090 : i32 to vector<16xi32>
      %add3A_1092 = arith.addi %add3A_1087, %add3A_1091 : vector<16xi32>
      %add3A_1093 = arith.constant 50176 : i32
      %add3A_1094 = arith.addi %mul3A_18, %add3A_1093 : i32
      %sub3A_1095 = arith.constant 1 : i32
      %sub3A_1096 = arith.subi %add3A_1094, %sub3A_1095 : i32
      %min3A_1097 = vector.broadcast %sub3A_1096 : i32 to vector<16xi32>
      %min3A_1098 = arith.minsi %add3A_1092, %min3A_1097 : vector<16xi32>
      %swap3A_1099 = arith.constant 112 : index
      %swap3A_1100 = tpu.vector_load %arg16[%swap3A_1099] {strides = array<i32>} : memref<128xi32, #tpu.memory_space<vmem>>, vector<16xi32>,
      tpu.vector_store %arg16[%swap3A_1099], %min3A_1098 {strides = array<i32>} : memref<128xi32, #tpu.memory_space<vmem>>, vector<16xi32>,
      %dma_start3A_1101 = arith.constant 0 : i32
      %dma_start3A_1102 = arith.constant 0 : i32
      %dma_start3A_1103 = tpu.memref_slice %arg2[%dma_start3A_1101, %dma_start3A_1102] : memref<201728x128xi32, #tpu.memory_space<hbm>> -> memref<201728x128xi32, #tpu.memory_space<hbm>>
      tpu.enqueue_indirect_dma source(%dma_start3A_1103 : memref<201728x128xi32, #tpu.memory_space<hbm>>) target(%arg21 : memref<128x128xi32, #tpu.memory_space<vmem>>) offsets(%arg15 : memref<128xi32, #tpu.memory_space<vmem>>) semaphore(%arg26 : memref<!tpu.dma_semaphore, #tpu.memory_space<semaphore_mem>>)
      %dma_start3A_1104 = arith.constant 0 : i32
      %dma_start3A_1105 = arith.constant 0 : i32
      %dma_start3A_1106 = tpu.memref_slice %arg2[%dma_start3A_1104, %dma_start3A_1105] : memref<201728x128xi32, #tpu.memory_space<hbm>> -> memref<201728x128xi32, #tpu.memory_space<hbm>>
      tpu.enqueue_indirect_dma source(%dma_start3A_1106 : memref<201728x128xi32, #tpu.memory_space<hbm>>) target(%arg22 : memref<128x128xi32, #tpu.memory_space<vmem>>) offsets(%arg16 : memref<128xi32, #tpu.memory_space<vmem>>) semaphore(%arg26 : memref<!tpu.dma_semaphore, #tpu.memory_space<semaphore_mem>>)
      %dma_wait3A_1107 = arith.constant 0 : i32
      %dma_wait3A_1108 = arith.constant 0 : i32
      %dma_wait3A_1109 = tpu.memref_slice %arg2[%dma_wait3A_1107, %dma_wait3A_1108] : memref<201728x128xi32, #tpu.memory_space<hbm>> -> memref<128x128xi32, #tpu.memory_space<hbm>>
      %dma_wait3A_1110 = arith.constant 0 : i32
      %dma_wait3A_1111 = arith.constant 0 : i32
      %dma_wait3A_1112 = tpu.memref_slice %arg2[%dma_wait3A_1110, %dma_wait3A_1111] : memref<201728x128xi32, #tpu.memory_space<hbm>> -> memref<128x128xi32, #tpu.memory_space<hbm>>
      tpu.wait_dma2 semaphore(%arg25 : memref<!tpu.dma_semaphore, #tpu.memory_space<semaphore_mem>>) src(%dma_wait3A_1112 : memref<128x128xi32, #tpu.memory_space<hbm>>) dst(%arg13 : memref<128x128xi32, #tpu.memory_space<vmem>>)
      %dma_wait3A_1113 = arith.constant 0 : i32
      %dma_wait3A_1114 = arith.constant 0 : i32
      %dma_wait3A_1115 = tpu.memref_slice %arg2[%dma_wait3A_1113, %dma_wait3A_1114] : memref<201728x128xi32, #tpu.memory_space<hbm>> -> memref<128x128xi32, #tpu.memory_space<hbm>>
      %dma_wait3A_1116 = arith.constant 0 : i32
      %dma_wait3A_1117 = arith.constant 0 : i32
      %dma_wait3A_1118 = tpu.memref_slice %arg2[%dma_wait3A_1116, %dma_wait3A_1117] : memref<201728x128xi32, #tpu.memory_space<hbm>> -> memref<128x128xi32, #tpu.memory_space<hbm>>
      tpu.wait_dma2 semaphore(%arg25 : memref<!tpu.dma_semaphore, #tpu.memory_space<semaphore_mem>>) src(%dma_wait3A_1118 : memref<128x128xi32, #tpu.memory_space<hbm>>) dst(%arg14 : memref<128x128xi32, #tpu.memory_space<vmem>>)
      %gt3A = arith.constant 0 : i32
      %gt3A_1119 = arith.cmpi sgt, %scan3A_640, %gt3A : i32
      %convert_element_type3A_1120 = arith.extui %gt3A_1119 : i1 to i32
      %cond3A = arith.constant 0 : i32
      %cond3A_1121 = arith.cmpi ne, %convert_element_type3A_1120, %cond3A : i32
      scf.if %cond3A_1121 {
        %dma_wait3A_1752 = arith.constant 0 : i32
        %dma_wait3A_1753 = arith.constant 0 : i32
        %dma_wait3A_1754 = tpu.memref_slice %arg4[%dma_wait3A_1752, %dma_wait3A_1753] : memref<150528x128xf32, #tpu.memory_space<hbm>> -> memref<96x128xf32, #tpu.memory_space<hbm>>
        %dma_wait3A_1755 = arith.constant 0 : i32
        %dma_wait3A_1756 = arith.constant 0 : i32
        %dma_wait3A_1757 = tpu.memref_slice %arg4[%dma_wait3A_1755, %dma_wait3A_1756] : memref<150528x128xf32, #tpu.memory_space<hbm>> -> memref<96x128xf32, #tpu.memory_space<hbm>>
        tpu.wait_dma2 semaphore(%arg27 : memref<!tpu.dma_semaphore, #tpu.memory_space<semaphore_mem>>) src(%dma_wait3A_1757 : memref<96x128xf32, #tpu.memory_space<hbm>>) dst(%arg23 : memref<96x128xf32, #tpu.memory_space<vmem>>)
      } else {
      }
      %scan3A_1122 = arith.constant 0 : i32
      %scan3A_1123 = arith.constant 0 : i32
      %scan3A_1124 = arith.constant 128 : i32
      %scan3A_1125 = arith.addi %scan3A_1123, %scan3A_1124 : i32
      %scan3A_1126 = arith.constant 1 : i32
      scf.for %scan3A_1752 = %scan3A_1123 to %scan3A_1125 step %scan3A_1126  : i32 {
        %add3A_1753 = vector.broadcast %scan3A_1752 : i32 to vector<16xi32>
        %add3A_1754 = arith.addi %add3A_1753, %broadcast_in_dim3A_40 : vector<16xi32>
        %gather3A = tpu.vector_load_idx %arg9[%add3A_1754] : memref<128xf32, #tpu.memory_space<vmem>>[vector<16xi32>], vector<16xf32>,
        %gather3A_1755 = tpu.vector_load_idx %arg10[%add3A_1754] : memref<128xf32, #tpu.memory_space<vmem>>[vector<16xi32>], vector<16xf32>,
        %gather3A_1756 = tpu.vector_load_idx %arg11[%add3A_1754] : memref<128xf32, #tpu.memory_space<vmem>>[vector<16xi32>], vector<16xf32>,
        %gather3A_1757 = tpu.vector_load_idx %arg12[%add3A_1754] : memref<128xf32, #tpu.memory_space<vmem>>[vector<16xi32>], vector<16xf32>,
        %get3A_1758 = arith.index_cast %scan3A_1752 : i32 to index
        %get3A_1759 = arith.constant 0 : index
        %get3A_1760 = tpu.vector_load %arg13[%get3A_1758, %get3A_1759] {strides = array<i32>} : memref<128x128xi32, #tpu.memory_space<vmem>>, vector<16xi32>,
        %bitcast3A = vector.bitcast %get3A_1760 : vector<16xi32> to vector<32xbf16>
        %unpack3A = tpu.unpack_subelements %bitcast3A, 0 {pack_format = #tpu.pack_format<interleaved>} : vector<32xbf16> -> vector<16xf32>
        %unpack3A_1761 = tpu.unpack_subelements %bitcast3A, 1 {pack_format = #tpu.pack_format<interleaved>} : vector<32xbf16> -> vector<16xf32>
        %get3A_1762 = arith.index_cast %scan3A_1752 : i32 to index
        %get3A_1763 = arith.constant 0 : index
        %get3A_1764 = tpu.vector_load %arg14[%get3A_1762, %get3A_1763] {strides = array<i32>} : memref<128x128xi32, #tpu.memory_space<vmem>>, vector<16xi32>,
        %bitcast3A_1765 = vector.bitcast %get3A_1764 : vector<16xi32> to vector<32xbf16>
        %unpack3A_1766 = tpu.unpack_subelements %bitcast3A_1765, 0 {pack_format = #tpu.pack_format<interleaved>} : vector<32xbf16> -> vector<16xf32>
        %unpack3A_1767 = tpu.unpack_subelements %bitcast3A_1765, 1 {pack_format = #tpu.pack_format<interleaved>} : vector<32xbf16> -> vector<16xf32>
        %get3A_1768 = arith.index_cast %scan3A_1752 : i32 to index
        %get3A_1769 = arith.constant 64 : index
        %get3A_1770 = tpu.vector_load %arg13[%get3A_1768, %get3A_1769] {strides = array<i32>} : memref<128x128xi32, #tpu.memory_space<vmem>>, vector<16xi32>,
        %bitcast3A_1771 = vector.bitcast %get3A_1770 : vector<16xi32> to vector<32xbf16>
        %unpack3A_1772 = tpu.unpack_subelements %bitcast3A_1771, 0 {pack_format = #tpu.pack_format<interleaved>} : vector<32xbf16> -> vector<16xf32>
        %unpack3A_1773 = tpu.unpack_subelements %bitcast3A_1771, 1 {pack_format = #tpu.pack_format<interleaved>} : vector<32xbf16> -> vector<16xf32>
        %get3A_1774 = arith.index_cast %scan3A_1752 : i32 to index
        %get3A_1775 = arith.constant 64 : index
        %get3A_1776 = tpu.vector_load %arg14[%get3A_1774, %get3A_1775] {strides = array<i32>} : memref<128x128xi32, #tpu.memory_space<vmem>>, vector<16xi32>,
        %bitcast3A_1777 = vector.bitcast %get3A_1776 : vector<16xi32> to vector<32xbf16>
        %unpack3A_1778 = tpu.unpack_subelements %bitcast3A_1777, 0 {pack_format = #tpu.pack_format<interleaved>} : vector<32xbf16> -> vector<16xf32>
        %unpack3A_1779 = tpu.unpack_subelements %bitcast3A_1777, 1 {pack_format = #tpu.pack_format<interleaved>} : vector<32xbf16> -> vector<16xf32>
        %mul3A_1780 = arith.mulf %gather3A, %unpack3A : vector<16xf32>
        %mul3A_1781 = arith.mulf %gather3A_1755, %unpack3A_1766 : vector<16xf32>
        %add3A_1782 = arith.addf %mul3A_1780, %mul3A_1781 : vector<16xf32>
        %mul3A_1783 = arith.mulf %gather3A_1756, %unpack3A_1772 : vector<16xf32>
        %add3A_1784 = arith.addf %add3A_1782, %mul3A_1783 : vector<16xf32>
        %mul3A_1785 = arith.mulf %gather3A_1757, %unpack3A_1778 : vector<16xf32>
        %add3A_1786 = arith.addf %add3A_1784, %mul3A_1785 : vector<16xf32>
        %mul3A_1787 = arith.mulf %gather3A, %unpack3A_1761 : vector<16xf32>
        %mul3A_1788 = arith.mulf %gather3A_1755, %unpack3A_1767 : vector<16xf32>
        %add3A_1789 = arith.addf %mul3A_1787, %mul3A_1788 : vector<16xf32>
        %mul3A_1790 = arith.mulf %gather3A_1756, %unpack3A_1773 : vector<16xf32>
        %add3A_1791 = arith.addf %add3A_1789, %mul3A_1790 : vector<16xf32>
        %mul3A_1792 = arith.mulf %gather3A_1757, %unpack3A_1779 : vector<16xf32>
        %add3A_1793 = arith.addf %add3A_1791, %mul3A_1792 : vector<16xf32>
        tpu.vector_store_idx %arg23[%add3A_46, %add3A_1754], %add3A_1786 : memref<96x128xf32, #tpu.memory_space<vmem>>[vector<16xi32>, vector<16xi32>], vector<16xf32>,
        tpu.vector_store_idx %arg23[%add3A_67, %add3A_1754], %add3A_1793 : memref<96x128xf32, #tpu.memory_space<vmem>>[vector<16xi32>, vector<16xi32>], vector<16xf32>,
        %get3A_1794 = arith.index_cast %scan3A_1752 : i32 to index
        %get3A_1795 = arith.constant 16 : index
        %get3A_1796 = tpu.vector_load %arg13[%get3A_1794, %get3A_1795] {strides = array<i32>} : memref<128x128xi32, #tpu.memory_space<vmem>>, vector<16xi32>,
        %bitcast3A_1797 = vector.bitcast %get3A_1796 : vector<16xi32> to vector<32xbf16>
        %unpack3A_1798 = tpu.unpack_subelements %bitcast3A_1797, 0 {pack_format = #tpu.pack_format<interleaved>} : vector<32xbf16> -> vector<16xf32>
        %unpack3A_1799 = tpu.unpack_subelements %bitcast3A_1797, 1 {pack_format = #tpu.pack_format<interleaved>} : vector<32xbf16> -> vector<16xf32>
        %get3A_1800 = arith.index_cast %scan3A_1752 : i32 to index
        %get3A_1801 = arith.constant 16 : index
        %get3A_1802 = tpu.vector_load %arg14[%get3A_1800, %get3A_1801] {strides = array<i32>} : memref<128x128xi32, #tpu.memory_space<vmem>>, vector<16xi32>,
        %bitcast3A_1803 = vector.bitcast %get3A_1802 : vector<16xi32> to vector<32xbf16>
        %unpack3A_1804 = tpu.unpack_subelements %bitcast3A_1803, 0 {pack_format = #tpu.pack_format<interleaved>} : vector<32xbf16> -> vector<16xf32>
        %unpack3A_1805 = tpu.unpack_subelements %bitcast3A_1803, 1 {pack_format = #tpu.pack_format<interleaved>} : vector<32xbf16> -> vector<16xf32>
        %get3A_1806 = arith.index_cast %scan3A_1752 : i32 to index
        %get3A_1807 = arith.constant 80 : index
        %get3A_1808 = tpu.vector_load %arg13[%get3A_1806, %get3A_1807] {strides = array<i32>} : memref<128x128xi32, #tpu.memory_space<vmem>>, vector<16xi32>,
        %bitcast3A_1809 = vector.bitcast %get3A_1808 : vector<16xi32> to vector<32xbf16>
        %unpack3A_1810 = tpu.unpack_subelements %bitcast3A_1809, 0 {pack_format = #tpu.pack_format<interleaved>} : vector<32xbf16> -> vector<16xf32>
        %unpack3A_1811 = tpu.unpack_subelements %bitcast3A_1809, 1 {pack_format = #tpu.pack_format<interleaved>} : vector<32xbf16> -> vector<16xf32>
        %get3A_1812 = arith.index_cast %scan3A_1752 : i32 to index
        %get3A_1813 = arith.constant 80 : index
        %get3A_1814 = tpu.vector_load %arg14[%get3A_1812, %get3A_1813] {strides = array<i32>} : memref<128x128xi32, #tpu.memory_space<vmem>>, vector<16xi32>,
        %bitcast3A_1815 = vector.bitcast %get3A_1814 : vector<16xi32> to vector<32xbf16>
        %unpack3A_1816 = tpu.unpack_subelements %bitcast3A_1815, 0 {pack_format = #tpu.pack_format<interleaved>} : vector<32xbf16> -> vector<16xf32>
        %unpack3A_1817 = tpu.unpack_subelements %bitcast3A_1815, 1 {pack_format = #tpu.pack_format<interleaved>} : vector<32xbf16> -> vector<16xf32>
        %mul3A_1818 = arith.mulf %gather3A, %unpack3A_1798 : vector<16xf32>
        %mul3A_1819 = arith.mulf %gather3A_1755, %unpack3A_1804 : vector<16xf32>
        %add3A_1820 = arith.addf %mul3A_1818, %mul3A_1819 : vector<16xf32>
        %mul3A_1821 = arith.mulf %gather3A_1756, %unpack3A_1810 : vector<16xf32>
        %add3A_1822 = arith.addf %add3A_1820, %mul3A_1821 : vector<16xf32>
        %mul3A_1823 = arith.mulf %gather3A_1757, %unpack3A_1816 : vector<16xf32>
        %add3A_1824 = arith.addf %add3A_1822, %mul3A_1823 : vector<16xf32>
        %mul3A_1825 = arith.mulf %gather3A, %unpack3A_1799 : vector<16xf32>
        %mul3A_1826 = arith.mulf %gather3A_1755, %unpack3A_1805 : vector<16xf32>
        %add3A_1827 = arith.addf %mul3A_1825, %mul3A_1826 : vector<16xf32>
        %mul3A_1828 = arith.mulf %gather3A_1756, %unpack3A_1811 : vector<16xf32>
        %add3A_1829 = arith.addf %add3A_1827, %mul3A_1828 : vector<16xf32>
        %mul3A_1830 = arith.mulf %gather3A_1757, %unpack3A_1817 : vector<16xf32>
        %add3A_1831 = arith.addf %add3A_1829, %mul3A_1830 : vector<16xf32>
        tpu.vector_store_idx %arg23[%add3A_52, %add3A_1754], %add3A_1824 : memref<96x128xf32, #tpu.memory_space<vmem>>[vector<16xi32>, vector<16xi32>], vector<16xf32>,
        tpu.vector_store_idx %arg23[%add3A_76, %add3A_1754], %add3A_1831 : memref<96x128xf32, #tpu.memory_space<vmem>>[vector<16xi32>, vector<16xi32>], vector<16xf32>,
        %get3A_1832 = arith.index_cast %scan3A_1752 : i32 to index
        %get3A_1833 = arith.constant 32 : index
        %get3A_1834 = tpu.vector_load %arg13[%get3A_1832, %get3A_1833] {strides = array<i32>} : memref<128x128xi32, #tpu.memory_space<vmem>>, vector<16xi32>,
        %bitcast3A_1835 = vector.bitcast %get3A_1834 : vector<16xi32> to vector<32xbf16>
        %unpack3A_1836 = tpu.unpack_subelements %bitcast3A_1835, 0 {pack_format = #tpu.pack_format<interleaved>} : vector<32xbf16> -> vector<16xf32>
        %unpack3A_1837 = tpu.unpack_subelements %bitcast3A_1835, 1 {pack_format = #tpu.pack_format<interleaved>} : vector<32xbf16> -> vector<16xf32>
        %get3A_1838 = arith.index_cast %scan3A_1752 : i32 to index
        %get3A_1839 = arith.constant 32 : index
        %get3A_1840 = tpu.vector_load %arg14[%get3A_1838, %get3A_1839] {strides = array<i32>} : memref<128x128xi32, #tpu.memory_space<vmem>>, vector<16xi32>,
        %bitcast3A_1841 = vector.bitcast %get3A_1840 : vector<16xi32> to vector<32xbf16>
        %unpack3A_1842 = tpu.unpack_subelements %bitcast3A_1841, 0 {pack_format = #tpu.pack_format<interleaved>} : vector<32xbf16> -> vector<16xf32>
        %unpack3A_1843 = tpu.unpack_subelements %bitcast3A_1841, 1 {pack_format = #tpu.pack_format<interleaved>} : vector<32xbf16> -> vector<16xf32>
        %get3A_1844 = arith.index_cast %scan3A_1752 : i32 to index
        %get3A_1845 = arith.constant 96 : index
        %get3A_1846 = tpu.vector_load %arg13[%get3A_1844, %get3A_1845] {strides = array<i32>} : memref<128x128xi32, #tpu.memory_space<vmem>>, vector<16xi32>,
        %bitcast3A_1847 = vector.bitcast %get3A_1846 : vector<16xi32> to vector<32xbf16>
        %unpack3A_1848 = tpu.unpack_subelements %bitcast3A_1847, 0 {pack_format = #tpu.pack_format<interleaved>} : vector<32xbf16> -> vector<16xf32>
        %unpack3A_1849 = tpu.unpack_subelements %bitcast3A_1847, 1 {pack_format = #tpu.pack_format<interleaved>} : vector<32xbf16> -> vector<16xf32>
        %get3A_1850 = arith.index_cast %scan3A_1752 : i32 to index
        %get3A_1851 = arith.constant 96 : index
        %get3A_1852 = tpu.vector_load %arg14[%get3A_1850, %get3A_1851] {strides = array<i32>} : memref<128x128xi32, #tpu.memory_space<vmem>>, vector<16xi32>,
        %bitcast3A_1853 = vector.bitcast %get3A_1852 : vector<16xi32> to vector<32xbf16>
        %unpack3A_1854 = tpu.unpack_subelements %bitcast3A_1853, 0 {pack_format = #tpu.pack_format<interleaved>} : vector<32xbf16> -> vector<16xf32>
        %unpack3A_1855 = tpu.unpack_subelements %bitcast3A_1853, 1 {pack_format = #tpu.pack_format<interleaved>} : vector<32xbf16> -> vector<16xf32>
        %mul3A_1856 = arith.mulf %gather3A, %unpack3A_1836 : vector<16xf32>
        %mul3A_1857 = arith.mulf %gather3A_1755, %unpack3A_1842 : vector<16xf32>
        %add3A_1858 = arith.addf %mul3A_1856, %mul3A_1857 : vector<16xf32>
        %mul3A_1859 = arith.mulf %gather3A_1756, %unpack3A_1848 : vector<16xf32>
        %add3A_1860 = arith.addf %add3A_1858, %mul3A_1859 : vector<16xf32>
        %mul3A_1861 = arith.mulf %gather3A_1757, %unpack3A_1854 : vector<16xf32>
        %add3A_1862 = arith.addf %add3A_1860, %mul3A_1861 : vector<16xf32>
        %mul3A_1863 = arith.mulf %gather3A, %unpack3A_1837 : vector<16xf32>
        %mul3A_1864 = arith.mulf %gather3A_1755, %unpack3A_1843 : vector<16xf32>
        %add3A_1865 = arith.addf %mul3A_1863, %mul3A_1864 : vector<16xf32>
        %mul3A_1866 = arith.mulf %gather3A_1756, %unpack3A_1849 : vector<16xf32>
        %add3A_1867 = arith.addf %add3A_1865, %mul3A_1866 : vector<16xf32>
        %mul3A_1868 = arith.mulf %gather3A_1757, %unpack3A_1855 : vector<16xf32>
        %add3A_1869 = arith.addf %add3A_1867, %mul3A_1868 : vector<16xf32>
        tpu.vector_store_idx %arg23[%add3A_58, %add3A_1754], %add3A_1862 : memref<96x128xf32, #tpu.memory_space<vmem>>[vector<16xi32>, vector<16xi32>], vector<16xf32>,
        tpu.vector_store_idx %arg23[%add3A_85, %add3A_1754], %add3A_1869 : memref<96x128xf32, #tpu.memory_space<vmem>>[vector<16xi32>, vector<16xi32>], vector<16xf32>,
      }
      %scan3A_1127 = arith.constant 128 : i32
      %mul3A_1128 = arith.constant 2 : i32
      %mul3A_1129 = arith.muli %mul3A_1128, %scan3A_640 : i32
      %add3A_1130 = arith.addi %add3A_39, %mul3A_1129 : i32
      %add3A_1131 = arith.constant 0 : i32
      %add3A_1132 = vector.broadcast %add3A_1131 : i32 to vector<16xi32>
      %add3A_1133 = arith.addi %add3A_1132, %iota3A : vector<16xi32>
      %mul3A_1134 = arith.constant 392 : i32
      %mul3A_1135 = vector.broadcast %mul3A_1134 : i32 to vector<16xi32>
      %mul3A_1136 = arith.muli %add3A_1133, %mul3A_1135 : vector<16xi32>
      %add3A_1137 = vector.broadcast %add3A_1130 : i32 to vector<16xi32>
      %add3A_1138 = arith.addi %add3A_1137, %mul3A_1136 : vector<16xi32>
      %swap3A_1139 = arith.constant 0 : index
      %swap3A_1140 = tpu.vector_load %arg24[%swap3A_1139] {strides = array<i32>} : memref<96xi32, #tpu.memory_space<vmem>>, vector<16xi32>,
      tpu.vector_store %arg24[%swap3A_1139], %add3A_1138 {strides = array<i32>} : memref<96xi32, #tpu.memory_space<vmem>>, vector<16xi32>,
      %add3A_1141 = arith.constant 16 : i32
      %add3A_1142 = vector.broadcast %add3A_1141 : i32 to vector<16xi32>
      %add3A_1143 = arith.addi %add3A_1142, %iota3A : vector<16xi32>
      %mul3A_1144 = arith.constant 392 : i32
      %mul3A_1145 = vector.broadcast %mul3A_1144 : i32 to vector<16xi32>
      %mul3A_1146 = arith.muli %add3A_1143, %mul3A_1145 : vector<16xi32>
      %add3A_1147 = vector.broadcast %add3A_1130 : i32 to vector<16xi32>
      %add3A_1148 = arith.addi %add3A_1147, %mul3A_1146 : vector<16xi32>
      %swap3A_1149 = arith.constant 16 : index
      %swap3A_1150 = tpu.vector_load %arg24[%swap3A_1149] {strides = array<i32>} : memref<96xi32, #tpu.memory_space<vmem>>, vector<16xi32>,
      tpu.vector_store %arg24[%swap3A_1149], %add3A_1148 {strides = array<i32>} : memref<96xi32, #tpu.memory_space<vmem>>, vector<16xi32>,
      %add3A_1151 = arith.constant 32 : i32
      %add3A_1152 = vector.broadcast %add3A_1151 : i32 to vector<16xi32>
      %add3A_1153 = arith.addi %add3A_1152, %iota3A : vector<16xi32>
      %mul3A_1154 = arith.constant 392 : i32
      %mul3A_1155 = vector.broadcast %mul3A_1154 : i32 to vector<16xi32>
      %mul3A_1156 = arith.muli %add3A_1153, %mul3A_1155 : vector<16xi32>
      %add3A_1157 = vector.broadcast %add3A_1130 : i32 to vector<16xi32>
      %add3A_1158 = arith.addi %add3A_1157, %mul3A_1156 : vector<16xi32>
      %swap3A_1159 = arith.constant 32 : index
      %swap3A_1160 = tpu.vector_load %arg24[%swap3A_1159] {strides = array<i32>} : memref<96xi32, #tpu.memory_space<vmem>>, vector<16xi32>,
      tpu.vector_store %arg24[%swap3A_1159], %add3A_1158 {strides = array<i32>} : memref<96xi32, #tpu.memory_space<vmem>>, vector<16xi32>,
      %add3A_1161 = arith.constant 48 : i32
      %add3A_1162 = vector.broadcast %add3A_1161 : i32 to vector<16xi32>
      %add3A_1163 = arith.addi %add3A_1162, %iota3A : vector<16xi32>
      %mul3A_1164 = arith.constant 392 : i32
      %mul3A_1165 = vector.broadcast %mul3A_1164 : i32 to vector<16xi32>
      %mul3A_1166 = arith.muli %add3A_1163, %mul3A_1165 : vector<16xi32>
      %add3A_1167 = vector.broadcast %add3A_1130 : i32 to vector<16xi32>
      %add3A_1168 = arith.addi %add3A_1167, %mul3A_1166 : vector<16xi32>
      %swap3A_1169 = arith.constant 48 : index
      %swap3A_1170 = tpu.vector_load %arg24[%swap3A_1169] {strides = array<i32>} : memref<96xi32, #tpu.memory_space<vmem>>, vector<16xi32>,
      tpu.vector_store %arg24[%swap3A_1169], %add3A_1168 {strides = array<i32>} : memref<96xi32, #tpu.memory_space<vmem>>, vector<16xi32>,
      %add3A_1171 = arith.constant 64 : i32
      %add3A_1172 = vector.broadcast %add3A_1171 : i32 to vector<16xi32>
      %add3A_1173 = arith.addi %add3A_1172, %iota3A : vector<16xi32>
      %mul3A_1174 = arith.constant 392 : i32
      %mul3A_1175 = vector.broadcast %mul3A_1174 : i32 to vector<16xi32>
      %mul3A_1176 = arith.muli %add3A_1173, %mul3A_1175 : vector<16xi32>
      %add3A_1177 = vector.broadcast %add3A_1130 : i32 to vector<16xi32>
      %add3A_1178 = arith.addi %add3A_1177, %mul3A_1176 : vector<16xi32>
      %swap3A_1179 = arith.constant 64 : index
      %swap3A_1180 = tpu.vector_load %arg24[%swap3A_1179] {strides = array<i32>} : memref<96xi32, #tpu.memory_space<vmem>>, vector<16xi32>,
      tpu.vector_store %arg24[%swap3A_1179], %add3A_1178 {strides = array<i32>} : memref<96xi32, #tpu.memory_space<vmem>>, vector<16xi32>,
      %add3A_1181 = arith.constant 80 : i32
      %add3A_1182 = vector.broadcast %add3A_1181 : i32 to vector<16xi32>
      %add3A_1183 = arith.addi %add3A_1182, %iota3A : vector<16xi32>
      %mul3A_1184 = arith.constant 392 : i32
      %mul3A_1185 = vector.broadcast %mul3A_1184 : i32 to vector<16xi32>
      %mul3A_1186 = arith.muli %add3A_1183, %mul3A_1185 : vector<16xi32>
      %add3A_1187 = vector.broadcast %add3A_1130 : i32 to vector<16xi32>
      %add3A_1188 = arith.addi %add3A_1187, %mul3A_1186 : vector<16xi32>
      %swap3A_1189 = arith.constant 80 : index
      %swap3A_1190 = tpu.vector_load %arg24[%swap3A_1189] {strides = array<i32>} : memref<96xi32, #tpu.memory_space<vmem>>, vector<16xi32>,
      tpu.vector_store %arg24[%swap3A_1189], %add3A_1188 {strides = array<i32>} : memref<96xi32, #tpu.memory_space<vmem>>, vector<16xi32>,
      %dma_start3A_1191 = arith.constant 0 : i32
      %dma_start3A_1192 = arith.constant 0 : i32
      %dma_start3A_1193 = tpu.memref_slice %arg4[%dma_start3A_1191, %dma_start3A_1192] : memref<150528x128xf32, #tpu.memory_space<hbm>> -> memref<150528x128xf32, #tpu.memory_space<hbm>>
      tpu.enqueue_indirect_dma source(%arg23 : memref<96x128xf32, #tpu.memory_space<vmem>>) target(%dma_start3A_1193 : memref<150528x128xf32, #tpu.memory_space<hbm>>) offsets(%arg24 : memref<96xi32, #tpu.memory_space<vmem>>) semaphore(%arg27 : memref<!tpu.dma_semaphore, #tpu.memory_space<semaphore_mem>>)
      %mul3A_1194 = arith.constant 2 : i32
      %mul3A_1195 = arith.muli %mul3A_1194, %scan3A_640 : i32
      %add3A_1196 = arith.constant 2 : i32
      %add3A_1197 = arith.addi %mul3A_1195, %add3A_1196 : i32
      %mul3A_1198 = arith.constant 128 : i32
      %mul3A_1199 = arith.muli %add3A_1197, %mul3A_1198 : i32
      %add3A_1200 = arith.constant 0 : i32
      %add3A_1201 = arith.addi %mul3A_1199, %add3A_1200 : i32
      %get3A_1202 = arith.index_cast %add3A_1201 : i32 to index
      %get3A_1203 = tpu.vector_load %arg5[%get3A_1202] {strides = array<i32>} : memref<6272xf32, #tpu.memory_space<vmem>>, vector<16xf32>,
      %mul3A_1204 = arith.constant 2.230000e+02 : f32
      %mul3A_1205 = vector.broadcast %mul3A_1204 : f32 to vector<16xf32>
      %mul3A_1206 = arith.mulf %get3A_1203, %mul3A_1205 : vector<16xf32>
      %get3A_1207 = arith.index_cast %add3A_1201 : i32 to index
      %get3A_1208 = tpu.vector_load %arg6[%get3A_1207] {strides = array<i32>} : memref<6272xf32, #tpu.memory_space<vmem>>, vector<16xf32>,
      %mul3A_1209 = arith.constant 2.230000e+02 : f32
      %mul3A_1210 = vector.broadcast %mul3A_1209 : f32 to vector<16xf32>
      %mul3A_1211 = arith.mulf %get3A_1208, %mul3A_1210 : vector<16xf32>
      %convert_element_type3A_1212 = arith.fptosi %mul3A_1206 : vector<16xf32> to vector<16xi32>
      %convert_element_type3A_1213 = arith.fptosi %mul3A_1211 : vector<16xf32> to vector<16xi32>
      %convert_element_type3A_1214 = arith.sitofp %convert_element_type3A_1212 : vector<16xi32> to vector<16xf32>
      %sub3A_1215 = arith.subf %mul3A_1206, %convert_element_type3A_1214 : vector<16xf32>
      %convert_element_type3A_1216 = arith.sitofp %convert_element_type3A_1213 : vector<16xi32> to vector<16xf32>
      %sub3A_1217 = arith.subf %mul3A_1211, %convert_element_type3A_1216 : vector<16xf32>
      %sub3A_1218 = arith.constant 1.000000e+00 : f32
      %sub3A_1219 = vector.broadcast %sub3A_1218 : f32 to vector<16xf32>
      %sub3A_1220 = arith.subf %sub3A_1219, %sub3A_1215 : vector<16xf32>
      %sub3A_1221 = arith.constant 1.000000e+00 : f32
      %sub3A_1222 = vector.broadcast %sub3A_1221 : f32 to vector<16xf32>
      %sub3A_1223 = arith.subf %sub3A_1222, %sub3A_1217 : vector<16xf32>
      %mul3A_1224 = arith.mulf %sub3A_1220, %sub3A_1223 : vector<16xf32>
      %swap3A_1225 = arith.constant 0 : index
      %swap3A_1226 = tpu.vector_load %arg9[%swap3A_1225] {strides = array<i32>} : memref<128xf32, #tpu.memory_space<vmem>>, vector<16xf32>,
      tpu.vector_store %arg9[%swap3A_1225], %mul3A_1224 {strides = array<i32>} : memref<128xf32, #tpu.memory_space<vmem>>, vector<16xf32>,
      %mul3A_1227 = arith.mulf %sub3A_1215, %sub3A_1223 : vector<16xf32>
      %swap3A_1228 = arith.constant 0 : index
      %swap3A_1229 = tpu.vector_load %arg10[%swap3A_1228] {strides = array<i32>} : memref<128xf32, #tpu.memory_space<vmem>>, vector<16xf32>,
      tpu.vector_store %arg10[%swap3A_1228], %mul3A_1227 {strides = array<i32>} : memref<128xf32, #tpu.memory_space<vmem>>, vector<16xf32>,
      %mul3A_1230 = arith.mulf %sub3A_1220, %sub3A_1217 : vector<16xf32>
      %swap3A_1231 = arith.constant 0 : index
      %swap3A_1232 = tpu.vector_load %arg11[%swap3A_1231] {strides = array<i32>} : memref<128xf32, #tpu.memory_space<vmem>>, vector<16xf32>,
      tpu.vector_store %arg11[%swap3A_1231], %mul3A_1230 {strides = array<i32>} : memref<128xf32, #tpu.memory_space<vmem>>, vector<16xf32>,
      %mul3A_1233 = arith.mulf %sub3A_1215, %sub3A_1217 : vector<16xf32>
      %swap3A_1234 = arith.constant 0 : index
      %swap3A_1235 = tpu.vector_load %arg12[%swap3A_1234] {strides = array<i32>} : memref<128xf32, #tpu.memory_space<vmem>>, vector<16xf32>,
      tpu.vector_store %arg12[%swap3A_1234], %mul3A_1233 {strides = array<i32>} : memref<128xf32, #tpu.memory_space<vmem>>, vector<16xf32>,
      %mul3A_1236 = arith.constant 224 : i32
      %mul3A_1237 = vector.broadcast %mul3A_1236 : i32 to vector<16xi32>
      %mul3A_1238 = arith.muli %convert_element_type3A_1213, %mul3A_1237 : vector<16xi32>
      %add3A_1239 = vector.broadcast %mul3A_18 : i32 to vector<16xi32>
      %add3A_1240 = arith.addi %add3A_1239, %mul3A_1238 : vector<16xi32>
      %add3A_1241 = arith.addi %add3A_1240, %convert_element_type3A_1212 : vector<16xi32>
      %swap3A_1242 = arith.constant 0 : index
      %swap3A_1243 = tpu.vector_load %arg7[%swap3A_1242] {strides = array<i32>} : memref<128xi32, #tpu.memory_space<vmem>>, vector<16xi32>,
      tpu.vector_store %arg7[%swap3A_1242], %add3A_1241 {strides = array<i32>} : memref<128xi32, #tpu.memory_space<vmem>>, vector<16xi32>,
      %add3A_1244 = arith.constant 1 : i32
      %add3A_1245 = vector.broadcast %add3A_1244 : i32 to vector<16xi32>
      %add3A_1246 = arith.addi %add3A_1241, %add3A_1245 : vector<16xi32>
      %add3A_1247 = arith.constant 50176 : i32
      %add3A_1248 = arith.addi %mul3A_18, %add3A_1247 : i32
      %sub3A_1249 = arith.constant 1 : i32
      %sub3A_1250 = arith.subi %add3A_1248, %sub3A_1249 : i32
      %min3A_1251 = vector.broadcast %sub3A_1250 : i32 to vector<16xi32>
      %min3A_1252 = arith.minsi %add3A_1246, %min3A_1251 : vector<16xi32>
      %swap3A_1253 = arith.constant 0 : index
      %swap3A_1254 = tpu.vector_load %arg8[%swap3A_1253] {strides = array<i32>} : memref<128xi32, #tpu.memory_space<vmem>>, vector<16xi32>,
      tpu.vector_store %arg8[%swap3A_1253], %min3A_1252 {strides = array<i32>} : memref<128xi32, #tpu.memory_space<vmem>>, vector<16xi32>,
      %mul3A_1255 = arith.constant 128 : i32
      %mul3A_1256 = arith.muli %add3A_1197, %mul3A_1255 : i32
      %add3A_1257 = arith.constant 16 : i32
      %add3A_1258 = arith.addi %mul3A_1256, %add3A_1257 : i32
      %get3A_1259 = arith.index_cast %add3A_1258 : i32 to index
      %get3A_1260 = tpu.vector_load %arg5[%get3A_1259] {strides = array<i32>} : memref<6272xf32, #tpu.memory_space<vmem>>, vector<16xf32>,
      %mul3A_1261 = arith.constant 2.230000e+02 : f32
      %mul3A_1262 = vector.broadcast %mul3A_1261 : f32 to vector<16xf32>
      %mul3A_1263 = arith.mulf %get3A_1260, %mul3A_1262 : vector<16xf32>
      %get3A_1264 = arith.index_cast %add3A_1258 : i32 to index
      %get3A_1265 = tpu.vector_load %arg6[%get3A_1264] {strides = array<i32>} : memref<6272xf32, #tpu.memory_space<vmem>>, vector<16xf32>,
      %mul3A_1266 = arith.constant 2.230000e+02 : f32
      %mul3A_1267 = vector.broadcast %mul3A_1266 : f32 to vector<16xf32>
      %mul3A_1268 = arith.mulf %get3A_1265, %mul3A_1267 : vector<16xf32>
      %convert_element_type3A_1269 = arith.fptosi %mul3A_1263 : vector<16xf32> to vector<16xi32>
      %convert_element_type3A_1270 = arith.fptosi %mul3A_1268 : vector<16xf32> to vector<16xi32>
      %convert_element_type3A_1271 = arith.sitofp %convert_element_type3A_1269 : vector<16xi32> to vector<16xf32>
      %sub3A_1272 = arith.subf %mul3A_1263, %convert_element_type3A_1271 : vector<16xf32>
      %convert_element_type3A_1273 = arith.sitofp %convert_element_type3A_1270 : vector<16xi32> to vector<16xf32>
      %sub3A_1274 = arith.subf %mul3A_1268, %convert_element_type3A_1273 : vector<16xf32>
      %sub3A_1275 = arith.constant 1.000000e+00 : f32
      %sub3A_1276 = vector.broadcast %sub3A_1275 : f32 to vector<16xf32>
      %sub3A_1277 = arith.subf %sub3A_1276, %sub3A_1272 : vector<16xf32>
      %sub3A_1278 = arith.constant 1.000000e+00 : f32
      %sub3A_1279 = vector.broadcast %sub3A_1278 : f32 to vector<16xf32>
      %sub3A_1280 = arith.subf %sub3A_1279, %sub3A_1274 : vector<16xf32>
      %mul3A_1281 = arith.mulf %sub3A_1277, %sub3A_1280 : vector<16xf32>
      %swap3A_1282 = arith.constant 16 : index
      %swap3A_1283 = tpu.vector_load %arg9[%swap3A_1282] {strides = array<i32>} : memref<128xf32, #tpu.memory_space<vmem>>, vector<16xf32>,
      tpu.vector_store %arg9[%swap3A_1282], %mul3A_1281 {strides = array<i32>} : memref<128xf32, #tpu.memory_space<vmem>>, vector<16xf32>,
      %mul3A_1284 = arith.mulf %sub3A_1272, %sub3A_1280 : vector<16xf32>
      %swap3A_1285 = arith.constant 16 : index
      %swap3A_1286 = tpu.vector_load %arg10[%swap3A_1285] {strides = array<i32>} : memref<128xf32, #tpu.memory_space<vmem>>, vector<16xf32>,
      tpu.vector_store %arg10[%swap3A_1285], %mul3A_1284 {strides = array<i32>} : memref<128xf32, #tpu.memory_space<vmem>>, vector<16xf32>,
      %mul3A_1287 = arith.mulf %sub3A_1277, %sub3A_1274 : vector<16xf32>
      %swap3A_1288 = arith.constant 16 : index
      %swap3A_1289 = tpu.vector_load %arg11[%swap3A_1288] {strides = array<i32>} : memref<128xf32, #tpu.memory_space<vmem>>, vector<16xf32>,
      tpu.vector_store %arg11[%swap3A_1288], %mul3A_1287 {strides = array<i32>} : memref<128xf32, #tpu.memory_space<vmem>>, vector<16xf32>,
      %mul3A_1290 = arith.mulf %sub3A_1272, %sub3A_1274 : vector<16xf32>
      %swap3A_1291 = arith.constant 16 : index
      %swap3A_1292 = tpu.vector_load %arg12[%swap3A_1291] {strides = array<i32>} : memref<128xf32, #tpu.memory_space<vmem>>, vector<16xf32>,
      tpu.vector_store %arg12[%swap3A_1291], %mul3A_1290 {strides = array<i32>} : memref<128xf32, #tpu.memory_space<vmem>>, vector<16xf32>,
      %mul3A_1293 = arith.constant 224 : i32
      %mul3A_1294 = vector.broadcast %mul3A_1293 : i32 to vector<16xi32>
      %mul3A_1295 = arith.muli %convert_element_type3A_1270, %mul3A_1294 : vector<16xi32>
      %add3A_1296 = vector.broadcast %mul3A_18 : i32 to vector<16xi32>
      %add3A_1297 = arith.addi %add3A_1296, %mul3A_1295 : vector<16xi32>
      %add3A_1298 = arith.addi %add3A_1297, %convert_element_type3A_1269 : vector<16xi32>
      %swap3A_1299 = arith.constant 16 : index
      %swap3A_1300 = tpu.vector_load %arg7[%swap3A_1299] {strides = array<i32>} : memref<128xi32, #tpu.memory_space<vmem>>, vector<16xi32>,
      tpu.vector_store %arg7[%swap3A_1299], %add3A_1298 {strides = array<i32>} : memref<128xi32, #tpu.memory_space<vmem>>, vector<16xi32>,
      %add3A_1301 = arith.constant 1 : i32
      %add3A_1302 = vector.broadcast %add3A_1301 : i32 to vector<16xi32>
      %add3A_1303 = arith.addi %add3A_1298, %add3A_1302 : vector<16xi32>
      %add3A_1304 = arith.constant 50176 : i32
      %add3A_1305 = arith.addi %mul3A_18, %add3A_1304 : i32
      %sub3A_1306 = arith.constant 1 : i32
      %sub3A_1307 = arith.subi %add3A_1305, %sub3A_1306 : i32
      %min3A_1308 = vector.broadcast %sub3A_1307 : i32 to vector<16xi32>
      %min3A_1309 = arith.minsi %add3A_1303, %min3A_1308 : vector<16xi32>
      %swap3A_1310 = arith.constant 16 : index
      %swap3A_1311 = tpu.vector_load %arg8[%swap3A_1310] {strides = array<i32>} : memref<128xi32, #tpu.memory_space<vmem>>, vector<16xi32>,
      tpu.vector_store %arg8[%swap3A_1310], %min3A_1309 {strides = array<i32>} : memref<128xi32, #tpu.memory_space<vmem>>, vector<16xi32>,
      %mul3A_1312 = arith.constant 128 : i32
      %mul3A_1313 = arith.muli %add3A_1197, %mul3A_1312 : i32
      %add3A_1314 = arith.constant 32 : i32
      %add3A_1315 = arith.addi %mul3A_1313, %add3A_1314 : i32
      %get3A_1316 = arith.index_cast %add3A_1315 : i32 to index
      %get3A_1317 = tpu.vector_load %arg5[%get3A_1316] {strides = array<i32>} : memref<6272xf32, #tpu.memory_space<vmem>>, vector<16xf32>,
      %mul3A_1318 = arith.constant 2.230000e+02 : f32
      %mul3A_1319 = vector.broadcast %mul3A_1318 : f32 to vector<16xf32>
      %mul3A_1320 = arith.mulf %get3A_1317, %mul3A_1319 : vector<16xf32>
      %get3A_1321 = arith.index_cast %add3A_1315 : i32 to index
      %get3A_1322 = tpu.vector_load %arg6[%get3A_1321] {strides = array<i32>} : memref<6272xf32, #tpu.memory_space<vmem>>, vector<16xf32>,
      %mul3A_1323 = arith.constant 2.230000e+02 : f32
      %mul3A_1324 = vector.broadcast %mul3A_1323 : f32 to vector<16xf32>
      %mul3A_1325 = arith.mulf %get3A_1322, %mul3A_1324 : vector<16xf32>
      %convert_element_type3A_1326 = arith.fptosi %mul3A_1320 : vector<16xf32> to vector<16xi32>
      %convert_element_type3A_1327 = arith.fptosi %mul3A_1325 : vector<16xf32> to vector<16xi32>
      %convert_element_type3A_1328 = arith.sitofp %convert_element_type3A_1326 : vector<16xi32> to vector<16xf32>
      %sub3A_1329 = arith.subf %mul3A_1320, %convert_element_type3A_1328 : vector<16xf32>
      %convert_element_type3A_1330 = arith.sitofp %convert_element_type3A_1327 : vector<16xi32> to vector<16xf32>
      %sub3A_1331 = arith.subf %mul3A_1325, %convert_element_type3A_1330 : vector<16xf32>
      %sub3A_1332 = arith.constant 1.000000e+00 : f32
      %sub3A_1333 = vector.broadcast %sub3A_1332 : f32 to vector<16xf32>
      %sub3A_1334 = arith.subf %sub3A_1333, %sub3A_1329 : vector<16xf32>
      %sub3A_1335 = arith.constant 1.000000e+00 : f32
      %sub3A_1336 = vector.broadcast %sub3A_1335 : f32 to vector<16xf32>
      %sub3A_1337 = arith.subf %sub3A_1336, %sub3A_1331 : vector<16xf32>
      %mul3A_1338 = arith.mulf %sub3A_1334, %sub3A_1337 : vector<16xf32>
      %swap3A_1339 = arith.constant 32 : index
      %swap3A_1340 = tpu.vector_load %arg9[%swap3A_1339] {strides = array<i32>} : memref<128xf32, #tpu.memory_space<vmem>>, vector<16xf32>,
      tpu.vector_store %arg9[%swap3A_1339], %mul3A_1338 {strides = array<i32>} : memref<128xf32, #tpu.memory_space<vmem>>, vector<16xf32>,
      %mul3A_1341 = arith.mulf %sub3A_1329, %sub3A_1337 : vector<16xf32>
      %swap3A_1342 = arith.constant 32 : index
      %swap3A_1343 = tpu.vector_load %arg10[%swap3A_1342] {strides = array<i32>} : memref<128xf32, #tpu.memory_space<vmem>>, vector<16xf32>,
      tpu.vector_store %arg10[%swap3A_1342], %mul3A_1341 {strides = array<i32>} : memref<128xf32, #tpu.memory_space<vmem>>, vector<16xf32>,
      %mul3A_1344 = arith.mulf %sub3A_1334, %sub3A_1331 : vector<16xf32>
      %swap3A_1345 = arith.constant 32 : index
      %swap3A_1346 = tpu.vector_load %arg11[%swap3A_1345] {strides = array<i32>} : memref<128xf32, #tpu.memory_space<vmem>>, vector<16xf32>,
      tpu.vector_store %arg11[%swap3A_1345], %mul3A_1344 {strides = array<i32>} : memref<128xf32, #tpu.memory_space<vmem>>, vector<16xf32>,
      %mul3A_1347 = arith.mulf %sub3A_1329, %sub3A_1331 : vector<16xf32>
      %swap3A_1348 = arith.constant 32 : index
      %swap3A_1349 = tpu.vector_load %arg12[%swap3A_1348] {strides = array<i32>} : memref<128xf32, #tpu.memory_space<vmem>>, vector<16xf32>,
      tpu.vector_store %arg12[%swap3A_1348], %mul3A_1347 {strides = array<i32>} : memref<128xf32, #tpu.memory_space<vmem>>, vector<16xf32>,
      %mul3A_1350 = arith.constant 224 : i32
      %mul3A_1351 = vector.broadcast %mul3A_1350 : i32 to vector<16xi32>
      %mul3A_1352 = arith.muli %convert_element_type3A_1327, %mul3A_1351 : vector<16xi32>
      %add3A_1353 = vector.broadcast %mul3A_18 : i32 to vector<16xi32>
      %add3A_1354 = arith.addi %add3A_1353, %mul3A_1352 : vector<16xi32>
      %add3A_1355 = arith.addi %add3A_1354, %convert_element_type3A_1326 : vector<16xi32>
      %swap3A_1356 = arith.constant 32 : index
      %swap3A_1357 = tpu.vector_load %arg7[%swap3A_1356] {strides = array<i32>} : memref<128xi32, #tpu.memory_space<vmem>>, vector<16xi32>,
      tpu.vector_store %arg7[%swap3A_1356], %add3A_1355 {strides = array<i32>} : memref<128xi32, #tpu.memory_space<vmem>>, vector<16xi32>,
      %add3A_1358 = arith.constant 1 : i32
      %add3A_1359 = vector.broadcast %add3A_1358 : i32 to vector<16xi32>
      %add3A_1360 = arith.addi %add3A_1355, %add3A_1359 : vector<16xi32>
      %add3A_1361 = arith.constant 50176 : i32
      %add3A_1362 = arith.addi %mul3A_18, %add3A_1361 : i32
      %sub3A_1363 = arith.constant 1 : i32
      %sub3A_1364 = arith.subi %add3A_1362, %sub3A_1363 : i32
      %min3A_1365 = vector.broadcast %sub3A_1364 : i32 to vector<16xi32>
      %min3A_1366 = arith.minsi %add3A_1360, %min3A_1365 : vector<16xi32>
      %swap3A_1367 = arith.constant 32 : index
      %swap3A_1368 = tpu.vector_load %arg8[%swap3A_1367] {strides = array<i32>} : memref<128xi32, #tpu.memory_space<vmem>>, vector<16xi32>,
      tpu.vector_store %arg8[%swap3A_1367], %min3A_1366 {strides = array<i32>} : memref<128xi32, #tpu.memory_space<vmem>>, vector<16xi32>,
      %mul3A_1369 = arith.constant 128 : i32
      %mul3A_1370 = arith.muli %add3A_1197, %mul3A_1369 : i32
      %add3A_1371 = arith.constant 48 : i32
      %add3A_1372 = arith.addi %mul3A_1370, %add3A_1371 : i32
      %get3A_1373 = arith.index_cast %add3A_1372 : i32 to index
      %get3A_1374 = tpu.vector_load %arg5[%get3A_1373] {strides = array<i32>} : memref<6272xf32, #tpu.memory_space<vmem>>, vector<16xf32>,
      %mul3A_1375 = arith.constant 2.230000e+02 : f32
      %mul3A_1376 = vector.broadcast %mul3A_1375 : f32 to vector<16xf32>
      %mul3A_1377 = arith.mulf %get3A_1374, %mul3A_1376 : vector<16xf32>
      %get3A_1378 = arith.index_cast %add3A_1372 : i32 to index
      %get3A_1379 = tpu.vector_load %arg6[%get3A_1378] {strides = array<i32>} : memref<6272xf32, #tpu.memory_space<vmem>>, vector<16xf32>,
      %mul3A_1380 = arith.constant 2.230000e+02 : f32
      %mul3A_1381 = vector.broadcast %mul3A_1380 : f32 to vector<16xf32>
      %mul3A_1382 = arith.mulf %get3A_1379, %mul3A_1381 : vector<16xf32>
      %convert_element_type3A_1383 = arith.fptosi %mul3A_1377 : vector<16xf32> to vector<16xi32>
      %convert_element_type3A_1384 = arith.fptosi %mul3A_1382 : vector<16xf32> to vector<16xi32>
      %convert_element_type3A_1385 = arith.sitofp %convert_element_type3A_1383 : vector<16xi32> to vector<16xf32>
      %sub3A_1386 = arith.subf %mul3A_1377, %convert_element_type3A_1385 : vector<16xf32>
      %convert_element_type3A_1387 = arith.sitofp %convert_element_type3A_1384 : vector<16xi32> to vector<16xf32>
      %sub3A_1388 = arith.subf %mul3A_1382, %convert_element_type3A_1387 : vector<16xf32>
      %sub3A_1389 = arith.constant 1.000000e+00 : f32
      %sub3A_1390 = vector.broadcast %sub3A_1389 : f32 to vector<16xf32>
      %sub3A_1391 = arith.subf %sub3A_1390, %sub3A_1386 : vector<16xf32>
      %sub3A_1392 = arith.constant 1.000000e+00 : f32
      %sub3A_1393 = vector.broadcast %sub3A_1392 : f32 to vector<16xf32>
      %sub3A_1394 = arith.subf %sub3A_1393, %sub3A_1388 : vector<16xf32>
      %mul3A_1395 = arith.mulf %sub3A_1391, %sub3A_1394 : vector<16xf32>
      %swap3A_1396 = arith.constant 48 : index
      %swap3A_1397 = tpu.vector_load %arg9[%swap3A_1396] {strides = array<i32>} : memref<128xf32, #tpu.memory_space<vmem>>, vector<16xf32>,
      tpu.vector_store %arg9[%swap3A_1396], %mul3A_1395 {strides = array<i32>} : memref<128xf32, #tpu.memory_space<vmem>>, vector<16xf32>,
      %mul3A_1398 = arith.mulf %sub3A_1386, %sub3A_1394 : vector<16xf32>
      %swap3A_1399 = arith.constant 48 : index
      %swap3A_1400 = tpu.vector_load %arg10[%swap3A_1399] {strides = array<i32>} : memref<128xf32, #tpu.memory_space<vmem>>, vector<16xf32>,
      tpu.vector_store %arg10[%swap3A_1399], %mul3A_1398 {strides = array<i32>} : memref<128xf32, #tpu.memory_space<vmem>>, vector<16xf32>,
      %mul3A_1401 = arith.mulf %sub3A_1391, %sub3A_1388 : vector<16xf32>
      %swap3A_1402 = arith.constant 48 : index
      %swap3A_1403 = tpu.vector_load %arg11[%swap3A_1402] {strides = array<i32>} : memref<128xf32, #tpu.memory_space<vmem>>, vector<16xf32>,
      tpu.vector_store %arg11[%swap3A_1402], %mul3A_1401 {strides = array<i32>} : memref<128xf32, #tpu.memory_space<vmem>>, vector<16xf32>,
      %mul3A_1404 = arith.mulf %sub3A_1386, %sub3A_1388 : vector<16xf32>
      %swap3A_1405 = arith.constant 48 : index
      %swap3A_1406 = tpu.vector_load %arg12[%swap3A_1405] {strides = array<i32>} : memref<128xf32, #tpu.memory_space<vmem>>, vector<16xf32>,
      tpu.vector_store %arg12[%swap3A_1405], %mul3A_1404 {strides = array<i32>} : memref<128xf32, #tpu.memory_space<vmem>>, vector<16xf32>,
      %mul3A_1407 = arith.constant 224 : i32
      %mul3A_1408 = vector.broadcast %mul3A_1407 : i32 to vector<16xi32>
      %mul3A_1409 = arith.muli %convert_element_type3A_1384, %mul3A_1408 : vector<16xi32>
      %add3A_1410 = vector.broadcast %mul3A_18 : i32 to vector<16xi32>
      %add3A_1411 = arith.addi %add3A_1410, %mul3A_1409 : vector<16xi32>
      %add3A_1412 = arith.addi %add3A_1411, %convert_element_type3A_1383 : vector<16xi32>
      %swap3A_1413 = arith.constant 48 : index
      %swap3A_1414 = tpu.vector_load %arg7[%swap3A_1413] {strides = array<i32>} : memref<128xi32, #tpu.memory_space<vmem>>, vector<16xi32>,
      tpu.vector_store %arg7[%swap3A_1413], %add3A_1412 {strides = array<i32>} : memref<128xi32, #tpu.memory_space<vmem>>, vector<16xi32>,
      %add3A_1415 = arith.constant 1 : i32
      %add3A_1416 = vector.broadcast %add3A_1415 : i32 to vector<16xi32>
      %add3A_1417 = arith.addi %add3A_1412, %add3A_1416 : vector<16xi32>
      %add3A_1418 = arith.constant 50176 : i32
      %add3A_1419 = arith.addi %mul3A_18, %add3A_1418 : i32
      %sub3A_1420 = arith.constant 1 : i32
      %sub3A_1421 = arith.subi %add3A_1419, %sub3A_1420 : i32
      %min3A_1422 = vector.broadcast %sub3A_1421 : i32 to vector<16xi32>
      %min3A_1423 = arith.minsi %add3A_1417, %min3A_1422 : vector<16xi32>
      %swap3A_1424 = arith.constant 48 : index
      %swap3A_1425 = tpu.vector_load %arg8[%swap3A_1424] {strides = array<i32>} : memref<128xi32, #tpu.memory_space<vmem>>, vector<16xi32>,
      tpu.vector_store %arg8[%swap3A_1424], %min3A_1423 {strides = array<i32>} : memref<128xi32, #tpu.memory_space<vmem>>, vector<16xi32>,
      %mul3A_1426 = arith.constant 128 : i32
      %mul3A_1427 = arith.muli %add3A_1197, %mul3A_1426 : i32
      %add3A_1428 = arith.constant 64 : i32
      %add3A_1429 = arith.addi %mul3A_1427, %add3A_1428 : i32
      %get3A_1430 = arith.index_cast %add3A_1429 : i32 to index
      %get3A_1431 = tpu.vector_load %arg5[%get3A_1430] {strides = array<i32>} : memref<6272xf32, #tpu.memory_space<vmem>>, vector<16xf32>,
      %mul3A_1432 = arith.constant 2.230000e+02 : f32
      %mul3A_1433 = vector.broadcast %mul3A_1432 : f32 to vector<16xf32>
      %mul3A_1434 = arith.mulf %get3A_1431, %mul3A_1433 : vector<16xf32>
      %get3A_1435 = arith.index_cast %add3A_1429 : i32 to index
      %get3A_1436 = tpu.vector_load %arg6[%get3A_1435] {strides = array<i32>} : memref<6272xf32, #tpu.memory_space<vmem>>, vector<16xf32>,
      %mul3A_1437 = arith.constant 2.230000e+02 : f32
      %mul3A_1438 = vector.broadcast %mul3A_1437 : f32 to vector<16xf32>
      %mul3A_1439 = arith.mulf %get3A_1436, %mul3A_1438 : vector<16xf32>
      %convert_element_type3A_1440 = arith.fptosi %mul3A_1434 : vector<16xf32> to vector<16xi32>
      %convert_element_type3A_1441 = arith.fptosi %mul3A_1439 : vector<16xf32> to vector<16xi32>
      %convert_element_type3A_1442 = arith.sitofp %convert_element_type3A_1440 : vector<16xi32> to vector<16xf32>
      %sub3A_1443 = arith.subf %mul3A_1434, %convert_element_type3A_1442 : vector<16xf32>
      %convert_element_type3A_1444 = arith.sitofp %convert_element_type3A_1441 : vector<16xi32> to vector<16xf32>
      %sub3A_1445 = arith.subf %mul3A_1439, %convert_element_type3A_1444 : vector<16xf32>
      %sub3A_1446 = arith.constant 1.000000e+00 : f32
      %sub3A_1447 = vector.broadcast %sub3A_1446 : f32 to vector<16xf32>
      %sub3A_1448 = arith.subf %sub3A_1447, %sub3A_1443 : vector<16xf32>
      %sub3A_1449 = arith.constant 1.000000e+00 : f32
      %sub3A_1450 = vector.broadcast %sub3A_1449 : f32 to vector<16xf32>
      %sub3A_1451 = arith.subf %sub3A_1450, %sub3A_1445 : vector<16xf32>
      %mul3A_1452 = arith.mulf %sub3A_1448, %sub3A_1451 : vector<16xf32>
      %swap3A_1453 = arith.constant 64 : index
      %swap3A_1454 = tpu.vector_load %arg9[%swap3A_1453] {strides = array<i32>} : memref<128xf32, #tpu.memory_space<vmem>>, vector<16xf32>,
      tpu.vector_store %arg9[%swap3A_1453], %mul3A_1452 {strides = array<i32>} : memref<128xf32, #tpu.memory_space<vmem>>, vector<16xf32>,
      %mul3A_1455 = arith.mulf %sub3A_1443, %sub3A_1451 : vector<16xf32>
      %swap3A_1456 = arith.constant 64 : index
      %swap3A_1457 = tpu.vector_load %arg10[%swap3A_1456] {strides = array<i32>} : memref<128xf32, #tpu.memory_space<vmem>>, vector<16xf32>,
      tpu.vector_store %arg10[%swap3A_1456], %mul3A_1455 {strides = array<i32>} : memref<128xf32, #tpu.memory_space<vmem>>, vector<16xf32>,
      %mul3A_1458 = arith.mulf %sub3A_1448, %sub3A_1445 : vector<16xf32>
      %swap3A_1459 = arith.constant 64 : index
      %swap3A_1460 = tpu.vector_load %arg11[%swap3A_1459] {strides = array<i32>} : memref<128xf32, #tpu.memory_space<vmem>>, vector<16xf32>,
      tpu.vector_store %arg11[%swap3A_1459], %mul3A_1458 {strides = array<i32>} : memref<128xf32, #tpu.memory_space<vmem>>, vector<16xf32>,
      %mul3A_1461 = arith.mulf %sub3A_1443, %sub3A_1445 : vector<16xf32>
      %swap3A_1462 = arith.constant 64 : index
      %swap3A_1463 = tpu.vector_load %arg12[%swap3A_1462] {strides = array<i32>} : memref<128xf32, #tpu.memory_space<vmem>>, vector<16xf32>,
      tpu.vector_store %arg12[%swap3A_1462], %mul3A_1461 {strides = array<i32>} : memref<128xf32, #tpu.memory_space<vmem>>, vector<16xf32>,
      %mul3A_1464 = arith.constant 224 : i32
      %mul3A_1465 = vector.broadcast %mul3A_1464 : i32 to vector<16xi32>
      %mul3A_1466 = arith.muli %convert_element_type3A_1441, %mul3A_1465 : vector<16xi32>
      %add3A_1467 = vector.broadcast %mul3A_18 : i32 to vector<16xi32>
      %add3A_1468 = arith.addi %add3A_1467, %mul3A_1466 : vector<16xi32>
      %add3A_1469 = arith.addi %add3A_1468, %convert_element_type3A_1440 : vector<16xi32>
      %swap3A_1470 = arith.constant 64 : index
      %swap3A_1471 = tpu.vector_load %arg7[%swap3A_1470] {strides = array<i32>} : memref<128xi32, #tpu.memory_space<vmem>>, vector<16xi32>,
      tpu.vector_store %arg7[%swap3A_1470], %add3A_1469 {strides = array<i32>} : memref<128xi32, #tpu.memory_space<vmem>>, vector<16xi32>,
      %add3A_1472 = arith.constant 1 : i32
      %add3A_1473 = vector.broadcast %add3A_1472 : i32 to vector<16xi32>
      %add3A_1474 = arith.addi %add3A_1469, %add3A_1473 : vector<16xi32>
      %add3A_1475 = arith.constant 50176 : i32
      %add3A_1476 = arith.addi %mul3A_18, %add3A_1475 : i32
      %sub3A_1477 = arith.constant 1 : i32
      %sub3A_1478 = arith.subi %add3A_1476, %sub3A_1477 : i32
      %min3A_1479 = vector.broadcast %sub3A_1478 : i32 to vector<16xi32>
      %min3A_1480 = arith.minsi %add3A_1474, %min3A_1479 : vector<16xi32>
      %swap3A_1481 = arith.constant 64 : index
      %swap3A_1482 = tpu.vector_load %arg8[%swap3A_1481] {strides = array<i32>} : memref<128xi32, #tpu.memory_space<vmem>>, vector<16xi32>,
      tpu.vector_store %arg8[%swap3A_1481], %min3A_1480 {strides = array<i32>} : memref<128xi32, #tpu.memory_space<vmem>>, vector<16xi32>,
      %mul3A_1483 = arith.constant 128 : i32
      %mul3A_1484 = arith.muli %add3A_1197, %mul3A_1483 : i32
      %add3A_1485 = arith.constant 80 : i32
      %add3A_1486 = arith.addi %mul3A_1484, %add3A_1485 : i32
      %get3A_1487 = arith.index_cast %add3A_1486 : i32 to index
      %get3A_1488 = tpu.vector_load %arg5[%get3A_1487] {strides = array<i32>} : memref<6272xf32, #tpu.memory_space<vmem>>, vector<16xf32>,
      %mul3A_1489 = arith.constant 2.230000e+02 : f32
      %mul3A_1490 = vector.broadcast %mul3A_1489 : f32 to vector<16xf32>
      %mul3A_1491 = arith.mulf %get3A_1488, %mul3A_1490 : vector<16xf32>
      %get3A_1492 = arith.index_cast %add3A_1486 : i32 to index
      %get3A_1493 = tpu.vector_load %arg6[%get3A_1492] {strides = array<i32>} : memref<6272xf32, #tpu.memory_space<vmem>>, vector<16xf32>,
      %mul3A_1494 = arith.constant 2.230000e+02 : f32
      %mul3A_1495 = vector.broadcast %mul3A_1494 : f32 to vector<16xf32>
      %mul3A_1496 = arith.mulf %get3A_1493, %mul3A_1495 : vector<16xf32>
      %convert_element_type3A_1497 = arith.fptosi %mul3A_1491 : vector<16xf32> to vector<16xi32>
      %convert_element_type3A_1498 = arith.fptosi %mul3A_1496 : vector<16xf32> to vector<16xi32>
      %convert_element_type3A_1499 = arith.sitofp %convert_element_type3A_1497 : vector<16xi32> to vector<16xf32>
      %sub3A_1500 = arith.subf %mul3A_1491, %convert_element_type3A_1499 : vector<16xf32>
      %convert_element_type3A_1501 = arith.sitofp %convert_element_type3A_1498 : vector<16xi32> to vector<16xf32>
      %sub3A_1502 = arith.subf %mul3A_1496, %convert_element_type3A_1501 : vector<16xf32>
      %sub3A_1503 = arith.constant 1.000000e+00 : f32
      %sub3A_1504 = vector.broadcast %sub3A_1503 : f32 to vector<16xf32>
      %sub3A_1505 = arith.subf %sub3A_1504, %sub3A_1500 : vector<16xf32>
      %sub3A_1506 = arith.constant 1.000000e+00 : f32
      %sub3A_1507 = vector.broadcast %sub3A_1506 : f32 to vector<16xf32>
      %sub3A_1508 = arith.subf %sub3A_1507, %sub3A_1502 : vector<16xf32>
      %mul3A_1509 = arith.mulf %sub3A_1505, %sub3A_1508 : vector<16xf32>
      %swap3A_1510 = arith.constant 80 : index
      %swap3A_1511 = tpu.vector_load %arg9[%swap3A_1510] {strides = array<i32>} : memref<128xf32, #tpu.memory_space<vmem>>, vector<16xf32>,
      tpu.vector_store %arg9[%swap3A_1510], %mul3A_1509 {strides = array<i32>} : memref<128xf32, #tpu.memory_space<vmem>>, vector<16xf32>,
      %mul3A_1512 = arith.mulf %sub3A_1500, %sub3A_1508 : vector<16xf32>
      %swap3A_1513 = arith.constant 80 : index
      %swap3A_1514 = tpu.vector_load %arg10[%swap3A_1513] {strides = array<i32>} : memref<128xf32, #tpu.memory_space<vmem>>, vector<16xf32>,
      tpu.vector_store %arg10[%swap3A_1513], %mul3A_1512 {strides = array<i32>} : memref<128xf32, #tpu.memory_space<vmem>>, vector<16xf32>,
      %mul3A_1515 = arith.mulf %sub3A_1505, %sub3A_1502 : vector<16xf32>
      %swap3A_1516 = arith.constant 80 : index
      %swap3A_1517 = tpu.vector_load %arg11[%swap3A_1516] {strides = array<i32>} : memref<128xf32, #tpu.memory_space<vmem>>, vector<16xf32>,
      tpu.vector_store %arg11[%swap3A_1516], %mul3A_1515 {strides = array<i32>} : memref<128xf32, #tpu.memory_space<vmem>>, vector<16xf32>,
      %mul3A_1518 = arith.mulf %sub3A_1500, %sub3A_1502 : vector<16xf32>
      %swap3A_1519 = arith.constant 80 : index
      %swap3A_1520 = tpu.vector_load %arg12[%swap3A_1519] {strides = array<i32>} : memref<128xf32, #tpu.memory_space<vmem>>, vector<16xf32>,
      tpu.vector_store %arg12[%swap3A_1519], %mul3A_1518 {strides = array<i32>} : memref<128xf32, #tpu.memory_space<vmem>>, vector<16xf32>,
      %mul3A_1521 = arith.constant 224 : i32
      %mul3A_1522 = vector.broadcast %mul3A_1521 : i32 to vector<16xi32>
      %mul3A_1523 = arith.muli %convert_element_type3A_1498, %mul3A_1522 : vector<16xi32>
      %add3A_1524 = vector.broadcast %mul3A_18 : i32 to vector<16xi32>
      %add3A_1525 = arith.addi %add3A_1524, %mul3A_1523 : vector<16xi32>
      %add3A_1526 = arith.addi %add3A_1525, %convert_element_type3A_1497 : vector<16xi32>
      %swap3A_1527 = arith.constant 80 : index
      %swap3A_1528 = tpu.vector_load %arg7[%swap3A_1527] {strides = array<i32>} : memref<128xi32, #tpu.memory_space<vmem>>, vector<16xi32>,
      tpu.vector_store %arg7[%swap3A_1527], %add3A_1526 {strides = array<i32>} : memref<128xi32, #tpu.memory_space<vmem>>, vector<16xi32>,
      %add3A_1529 = arith.constant 1 : i32
      %add3A_1530 = vector.broadcast %add3A_1529 : i32 to vector<16xi32>
      %add3A_1531 = arith.addi %add3A_1526, %add3A_1530 : vector<16xi32>
      %add3A_1532 = arith.constant 50176 : i32
      %add3A_1533 = arith.addi %mul3A_18, %add3A_1532 : i32
      %sub3A_1534 = arith.constant 1 : i32
      %sub3A_1535 = arith.subi %add3A_1533, %sub3A_1534 : i32
      %min3A_1536 = vector.broadcast %sub3A_1535 : i32 to vector<16xi32>
      %min3A_1537 = arith.minsi %add3A_1531, %min3A_1536 : vector<16xi32>
      %swap3A_1538 = arith.constant 80 : index
      %swap3A_1539 = tpu.vector_load %arg8[%swap3A_1538] {strides = array<i32>} : memref<128xi32, #tpu.memory_space<vmem>>, vector<16xi32>,
      tpu.vector_store %arg8[%swap3A_1538], %min3A_1537 {strides = array<i32>} : memref<128xi32, #tpu.memory_space<vmem>>, vector<16xi32>,
      %mul3A_1540 = arith.constant 128 : i32
      %mul3A_1541 = arith.muli %add3A_1197, %mul3A_1540 : i32
      %add3A_1542 = arith.constant 96 : i32
      %add3A_1543 = arith.addi %mul3A_1541, %add3A_1542 : i32
      %get3A_1544 = arith.index_cast %add3A_1543 : i32 to index
      %get3A_1545 = tpu.vector_load %arg5[%get3A_1544] {strides = array<i32>} : memref<6272xf32, #tpu.memory_space<vmem>>, vector<16xf32>,
      %mul3A_1546 = arith.constant 2.230000e+02 : f32
      %mul3A_1547 = vector.broadcast %mul3A_1546 : f32 to vector<16xf32>
      %mul3A_1548 = arith.mulf %get3A_1545, %mul3A_1547 : vector<16xf32>
      %get3A_1549 = arith.index_cast %add3A_1543 : i32 to index
      %get3A_1550 = tpu.vector_load %arg6[%get3A_1549] {strides = array<i32>} : memref<6272xf32, #tpu.memory_space<vmem>>, vector<16xf32>,
      %mul3A_1551 = arith.constant 2.230000e+02 : f32
      %mul3A_1552 = vector.broadcast %mul3A_1551 : f32 to vector<16xf32>
      %mul3A_1553 = arith.mulf %get3A_1550, %mul3A_1552 : vector<16xf32>
      %convert_element_type3A_1554 = arith.fptosi %mul3A_1548 : vector<16xf32> to vector<16xi32>
      %convert_element_type3A_1555 = arith.fptosi %mul3A_1553 : vector<16xf32> to vector<16xi32>
      %convert_element_type3A_1556 = arith.sitofp %convert_element_type3A_1554 : vector<16xi32> to vector<16xf32>
      %sub3A_1557 = arith.subf %mul3A_1548, %convert_element_type3A_1556 : vector<16xf32>
      %convert_element_type3A_1558 = arith.sitofp %convert_element_type3A_1555 : vector<16xi32> to vector<16xf32>
      %sub3A_1559 = arith.subf %mul3A_1553, %convert_element_type3A_1558 : vector<16xf32>
      %sub3A_1560 = arith.constant 1.000000e+00 : f32
      %sub3A_1561 = vector.broadcast %sub3A_1560 : f32 to vector<16xf32>
      %sub3A_1562 = arith.subf %sub3A_1561, %sub3A_1557 : vector<16xf32>
      %sub3A_1563 = arith.constant 1.000000e+00 : f32
      %sub3A_1564 = vector.broadcast %sub3A_1563 : f32 to vector<16xf32>
      %sub3A_1565 = arith.subf %sub3A_1564, %sub3A_1559 : vector<16xf32>
      %mul3A_1566 = arith.mulf %sub3A_1562, %sub3A_1565 : vector<16xf32>
      %swap3A_1567 = arith.constant 96 : index
      %swap3A_1568 = tpu.vector_load %arg9[%swap3A_1567] {strides = array<i32>} : memref<128xf32, #tpu.memory_space<vmem>>, vector<16xf32>,
      tpu.vector_store %arg9[%swap3A_1567], %mul3A_1566 {strides = array<i32>} : memref<128xf32, #tpu.memory_space<vmem>>, vector<16xf32>,
      %mul3A_1569 = arith.mulf %sub3A_1557, %sub3A_1565 : vector<16xf32>
      %swap3A_1570 = arith.constant 96 : index
      %swap3A_1571 = tpu.vector_load %arg10[%swap3A_1570] {strides = array<i32>} : memref<128xf32, #tpu.memory_space<vmem>>, vector<16xf32>,
      tpu.vector_store %arg10[%swap3A_1570], %mul3A_1569 {strides = array<i32>} : memref<128xf32, #tpu.memory_space<vmem>>, vector<16xf32>,
      %mul3A_1572 = arith.mulf %sub3A_1562, %sub3A_1559 : vector<16xf32>
      %swap3A_1573 = arith.constant 96 : index
      %swap3A_1574 = tpu.vector_load %arg11[%swap3A_1573] {strides = array<i32>} : memref<128xf32, #tpu.memory_space<vmem>>, vector<16xf32>,
      tpu.vector_store %arg11[%swap3A_1573], %mul3A_1572 {strides = array<i32>} : memref<128xf32, #tpu.memory_space<vmem>>, vector<16xf32>,
      %mul3A_1575 = arith.mulf %sub3A_1557, %sub3A_1559 : vector<16xf32>
      %swap3A_1576 = arith.constant 96 : index
      %swap3A_1577 = tpu.vector_load %arg12[%swap3A_1576] {strides = array<i32>} : memref<128xf32, #tpu.memory_space<vmem>>, vector<16xf32>,
      tpu.vector_store %arg12[%swap3A_1576], %mul3A_1575 {strides = array<i32>} : memref<128xf32, #tpu.memory_space<vmem>>, vector<16xf32>,
      %mul3A_1578 = arith.constant 224 : i32
      %mul3A_1579 = vector.broadcast %mul3A_1578 : i32 to vector<16xi32>
      %mul3A_1580 = arith.muli %convert_element_type3A_1555, %mul3A_1579 : vector<16xi32>
      %add3A_1581 = vector.broadcast %mul3A_18 : i32 to vector<16xi32>
      %add3A_1582 = arith.addi %add3A_1581, %mul3A_1580 : vector<16xi32>
      %add3A_1583 = arith.addi %add3A_1582, %convert_element_type3A_1554 : vector<16xi32>
      %swap3A_1584 = arith.constant 96 : index
      %swap3A_1585 = tpu.vector_load %arg7[%swap3A_1584] {strides = array<i32>} : memref<128xi32, #tpu.memory_space<vmem>>, vector<16xi32>,
      tpu.vector_store %arg7[%swap3A_1584], %add3A_1583 {strides = array<i32>} : memref<128xi32, #tpu.memory_space<vmem>>, vector<16xi32>,
      %add3A_1586 = arith.constant 1 : i32
      %add3A_1587 = vector.broadcast %add3A_1586 : i32 to vector<16xi32>
      %add3A_1588 = arith.addi %add3A_1583, %add3A_1587 : vector<16xi32>
      %add3A_1589 = arith.constant 50176 : i32
      %add3A_1590 = arith.addi %mul3A_18, %add3A_1589 : i32
      %sub3A_1591 = arith.constant 1 : i32
      %sub3A_1592 = arith.subi %add3A_1590, %sub3A_1591 : i32
      %min3A_1593 = vector.broadcast %sub3A_1592 : i32 to vector<16xi32>
      %min3A_1594 = arith.minsi %add3A_1588, %min3A_1593 : vector<16xi32>
      %swap3A_1595 = arith.constant 96 : index
      %swap3A_1596 = tpu.vector_load %arg8[%swap3A_1595] {strides = array<i32>} : memref<128xi32, #tpu.memory_space<vmem>>, vector<16xi32>,
      tpu.vector_store %arg8[%swap3A_1595], %min3A_1594 {strides = array<i32>} : memref<128xi32, #tpu.memory_space<vmem>>, vector<16xi32>,
      %mul3A_1597 = arith.constant 128 : i32
      %mul3A_1598 = arith.muli %add3A_1197, %mul3A_1597 : i32
      %add3A_1599 = arith.constant 112 : i32
      %add3A_1600 = arith.addi %mul3A_1598, %add3A_1599 : i32
      %get3A_1601 = arith.index_cast %add3A_1600 : i32 to index
      %get3A_1602 = tpu.vector_load %arg5[%get3A_1601] {strides = array<i32>} : memref<6272xf32, #tpu.memory_space<vmem>>, vector<16xf32>,
      %mul3A_1603 = arith.constant 2.230000e+02 : f32
      %mul3A_1604 = vector.broadcast %mul3A_1603 : f32 to vector<16xf32>
      %mul3A_1605 = arith.mulf %get3A_1602, %mul3A_1604 : vector<16xf32>
      %get3A_1606 = arith.index_cast %add3A_1600 : i32 to index
      %get3A_1607 = tpu.vector_load %arg6[%get3A_1606] {strides = array<i32>} : memref<6272xf32, #tpu.memory_space<vmem>>, vector<16xf32>,
      %mul3A_1608 = arith.constant 2.230000e+02 : f32
      %mul3A_1609 = vector.broadcast %mul3A_1608 : f32 to vector<16xf32>
      %mul3A_1610 = arith.mulf %get3A_1607, %mul3A_1609 : vector<16xf32>
      %convert_element_type3A_1611 = arith.fptosi %mul3A_1605 : vector<16xf32> to vector<16xi32>
      %convert_element_type3A_1612 = arith.fptosi %mul3A_1610 : vector<16xf32> to vector<16xi32>
      %convert_element_type3A_1613 = arith.sitofp %convert_element_type3A_1611 : vector<16xi32> to vector<16xf32>
      %sub3A_1614 = arith.subf %mul3A_1605, %convert_element_type3A_1613 : vector<16xf32>
      %convert_element_type3A_1615 = arith.sitofp %convert_element_type3A_1612 : vector<16xi32> to vector<16xf32>
      %sub3A_1616 = arith.subf %mul3A_1610, %convert_element_type3A_1615 : vector<16xf32>
      %sub3A_1617 = arith.constant 1.000000e+00 : f32
      %sub3A_1618 = vector.broadcast %sub3A_1617 : f32 to vector<16xf32>
      %sub3A_1619 = arith.subf %sub3A_1618, %sub3A_1614 : vector<16xf32>
      %sub3A_1620 = arith.constant 1.000000e+00 : f32
      %sub3A_1621 = vector.broadcast %sub3A_1620 : f32 to vector<16xf32>
      %sub3A_1622 = arith.subf %sub3A_1621, %sub3A_1616 : vector<16xf32>
      %mul3A_1623 = arith.mulf %sub3A_1619, %sub3A_1622 : vector<16xf32>
      %swap3A_1624 = arith.constant 112 : index
      %swap3A_1625 = tpu.vector_load %arg9[%swap3A_1624] {strides = array<i32>} : memref<128xf32, #tpu.memory_space<vmem>>, vector<16xf32>,
      tpu.vector_store %arg9[%swap3A_1624], %mul3A_1623 {strides = array<i32>} : memref<128xf32, #tpu.memory_space<vmem>>, vector<16xf32>,
      %mul3A_1626 = arith.mulf %sub3A_1614, %sub3A_1622 : vector<16xf32>
      %swap3A_1627 = arith.constant 112 : index
      %swap3A_1628 = tpu.vector_load %arg10[%swap3A_1627] {strides = array<i32>} : memref<128xf32, #tpu.memory_space<vmem>>, vector<16xf32>,
      tpu.vector_store %arg10[%swap3A_1627], %mul3A_1626 {strides = array<i32>} : memref<128xf32, #tpu.memory_space<vmem>>, vector<16xf32>,
      %mul3A_1629 = arith.mulf %sub3A_1619, %sub3A_1616 : vector<16xf32>
      %swap3A_1630 = arith.constant 112 : index
      %swap3A_1631 = tpu.vector_load %arg11[%swap3A_1630] {strides = array<i32>} : memref<128xf32, #tpu.memory_space<vmem>>, vector<16xf32>,
      tpu.vector_store %arg11[%swap3A_1630], %mul3A_1629 {strides = array<i32>} : memref<128xf32, #tpu.memory_space<vmem>>, vector<16xf32>,
      %mul3A_1632 = arith.mulf %sub3A_1614, %sub3A_1616 : vector<16xf32>
      %swap3A_1633 = arith.constant 112 : index
      %swap3A_1634 = tpu.vector_load %arg12[%swap3A_1633] {strides = array<i32>} : memref<128xf32, #tpu.memory_space<vmem>>, vector<16xf32>,
      tpu.vector_store %arg12[%swap3A_1633], %mul3A_1632 {strides = array<i32>} : memref<128xf32, #tpu.memory_space<vmem>>, vector<16xf32>,
      %mul3A_1635 = arith.constant 224 : i32
      %mul3A_1636 = vector.broadcast %mul3A_1635 : i32 to vector<16xi32>
      %mul3A_1637 = arith.muli %convert_element_type3A_1612, %mul3A_1636 : vector<16xi32>
      %add3A_1638 = vector.broadcast %mul3A_18 : i32 to vector<16xi32>
      %add3A_1639 = arith.addi %add3A_1638, %mul3A_1637 : vector<16xi32>
      %add3A_1640 = arith.addi %add3A_1639, %convert_element_type3A_1611 : vector<16xi32>
      %swap3A_1641 = arith.constant 112 : index
      %swap3A_1642 = tpu.vector_load %arg7[%swap3A_1641] {strides = array<i32>} : memref<128xi32, #tpu.memory_space<vmem>>, vector<16xi32>,
      tpu.vector_store %arg7[%swap3A_1641], %add3A_1640 {strides = array<i32>} : memref<128xi32, #tpu.memory_space<vmem>>, vector<16xi32>,
      %add3A_1643 = arith.constant 1 : i32
      %add3A_1644 = vector.broadcast %add3A_1643 : i32 to vector<16xi32>
      %add3A_1645 = arith.addi %add3A_1640, %add3A_1644 : vector<16xi32>
      %add3A_1646 = arith.constant 50176 : i32
      %add3A_1647 = arith.addi %mul3A_18, %add3A_1646 : i32
      %sub3A_1648 = arith.constant 1 : i32
      %sub3A_1649 = arith.subi %add3A_1647, %sub3A_1648 : i32
      %min3A_1650 = vector.broadcast %sub3A_1649 : i32 to vector<16xi32>
      %min3A_1651 = arith.minsi %add3A_1645, %min3A_1650 : vector<16xi32>
      %swap3A_1652 = arith.constant 112 : index
      %swap3A_1653 = tpu.vector_load %arg8[%swap3A_1652] {strides = array<i32>} : memref<128xi32, #tpu.memory_space<vmem>>, vector<16xi32>,
      tpu.vector_store %arg8[%swap3A_1652], %min3A_1651 {strides = array<i32>} : memref<128xi32, #tpu.memory_space<vmem>>, vector<16xi32>,
      %dma_start3A_1654 = arith.constant 0 : i32
      %dma_start3A_1655 = arith.constant 0 : i32
      %dma_start3A_1656 = tpu.memref_slice %arg2[%dma_start3A_1654, %dma_start3A_1655] : memref<201728x128xi32, #tpu.memory_space<hbm>> -> memref<201728x128xi32, #tpu.memory_space<hbm>>
      tpu.enqueue_indirect_dma source(%dma_start3A_1656 : memref<201728x128xi32, #tpu.memory_space<hbm>>) target(%arg13 : memref<128x128xi32, #tpu.memory_space<vmem>>) offsets(%arg7 : memref<128xi32, #tpu.memory_space<vmem>>) semaphore(%arg25 : memref<!tpu.dma_semaphore, #tpu.memory_space<semaphore_mem>>)
      %dma_start3A_1657 = arith.constant 0 : i32
      %dma_start3A_1658 = arith.constant 0 : i32
      %dma_start3A_1659 = tpu.memref_slice %arg2[%dma_start3A_1657, %dma_start3A_1658] : memref<201728x128xi32, #tpu.memory_space<hbm>> -> memref<201728x128xi32, #tpu.memory_space<hbm>>
      tpu.enqueue_indirect_dma source(%dma_start3A_1659 : memref<201728x128xi32, #tpu.memory_space<hbm>>) target(%arg14 : memref<128x128xi32, #tpu.memory_space<vmem>>) offsets(%arg8 : memref<128xi32, #tpu.memory_space<vmem>>) semaphore(%arg25 : memref<!tpu.dma_semaphore, #tpu.memory_space<semaphore_mem>>)
      %dma_wait3A_1660 = arith.constant 0 : i32
      %dma_wait3A_1661 = arith.constant 0 : i32
      %dma_wait3A_1662 = tpu.memref_slice %arg2[%dma_wait3A_1660, %dma_wait3A_1661] : memref<201728x128xi32, #tpu.memory_space<hbm>> -> memref<128x128xi32, #tpu.memory_space<hbm>>
      %dma_wait3A_1663 = arith.constant 0 : i32
      %dma_wait3A_1664 = arith.constant 0 : i32
      %dma_wait3A_1665 = tpu.memref_slice %arg2[%dma_wait3A_1663, %dma_wait3A_1664] : memref<201728x128xi32, #tpu.memory_space<hbm>> -> memref<128x128xi32, #tpu.memory_space<hbm>>
      tpu.wait_dma2 semaphore(%arg26 : memref<!tpu.dma_semaphore, #tpu.memory_space<semaphore_mem>>) src(%dma_wait3A_1665 : memref<128x128xi32, #tpu.memory_space<hbm>>) dst(%arg21 : memref<128x128xi32, #tpu.memory_space<vmem>>)
      %dma_wait3A_1666 = arith.constant 0 : i32
      %dma_wait3A_1667 = arith.constant 0 : i32
      %dma_wait3A_1668 = tpu.memref_slice %arg2[%dma_wait3A_1666, %dma_wait3A_1667] : memref<201728x128xi32, #tpu.memory_space<hbm>> -> memref<128x128xi32, #tpu.memory_space<hbm>>
      %dma_wait3A_1669 = arith.constant 0 : i32
      %dma_wait3A_1670 = arith.constant 0 : i32
      %dma_wait3A_1671 = tpu.memref_slice %arg2[%dma_wait3A_1669, %dma_wait3A_1670] : memref<201728x128xi32, #tpu.memory_space<hbm>> -> memref<128x128xi32, #tpu.memory_space<hbm>>
      tpu.wait_dma2 semaphore(%arg26 : memref<!tpu.dma_semaphore, #tpu.memory_space<semaphore_mem>>) src(%dma_wait3A_1671 : memref<128x128xi32, #tpu.memory_space<hbm>>) dst(%arg22 : memref<128x128xi32, #tpu.memory_space<vmem>>)
      %dma_wait3A_1672 = arith.constant 0 : i32
      %dma_wait3A_1673 = arith.constant 0 : i32
      %dma_wait3A_1674 = tpu.memref_slice %arg4[%dma_wait3A_1672, %dma_wait3A_1673] : memref<150528x128xf32, #tpu.memory_space<hbm>> -> memref<96x128xf32, #tpu.memory_space<hbm>>
      %dma_wait3A_1675 = arith.constant 0 : i32
      %dma_wait3A_1676 = arith.constant 0 : i32
      %dma_wait3A_1677 = tpu.memref_slice %arg4[%dma_wait3A_1675, %dma_wait3A_1676] : memref<150528x128xf32, #tpu.memory_space<hbm>> -> memref<96x128xf32, #tpu.memory_space<hbm>>
      tpu.wait_dma2 semaphore(%arg27 : memref<!tpu.dma_semaphore, #tpu.memory_space<semaphore_mem>>) src(%dma_wait3A_1677 : memref<96x128xf32, #tpu.memory_space<hbm>>) dst(%arg23 : memref<96x128xf32, #tpu.memory_space<vmem>>)
      %scan3A_1678 = arith.constant 0 : i32
      %scan3A_1679 = arith.constant 0 : i32
      %scan3A_1680 = arith.constant 128 : i32
      %scan3A_1681 = arith.addi %scan3A_1679, %scan3A_1680 : i32
      %scan3A_1682 = arith.constant 1 : i32
      scf.for %scan3A_1752 = %scan3A_1679 to %scan3A_1681 step %scan3A_1682  : i32 {
        %add3A_1753 = vector.broadcast %scan3A_1752 : i32 to vector<16xi32>
        %add3A_1754 = arith.addi %add3A_1753, %broadcast_in_dim3A_40 : vector<16xi32>
        %gather3A = tpu.vector_load_idx %arg17[%add3A_1754] : memref<128xf32, #tpu.memory_space<vmem>>[vector<16xi32>], vector<16xf32>,
        %gather3A_1755 = tpu.vector_load_idx %arg18[%add3A_1754] : memref<128xf32, #tpu.memory_space<vmem>>[vector<16xi32>], vector<16xf32>,
        %gather3A_1756 = tpu.vector_load_idx %arg19[%add3A_1754] : memref<128xf32, #tpu.memory_space<vmem>>[vector<16xi32>], vector<16xf32>,
        %gather3A_1757 = tpu.vector_load_idx %arg20[%add3A_1754] : memref<128xf32, #tpu.memory_space<vmem>>[vector<16xi32>], vector<16xf32>,
        %get3A_1758 = arith.index_cast %scan3A_1752 : i32 to index
        %get3A_1759 = arith.constant 0 : index
        %get3A_1760 = tpu.vector_load %arg21[%get3A_1758, %get3A_1759] {strides = array<i32>} : memref<128x128xi32, #tpu.memory_space<vmem>>, vector<16xi32>,
        %bitcast3A = vector.bitcast %get3A_1760 : vector<16xi32> to vector<32xbf16>
        %unpack3A = tpu.unpack_subelements %bitcast3A, 0 {pack_format = #tpu.pack_format<interleaved>} : vector<32xbf16> -> vector<16xf32>
        %unpack3A_1761 = tpu.unpack_subelements %bitcast3A, 1 {pack_format = #tpu.pack_format<interleaved>} : vector<32xbf16> -> vector<16xf32>
        %get3A_1762 = arith.index_cast %scan3A_1752 : i32 to index
        %get3A_1763 = arith.constant 0 : index
        %get3A_1764 = tpu.vector_load %arg22[%get3A_1762, %get3A_1763] {strides = array<i32>} : memref<128x128xi32, #tpu.memory_space<vmem>>, vector<16xi32>,
        %bitcast3A_1765 = vector.bitcast %get3A_1764 : vector<16xi32> to vector<32xbf16>
        %unpack3A_1766 = tpu.unpack_subelements %bitcast3A_1765, 0 {pack_format = #tpu.pack_format<interleaved>} : vector<32xbf16> -> vector<16xf32>
        %unpack3A_1767 = tpu.unpack_subelements %bitcast3A_1765, 1 {pack_format = #tpu.pack_format<interleaved>} : vector<32xbf16> -> vector<16xf32>
        %get3A_1768 = arith.index_cast %scan3A_1752 : i32 to index
        %get3A_1769 = arith.constant 64 : index
        %get3A_1770 = tpu.vector_load %arg21[%get3A_1768, %get3A_1769] {strides = array<i32>} : memref<128x128xi32, #tpu.memory_space<vmem>>, vector<16xi32>,
        %bitcast3A_1771 = vector.bitcast %get3A_1770 : vector<16xi32> to vector<32xbf16>
        %unpack3A_1772 = tpu.unpack_subelements %bitcast3A_1771, 0 {pack_format = #tpu.pack_format<interleaved>} : vector<32xbf16> -> vector<16xf32>
        %unpack3A_1773 = tpu.unpack_subelements %bitcast3A_1771, 1 {pack_format = #tpu.pack_format<interleaved>} : vector<32xbf16> -> vector<16xf32>
        %get3A_1774 = arith.index_cast %scan3A_1752 : i32 to index
        %get3A_1775 = arith.constant 64 : index
        %get3A_1776 = tpu.vector_load %arg22[%get3A_1774, %get3A_1775] {strides = array<i32>} : memref<128x128xi32, #tpu.memory_space<vmem>>, vector<16xi32>,
        %bitcast3A_1777 = vector.bitcast %get3A_1776 : vector<16xi32> to vector<32xbf16>
        %unpack3A_1778 = tpu.unpack_subelements %bitcast3A_1777, 0 {pack_format = #tpu.pack_format<interleaved>} : vector<32xbf16> -> vector<16xf32>
        %unpack3A_1779 = tpu.unpack_subelements %bitcast3A_1777, 1 {pack_format = #tpu.pack_format<interleaved>} : vector<32xbf16> -> vector<16xf32>
        %mul3A_1780 = arith.mulf %gather3A, %unpack3A : vector<16xf32>
        %mul3A_1781 = arith.mulf %gather3A_1755, %unpack3A_1766 : vector<16xf32>
        %add3A_1782 = arith.addf %mul3A_1780, %mul3A_1781 : vector<16xf32>
        %mul3A_1783 = arith.mulf %gather3A_1756, %unpack3A_1772 : vector<16xf32>
        %add3A_1784 = arith.addf %add3A_1782, %mul3A_1783 : vector<16xf32>
        %mul3A_1785 = arith.mulf %gather3A_1757, %unpack3A_1778 : vector<16xf32>
        %add3A_1786 = arith.addf %add3A_1784, %mul3A_1785 : vector<16xf32>
        %mul3A_1787 = arith.mulf %gather3A, %unpack3A_1761 : vector<16xf32>
        %mul3A_1788 = arith.mulf %gather3A_1755, %unpack3A_1767 : vector<16xf32>
        %add3A_1789 = arith.addf %mul3A_1787, %mul3A_1788 : vector<16xf32>
        %mul3A_1790 = arith.mulf %gather3A_1756, %unpack3A_1773 : vector<16xf32>
        %add3A_1791 = arith.addf %add3A_1789, %mul3A_1790 : vector<16xf32>
        %mul3A_1792 = arith.mulf %gather3A_1757, %unpack3A_1779 : vector<16xf32>
        %add3A_1793 = arith.addf %add3A_1791, %mul3A_1792 : vector<16xf32>
        tpu.vector_store_idx %arg23[%add3A_46, %add3A_1754], %add3A_1786 : memref<96x128xf32, #tpu.memory_space<vmem>>[vector<16xi32>, vector<16xi32>], vector<16xf32>,
        tpu.vector_store_idx %arg23[%add3A_67, %add3A_1754], %add3A_1793 : memref<96x128xf32, #tpu.memory_space<vmem>>[vector<16xi32>, vector<16xi32>], vector<16xf32>,
        %get3A_1794 = arith.index_cast %scan3A_1752 : i32 to index
        %get3A_1795 = arith.constant 16 : index
        %get3A_1796 = tpu.vector_load %arg21[%get3A_1794, %get3A_1795] {strides = array<i32>} : memref<128x128xi32, #tpu.memory_space<vmem>>, vector<16xi32>,
        %bitcast3A_1797 = vector.bitcast %get3A_1796 : vector<16xi32> to vector<32xbf16>
        %unpack3A_1798 = tpu.unpack_subelements %bitcast3A_1797, 0 {pack_format = #tpu.pack_format<interleaved>} : vector<32xbf16> -> vector<16xf32>
        %unpack3A_1799 = tpu.unpack_subelements %bitcast3A_1797, 1 {pack_format = #tpu.pack_format<interleaved>} : vector<32xbf16> -> vector<16xf32>
        %get3A_1800 = arith.index_cast %scan3A_1752 : i32 to index
        %get3A_1801 = arith.constant 16 : index
        %get3A_1802 = tpu.vector_load %arg22[%get3A_1800, %get3A_1801] {strides = array<i32>} : memref<128x128xi32, #tpu.memory_space<vmem>>, vector<16xi32>,
        %bitcast3A_1803 = vector.bitcast %get3A_1802 : vector<16xi32> to vector<32xbf16>
        %unpack3A_1804 = tpu.unpack_subelements %bitcast3A_1803, 0 {pack_format = #tpu.pack_format<interleaved>} : vector<32xbf16> -> vector<16xf32>
        %unpack3A_1805 = tpu.unpack_subelements %bitcast3A_1803, 1 {pack_format = #tpu.pack_format<interleaved>} : vector<32xbf16> -> vector<16xf32>
        %get3A_1806 = arith.index_cast %scan3A_1752 : i32 to index
        %get3A_1807 = arith.constant 80 : index
        %get3A_1808 = tpu.vector_load %arg21[%get3A_1806, %get3A_1807] {strides = array<i32>} : memref<128x128xi32, #tpu.memory_space<vmem>>, vector<16xi32>,
        %bitcast3A_1809 = vector.bitcast %get3A_1808 : vector<16xi32> to vector<32xbf16>
        %unpack3A_1810 = tpu.unpack_subelements %bitcast3A_1809, 0 {pack_format = #tpu.pack_format<interleaved>} : vector<32xbf16> -> vector<16xf32>
        %unpack3A_1811 = tpu.unpack_subelements %bitcast3A_1809, 1 {pack_format = #tpu.pack_format<interleaved>} : vector<32xbf16> -> vector<16xf32>
        %get3A_1812 = arith.index_cast %scan3A_1752 : i32 to index
        %get3A_1813 = arith.constant 80 : index
        %get3A_1814 = tpu.vector_load %arg22[%get3A_1812, %get3A_1813] {strides = array<i32>} : memref<128x128xi32, #tpu.memory_space<vmem>>, vector<16xi32>,
        %bitcast3A_1815 = vector.bitcast %get3A_1814 : vector<16xi32> to vector<32xbf16>
        %unpack3A_1816 = tpu.unpack_subelements %bitcast3A_1815, 0 {pack_format = #tpu.pack_format<interleaved>} : vector<32xbf16> -> vector<16xf32>
        %unpack3A_1817 = tpu.unpack_subelements %bitcast3A_1815, 1 {pack_format = #tpu.pack_format<interleaved>} : vector<32xbf16> -> vector<16xf32>
        %mul3A_1818 = arith.mulf %gather3A, %unpack3A_1798 : vector<16xf32>
        %mul3A_1819 = arith.mulf %gather3A_1755, %unpack3A_1804 : vector<16xf32>
        %add3A_1820 = arith.addf %mul3A_1818, %mul3A_1819 : vector<16xf32>
        %mul3A_1821 = arith.mulf %gather3A_1756, %unpack3A_1810 : vector<16xf32>
        %add3A_1822 = arith.addf %add3A_1820, %mul3A_1821 : vector<16xf32>
        %mul3A_1823 = arith.mulf %gather3A_1757, %unpack3A_1816 : vector<16xf32>
        %add3A_1824 = arith.addf %add3A_1822, %mul3A_1823 : vector<16xf32>
        %mul3A_1825 = arith.mulf %gather3A, %unpack3A_1799 : vector<16xf32>
        %mul3A_1826 = arith.mulf %gather3A_1755, %unpack3A_1805 : vector<16xf32>
        %add3A_1827 = arith.addf %mul3A_1825, %mul3A_1826 : vector<16xf32>
        %mul3A_1828 = arith.mulf %gather3A_1756, %unpack3A_1811 : vector<16xf32>
        %add3A_1829 = arith.addf %add3A_1827, %mul3A_1828 : vector<16xf32>
        %mul3A_1830 = arith.mulf %gather3A_1757, %unpack3A_1817 : vector<16xf32>
        %add3A_1831 = arith.addf %add3A_1829, %mul3A_1830 : vector<16xf32>
        tpu.vector_store_idx %arg23[%add3A_52, %add3A_1754], %add3A_1824 : memref<96x128xf32, #tpu.memory_space<vmem>>[vector<16xi32>, vector<16xi32>], vector<16xf32>,
        tpu.vector_store_idx %arg23[%add3A_76, %add3A_1754], %add3A_1831 : memref<96x128xf32, #tpu.memory_space<vmem>>[vector<16xi32>, vector<16xi32>], vector<16xf32>,
        %get3A_1832 = arith.index_cast %scan3A_1752 : i32 to index
        %get3A_1833 = arith.constant 32 : index
        %get3A_1834 = tpu.vector_load %arg21[%get3A_1832, %get3A_1833] {strides = array<i32>} : memref<128x128xi32, #tpu.memory_space<vmem>>, vector<16xi32>,
        %bitcast3A_1835 = vector.bitcast %get3A_1834 : vector<16xi32> to vector<32xbf16>
        %unpack3A_1836 = tpu.unpack_subelements %bitcast3A_1835, 0 {pack_format = #tpu.pack_format<interleaved>} : vector<32xbf16> -> vector<16xf32>
        %unpack3A_1837 = tpu.unpack_subelements %bitcast3A_1835, 1 {pack_format = #tpu.pack_format<interleaved>} : vector<32xbf16> -> vector<16xf32>
        %get3A_1838 = arith.index_cast %scan3A_1752 : i32 to index
        %get3A_1839 = arith.constant 32 : index
        %get3A_1840 = tpu.vector_load %arg22[%get3A_1838, %get3A_1839] {strides = array<i32>} : memref<128x128xi32, #tpu.memory_space<vmem>>, vector<16xi32>,
        %bitcast3A_1841 = vector.bitcast %get3A_1840 : vector<16xi32> to vector<32xbf16>
        %unpack3A_1842 = tpu.unpack_subelements %bitcast3A_1841, 0 {pack_format = #tpu.pack_format<interleaved>} : vector<32xbf16> -> vector<16xf32>
        %unpack3A_1843 = tpu.unpack_subelements %bitcast3A_1841, 1 {pack_format = #tpu.pack_format<interleaved>} : vector<32xbf16> -> vector<16xf32>
        %get3A_1844 = arith.index_cast %scan3A_1752 : i32 to index
        %get3A_1845 = arith.constant 96 : index
        %get3A_1846 = tpu.vector_load %arg21[%get3A_1844, %get3A_1845] {strides = array<i32>} : memref<128x128xi32, #tpu.memory_space<vmem>>, vector<16xi32>,
        %bitcast3A_1847 = vector.bitcast %get3A_1846 : vector<16xi32> to vector<32xbf16>
        %unpack3A_1848 = tpu.unpack_subelements %bitcast3A_1847, 0 {pack_format = #tpu.pack_format<interleaved>} : vector<32xbf16> -> vector<16xf32>
        %unpack3A_1849 = tpu.unpack_subelements %bitcast3A_1847, 1 {pack_format = #tpu.pack_format<interleaved>} : vector<32xbf16> -> vector<16xf32>
        %get3A_1850 = arith.index_cast %scan3A_1752 : i32 to index
        %get3A_1851 = arith.constant 96 : index
        %get3A_1852 = tpu.vector_load %arg22[%get3A_1850, %get3A_1851] {strides = array<i32>} : memref<128x128xi32, #tpu.memory_space<vmem>>, vector<16xi32>,
        %bitcast3A_1853 = vector.bitcast %get3A_1852 : vector<16xi32> to vector<32xbf16>
        %unpack3A_1854 = tpu.unpack_subelements %bitcast3A_1853, 0 {pack_format = #tpu.pack_format<interleaved>} : vector<32xbf16> -> vector<16xf32>
        %unpack3A_1855 = tpu.unpack_subelements %bitcast3A_1853, 1 {pack_format = #tpu.pack_format<interleaved>} : vector<32xbf16> -> vector<16xf32>
        %mul3A_1856 = arith.mulf %gather3A, %unpack3A_1836 : vector<16xf32>
        %mul3A_1857 = arith.mulf %gather3A_1755, %unpack3A_1842 : vector<16xf32>
        %add3A_1858 = arith.addf %mul3A_1856, %mul3A_1857 : vector<16xf32>
        %mul3A_1859 = arith.mulf %gather3A_1756, %unpack3A_1848 : vector<16xf32>
        %add3A_1860 = arith.addf %add3A_1858, %mul3A_1859 : vector<16xf32>
        %mul3A_1861 = arith.mulf %gather3A_1757, %unpack3A_1854 : vector<16xf32>
        %add3A_1862 = arith.addf %add3A_1860, %mul3A_1861 : vector<16xf32>
        %mul3A_1863 = arith.mulf %gather3A, %unpack3A_1837 : vector<16xf32>
        %mul3A_1864 = arith.mulf %gather3A_1755, %unpack3A_1843 : vector<16xf32>
        %add3A_1865 = arith.addf %mul3A_1863, %mul3A_1864 : vector<16xf32>
        %mul3A_1866 = arith.mulf %gather3A_1756, %unpack3A_1849 : vector<16xf32>
        %add3A_1867 = arith.addf %add3A_1865, %mul3A_1866 : vector<16xf32>
        %mul3A_1868 = arith.mulf %gather3A_1757, %unpack3A_1855 : vector<16xf32>
        %add3A_1869 = arith.addf %add3A_1867, %mul3A_1868 : vector<16xf32>
        tpu.vector_store_idx %arg23[%add3A_58, %add3A_1754], %add3A_1862 : memref<96x128xf32, #tpu.memory_space<vmem>>[vector<16xi32>, vector<16xi32>], vector<16xf32>,
        tpu.vector_store_idx %arg23[%add3A_85, %add3A_1754], %add3A_1869 : memref<96x128xf32, #tpu.memory_space<vmem>>[vector<16xi32>, vector<16xi32>], vector<16xf32>,
      }
      %scan3A_1683 = arith.constant 128 : i32
      %mul3A_1684 = arith.constant 2 : i32
      %mul3A_1685 = arith.muli %mul3A_1684, %scan3A_640 : i32
      %add3A_1686 = arith.constant 1 : i32
      %add3A_1687 = arith.addi %mul3A_1685, %add3A_1686 : i32
      %add3A_1688 = arith.addi %add3A_39, %add3A_1687 : i32
      %add3A_1689 = arith.constant 0 : i32
      %add3A_1690 = vector.broadcast %add3A_1689 : i32 to vector<16xi32>
      %add3A_1691 = arith.addi %add3A_1690, %iota3A : vector<16xi32>
      %mul3A_1692 = arith.constant 392 : i32
      %mul3A_1693 = vector.broadcast %mul3A_1692 : i32 to vector<16xi32>
      %mul3A_1694 = arith.muli %add3A_1691, %mul3A_1693 : vector<16xi32>
      %add3A_1695 = vector.broadcast %add3A_1688 : i32 to vector<16xi32>
      %add3A_1696 = arith.addi %add3A_1695, %mul3A_1694 : vector<16xi32>
      %swap3A_1697 = arith.constant 0 : index
      %swap3A_1698 = tpu.vector_load %arg24[%swap3A_1697] {strides = array<i32>} : memref<96xi32, #tpu.memory_space<vmem>>, vector<16xi32>,
      tpu.vector_store %arg24[%swap3A_1697], %add3A_1696 {strides = array<i32>} : memref<96xi32, #tpu.memory_space<vmem>>, vector<16xi32>,
      %add3A_1699 = arith.constant 16 : i32
      %add3A_1700 = vector.broadcast %add3A_1699 : i32 to vector<16xi32>
      %add3A_1701 = arith.addi %add3A_1700, %iota3A : vector<16xi32>
      %mul3A_1702 = arith.constant 392 : i32
      %mul3A_1703 = vector.broadcast %mul3A_1702 : i32 to vector<16xi32>
      %mul3A_1704 = arith.muli %add3A_1701, %mul3A_1703 : vector<16xi32>
      %add3A_1705 = vector.broadcast %add3A_1688 : i32 to vector<16xi32>
      %add3A_1706 = arith.addi %add3A_1705, %mul3A_1704 : vector<16xi32>
      %swap3A_1707 = arith.constant 16 : index
      %swap3A_1708 = tpu.vector_load %arg24[%swap3A_1707] {strides = array<i32>} : memref<96xi32, #tpu.memory_space<vmem>>, vector<16xi32>,
      tpu.vector_store %arg24[%swap3A_1707], %add3A_1706 {strides = array<i32>} : memref<96xi32, #tpu.memory_space<vmem>>, vector<16xi32>,
      %add3A_1709 = arith.constant 32 : i32
      %add3A_1710 = vector.broadcast %add3A_1709 : i32 to vector<16xi32>
      %add3A_1711 = arith.addi %add3A_1710, %iota3A : vector<16xi32>
      %mul3A_1712 = arith.constant 392 : i32
      %mul3A_1713 = vector.broadcast %mul3A_1712 : i32 to vector<16xi32>
      %mul3A_1714 = arith.muli %add3A_1711, %mul3A_1713 : vector<16xi32>
      %add3A_1715 = vector.broadcast %add3A_1688 : i32 to vector<16xi32>
      %add3A_1716 = arith.addi %add3A_1715, %mul3A_1714 : vector<16xi32>
      %swap3A_1717 = arith.constant 32 : index
      %swap3A_1718 = tpu.vector_load %arg24[%swap3A_1717] {strides = array<i32>} : memref<96xi32, #tpu.memory_space<vmem>>, vector<16xi32>,
      tpu.vector_store %arg24[%swap3A_1717], %add3A_1716 {strides = array<i32>} : memref<96xi32, #tpu.memory_space<vmem>>, vector<16xi32>,
      %add3A_1719 = arith.constant 48 : i32
      %add3A_1720 = vector.broadcast %add3A_1719 : i32 to vector<16xi32>
      %add3A_1721 = arith.addi %add3A_1720, %iota3A : vector<16xi32>
      %mul3A_1722 = arith.constant 392 : i32
      %mul3A_1723 = vector.broadcast %mul3A_1722 : i32 to vector<16xi32>
      %mul3A_1724 = arith.muli %add3A_1721, %mul3A_1723 : vector<16xi32>
      %add3A_1725 = vector.broadcast %add3A_1688 : i32 to vector<16xi32>
      %add3A_1726 = arith.addi %add3A_1725, %mul3A_1724 : vector<16xi32>
      %swap3A_1727 = arith.constant 48 : index
      %swap3A_1728 = tpu.vector_load %arg24[%swap3A_1727] {strides = array<i32>} : memref<96xi32, #tpu.memory_space<vmem>>, vector<16xi32>,
      tpu.vector_store %arg24[%swap3A_1727], %add3A_1726 {strides = array<i32>} : memref<96xi32, #tpu.memory_space<vmem>>, vector<16xi32>,
      %add3A_1729 = arith.constant 64 : i32
      %add3A_1730 = vector.broadcast %add3A_1729 : i32 to vector<16xi32>
      %add3A_1731 = arith.addi %add3A_1730, %iota3A : vector<16xi32>
      %mul3A_1732 = arith.constant 392 : i32
      %mul3A_1733 = vector.broadcast %mul3A_1732 : i32 to vector<16xi32>
      %mul3A_1734 = arith.muli %add3A_1731, %mul3A_1733 : vector<16xi32>
      %add3A_1735 = vector.broadcast %add3A_1688 : i32 to vector<16xi32>
      %add3A_1736 = arith.addi %add3A_1735, %mul3A_1734 : vector<16xi32>
      %swap3A_1737 = arith.constant 64 : index
      %swap3A_1738 = tpu.vector_load %arg24[%swap3A_1737] {strides = array<i32>} : memref<96xi32, #tpu.memory_space<vmem>>, vector<16xi32>,
      tpu.vector_store %arg24[%swap3A_1737], %add3A_1736 {strides = array<i32>} : memref<96xi32, #tpu.memory_space<vmem>>, vector<16xi32>,
      %add3A_1739 = arith.constant 80 : i32
      %add3A_1740 = vector.broadcast %add3A_1739 : i32 to vector<16xi32>
      %add3A_1741 = arith.addi %add3A_1740, %iota3A : vector<16xi32>
      %mul3A_1742 = arith.constant 392 : i32
      %mul3A_1743 = vector.broadcast %mul3A_1742 : i32 to vector<16xi32>
      %mul3A_1744 = arith.muli %add3A_1741, %mul3A_1743 : vector<16xi32>
      %add3A_1745 = vector.broadcast %add3A_1688 : i32 to vector<16xi32>
      %add3A_1746 = arith.addi %add3A_1745, %mul3A_1744 : vector<16xi32>
      %swap3A_1747 = arith.constant 80 : index
      %swap3A_1748 = tpu.vector_load %arg24[%swap3A_1747] {strides = array<i32>} : memref<96xi32, #tpu.memory_space<vmem>>, vector<16xi32>,
      tpu.vector_store %arg24[%swap3A_1747], %add3A_1746 {strides = array<i32>} : memref<96xi32, #tpu.memory_space<vmem>>, vector<16xi32>,
      %dma_start3A_1749 = arith.constant 0 : i32
      %dma_start3A_1750 = arith.constant 0 : i32
      %dma_start3A_1751 = tpu.memref_slice %arg4[%dma_start3A_1749, %dma_start3A_1750] : memref<150528x128xf32, #tpu.memory_space<hbm>> -> memref<150528x128xf32, #tpu.memory_space<hbm>>
      tpu.enqueue_indirect_dma source(%arg23 : memref<96x128xf32, #tpu.memory_space<vmem>>) target(%dma_start3A_1751 : memref<150528x128xf32, #tpu.memory_space<hbm>>) offsets(%arg24 : memref<96xi32, #tpu.memory_space<vmem>>) semaphore(%arg27 : memref<!tpu.dma_semaphore, #tpu.memory_space<semaphore_mem>>)
    }
    %scan3A_545 = arith.constant 24 : i32
    %dma_wait3A = arith.constant 0 : i32
    %dma_wait3A_546 = arith.constant 0 : i32
    %dma_wait3A_547 = tpu.memref_slice %arg2[%dma_wait3A, %dma_wait3A_546] : memref<201728x128xi32, #tpu.memory_space<hbm>> -> memref<128x128xi32, #tpu.memory_space<hbm>>
    %dma_wait3A_548 = arith.constant 0 : i32
    %dma_wait3A_549 = arith.constant 0 : i32
    %dma_wait3A_550 = tpu.memref_slice %arg2[%dma_wait3A_548, %dma_wait3A_549] : memref<201728x128xi32, #tpu.memory_space<hbm>> -> memref<128x128xi32, #tpu.memory_space<hbm>>
    tpu.wait_dma2 semaphore(%arg25 : memref<!tpu.dma_semaphore, #tpu.memory_space<semaphore_mem>>) src(%dma_wait3A_550 : memref<128x128xi32, #tpu.memory_space<hbm>>) dst(%arg13 : memref<128x128xi32, #tpu.memory_space<vmem>>)
    %dma_wait3A_551 = arith.constant 0 : i32
    %dma_wait3A_552 = arith.constant 0 : i32
    %dma_wait3A_553 = tpu.memref_slice %arg2[%dma_wait3A_551, %dma_wait3A_552] : memref<201728x128xi32, #tpu.memory_space<hbm>> -> memref<128x128xi32, #tpu.memory_space<hbm>>
    %dma_wait3A_554 = arith.constant 0 : i32
    %dma_wait3A_555 = arith.constant 0 : i32
    %dma_wait3A_556 = tpu.memref_slice %arg2[%dma_wait3A_554, %dma_wait3A_555] : memref<201728x128xi32, #tpu.memory_space<hbm>> -> memref<128x128xi32, #tpu.memory_space<hbm>>
    tpu.wait_dma2 semaphore(%arg25 : memref<!tpu.dma_semaphore, #tpu.memory_space<semaphore_mem>>) src(%dma_wait3A_556 : memref<128x128xi32, #tpu.memory_space<hbm>>) dst(%arg14 : memref<128x128xi32, #tpu.memory_space<vmem>>)
    %dma_wait3A_557 = arith.constant 0 : i32
    %dma_wait3A_558 = arith.constant 0 : i32
    %dma_wait3A_559 = tpu.memref_slice %arg4[%dma_wait3A_557, %dma_wait3A_558] : memref<150528x128xf32, #tpu.memory_space<hbm>> -> memref<96x128xf32, #tpu.memory_space<hbm>>
    %dma_wait3A_560 = arith.constant 0 : i32
    %dma_wait3A_561 = arith.constant 0 : i32
    %dma_wait3A_562 = tpu.memref_slice %arg4[%dma_wait3A_560, %dma_wait3A_561] : memref<150528x128xf32, #tpu.memory_space<hbm>> -> memref<96x128xf32, #tpu.memory_space<hbm>>
    tpu.wait_dma2 semaphore(%arg27 : memref<!tpu.dma_semaphore, #tpu.memory_space<semaphore_mem>>) src(%dma_wait3A_562 : memref<96x128xf32, #tpu.memory_space<hbm>>) dst(%arg23 : memref<96x128xf32, #tpu.memory_space<vmem>>)
    %scan3A_563 = arith.constant 0 : i32
    %scan3A_564 = arith.constant 0 : i32
    %scan3A_565 = arith.constant 128 : i32
    %scan3A_566 = arith.addi %scan3A_564, %scan3A_565 : i32
    %scan3A_567 = arith.constant 1 : i32
    scf.for %scan3A_640 = %scan3A_564 to %scan3A_566 step %scan3A_567  : i32 {
      %add3A_641 = vector.broadcast %scan3A_640 : i32 to vector<16xi32>
      %add3A_642 = arith.addi %add3A_641, %broadcast_in_dim3A_40 : vector<16xi32>
      %gather3A = tpu.vector_load_idx %arg9[%add3A_642] : memref<128xf32, #tpu.memory_space<vmem>>[vector<16xi32>], vector<16xf32>,
      %gather3A_643 = tpu.vector_load_idx %arg10[%add3A_642] : memref<128xf32, #tpu.memory_space<vmem>>[vector<16xi32>], vector<16xf32>,
      %gather3A_644 = tpu.vector_load_idx %arg11[%add3A_642] : memref<128xf32, #tpu.memory_space<vmem>>[vector<16xi32>], vector<16xf32>,
      %gather3A_645 = tpu.vector_load_idx %arg12[%add3A_642] : memref<128xf32, #tpu.memory_space<vmem>>[vector<16xi32>], vector<16xf32>,
      %get3A_646 = arith.index_cast %scan3A_640 : i32 to index
      %get3A_647 = arith.constant 0 : index
      %get3A_648 = tpu.vector_load %arg13[%get3A_646, %get3A_647] {strides = array<i32>} : memref<128x128xi32, #tpu.memory_space<vmem>>, vector<16xi32>,
      %bitcast3A = vector.bitcast %get3A_648 : vector<16xi32> to vector<32xbf16>
      %unpack3A = tpu.unpack_subelements %bitcast3A, 0 {pack_format = #tpu.pack_format<interleaved>} : vector<32xbf16> -> vector<16xf32>
      %unpack3A_649 = tpu.unpack_subelements %bitcast3A, 1 {pack_format = #tpu.pack_format<interleaved>} : vector<32xbf16> -> vector<16xf32>
      %get3A_650 = arith.index_cast %scan3A_640 : i32 to index
      %get3A_651 = arith.constant 0 : index
      %get3A_652 = tpu.vector_load %arg14[%get3A_650, %get3A_651] {strides = array<i32>} : memref<128x128xi32, #tpu.memory_space<vmem>>, vector<16xi32>,
      %bitcast3A_653 = vector.bitcast %get3A_652 : vector<16xi32> to vector<32xbf16>
      %unpack3A_654 = tpu.unpack_subelements %bitcast3A_653, 0 {pack_format = #tpu.pack_format<interleaved>} : vector<32xbf16> -> vector<16xf32>
      %unpack3A_655 = tpu.unpack_subelements %bitcast3A_653, 1 {pack_format = #tpu.pack_format<interleaved>} : vector<32xbf16> -> vector<16xf32>
      %get3A_656 = arith.index_cast %scan3A_640 : i32 to index
      %get3A_657 = arith.constant 64 : index
      %get3A_658 = tpu.vector_load %arg13[%get3A_656, %get3A_657] {strides = array<i32>} : memref<128x128xi32, #tpu.memory_space<vmem>>, vector<16xi32>,
      %bitcast3A_659 = vector.bitcast %get3A_658 : vector<16xi32> to vector<32xbf16>
      %unpack3A_660 = tpu.unpack_subelements %bitcast3A_659, 0 {pack_format = #tpu.pack_format<interleaved>} : vector<32xbf16> -> vector<16xf32>
      %unpack3A_661 = tpu.unpack_subelements %bitcast3A_659, 1 {pack_format = #tpu.pack_format<interleaved>} : vector<32xbf16> -> vector<16xf32>
      %get3A_662 = arith.index_cast %scan3A_640 : i32 to index
      %get3A_663 = arith.constant 64 : index
      %get3A_664 = tpu.vector_load %arg14[%get3A_662, %get3A_663] {strides = array<i32>} : memref<128x128xi32, #tpu.memory_space<vmem>>, vector<16xi32>,
      %bitcast3A_665 = vector.bitcast %get3A_664 : vector<16xi32> to vector<32xbf16>
      %unpack3A_666 = tpu.unpack_subelements %bitcast3A_665, 0 {pack_format = #tpu.pack_format<interleaved>} : vector<32xbf16> -> vector<16xf32>
      %unpack3A_667 = tpu.unpack_subelements %bitcast3A_665, 1 {pack_format = #tpu.pack_format<interleaved>} : vector<32xbf16> -> vector<16xf32>
      %mul3A_668 = arith.mulf %gather3A, %unpack3A : vector<16xf32>
      %mul3A_669 = arith.mulf %gather3A_643, %unpack3A_654 : vector<16xf32>
      %add3A_670 = arith.addf %mul3A_668, %mul3A_669 : vector<16xf32>
      %mul3A_671 = arith.mulf %gather3A_644, %unpack3A_660 : vector<16xf32>
      %add3A_672 = arith.addf %add3A_670, %mul3A_671 : vector<16xf32>
      %mul3A_673 = arith.mulf %gather3A_645, %unpack3A_666 : vector<16xf32>
      %add3A_674 = arith.addf %add3A_672, %mul3A_673 : vector<16xf32>
      %mul3A_675 = arith.mulf %gather3A, %unpack3A_649 : vector<16xf32>
      %mul3A_676 = arith.mulf %gather3A_643, %unpack3A_655 : vector<16xf32>
      %add3A_677 = arith.addf %mul3A_675, %mul3A_676 : vector<16xf32>
      %mul3A_678 = arith.mulf %gather3A_644, %unpack3A_661 : vector<16xf32>
      %add3A_679 = arith.addf %add3A_677, %mul3A_678 : vector<16xf32>
      %mul3A_680 = arith.mulf %gather3A_645, %unpack3A_667 : vector<16xf32>
      %add3A_681 = arith.addf %add3A_679, %mul3A_680 : vector<16xf32>
      tpu.vector_store_idx %arg23[%add3A_46, %add3A_642], %add3A_674 : memref<96x128xf32, #tpu.memory_space<vmem>>[vector<16xi32>, vector<16xi32>], vector<16xf32>,
      tpu.vector_store_idx %arg23[%add3A_67, %add3A_642], %add3A_681 : memref<96x128xf32, #tpu.memory_space<vmem>>[vector<16xi32>, vector<16xi32>], vector<16xf32>,
      %get3A_682 = arith.index_cast %scan3A_640 : i32 to index
      %get3A_683 = arith.constant 16 : index
      %get3A_684 = tpu.vector_load %arg13[%get3A_682, %get3A_683] {strides = array<i32>} : memref<128x128xi32, #tpu.memory_space<vmem>>, vector<16xi32>,
      %bitcast3A_685 = vector.bitcast %get3A_684 : vector<16xi32> to vector<32xbf16>
      %unpack3A_686 = tpu.unpack_subelements %bitcast3A_685, 0 {pack_format = #tpu.pack_format<interleaved>} : vector<32xbf16> -> vector<16xf32>
      %unpack3A_687 = tpu.unpack_subelements %bitcast3A_685, 1 {pack_format = #tpu.pack_format<interleaved>} : vector<32xbf16> -> vector<16xf32>
      %get3A_688 = arith.index_cast %scan3A_640 : i32 to index
      %get3A_689 = arith.constant 16 : index
      %get3A_690 = tpu.vector_load %arg14[%get3A_688, %get3A_689] {strides = array<i32>} : memref<128x128xi32, #tpu.memory_space<vmem>>, vector<16xi32>,
      %bitcast3A_691 = vector.bitcast %get3A_690 : vector<16xi32> to vector<32xbf16>
      %unpack3A_692 = tpu.unpack_subelements %bitcast3A_691, 0 {pack_format = #tpu.pack_format<interleaved>} : vector<32xbf16> -> vector<16xf32>
      %unpack3A_693 = tpu.unpack_subelements %bitcast3A_691, 1 {pack_format = #tpu.pack_format<interleaved>} : vector<32xbf16> -> vector<16xf32>
      %get3A_694 = arith.index_cast %scan3A_640 : i32 to index
      %get3A_695 = arith.constant 80 : index
      %get3A_696 = tpu.vector_load %arg13[%get3A_694, %get3A_695] {strides = array<i32>} : memref<128x128xi32, #tpu.memory_space<vmem>>, vector<16xi32>,
      %bitcast3A_697 = vector.bitcast %get3A_696 : vector<16xi32> to vector<32xbf16>
      %unpack3A_698 = tpu.unpack_subelements %bitcast3A_697, 0 {pack_format = #tpu.pack_format<interleaved>} : vector<32xbf16> -> vector<16xf32>
      %unpack3A_699 = tpu.unpack_subelements %bitcast3A_697, 1 {pack_format = #tpu.pack_format<interleaved>} : vector<32xbf16> -> vector<16xf32>
      %get3A_700 = arith.index_cast %scan3A_640 : i32 to index
      %get3A_701 = arith.constant 80 : index
      %get3A_702 = tpu.vector_load %arg14[%get3A_700, %get3A_701] {strides = array<i32>} : memref<128x128xi32, #tpu.memory_space<vmem>>, vector<16xi32>,
      %bitcast3A_703 = vector.bitcast %get3A_702 : vector<16xi32> to vector<32xbf16>
      %unpack3A_704 = tpu.unpack_subelements %bitcast3A_703, 0 {pack_format = #tpu.pack_format<interleaved>} : vector<32xbf16> -> vector<16xf32>
      %unpack3A_705 = tpu.unpack_subelements %bitcast3A_703, 1 {pack_format = #tpu.pack_format<interleaved>} : vector<32xbf16> -> vector<16xf32>
      %mul3A_706 = arith.mulf %gather3A, %unpack3A_686 : vector<16xf32>
      %mul3A_707 = arith.mulf %gather3A_643, %unpack3A_692 : vector<16xf32>
      %add3A_708 = arith.addf %mul3A_706, %mul3A_707 : vector<16xf32>
      %mul3A_709 = arith.mulf %gather3A_644, %unpack3A_698 : vector<16xf32>
      %add3A_710 = arith.addf %add3A_708, %mul3A_709 : vector<16xf32>
      %mul3A_711 = arith.mulf %gather3A_645, %unpack3A_704 : vector<16xf32>
      %add3A_712 = arith.addf %add3A_710, %mul3A_711 : vector<16xf32>
      %mul3A_713 = arith.mulf %gather3A, %unpack3A_687 : vector<16xf32>
      %mul3A_714 = arith.mulf %gather3A_643, %unpack3A_693 : vector<16xf32>
      %add3A_715 = arith.addf %mul3A_713, %mul3A_714 : vector<16xf32>
      %mul3A_716 = arith.mulf %gather3A_644, %unpack3A_699 : vector<16xf32>
      %add3A_717 = arith.addf %add3A_715, %mul3A_716 : vector<16xf32>
      %mul3A_718 = arith.mulf %gather3A_645, %unpack3A_705 : vector<16xf32>
      %add3A_719 = arith.addf %add3A_717, %mul3A_718 : vector<16xf32>
      tpu.vector_store_idx %arg23[%add3A_52, %add3A_642], %add3A_712 : memref<96x128xf32, #tpu.memory_space<vmem>>[vector<16xi32>, vector<16xi32>], vector<16xf32>,
      tpu.vector_store_idx %arg23[%add3A_76, %add3A_642], %add3A_719 : memref<96x128xf32, #tpu.memory_space<vmem>>[vector<16xi32>, vector<16xi32>], vector<16xf32>,
      %get3A_720 = arith.index_cast %scan3A_640 : i32 to index
      %get3A_721 = arith.constant 32 : index
      %get3A_722 = tpu.vector_load %arg13[%get3A_720, %get3A_721] {strides = array<i32>} : memref<128x128xi32, #tpu.memory_space<vmem>>, vector<16xi32>,
      %bitcast3A_723 = vector.bitcast %get3A_722 : vector<16xi32> to vector<32xbf16>
      %unpack3A_724 = tpu.unpack_subelements %bitcast3A_723, 0 {pack_format = #tpu.pack_format<interleaved>} : vector<32xbf16> -> vector<16xf32>
      %unpack3A_725 = tpu.unpack_subelements %bitcast3A_723, 1 {pack_format = #tpu.pack_format<interleaved>} : vector<32xbf16> -> vector<16xf32>
      %get3A_726 = arith.index_cast %scan3A_640 : i32 to index
      %get3A_727 = arith.constant 32 : index
      %get3A_728 = tpu.vector_load %arg14[%get3A_726, %get3A_727] {strides = array<i32>} : memref<128x128xi32, #tpu.memory_space<vmem>>, vector<16xi32>,
      %bitcast3A_729 = vector.bitcast %get3A_728 : vector<16xi32> to vector<32xbf16>
      %unpack3A_730 = tpu.unpack_subelements %bitcast3A_729, 0 {pack_format = #tpu.pack_format<interleaved>} : vector<32xbf16> -> vector<16xf32>
      %unpack3A_731 = tpu.unpack_subelements %bitcast3A_729, 1 {pack_format = #tpu.pack_format<interleaved>} : vector<32xbf16> -> vector<16xf32>
      %get3A_732 = arith.index_cast %scan3A_640 : i32 to index
      %get3A_733 = arith.constant 96 : index
      %get3A_734 = tpu.vector_load %arg13[%get3A_732, %get3A_733] {strides = array<i32>} : memref<128x128xi32, #tpu.memory_space<vmem>>, vector<16xi32>,
      %bitcast3A_735 = vector.bitcast %get3A_734 : vector<16xi32> to vector<32xbf16>
      %unpack3A_736 = tpu.unpack_subelements %bitcast3A_735, 0 {pack_format = #tpu.pack_format<interleaved>} : vector<32xbf16> -> vector<16xf32>
      %unpack3A_737 = tpu.unpack_subelements %bitcast3A_735, 1 {pack_format = #tpu.pack_format<interleaved>} : vector<32xbf16> -> vector<16xf32>
      %get3A_738 = arith.index_cast %scan3A_640 : i32 to index
      %get3A_739 = arith.constant 96 : index
      %get3A_740 = tpu.vector_load %arg14[%get3A_738, %get3A_739] {strides = array<i32>} : memref<128x128xi32, #tpu.memory_space<vmem>>, vector<16xi32>,
      %bitcast3A_741 = vector.bitcast %get3A_740 : vector<16xi32> to vector<32xbf16>
      %unpack3A_742 = tpu.unpack_subelements %bitcast3A_741, 0 {pack_format = #tpu.pack_format<interleaved>} : vector<32xbf16> -> vector<16xf32>
      %unpack3A_743 = tpu.unpack_subelements %bitcast3A_741, 1 {pack_format = #tpu.pack_format<interleaved>} : vector<32xbf16> -> vector<16xf32>
      %mul3A_744 = arith.mulf %gather3A, %unpack3A_724 : vector<16xf32>
      %mul3A_745 = arith.mulf %gather3A_643, %unpack3A_730 : vector<16xf32>
      %add3A_746 = arith.addf %mul3A_744, %mul3A_745 : vector<16xf32>
      %mul3A_747 = arith.mulf %gather3A_644, %unpack3A_736 : vector<16xf32>
      %add3A_748 = arith.addf %add3A_746, %mul3A_747 : vector<16xf32>
      %mul3A_749 = arith.mulf %gather3A_645, %unpack3A_742 : vector<16xf32>
      %add3A_750 = arith.addf %add3A_748, %mul3A_749 : vector<16xf32>
      %mul3A_751 = arith.mulf %gather3A, %unpack3A_725 : vector<16xf32>
      %mul3A_752 = arith.mulf %gather3A_643, %unpack3A_731 : vector<16xf32>
      %add3A_753 = arith.addf %mul3A_751, %mul3A_752 : vector<16xf32>
      %mul3A_754 = arith.mulf %gather3A_644, %unpack3A_737 : vector<16xf32>
      %add3A_755 = arith.addf %add3A_753, %mul3A_754 : vector<16xf32>
      %mul3A_756 = arith.mulf %gather3A_645, %unpack3A_743 : vector<16xf32>
      %add3A_757 = arith.addf %add3A_755, %mul3A_756 : vector<16xf32>
      tpu.vector_store_idx %arg23[%add3A_58, %add3A_642], %add3A_750 : memref<96x128xf32, #tpu.memory_space<vmem>>[vector<16xi32>, vector<16xi32>], vector<16xf32>,
      tpu.vector_store_idx %arg23[%add3A_85, %add3A_642], %add3A_757 : memref<96x128xf32, #tpu.memory_space<vmem>>[vector<16xi32>, vector<16xi32>], vector<16xf32>,
    }
    %scan3A_568 = arith.constant 128 : i32
    %add3A_569 = arith.constant 48 : i32
    %add3A_570 = arith.addi %add3A_39, %add3A_569 : i32
    %add3A_571 = arith.constant 0 : i32
    %add3A_572 = vector.broadcast %add3A_571 : i32 to vector<16xi32>
    %add3A_573 = arith.addi %add3A_572, %iota3A : vector<16xi32>
    %mul3A_574 = arith.constant 392 : i32
    %mul3A_575 = vector.broadcast %mul3A_574 : i32 to vector<16xi32>
    %mul3A_576 = arith.muli %add3A_573, %mul3A_575 : vector<16xi32>
    %add3A_577 = vector.broadcast %add3A_570 : i32 to vector<16xi32>
    %add3A_578 = arith.addi %add3A_577, %mul3A_576 : vector<16xi32>
    %swap3A_579 = arith.constant 0 : index
    %swap3A_580 = tpu.vector_load %arg24[%swap3A_579] {strides = array<i32>} : memref<96xi32, #tpu.memory_space<vmem>>, vector<16xi32>,
    tpu.vector_store %arg24[%swap3A_579], %add3A_578 {strides = array<i32>} : memref<96xi32, #tpu.memory_space<vmem>>, vector<16xi32>,
    %add3A_581 = arith.constant 16 : i32
    %add3A_582 = vector.broadcast %add3A_581 : i32 to vector<16xi32>
    %add3A_583 = arith.addi %add3A_582, %iota3A : vector<16xi32>
    %mul3A_584 = arith.constant 392 : i32
    %mul3A_585 = vector.broadcast %mul3A_584 : i32 to vector<16xi32>
    %mul3A_586 = arith.muli %add3A_583, %mul3A_585 : vector<16xi32>
    %add3A_587 = vector.broadcast %add3A_570 : i32 to vector<16xi32>
    %add3A_588 = arith.addi %add3A_587, %mul3A_586 : vector<16xi32>
    %swap3A_589 = arith.constant 16 : index
    %swap3A_590 = tpu.vector_load %arg24[%swap3A_589] {strides = array<i32>} : memref<96xi32, #tpu.memory_space<vmem>>, vector<16xi32>,
    tpu.vector_store %arg24[%swap3A_589], %add3A_588 {strides = array<i32>} : memref<96xi32, #tpu.memory_space<vmem>>, vector<16xi32>,
    %add3A_591 = arith.constant 32 : i32
    %add3A_592 = vector.broadcast %add3A_591 : i32 to vector<16xi32>
    %add3A_593 = arith.addi %add3A_592, %iota3A : vector<16xi32>
    %mul3A_594 = arith.constant 392 : i32
    %mul3A_595 = vector.broadcast %mul3A_594 : i32 to vector<16xi32>
    %mul3A_596 = arith.muli %add3A_593, %mul3A_595 : vector<16xi32>
    %add3A_597 = vector.broadcast %add3A_570 : i32 to vector<16xi32>
    %add3A_598 = arith.addi %add3A_597, %mul3A_596 : vector<16xi32>
    %swap3A_599 = arith.constant 32 : index
    %swap3A_600 = tpu.vector_load %arg24[%swap3A_599] {strides = array<i32>} : memref<96xi32, #tpu.memory_space<vmem>>, vector<16xi32>,
    tpu.vector_store %arg24[%swap3A_599], %add3A_598 {strides = array<i32>} : memref<96xi32, #tpu.memory_space<vmem>>, vector<16xi32>,
    %add3A_601 = arith.constant 48 : i32
    %add3A_602 = vector.broadcast %add3A_601 : i32 to vector<16xi32>
    %add3A_603 = arith.addi %add3A_602, %iota3A : vector<16xi32>
    %mul3A_604 = arith.constant 392 : i32
    %mul3A_605 = vector.broadcast %mul3A_604 : i32 to vector<16xi32>
    %mul3A_606 = arith.muli %add3A_603, %mul3A_605 : vector<16xi32>
    %add3A_607 = vector.broadcast %add3A_570 : i32 to vector<16xi32>
    %add3A_608 = arith.addi %add3A_607, %mul3A_606 : vector<16xi32>
    %swap3A_609 = arith.constant 48 : index
    %swap3A_610 = tpu.vector_load %arg24[%swap3A_609] {strides = array<i32>} : memref<96xi32, #tpu.memory_space<vmem>>, vector<16xi32>,
    tpu.vector_store %arg24[%swap3A_609], %add3A_608 {strides = array<i32>} : memref<96xi32, #tpu.memory_space<vmem>>, vector<16xi32>,
    %add3A_611 = arith.constant 64 : i32
    %add3A_612 = vector.broadcast %add3A_611 : i32 to vector<16xi32>
    %add3A_613 = arith.addi %add3A_612, %iota3A : vector<16xi32>
    %mul3A_614 = arith.constant 392 : i32
    %mul3A_615 = vector.broadcast %mul3A_614 : i32 to vector<16xi32>
    %mul3A_616 = arith.muli %add3A_613, %mul3A_615 : vector<16xi32>
    %add3A_617 = vector.broadcast %add3A_570 : i32 to vector<16xi32>
    %add3A_618 = arith.addi %add3A_617, %mul3A_616 : vector<16xi32>
    %swap3A_619 = arith.constant 64 : index
    %swap3A_620 = tpu.vector_load %arg24[%swap3A_619] {strides = array<i32>} : memref<96xi32, #tpu.memory_space<vmem>>, vector<16xi32>,
    tpu.vector_store %arg24[%swap3A_619], %add3A_618 {strides = array<i32>} : memref<96xi32, #tpu.memory_space<vmem>>, vector<16xi32>,
    %add3A_621 = arith.constant 80 : i32
    %add3A_622 = vector.broadcast %add3A_621 : i32 to vector<16xi32>
    %add3A_623 = arith.addi %add3A_622, %iota3A : vector<16xi32>
    %mul3A_624 = arith.constant 392 : i32
    %mul3A_625 = vector.broadcast %mul3A_624 : i32 to vector<16xi32>
    %mul3A_626 = arith.muli %add3A_623, %mul3A_625 : vector<16xi32>
    %add3A_627 = vector.broadcast %add3A_570 : i32 to vector<16xi32>
    %add3A_628 = arith.addi %add3A_627, %mul3A_626 : vector<16xi32>
    %swap3A_629 = arith.constant 80 : index
    %swap3A_630 = tpu.vector_load %arg24[%swap3A_629] {strides = array<i32>} : memref<96xi32, #tpu.memory_space<vmem>>, vector<16xi32>,
    tpu.vector_store %arg24[%swap3A_629], %add3A_628 {strides = array<i32>} : memref<96xi32, #tpu.memory_space<vmem>>, vector<16xi32>,
    %dma_start3A_631 = arith.constant 0 : i32
    %dma_start3A_632 = arith.constant 0 : i32
    %dma_start3A_633 = tpu.memref_slice %arg4[%dma_start3A_631, %dma_start3A_632] : memref<150528x128xf32, #tpu.memory_space<hbm>> -> memref<150528x128xf32, #tpu.memory_space<hbm>>
    tpu.enqueue_indirect_dma source(%arg23 : memref<96x128xf32, #tpu.memory_space<vmem>>) target(%dma_start3A_633 : memref<150528x128xf32, #tpu.memory_space<hbm>>) offsets(%arg24 : memref<96xi32, #tpu.memory_space<vmem>>) semaphore(%arg27 : memref<!tpu.dma_semaphore, #tpu.memory_space<semaphore_mem>>)
    %dma_wait3A_634 = arith.constant 0 : i32
    %dma_wait3A_635 = arith.constant 0 : i32
    %dma_wait3A_636 = tpu.memref_slice %arg4[%dma_wait3A_634, %dma_wait3A_635] : memref<150528x128xf32, #tpu.memory_space<hbm>> -> memref<96x128xf32, #tpu.memory_space<hbm>>
    %dma_wait3A_637 = arith.constant 0 : i32
    %dma_wait3A_638 = arith.constant 0 : i32
    %dma_wait3A_639 = tpu.memref_slice %arg4[%dma_wait3A_637, %dma_wait3A_638] : memref<150528x128xf32, #tpu.memory_space<hbm>> -> memref<96x128xf32, #tpu.memory_space<hbm>>
    tpu.wait_dma2 semaphore(%arg27 : memref<!tpu.dma_semaphore, #tpu.memory_space<semaphore_mem>>) src(%dma_wait3A_639 : memref<96x128xf32, #tpu.memory_space<hbm>>) dst(%arg23 : memref<96x128xf32, #tpu.memory_space<vmem>>)
    return
  }
}

</mosaic_0001>

<sc_bundles>
// kernel: kernel.3.cloned.1.call-start
scs
__scs_entry_jumppad:
0x0: {  	(pc) =	sbr.rel $0x88, $3  }
0x1: {  	(tag) =	ssettag $0x0;
	lr =	simm.s32 $0x1  }
0x2: {  	[smem:$0x3F9F] =	sst lr;
	_ =	strace $0xD0000000  }
0x3: {  	_ = 	snop  }
0x4: {  	_ = 	snop  }
0x5: {  	_ = 	snop  }
0x6: {  	_ = 	snop  }
0x7: {  	_ = 	snop  }
__scs_overlays_trampoline_lowered:
0x8: {  	[smem:$0x3FAE] =	sst s0  }
0x9: {  	[smem:$0x3FAF] =	sst s1  }
0xa: {  	[smem:$0x3FB0] =	sst s2  }
0xb: {  	[smem:$0x3FB1] =	sst s3  }
0xc: {  	[smem:$0x3FB2] =	sst s4  }
0xd: {  	[smem:$0x3FB3] =	sst s5  }
0xe: {  	[smem:$0x3FB4] =	sst s6  }
0xf: {  	[smem:$0x3FB5] =	sst s7  }
0x10: {  	[smem:$0x3FB6] =	sst s8  }
0x11: {  	[smem:$0x3FB7] =	sst s9;
	s0 =	simm.s32 @!p0 $0x0  }
0x12: {  	s1 =	sld [smem:$0x3F9D];
	s0 =	simm.s32 @p0 $0x1  }
0x13: {  	[smem:$0x3FB8] =	sst s0;
	s0 =	simm.s32 @!p1 $0x0  }
0x14: {  	s2 =	sld [smem:$0x3F9C];
	s0 =	simm.s32 @p1 $0x1  }
0x15: {  	[smem:$0x3FB9] =	sst s0;
	s0 =	simm.s32 @!p2 $0x0  }
0x16: {  	s3 =	sld [smem:$0x3FDB];
	s0 =	simm.s32 @p2 $0x1  }
0x17: {  	s4 =	simm.s32 $0x1BF5;
	[smem:$0x3FBB] =	sst s0  }
0x18: {  	s0 =	sld [smem:$0x3F9E];
	_ =	swait.ge [sflag:s4], $0x0  }
0x19: {  	s7 =	sld [smem:$0x3F9F]  }
0x1a: {  	s8 =	sadd.s32 $0xFFFFE003, lr  }
0x1b: {  	s9 =	sadd.s32 $0xFFFFFEF7, lr;
	s5 =	simm.s32 $0xFFFFFFFF;
	p2 =	slt.u32 s8, $0xFFFFF086  }
0x1c: {  	p1 =	slt.u32 s9, $0xF7A;
	s5 =	simm.s32 @!p2 $0x0  }
0x1d: {  	s5 =	simm.s32 @p1 $0x1;
	p0 =	seq.s32 s7, s2  }
0x1e: {  	s7 =	smul.u32 @!p0 $0xF7A, s2;
	p2 =	seq.s32 @!p0 s5, $0x0  }
0x1f: {  	s9 =	smul.u32 $0xF7A, s1;
	s8 =	simm.s32 @!p0 $0x1BF5;
	p2 =	por !p2, p0  }
0x20: {  	[sflag:s8] =	ssyncset.s32 @!p0 $0xFFFFF086;
	s6 =	sadd.s32 @!p0 s3, s7;
	s7 =	simm.s32 @!p0 $0x108  }
0x21: {  	s3 =	sadd.s32 s3, s9;
	s6 =	sadd.s32 @!p0 $0x88, s6;
	s7 =	simm.s32 @p2 $0x1082  }
0x22: {  	[simem:s7], [sflag:s8] =	dma.local @!p0 [hbm:s6], $0xF7A  }
0x23: {  	s9 =	sor.u32 $0xD0000000, s2;
	s6 =	simm.s32 $0x108;
	_ =	swait.ge @!p0 [sflag:s8], $0x0  }
0x24: {  	s3 =	sadd.s32 $0x88, s3;
	s6 =	simm.s32 @!p1 $0x1082;
	[sflag:s4] =	ssyncset.s32 $0xFFFFF086  }
0x25: {  	[simem:s6], [sflag:s4] =	dma.local [hbm:s3], $0xF7A  }
0x26: {  	[smem:$0x3F9F] =	sst s1;
	(tag) =	ssettag s2;
	_ =	strace s9  }
0x27: {  	s1 =	sld [smem:$0x3FAF]  }
0x28: {  	s2 =	sld [smem:$0x3FB0]  }
0x29: {  	s4 =	sld [smem:$0x3FB2]  }
0x2a: {  	p0 =	seq.s32 s5, $0x0;
	s5 =	sld [smem:$0x3FB3]  }
0x2b: {  	s6 =	sld [smem:$0x3FB4]  }
0x2c: {  	s7 =	sld [smem:$0x3FB5]  }
0x2d: {  	s3 =	simm.s32 $0x108;
	s8 =	sld [smem:$0x3FB6]  }
0x2e: {  	s3 =	simm.s32 @!p0 $0x1082;
	s9 =	sld [smem:$0x3FB7]  }
0x2f: {  	lr =	sadd.s32 s0, s3;
	s0 =	sld [smem:$0x3FAE]  }
0x30: {  	s3 =	sld [smem:$0x3FB1]  }
0x31: {  	[smem:$0x3FBA] =	sst s10  }
0x32: {  	s10 =	sld [smem:$0x3FB8];
	_ =	sdelay $0x3  }
0x33: {  	p0 =	seq.s32 s10, $0x1;
	s10 =	sld [smem:$0x3FBA];
	_ =	sdelay $0x3  }
0x34: {  	[smem:$0x3FBA] =	sst s10  }
0x35: {  	s10 =	sld [smem:$0x3FB9];
	_ =	sdelay $0x3  }
0x36: {  	p1 =	seq.s32 s10, $0x1;
	s10 =	sld [smem:$0x3FBA];
	_ =	sdelay $0x3  }
0x37: {  	[smem:$0x3FBA] =	sst s10  }
0x38: {  	s10 =	sld [smem:$0x3FBB]  }
0x39: {  	_ = 	snop;
	(pc) =	sbr.ind lr, $3  }
0x3a: {  	_ = 	snop  }
0x3b: {  	_ = 	snop  }
0x3c: {  	p2 =	seq.s32 s10, $0x1;
	s10 =	sld [smem:$0x3FBA]  }
0x3d: {  	_ =	shalt  }
0x3e: {  	_ =	shalt  }
0x3f: {  	_ =	shalt  }
0x40: {  	_ =	shalt  }
0x41: {  	_ =	shalt  }
0x42: {  	_ =	shalt  }
0x43: {  	_ =	shalt  }
0x44: {  	_ =	shalt  }
0x45: {  	_ =	shalt  }
0x46: {  	_ =	shalt  }
0x47: {  	_ =	shalt  }
0x48: {  	_ =	shalt  }
0x49: {  	_ =	shalt  }
0x4a: {  	_ =	shalt  }
0x4b: {  	_ =	shalt  }
0x4c: {  	_ =	shalt  }
0x4d: {  	_ =	shalt  }
0x4e: {  	_ =	shalt  }
0x4f: {  	_ =	shalt  }
0x50: {  	_ =	shalt  }
0x51: {  	_ =	shalt  }
0x52: {  	_ =	shalt  }
0x53: {  	_ =	shalt  }
0x54: {  	_ =	shalt  }
0x55: {  	_ =	shalt  }
0x56: {  	_ =	shalt  }
0x57: {  	_ =	shalt  }
0x58: {  	_ =	shalt  }
0x59: {  	_ =	shalt  }
0x5a: {  	_ =	shalt  }
0x5b: {  	_ =	shalt  }
0x5c: {  	_ =	shalt  }
0x5d: {  	_ =	shalt  }
0x5e: {  	_ =	shalt  }
0x5f: {  	_ =	shalt  }
0x60: {  	_ =	shalt  }
0x61: {  	_ =	shalt  }
0x62: {  	_ =	shalt  }
0x63: {  	_ =	shalt  }
0x64: {  	_ =	shalt  }
0x65: {  	_ =	shalt  }
0x66: {  	_ =	shalt  }
0x67: {  	_ =	shalt  }
0x68: {  	_ =	shalt  }
0x69: {  	_ =	shalt  }
0x6a: {  	_ =	shalt  }
0x6b: {  	_ =	shalt  }
0x6c: {  	_ =	shalt  }
0x6d: {  	_ =	shalt  }
0x6e: {  	_ =	shalt  }
0x6f: {  	_ =	shalt  }
0x70: {  	_ =	shalt  }
0x71: {  	_ =	shalt  }
0x72: {  	_ =	shalt  }
0x73: {  	_ =	shalt  }
0x74: {  	_ =	shalt  }
0x75: {  	_ =	shalt  }
0x76: {  	_ =	shalt  }
0x77: {  	_ =	shalt  }
0x78: {  	_ =	shalt  }
0x79: {  	_ =	shalt  }
0x7a: {  	_ =	shalt  }
0x7b: {  	_ =	shalt  }
0x7c: {  	_ =	shalt  }
0x7d: {  	_ =	shalt  }
0x7e: {  	_ =	shalt  }
0x7f: {  	_ =	shalt  }
0x80: {  	_ =	shalt  }
0x81: {  	_ =	shalt  }
0x82: {  	_ =	shalt  }
0x83: {  	_ =	shalt  }
0x84: {  	_ =	shalt  }
0x85: {  	_ =	shalt  }
0x86: {  	_ =	shalt  }
0x87: {  	_ =	shalt  }
.Lfunc_end0:
.L_simem_size_0:
called_computation.2_lowered:
.L_overlay_start_0:
0x88: {  	s2 =	sld [smem:$0x3FD9]  }
0x89: {  	s3 =	sld [smem:$0x3FFE];
	_ =	sdelay $0x1  }
0x8a: {  	s1 =	srdreg.scid  }
0x8b: {  	s0 =	sand.u32 $0x1, s1  }
0x8c: {  	s17 =	sshll.u32 s0, $0xA;
	s2 =	sadd.s32 s3, s2  }
0x8d: {  	s2 =	sadd.s32 s2, s17  }
0x8e: {  	[smem:$0x3FC6] =	sst s2  }
0x8f: {  	_ = 	snop  }
0x90: {  	s2 =	sld [smem:$0x3FD0];
	(tm) =	ssettm $0x1  }
0x91: {  	s18 =	sld [smem:$0x3FFB];
	_ =	sdelay $0x3  }
0x92: {  	_ =	strace s18  }
0x93: {  	s3 =	sld [smem:$0x3FFC];
	_ =	sdelay $0x3  }
0x94: {  	_ =	strace s3  }
0x95: {  	s3 =	sld [smem:$0x3FFD];
	_ =	sdelay $0x3  }
0x96: {  	_ =	strace s3  }
0x97: {  	_ =	strace $0x8FFFFFFF  }
0x98: {  	s19 =	sld [smem:$0x3FDB];
	_ =	sdelay $0x1  }
0x99: {  	s4 =	simm.s32 $_scs_section_size  }
0x9a: {  	s5 =	simm.s32 $_size__tile_overlayer_lowered;
	s6 =	simm.s32 $_tile_overlayer_lowered  }
0x9b: {  	s22 =	simm.s32 $0x1BFF;
	s21 =	sshll.u32 s6, $0x1;
	s3 =	sadd.s32 s4, s19  }
0x9c: {  	s7 =	simm.s32 $0x0;
	s20 =	sshll.u32 s5, $0x1;
	s5 =	sadd.s32 s21, s3  }
0x9d: {  	[timem:s7], [sflag:s22] =	dma.local [hbm:s5], s20  }
0x9e: {  	_ =	swait.ge [sflag:s22], s20  }
0x9f: {  	s4 =	ssub.s32 $0x0, s20;
	[sflag:s22] =	ssyncset.done $0x0  }
0xa0: {  	[sflag:s22] =	ssyncadd.s32 s4;
	_ =	sdelay $0x1  }
0xa1: {  	s23 =	simm.s32 $0x1B8B  }
0xa2: {  	_ =	swait.ge [sflag:s23], $0x1  }
0xa3: {  	[sflag:s23] =	ssyncset.done $0x0  }
0xa4: {  	s25 =	simm.s32 $0x1B8E;
	s24 =	sld [smem:$0x3FFE];
	[sflag:s23] =	ssyncadd.s32 $0xFFFFFFFF  }
0xa5: {  	s26 =	simm.s32 $execute0_lowered;
	[smem:$0x3FD2] =	sst s25  }
0xa6: {  	s5 =	sshll.u32 s26, $0x1;
	_ =	strace $0x8000004C;
	[dreg:$0x1] =	wrdreg $0xFFFFFFFF  }
0xa7: {  	s28 =	simm.s32 $_size_execute0_lowered;
	s3 =	sadd.s32 s3, s5;
	[dreg:$0x0] =	wrdreg $0x0  }
0xa8: {  	s5 =	sshll.u32 s28, $0x1;
	[dreg:$0x2] =	wrdreg s3  }
0xa9: {  	[dreg:$0x3] =	wrdreg s5  }
0xaa: {  	[dreg:$0x4] =	wrdreg $0xC0  }
0xab: {  	_ =	task [dreg:s7], $0x5FFFF  }
0xac: {  	[dreg:$0x1] =	wrdreg $0xFFFFFFFF  }
0xad: {  	[dreg:$0x0] =	wrdreg $0x60  }
0xae: {  	[dreg:$0x2] =	wrdreg s24  }
0xaf: {  	[dreg:$0x3] =	wrdreg s2  }
0xb0: {  	[dreg:$0x4] =	wrdreg $0x9  }
0xb1: {  	_ =	task.clear_ibuf [dreg:s7], $0x5FFFF;
	_ =	strace $0x9000004C  }
0xb2: {  	s29 =	simm.s32 $0x9;
	_ =	strace $0x8000004E  }
0xb3: {  	_ =	swait.ge [sflag:s29], $0x1  }
0xb4: {  	[sflag:s29] =	ssyncadd.s32 $0xFFFFFFFF  }
0xb5: {  	_ =	strace $0x9000004E  }
0xb6: {  	_ =	sfence  }
0xb7: {  	s30 =	sld [smem:$0x0];
	_ =	sdelay $0x2  }
0xb8: {  	s31 =	sshll.u32 s1, $0xD;
	s1 =	sshrl.u32 s1, $0x2  }
0xb9: {  	s3 =	sand.u32 $0x4000, s31;
	s1 =	sadd.s32 s1, s30  }
0xba: {  	s0 =	sor.u32 s3, s0;
	s1 =	sshll.u32 s1, $0x11  }
0xbb: {  	s0 =	sor.u32 s1, s0  }
0xbc: {  	s0 =	sadd.s32 $0x8F2B, s0  }
0xbd: {  	[sflag:s0] =	ssyncadd.remote.s32 $0x1  }
0xbe: {  	_ =	sfence.sel $0xFFFF  }
0xbf: {  	[dreg:$0x0] =	wrdreg $0xFFFFFFFF;
	(pc) =	sbr.abs _section_cstart, $3  }
0xc0: {  	[dreg:$0x1] =	wrdreg $0xFFFFFFFF  }
0xc1: {  	_ =	task.clear_ibuf [dreg:s7], $0x2FFFF;
	_ =	strace $0x9FFFFFFF  }
0xc2: {  	(tm) =	ssettm $0x7FFFFFFF  }
0xc3: {  	_ =	shalt  }
tec
execute0_lowered:
.L_overlay_start_1:
0x0: {  	(tag) =	ssettag $0x1  }
0x1: {  	s0 =	srdreg.scid;
	s4 =	rddreg [dreg:$0x0]  }
0x2: {  	s2 =	stileid.u32;
	s7 =	rddreg [dreg:$0x1]  }
0x3: {  	s3 =	simm.s32 $0x1;
	s5 =	simm.s32 $0x0;
	s19 =	simm.s32 $0xB480  }
0x4: {  	s20 =	simm.s32 $0xF700;
	s21 =	simm.s32 $0x3200;
	s22 =	simm.s32 $0x3280  }
0x5: {  	s23 =	simm.s32 $0x3300;
	s24 =	simm.s32 $0x3380;
	s0 =	sand.u32 $0x1, s0  }
0x6: {  	s25 =	simm.s32 $0x13700;
	s26 =	simm.s32 $0x60;
	s1 =	sshll.u32 s0, $0x4  }
0x7: {  	s28 =	simm.s32 $0x16700;
	s1 =	sor.u32 s2, s1;
	s2 =	sand.u32 $0x7, s2  }
0x8: {  	s29 =	simm.s32 $0x2;
	p0 =	seq.s32 s1, $0x0;
	p1 =	sne.s32 s2, $0x0  }
0x9: {  	s30 =	simm.s32 $0x3;
	s31 =	simm.s32 $0xB500;
	p0 =	por !p1, !p0  }
0xa: {  	s11 =	simm.s32 $0xB680;
	s0 =	ssub.s32 $0x2, s0;
	p0 =	por !p0, !p0  }
0xb: {  	s1 =	sshrl.u32 s1, $0x3;
	s6 =	smul.u32 $0x1880, s2;
	s3 =	simm.s32 @!p0 $0x0  }
0xc: {  	s8 =	sshrl.u32 s0, $0x1;
	s2 =	smul.u32 $0x31, s2;
	s1 =	ssub.s32 s1, s3  }
0xd: {  	[smem:$0x7FF] =	sst s5;
	s0 =	ssub.s32 s0, s8;
	s12 =	smul.u32 $0x18800, s1  }
0xe: {  	s5 =	simm.s32 $0x1;
	s0 =	smax.u32 s0, $0x1;
	s9 =	smul.u32 $0x9300, s1  }
0xf: {  	_ =	strace $0x8000004D;
	[dreg:$0x5] =	wrdreg s0;
	s1 =	smul.u32 $0xC500, s1  }
0x10: {  	v0 =	vlaneseq.u32;
	s0 =	simm.s32 $0xB600;
	s3 =	sadd.s32 $0xC00, s4;
	s4 =	sadd.s32 $0x314C00, s4  }
0x11: {  	v1 =	vmul.u32 $0x188, v0;
	s13 =	sadd.s32 s6, s12;
	s6 =	sadd.s32 s2, s9;
	s17 =	sadd.s32 $0xC3FF, s1  }
0x12: {  	s12 =	simm.s32 $0x80;
	v2 =	vmov s1;
	s1 =	simm.s32 $0xB580;
	s10 =	sadd.s32 $0xC400, s13  }
0x13: {  	v4 =	vadd.s32 $0x1880, v1;
	v5 =	vadd.s32 $0x3100, v1;
	v9 =	vadd.s32 $0x4980, v1;
	s14 =	sshrl.u32 s13, $0x3;
	s18 =	sadd.s32 $0x30, s6;
	s13 =	simm.s32 $0x3100  }
0x14: {  	v10 =	vadd.s32 $0x6200, v1;
	v11 =	vadd.s32 $0x7A80, v1;
	v3 =	vmov s17;
	s15 =	sshrl.u32 s10, $0x3;
	s2 =	sadd.s32 s7, s14;
	s14 =	simm.s32 $0x3400  }
0x15: {  	v6 =	vadd.s32 s18, v1;
	v7 =	vadd.s32 s18, v4;
	v8 =	vadd.s32 s18, v5;
	[dreg:$0x3] =	wrdreg s2;
	s16 =	sadd.s32 s7, s15;
	s15 =	simm.s32 $0x3180  }
0x16: {  	v12 =	vadd.s32 s18, v9;
	v13 =	vadd.s32 s18, v10;
	v14 =	vadd.s32 s18, v11;
	s7 =	simm.s32 $0x0;
	[dreg:$0x4] =	wrdreg s16;
	s16 =	simm.s32 $0x7400  }
.LBB2_1:
0x17: {  	[dreg:$0x6] =	wrdreg s7  }
0x18: {  	s2 =	simm.s32 $0x0;
	s17 =	rddreg [dreg:$0x3];
	s8 =	simm.s32 $0x4  }
0x19: {  	[tilespmem:s2], [sflag:$0x4] =	stream.linear.gather [hbm4b:s17+s2], $0x1880, $0x38;
	[tilespmem:$0x16780] =	vst v63  }
0x1a: {  	_ =	swait.ge [sflag:s8], $0x1880  }
0x1b: {  	[sflag:s8] =	ssyncset.done $0x0  }
0x1c: {  	s9 =	simm.s32 $0x1880;
	s18 =	rddreg [dreg:$0x4];
	[sflag:s8] =	ssyncadd.s32 $0xFFFFE780  }
0x1d: {  	[tilespmem:s9], [sflag:$0x4] =	stream.linear.gather [hbm4b:s18+s2], $0x1880, $0x38;
	[tilespmem:$0x16780] =	vst v63  }
0x1e: {  	_ =	swait.ge [sflag:s8], $0x1880  }
0x1f: {  	[sflag:s8] =	ssyncset.done $0x0  }
0x20: {  	[sflag:s8] =	ssyncadd.s32 $0xFFFFE780  }
0x21: {  	v15 =	vld [tilespmem:$0x0]  }
0x22: {  	v16 =	vld [tilespmem:$0x1880]  }
0x23: {  	v19 =	vld [tilespmem:$0x10]  }
0x24: {  	v22 =	vld [tilespmem:$0x1890]  }
0x25: {  	v23 =	vld [tilespmem:$0x20]  }
0x26: {  	v27 =	vld [tilespmem:$0x18A0]  }
0x27: {  	v30 =	vld [tilespmem:$0x30];
	_ =	sdelay $0x1  }
0x28: {  	v15 =	vmul.f32 $2.230000000e+02, v15  }
0x29: {  	v16 =	vmul.f32 $2.230000000e+02, v16;
	v19 =	vmul.f32 $2.230000000e+02, v19  }
0x2a: {  	v22 =	vmul.f32 $2.230000000e+02, v22;
	v23 =	vmul.f32 $2.230000000e+02, v23  }
0x2b: {  	v56 =	vmul.f32 $2.230000000e+02, v27;
	v59 =	vmul.f32 $2.230000000e+02, v30  }
0x2c: {  	v17 =	vtrunc.f32 v15;
	v18 =	vtrunc.f32 v16  }
0x2d: {  	v25 =	vtrunc.f32 v19;
	v26 =	vtrunc.f32 v22  }
0x2e: {  	v36 =	vld [tilespmem:$0x40];
	v57 =	vtrunc.f32 v23;
	v32 =	vtrunc.f32 v56  }
0x2f: {  	v61 =	vtrunc.f32 v59;
	v17 =	vcvt.f32.s32 v17  }
0x30: {  	v18 =	vcvt.f32.s32 v18;
	v25 =	vcvt.f32.s32 v25  }
0x31: {  	v26 =	vcvt.f32.s32 v26;
	v27 =	vcvt.f32.s32 v57  }
0x32: {  	v32 =	vcvt.f32.s32 v32;
	v40 =	vcvt.f32.s32 v61  }
0x33: {  	v57 =	vmul.f32 $2.230000000e+02, v36;
	v20 =	vcvt.s32.f32 v17  }
0x34: {  	v54 =	vld [tilespmem:$0x18B0];
	v21 =	vcvt.s32.f32 v18;
	v18 =	vmul.u32 $0xE0, v18;
	v17 =	vadd.s32 v17, v2  }
0x35: {  	v48 =	vld [tilespmem:$0x18C0];
	v52 =	vcvt.s32.f32 v25;
	v29 =	vcvt.s32.f32 v26;
	v26 =	vmul.u32 $0xE0, v26  }
0x36: {  	v25 =	vadd.s32 v25, v2;
	v33 =	vcvt.s32.f32 v27;
	v35 =	vcvt.s32.f32 v32  }
0x37: {  	v44 =	vcvt.s32.f32 v40;
	v51 =	vmul.u32 $0xE0, v32;
	v15 =	vsub.f32 v15, v20  }
0x38: {  	v16 =	vsub.f32 v16, v21;
	v17 =	vadd.s32 v18, v17;
	v53 =	vsub.f32 v19, v52  }
0x39: {  	v55 =	vsub.f32 v22, v29;
	v25 =	vadd.s32 v26, v25;
	v18 =	vmul.f32 $2.230000000e+02, v54  }
0x3a: {  	v23 =	vsub.f32 v23, v33;
	v63 =	vsub.f32 v56, v35;
	v29 =	vmul.f32 $2.230000000e+02, v48  }
0x3b: {  	v28 =	vadd.s32 $0x1, v17;
	v34 =	vadd.s32 $0x1, v25;
	v20 =	vsub.f32 $1.000000000e+00, v15  }
0x3c: {  	[tilespmem:$0x3100] =	vst v17;
	v21 =	vsub.f32 $1.000000000e+00, v16;
	vm0 =	vlt.s32 v28, v3;
	v62 =	vtrunc.f32 v18  }
0x3d: {  	[tilespmem:$0x3110] =	vst v25;
	vm9 =	vlt.s32 v34, v3;
	v56 =	vmul.f32 v63, v23;
	v28 =	vsel vm0, v28, v3  }
0x3e: {  	v36 =	vtrunc.f32 v29;
	v41 =	vcvt.f32.s32 v62;
	v47 =	vsel vm9, v34, v3;
	[tilespmem:$0x3180] =	vst v28  }
0x3f: {  	v58 =	vsub.f32 $1.000000000e+00, v53;
	v62 =	vtrunc.f32 v57;
	v24 =	vmul.f32 v21, v20;
	[tilespmem:$0x3190] =	vst v47  }
0x40: {  	v31 =	vsub.f32 $1.000000000e+00, v55;
	v37 =	vcvt.f32.s32 v36;
	v21 =	vmul.f32 v21, v15;
	[tilespmem:$0x33A0] =	vst v56  }
0x41: {  	v26 =	vsub.f32 v59, v44;
	v20 =	vmul.f32 v16, v20;
	v15 =	vmul.f32 v16, v15;
	[tilespmem:$0x3200] =	vst v24  }
0x42: {  	v43 =	vsub.f32 $1.000000000e+00, v23;
	v60 =	vmul.f32 v31, v58;
	v42 =	vmul.f32 v31, v53;
	[tilespmem:$0x3280] =	vst v21  }
0x43: {  	v52 =	vadd.s32 v27, v2;
	v46 =	vmul.f32 v55, v58;
	v16 =	vmul.f32 v55, v53;
	v55 =	vld [tilespmem:$0x50];
	[tilespmem:$0x3300] =	vst v20  }
0x44: {  	v50 =	vmul.f32 v63, v43;
	v53 =	vsub.f32 $1.000000000e+00, v26;
	v58 =	vld [tilespmem:$0x18D0];
	v45 =	vcvt.s32.f32 v41;
	[tilespmem:$0x3380] =	vst v15  }
0x45: {  	v56 =	vmul.u32 $0xE0, v37;
	v15 =	vsub.f32 $1.000000000e+00, v63;
	[tilespmem:$0x3210] =	vst v60;
	v20 =	vadd.s32 v51, v52  }
0x46: {  	[tilespmem:$0x3290] =	vst v42;
	v63 =	vcvt.f32.s32 v62;
	v24 =	vmul.u32 $0xE0, v41;
	v18 =	vsub.f32 v18, v45  }
0x47: {  	[tilespmem:$0x3310] =	vst v46;
	v59 =	vadd.s32 $0x1, v20;
	v49 =	vmul.f32 v15, v43;
	v15 =	vmul.f32 v15, v23  }
0x48: {  	[tilespmem:$0x3390] =	vst v16;
	vm10 =	vlt.s32 v59, v3;
	v39 =	vcvt.s32.f32 v63;
	v19 =	vadd.s32 v63, v2  }
0x49: {  	[tilespmem:$0x3320] =	vst v50;
	v52 =	vld [tilespmem:$0x18E0];
	v54 =	vsub.f32 $1.000000000e+00, v18;
	v38 =	vmul.f32 $2.230000000e+02, v55;
	v23 =	vmul.f32 $2.230000000e+02, v58  }
0x4a: {  	[tilespmem:$0x3120] =	vst v20;
	v16 =	vsel vm10, v59, v3;
	v47 =	vmul.f32 v18, v53;
	v18 =	vmul.f32 v18, v26  }
0x4b: {  	v19 =	vadd.s32 v56, v19;
	[tilespmem:$0x32A0] =	vst v15;
	v15 =	vadd.s32 v40, v2;
	v40 =	vcvt.s32.f32 v37  }
0x4c: {  	[tilespmem:$0x3220] =	vst v49;
	v44 =	vsub.f32 v57, v39;
	v60 =	vmul.f32 v54, v53;
	v61 =	vmul.f32 v54, v26  }
0x4d: {  	[tilespmem:$0x31A0] =	vst v16;
	v15 =	vadd.s32 v24, v15;
	v41 =	vtrunc.f32 v38;
	v43 =	vtrunc.f32 v23  }
0x4e: {  	[tilespmem:$0x3140] =	vst v19;
	v59 =	vmul.f32 $2.230000000e+02, v52;
	v42 =	vadd.s32 $0x1, v15;
	v30 =	vcvt.f32.s32 v41  }
0x4f: {  	v49 =	vld [tilespmem:$0x60];
	[tilespmem:$0x3330] =	vst v47;
	v45 =	vsub.f32 v29, v40;
	v46 =	vcvt.f32.s32 v43;
	v50 =	vsub.f32 $1.000000000e+00, v44  }
0x50: {  	vm11 =	vlt.s32 v42, v3;
	[tilespmem:$0x32B0] =	vst v61;
	v61 =	vadd.s32 $0x1, v19;
	v35 =	vtrunc.f32 v59  }
0x51: {  	[tilespmem:$0x33B0] =	vst v18;
	v48 =	vcvt.s32.f32 v30;
	v51 =	vsub.f32 $1.000000000e+00, v45;
	v33 =	vcvt.s32.f32 v46  }
0x52: {  	[tilespmem:$0x3130] =	vst v15;
	v17 =	vsel vm11, v42, v3;
	v55 =	vmul.f32 v45, v50;
	v58 =	vmul.f32 v45, v44  }
0x53: {  	[tilespmem:$0x3230] =	vst v60;
	v60 =	vld [tilespmem:$0x70];
	vm12 =	vlt.s32 v61, v3;
	v37 =	vcvt.f32.s32 v35;
	v40 =	vadd.s32 v30, v2  }
0x54: {  	v27 =	vmul.f32 $2.230000000e+02, v49;
	[tilespmem:$0x31B0] =	vst v17;
	v16 =	vsel vm12, v61, v3;
	v24 =	vsub.f32 v38, v48  }
0x55: {  	v53 =	vmul.f32 v51, v50;
	v54 =	vmul.f32 v51, v44;
	v23 =	vsub.f32 v23, v33;
	[tilespmem:$0x3340] =	vst v55  }
0x56: {  	v33 =	vld [tilespmem:$0x18F0];
	[tilespmem:$0x33C0] =	vst v58;
	v38 =	vmul.u32 $0xE0, v46;
	v29 =	vcvt.s32.f32 v37;
	v63 =	vtrunc.f32 v27  }
0x57: {  	[tilespmem:$0x31C0] =	vst v16;
	v15 =	vsub.f32 $1.000000000e+00, v24;
	v57 =	vsub.f32 $1.000000000e+00, v23;
	v34 =	vcvt.f32.s32 v63  }
0x58: {  	v52 =	vmul.u32 $0xE0, v37;
	[tilespmem:$0x3240] =	vst v53;
	v21 =	vmul.f32 $2.230000000e+02, v60;
	v41 =	vmul.f32 v23, v24  }
0x59: {  	[tilespmem:$0x32C0] =	vst v54;
	v17 =	vadd.s32 v38, v40;
	v62 =	vmul.f32 v57, v15;
	v36 =	vmul.f32 v57, v24  }
0x5a: {  	v20 =	vsub.f32 v59, v29;
	[tilespmem:$0x3150] =	vst v17;
	v15 =	vmul.f32 v23, v15;
	v39 =	vcvt.s32.f32 v34  }
0x5b: {  	v44 =	vadd.s32 $0x1, v17;
	v43 =	vtrunc.f32 v21;
	[tilespmem:$0x33D0] =	vst v41;
	v42 =	vmul.f32 $2.230000000e+02, v33  }
0x5c: {  	v46 =	vsub.f32 $1.000000000e+00, v20;
	vm13 =	vlt.s32 v44, v3;
	v54 =	vadd.s32 v34, v2;
	[tilespmem:$0x3250] =	vst v62  }
0x5d: {  	v23 =	vcvt.f32.s32 v43;
	v22 =	vsub.f32 v27, v39;
	[tilespmem:$0x32D0] =	vst v36;
	v45 =	vtrunc.f32 v42  }
0x5e: {  	v48 =	vsel vm13, v44, v3;
	v19 =	vadd.s32 v52, v54;
	[tilespmem:$0x3350] =	vst v15;
	v24 =	vcvt.f32.s32 v45  }
0x5f: {  	[tilespmem:$0x31D0] =	vst v48;
	v47 =	vcvt.s32.f32 v23;
	v15 =	vsub.f32 $1.000000000e+00, v22;
	v51 =	vmul.f32 v46, v22  }
0x60: {  	[tilespmem:$0x3160] =	vst v19;
	v55 =	vmul.f32 v20, v22;
	v50 =	vcvt.s32.f32 v24  }
0x61: {  	v16 =	vsub.f32 v21, v47;
	v49 =	vmul.f32 v46, v15;
	v15 =	vmul.f32 v20, v15;
	[tilespmem:$0x32E0] =	vst v51  }
0x62: {  	[tilespmem:$0x33E0] =	vst v55;
	v59 =	vmul.u32 $0xE0, v24;
	v53 =	vsub.f32 v42, v50  }
0x63: {  	v61 =	vadd.s32 v23, v2;
	v56 =	vsub.f32 $1.000000000e+00, v16;
	[tilespmem:$0x3360] =	vst v15;
	v15 =	vadd.s32 $0x1, v19  }
0x64: {  	[tilespmem:$0x3260] =	vst v49;
	v62 =	vadd.s32 v59, v61;
	vm14 =	vlt.s32 v15, v3;
	v57 =	vsub.f32 $1.000000000e+00, v53  }
0x65: {  	[tilespmem:$0x3170] =	vst v62;
	v15 =	vsel vm14, v15, v3;
	v60 =	vmul.f32 v53, v56  }
0x66: {  	[tilespmem:$0x31E0] =	vst v15;
	v15 =	vmul.f32 v57, v16  }
0x67: {  	v58 =	vmul.f32 v57, v56;
	[tilespmem:$0x3370] =	vst v60  }
0x68: {  	v63 =	vadd.s32 $0x1, v62;
	[tilespmem:$0x32F0] =	vst v15;
	v15 =	vmul.f32 v53, v16  }
0x69: {  	vm15 =	vlt.s32 v63, v3;
	[tilespmem:$0x3270] =	vst v58  }
0x6a: {  	[tilespmem:$0x33F0] =	vst v15;
	v15 =	vsel vm15, v63, v3  }
0x6b: {  	[tilespmem:$0x31F0] =	vst v15  }
0x6c: {  	[tilespmem:s14], [sflag:$0x1] =	stream.indirect.gather [hbm4b:s3+s12], $0x80, s13, s12, $0xb8;
	[tilespmem:$0x16780] =	vst v63  }
0x6d: {  	s7 =	simm.s32 $0x0  }
0x6e: {  	[tilespmem:s16], [sflag:$0x1] =	stream.indirect.gather [hbm4b:s3+s12], $0x80, s15, s12, $0xb8;
	[tilespmem:$0x16780] =	vst v63  }
.LBB2_2:
0x6f: {  	s8 =	sshllo.u32 s7, $0x1  }
0x70: {  	s2 =	sshll.u32 s8, $0x7  }
0x71: {  	v15 =	vld [tilespmem:s2+$0x0]  }
0x72: {  	v16 =	vld [tilespmem:s2+$0x1880];
	_ =	sdelay $0x4  }
0x73: {  	v15 =	vmul.f32 $2.230000000e+02, v15;
	v16 =	vmul.f32 $2.230000000e+02, v16;
	_ =	sdelay $0x1  }
0x74: {  	v17 =	vtrunc.f32 v15;
	v18 =	vtrunc.f32 v16  }
0x75: {  	v17 =	vcvt.f32.s32 v17;
	v18 =	vcvt.f32.s32 v18;
	_ =	sdelay $0x1  }
0x76: {  	v19 =	vcvt.s32.f32 v17;
	v20 =	vcvt.s32.f32 v18;
	_ =	sdelay $0x1  }
0x77: {  	v15 =	vsub.f32 v15, v19;
	v16 =	vsub.f32 v16, v20;
	_ =	sdelay $0x1  }
0x78: {  	v19 =	vsub.f32 $1.000000000e+00, v15;
	v20 =	vsub.f32 $1.000000000e+00, v16  }
0x79: {  	v18 =	vmul.u32 $0xE0, v18  }
0x7a: {  	v17 =	vadd.s32 v17, v2;
	v21 =	vmul.f32 v20, v19;
	v20 =	vmul.f32 v20, v15  }
0x7b: {  	v19 =	vmul.f32 v16, v19;
	v15 =	vmul.f32 v16, v15;
	v16 =	vadd.s32 v18, v17  }
0x7c: {  	[tilespmem:$0xB400] =	vst v16  }
0x7d: {  	[tilespmem:$0xB500] =	vst v21  }
0x7e: {  	v17 =	vadd.s32 $0x1, v16;
	[tilespmem:$0xB580] =	vst v20  }
0x7f: {  	[tilespmem:$0xB600] =	vst v19;
	vm0 =	vlt.s32 v17, v3  }
0x80: {  	[tilespmem:$0xB680] =	vst v15;
	v15 =	vsel vm0, v17, v3  }
0x81: {  	[tilespmem:$0xB480] =	vst v15  }
0x82: {  	v15 =	vld [tilespmem:s2+$0x10]  }
0x83: {  	v16 =	vld [tilespmem:s2+$0x1890];
	_ =	sdelay $0x4  }
0x84: {  	v15 =	vmul.f32 $2.230000000e+02, v15;
	v16 =	vmul.f32 $2.230000000e+02, v16;
	_ =	sdelay $0x1  }
0x85: {  	v17 =	vtrunc.f32 v15;
	v18 =	vtrunc.f32 v16  }
0x86: {  	v17 =	vcvt.f32.s32 v17;
	v18 =	vcvt.f32.s32 v18;
	_ =	sdelay $0x1  }
0x87: {  	v19 =	vcvt.s32.f32 v17;
	v20 =	vcvt.s32.f32 v18;
	_ =	sdelay $0x1  }
0x88: {  	v15 =	vsub.f32 v15, v19;
	v16 =	vsub.f32 v16, v20;
	_ =	sdelay $0x1  }
0x89: {  	v19 =	vsub.f32 $1.000000000e+00, v15;
	v20 =	vsub.f32 $1.000000000e+00, v16  }
0x8a: {  	v18 =	vmul.u32 $0xE0, v18  }
0x8b: {  	v17 =	vadd.s32 v17, v2;
	v21 =	vmul.f32 v20, v19;
	v20 =	vmul.f32 v20, v15  }
0x8c: {  	v19 =	vmul.f32 v16, v19;
	v15 =	vmul.f32 v16, v15;
	v16 =	vadd.s32 v18, v17  }
0x8d: {  	[tilespmem:$0xB410] =	vst v16  }
0x8e: {  	[tilespmem:$0xB510] =	vst v21  }
0x8f: {  	v17 =	vadd.s32 $0x1, v16;
	[tilespmem:$0xB590] =	vst v20  }
0x90: {  	[tilespmem:$0xB610] =	vst v19;
	vm9 =	vlt.s32 v17, v3  }
0x91: {  	[tilespmem:$0xB690] =	vst v15;
	v15 =	vsel vm9, v17, v3  }
0x92: {  	[tilespmem:$0xB490] =	vst v15  }
0x93: {  	v15 =	vld [tilespmem:s2+$0x20]  }
0x94: {  	v16 =	vld [tilespmem:s2+$0x18A0];
	_ =	sdelay $0x4  }
0x95: {  	v15 =	vmul.f32 $2.230000000e+02, v15;
	v16 =	vmul.f32 $2.230000000e+02, v16;
	_ =	sdelay $0x1  }
0x96: {  	v17 =	vtrunc.f32 v15;
	v18 =	vtrunc.f32 v16  }
0x97: {  	v17 =	vcvt.f32.s32 v17;
	v18 =	vcvt.f32.s32 v18;
	_ =	sdelay $0x1  }
0x98: {  	v19 =	vcvt.s32.f32 v17;
	v20 =	vcvt.s32.f32 v18;
	_ =	sdelay $0x1  }
0x99: {  	v15 =	vsub.f32 v15, v19;
	v16 =	vsub.f32 v16, v20;
	_ =	sdelay $0x1  }
0x9a: {  	v19 =	vsub.f32 $1.000000000e+00, v15;
	v20 =	vsub.f32 $1.000000000e+00, v16  }
0x9b: {  	v18 =	vmul.u32 $0xE0, v18  }
0x9c: {  	v17 =	vadd.s32 v17, v2;
	v21 =	vmul.f32 v20, v19;
	v20 =	vmul.f32 v20, v15  }
0x9d: {  	v19 =	vmul.f32 v16, v19;
	v15 =	vmul.f32 v16, v15;
	v16 =	vadd.s32 v18, v17  }
0x9e: {  	[tilespmem:$0xB420] =	vst v16  }
0x9f: {  	[tilespmem:$0xB520] =	vst v21  }
0xa0: {  	v17 =	vadd.s32 $0x1, v16;
	[tilespmem:$0xB5A0] =	vst v20  }
0xa1: {  	[tilespmem:$0xB620] =	vst v19;
	vm10 =	vlt.s32 v17, v3  }
0xa2: {  	[tilespmem:$0xB6A0] =	vst v15;
	v15 =	vsel vm10, v17, v3  }
0xa3: {  	[tilespmem:$0xB4A0] =	vst v15  }
0xa4: {  	v15 =	vld [tilespmem:s2+$0x30]  }
0xa5: {  	v16 =	vld [tilespmem:s2+$0x18B0];
	_ =	sdelay $0x4  }
0xa6: {  	v15 =	vmul.f32 $2.230000000e+02, v15;
	v16 =	vmul.f32 $2.230000000e+02, v16;
	_ =	sdelay $0x1  }
0xa7: {  	v17 =	vtrunc.f32 v15;
	v18 =	vtrunc.f32 v16  }
0xa8: {  	v17 =	vcvt.f32.s32 v17;
	v18 =	vcvt.f32.s32 v18;
	_ =	sdelay $0x1  }
0xa9: {  	v19 =	vcvt.s32.f32 v17;
	v20 =	vcvt.s32.f32 v18;
	_ =	sdelay $0x1  }
0xaa: {  	v15 =	vsub.f32 v15, v19;
	v16 =	vsub.f32 v16, v20;
	_ =	sdelay $0x1  }
0xab: {  	v19 =	vsub.f32 $1.000000000e+00, v15;
	v20 =	vsub.f32 $1.000000000e+00, v16  }
0xac: {  	v18 =	vmul.u32 $0xE0, v18  }
0xad: {  	v17 =	vadd.s32 v17, v2;
	v21 =	vmul.f32 v20, v19;
	v20 =	vmul.f32 v20, v15  }
0xae: {  	v19 =	vmul.f32 v16, v19;
	v15 =	vmul.f32 v16, v15;
	v16 =	vadd.s32 v18, v17  }
0xaf: {  	[tilespmem:$0xB430] =	vst v16  }
0xb0: {  	[tilespmem:$0xB530] =	vst v21  }
0xb1: {  	v17 =	vadd.s32 $0x1, v16;
	[tilespmem:$0xB5B0] =	vst v20  }
0xb2: {  	[tilespmem:$0xB630] =	vst v19;
	vm11 =	vlt.s32 v17, v3  }
0xb3: {  	[tilespmem:$0xB6B0] =	vst v15;
	v15 =	vsel vm11, v17, v3  }
0xb4: {  	[tilespmem:$0xB4B0] =	vst v15  }
0xb5: {  	v15 =	vld [tilespmem:s2+$0x40]  }
0xb6: {  	v16 =	vld [tilespmem:s2+$0x18C0];
	_ =	sdelay $0x4  }
0xb7: {  	v15 =	vmul.f32 $2.230000000e+02, v15;
	v16 =	vmul.f32 $2.230000000e+02, v16;
	_ =	sdelay $0x1  }
0xb8: {  	v17 =	vtrunc.f32 v15;
	v18 =	vtrunc.f32 v16  }
0xb9: {  	v17 =	vcvt.f32.s32 v17;
	v18 =	vcvt.f32.s32 v18;
	_ =	sdelay $0x1  }
0xba: {  	v19 =	vcvt.s32.f32 v17;
	v20 =	vcvt.s32.f32 v18;
	_ =	sdelay $0x1  }
0xbb: {  	v15 =	vsub.f32 v15, v19;
	v16 =	vsub.f32 v16, v20;
	_ =	sdelay $0x1  }
0xbc: {  	v19 =	vsub.f32 $1.000000000e+00, v15;
	v20 =	vsub.f32 $1.000000000e+00, v16  }
0xbd: {  	v18 =	vmul.u32 $0xE0, v18  }
0xbe: {  	v17 =	vadd.s32 v17, v2;
	v21 =	vmul.f32 v20, v19;
	v20 =	vmul.f32 v20, v15  }
0xbf: {  	v19 =	vmul.f32 v16, v19;
	v15 =	vmul.f32 v16, v15;
	v16 =	vadd.s32 v18, v17  }
0xc0: {  	[tilespmem:$0xB440] =	vst v16  }
0xc1: {  	[tilespmem:$0xB540] =	vst v21  }
0xc2: {  	v17 =	vadd.s32 $0x1, v16;
	[tilespmem:$0xB5C0] =	vst v20  }
0xc3: {  	[tilespmem:$0xB640] =	vst v19;
	vm12 =	vlt.s32 v17, v3  }
0xc4: {  	[tilespmem:$0xB6C0] =	vst v15;
	v15 =	vsel vm12, v17, v3  }
0xc5: {  	[tilespmem:$0xB4C0] =	vst v15  }
0xc6: {  	v15 =	vld [tilespmem:s2+$0x50]  }
0xc7: {  	v16 =	vld [tilespmem:s2+$0x18D0];
	_ =	sdelay $0x4  }
0xc8: {  	v15 =	vmul.f32 $2.230000000e+02, v15;
	v16 =	vmul.f32 $2.230000000e+02, v16;
	_ =	sdelay $0x1  }
0xc9: {  	v17 =	vtrunc.f32 v15;
	v18 =	vtrunc.f32 v16  }
0xca: {  	v17 =	vcvt.f32.s32 v17;
	v18 =	vcvt.f32.s32 v18;
	_ =	sdelay $0x1  }
0xcb: {  	v19 =	vcvt.s32.f32 v17;
	v20 =	vcvt.s32.f32 v18;
	_ =	sdelay $0x1  }
0xcc: {  	v15 =	vsub.f32 v15, v19;
	v16 =	vsub.f32 v16, v20;
	_ =	sdelay $0x1  }
0xcd: {  	v19 =	vsub.f32 $1.000000000e+00, v15;
	v20 =	vsub.f32 $1.000000000e+00, v16  }
0xce: {  	v18 =	vmul.u32 $0xE0, v18  }
0xcf: {  	v17 =	vadd.s32 v17, v2;
	v21 =	vmul.f32 v20, v19;
	v20 =	vmul.f32 v20, v15  }
0xd0: {  	v19 =	vmul.f32 v16, v19;
	v15 =	vmul.f32 v16, v15;
	v16 =	vadd.s32 v18, v17  }
0xd1: {  	[tilespmem:$0xB450] =	vst v16  }
0xd2: {  	[tilespmem:$0xB550] =	vst v21  }
0xd3: {  	v17 =	vadd.s32 $0x1, v16;
	[tilespmem:$0xB5D0] =	vst v20  }
0xd4: {  	[tilespmem:$0xB650] =	vst v19;
	vm13 =	vlt.s32 v17, v3  }
0xd5: {  	[tilespmem:$0xB6D0] =	vst v15;
	v15 =	vsel vm13, v17, v3  }
0xd6: {  	[tilespmem:$0xB4D0] =	vst v15  }
0xd7: {  	v15 =	vld [tilespmem:s2+$0x60]  }
0xd8: {  	v16 =	vld [tilespmem:s2+$0x18E0];
	_ =	sdelay $0x4  }
0xd9: {  	v15 =	vmul.f32 $2.230000000e+02, v15;
	v16 =	vmul.f32 $2.230000000e+02, v16;
	_ =	sdelay $0x1  }
0xda: {  	v17 =	vtrunc.f32 v15;
	v18 =	vtrunc.f32 v16  }
0xdb: {  	v17 =	vcvt.f32.s32 v17;
	v18 =	vcvt.f32.s32 v18;
	_ =	sdelay $0x1  }
0xdc: {  	v19 =	vcvt.s32.f32 v17;
	v20 =	vcvt.s32.f32 v18;
	_ =	sdelay $0x1  }
0xdd: {  	v15 =	vsub.f32 v15, v19;
	v16 =	vsub.f32 v16, v20;
	_ =	sdelay $0x1  }
0xde: {  	v19 =	vsub.f32 $1.000000000e+00, v15;
	v20 =	vsub.f32 $1.000000000e+00, v16  }
0xdf: {  	v18 =	vmul.u32 $0xE0, v18  }
0xe0: {  	v17 =	vadd.s32 v17, v2;
	v21 =	vmul.f32 v20, v19;
	v20 =	vmul.f32 v20, v15  }
0xe1: {  	v19 =	vmul.f32 v16, v19;
	v15 =	vmul.f32 v16, v15;
	v16 =	vadd.s32 v18, v17  }
0xe2: {  	[tilespmem:$0xB460] =	vst v16  }
0xe3: {  	[tilespmem:$0xB560] =	vst v21  }
0xe4: {  	v17 =	vadd.s32 $0x1, v16;
	[tilespmem:$0xB5E0] =	vst v20  }
0xe5: {  	[tilespmem:$0xB660] =	vst v19;
	vm14 =	vlt.s32 v17, v3  }
0xe6: {  	[tilespmem:$0xB6E0] =	vst v15;
	v15 =	vsel vm14, v17, v3  }
0xe7: {  	[tilespmem:$0xB4E0] =	vst v15  }
0xe8: {  	v15 =	vld [tilespmem:s2+$0x70]  }
0xe9: {  	v16 =	vld [tilespmem:s2+$0x18F0];
	_ =	sdelay $0x4  }
0xea: {  	v15 =	vmul.f32 $2.230000000e+02, v15;
	v16 =	vmul.f32 $2.230000000e+02, v16;
	_ =	sdelay $0x1  }
0xeb: {  	v17 =	vtrunc.f32 v15;
	v18 =	vtrunc.f32 v16  }
0xec: {  	v17 =	vcvt.f32.s32 v17;
	v18 =	vcvt.f32.s32 v18;
	_ =	sdelay $0x1  }
0xed: {  	v19 =	vcvt.s32.f32 v17;
	v20 =	vcvt.s32.f32 v18;
	_ =	sdelay $0x1  }
0xee: {  	v15 =	vsub.f32 v15, v19;
	v16 =	vsub.f32 v16, v20;
	_ =	sdelay $0x1  }
0xef: {  	v19 =	vsub.f32 $1.000000000e+00, v15;
	v20 =	vsub.f32 $1.000000000e+00, v16  }
0xf0: {  	v18 =	vmul.u32 $0xE0, v18  }
0xf1: {  	v17 =	vadd.s32 v17, v2;
	v21 =	vmul.f32 v20, v19;
	v20 =	vmul.f32 v20, v15  }
0xf2: {  	v19 =	vmul.f32 v16, v19;
	v15 =	vmul.f32 v16, v15;
	v16 =	vadd.s32 v18, v17  }
0xf3: {  	[tilespmem:$0xB470] =	vst v16  }
0xf4: {  	[tilespmem:$0xB570] =	vst v21  }
0xf5: {  	v17 =	vadd.s32 $0x1, v16;
	[tilespmem:$0xB5F0] =	vst v20  }
0xf6: {  	[tilespmem:$0xB670] =	vst v19;
	vm15 =	vlt.s32 v17, v3  }
0xf7: {  	[tilespmem:$0xB6F0] =	vst v15;
	v15 =	vsel vm15, v17, v3  }
0xf8: {  	s18 =	simm.s32 $0xB400;
	s9 =	simm.s32 $0xB700;
	[tilespmem:$0xB4F0] =	vst v15  }
0xf9: {  	[tilespmem:s9], [sflag:$0x2] =	stream.indirect.gather [hbm4b:s3+s12], $0x80, s18, s12, $0xb8;
	[tilespmem:$0x16780] =	vst v63  }
0xfa: {  	_ = 	snop  }
0xfb: {  	[tilespmem:s20], [sflag:$0x2] =	stream.indirect.gather [hbm4b:s3+s12], $0x80, s19, s12, $0xb8;
	[tilespmem:$0x16780] =	vst v63  }
0xfc: {  	_ =	swait.ge [sflag:s5], $0x4000  }
0xfd: {  	[sflag:s5] =	ssyncset.done $0x0  }
0xfe: {  	[sflag:s5] =	ssyncadd.s32 $0xFFFFC000  }
0xff: {  	_ =	swait.ge [sflag:s5], $0x4000  }
0x100: {  	p0 =	seq.s32 s7, $0x0;
	[sflag:s5] =	ssyncset.done $0x0  }
0x101: {  	s2 =	simm.s32 @!p0 $0x3;
	s9 =	simm.s32 $0x0;
	[sflag:s5] =	ssyncadd.s32 $0xFFFFC000  }
0x102: {  	v16 =	vmov s9;
	_ =	swait.ge @!p0 [sflag:s2], $0x3000  }
0x103: {  	[sflag:s2] =	ssyncset.done @!p0 $0x0  }
0x104: {  	s10 =	simm.s32 $0x3440;
	[sflag:s2] =	ssyncadd.s32 @!p0 $0xFFFFD000  }
0x105: {  	s2 =	simm.s32 $0x7440;
	v17 =	vld [tilespmem:s10+$0xFFFFFFC0]  }
0x106: {  	v18 =	vld [tilespmem:s2+$0xFFFFFFC0]  }
0x107: {  	v24 =	vld.idx.msk [tilespmem:v16+s21+$0x0], $0xffff  }
0x108: {  	v23 =	vld.idx.msk [tilespmem:v16+s22+$0x0], $0xffff  }
0x109: {  	v15 =	vmul.u32 $0x100, v0;
	v19 =	vld [tilespmem:s10+$0x0]  }
0x10a: {  	v21 =	vld.idx.msk [tilespmem:v16+s23+$0x0], $0xffff  }
0x10b: {  	v22 =	vld.idx.msk [tilespmem:v16+s24+$0x0], $0xffff;
	v16 =	vor.u32 $0x80, v15  }
0x10c: {  	v27 =	vor.u32 s9, v15;
	v25 =	vld [tilespmem:s2+$0x0];
	v28 =	vor.u32 s9, v16  }
0x10d: {  	v20 =	vunpack.i.l.bf16.f32 v17;
	v26 =	vunpack.i.u.bf16.f32 v18;
	v18 =	vunpack.i.l.bf16.f32 v18  }
0x10e: {  	v17 =	vunpack.i.u.bf16.f32 v17;
	v20 =	vmul.f32 v20, v24;
	v18 =	vmul.f32 v18, v23  }
0x10f: {  	v29 =	vunpack.i.l.bf16.f32 v19;
	v17 =	vmul.f32 v17, v24;
	v26 =	vmul.f32 v26, v23  }
0x110: {  	v19 =	vunpack.i.u.bf16.f32 v19;
	v18 =	vadd.f32 v18, v20;
	v20 =	vmul.f32 v29, v21  }
0x111: {  	v19 =	vmul.f32 v19, v21;
	v29 =	vunpack.i.l.bf16.f32 v25;
	v17 =	vadd.f32 v26, v17  }
0x112: {  	v25 =	vunpack.i.u.bf16.f32 v25;
	v18 =	vadd.f32 v20, v18;
	v20 =	vmul.f32 v29, v22  }
0x113: {  	v17 =	vadd.f32 v19, v17;
	v19 =	vmul.f32 v25, v22  }
0x114: {  	v18 =	vadd.f32 v20, v18  }
0x115: {  	v17 =	vadd.f32 v19, v17  }
0x116: {  	[tilespmem:v27+s25+$0x0] =	vst.idx.msk $0xffff, v18  }
0x117: {  	[tilespmem:v28+s25+$0x0] =	vst.idx.msk $0xffff, v17  }
0x118: {  	v19 =	vld [tilespmem:s10+$0xFFFFFFD0]  }
0x119: {  	v20 =	vld [tilespmem:s2+$0xFFFFFFD0];
	_ =	sdelay $0x1  }
0x11a: {  	v25 =	vld [tilespmem:s10+$0x10]  }
0x11b: {  	v18 =	vor.u32 $0x1080, v15  }
0x11c: {  	v17 =	vor.u32 $0x1000, v15;
	v29 =	vor.u32 s9, v18;
	v27 =	vld [tilespmem:s2+$0x10];
	v26 =	vunpack.i.u.bf16.f32 v19  }
0x11d: {  	v19 =	vunpack.i.l.bf16.f32 v19;
	v28 =	vunpack.i.u.bf16.f32 v20;
	v20 =	vunpack.i.l.bf16.f32 v20  }
0x11e: {  	v31 =	vor.u32 s9, v17;
	v19 =	vmul.f32 v19, v24;
	v20 =	vmul.f32 v20, v23  }
0x11f: {  	v30 =	vunpack.i.l.bf16.f32 v25;
	v28 =	vmul.f32 v28, v23;
	v26 =	vmul.f32 v26, v24  }
0x120: {  	v25 =	vunpack.i.u.bf16.f32 v25;
	v19 =	vadd.f32 v20, v19;
	v20 =	vmul.f32 v30, v21  }
0x121: {  	v25 =	vmul.f32 v25, v21;
	v30 =	vunpack.i.l.bf16.f32 v27;
	v26 =	vadd.f32 v28, v26  }
0x122: {  	v27 =	vunpack.i.u.bf16.f32 v27;
	v19 =	vadd.f32 v20, v19;
	v20 =	vmul.f32 v30, v22  }
0x123: {  	v25 =	vadd.f32 v25, v26;
	v26 =	vmul.f32 v27, v22  }
0x124: {  	v19 =	vadd.f32 v20, v19  }
0x125: {  	v20 =	vadd.f32 v26, v25  }
0x126: {  	[tilespmem:v31+s25+$0x0] =	vst.idx.msk $0xffff, v19  }
0x127: {  	[tilespmem:v29+s25+$0x0] =	vst.idx.msk $0xffff, v20  }
0x128: {  	v25 =	vld [tilespmem:s10+$0xFFFFFFE0]  }
0x129: {  	v28 =	vld [tilespmem:s2+$0xFFFFFFE0];
	_ =	sdelay $0x1  }
0x12a: {  	v27 =	vld [tilespmem:s10+$0x20]  }
0x12b: {  	v19 =	vor.u32 $0x2000, v15;
	v20 =	vor.u32 $0x2080, v15  }
0x12c: {  	v26 =	vld [tilespmem:s2+$0x20];
	v29 =	vunpack.i.u.bf16.f32 v25;
	v32 =	vunpack.i.l.bf16.f32 v25;
	v25 =	vor.u32 s9, v20  }
0x12d: {  	s17 =	sshll.u32 s7, $0x1;
	s18 =	simm.s32 $0x1;
	v30 =	vunpack.i.u.bf16.f32 v28;
	v31 =	vunpack.i.l.bf16.f32 v28;
	v28 =	vmul.f32 v32, v24  }
.LBB2_3:
0x12e: {  	p0 =	sne.s32 s18, $0x7F;
	v31 =	vmul.f32 v31, v23;
	v24 =	vmul.f32 v29, v24;
	v29 =	vor.u32 s9, v19;
	s2 =	sadd.s32 $0x80, s2;
	s10 =	sadd.s32 $0x80, s10  }
0x12f: {  	v32 =	vmov s18;
	v33 =	vunpack.i.l.bf16.f32 v27;
	v23 =	vmul.f32 v30, v23;
	s9 =	smov.u32 s18;
	s18 =	sadd.s32 $0x1, s18  }
0x130: {  	v27 =	vunpack.i.u.bf16.f32 v27;
	v30 =	vmul.f32 v33, v21;
	v28 =	vadd.f32 v31, v28  }
0x131: {  	v21 =	vmul.f32 v27, v21;
	v31 =	vunpack.i.l.bf16.f32 v26;
	v23 =	vadd.f32 v23, v24  }
0x132: {  	v24 =	vunpack.i.u.bf16.f32 v26;
	v27 =	vmul.f32 v31, v22;
	v26 =	vadd.f32 v30, v28  }
0x133: {  	v22 =	vmul.f32 v24, v22;
	v21 =	vadd.f32 v21, v23  }
0x134: {  	v23 =	vadd.f32 v27, v26  }
0x135: {  	v21 =	vadd.f32 v22, v21  }
0x136: {  	[tilespmem:v29+s25+$0x0] =	vst.idx.msk $0xffff, v23  }
0x137: {  	[tilespmem:v25+s25+$0x0] =	vst.idx.msk $0xffff, v21  }
0x138: {  	v24 =	vld.idx.msk [tilespmem:v32+s21+$0x0], $0xffff  }
0x139: {  	v25 =	vld [tilespmem:s10+$0xFFFFFFC0]  }
0x13a: {  	v26 =	vld [tilespmem:s2+$0xFFFFFFC0]  }
0x13b: {  	v23 =	vld.idx.msk [tilespmem:v32+s22+$0x0], $0xffff  }
0x13c: {  	v21 =	vld.idx.msk [tilespmem:v32+s23+$0x0], $0xffff  }
0x13d: {  	v27 =	vld [tilespmem:s10+$0x0]  }
0x13e: {  	v28 =	vunpack.i.l.bf16.f32 v25;
	v29 =	vld [tilespmem:s2+$0x0]  }
0x13f: {  	v31 =	vor.u32 s9, v15;
	v25 =	vunpack.i.u.bf16.f32 v25;
	v22 =	vld.idx.msk [tilespmem:v32+s24+$0x0], $0xffff;
	v30 =	vunpack.i.u.bf16.f32 v26  }
0x140: {  	v26 =	vunpack.i.l.bf16.f32 v26;
	v25 =	vmul.f32 v25, v24  }
0x141: {  	v28 =	vmul.f32 v28, v24;
	v32 =	vor.u32 s9, v16;
	v26 =	vmul.f32 v26, v23  }
0x142: {  	v30 =	vmul.f32 v30, v23;
	v33 =	vunpack.i.u.bf16.f32 v27;
	v27 =	vunpack.i.l.bf16.f32 v27  }
0x143: {  	v26 =	vadd.f32 v26, v28;
	v27 =	vmul.f32 v27, v21  }
0x144: {  	v25 =	vadd.f32 v30, v25;
	v28 =	vunpack.i.l.bf16.f32 v29;
	v30 =	vmul.f32 v33, v21  }
0x145: {  	v29 =	vunpack.i.u.bf16.f32 v29;
	v26 =	vadd.f32 v27, v26;
	v27 =	vmul.f32 v28, v22  }
0x146: {  	v25 =	vadd.f32 v30, v25;
	v28 =	vmul.f32 v29, v22  }
0x147: {  	v26 =	vadd.f32 v27, v26  }
0x148: {  	v25 =	vadd.f32 v28, v25  }
0x149: {  	[tilespmem:v31+s25+$0x0] =	vst.idx.msk $0xffff, v26  }
0x14a: {  	[tilespmem:v32+s25+$0x0] =	vst.idx.msk $0xffff, v25  }
0x14b: {  	v25 =	vld [tilespmem:s10+$0xFFFFFFD0]  }
0x14c: {  	v26 =	vld [tilespmem:s2+$0xFFFFFFD0];
	_ =	sdelay $0x1  }
0x14d: {  	v27 =	vld [tilespmem:s10+$0x10];
	_ =	sdelay $0x1  }
0x14e: {  	v28 =	vunpack.i.u.bf16.f32 v25;
	v25 =	vunpack.i.l.bf16.f32 v25;
	v29 =	vld [tilespmem:s2+$0x10]  }
0x14f: {  	v30 =	vunpack.i.u.bf16.f32 v26;
	v26 =	vunpack.i.l.bf16.f32 v26;
	v25 =	vmul.f32 v25, v24  }
0x150: {  	v31 =	vor.u32 s9, v18;
	v26 =	vmul.f32 v26, v23;
	v30 =	vmul.f32 v30, v23  }
0x151: {  	v33 =	vor.u32 s9, v17;
	v28 =	vmul.f32 v28, v24;
	v32 =	vunpack.i.l.bf16.f32 v27  }
0x152: {  	v27 =	vunpack.i.u.bf16.f32 v27;
	v25 =	vadd.f32 v26, v25;
	v26 =	vmul.f32 v32, v21  }
0x153: {  	v28 =	vadd.f32 v30, v28;
	v27 =	vmul.f32 v27, v21;
	v32 =	vunpack.i.l.bf16.f32 v29  }
0x154: {  	v29 =	vunpack.i.u.bf16.f32 v29;
	v25 =	vadd.f32 v26, v25;
	v26 =	vmul.f32 v32, v22  }
0x155: {  	v27 =	vadd.f32 v27, v28;
	v28 =	vmul.f32 v29, v22  }
0x156: {  	v25 =	vadd.f32 v26, v25  }
0x157: {  	v26 =	vadd.f32 v28, v27  }
0x158: {  	[tilespmem:v33+s25+$0x0] =	vst.idx.msk $0xffff, v25  }
0x159: {  	[tilespmem:v31+s25+$0x0] =	vst.idx.msk $0xffff, v26  }
0x15a: {  	v25 =	vld [tilespmem:s10+$0xFFFFFFE0]  }
0x15b: {  	v28 =	vld [tilespmem:s2+$0xFFFFFFE0]  }
.Ltmp0:
0x15c: {  	v27 =	vld [tilespmem:s10+$0x20];
	(pc) =	sbr.rel @p0 .LBB2_3-.Ltmp0, $3  }
0x15d: {  	v26 =	vld [tilespmem:s2+$0x20];
	_ =	sdelay $0x1  }
0x15e: {  	v29 =	vunpack.i.u.bf16.f32 v25;
	v32 =	vunpack.i.l.bf16.f32 v25;
	v25 =	vor.u32 s9, v20  }
0x15f: {  	v30 =	vunpack.i.u.bf16.f32 v28;
	v31 =	vunpack.i.l.bf16.f32 v28;
	v28 =	vmul.f32 v32, v24  }
0x160: {  	v31 =	vmul.f32 v31, v23;
	v24 =	vmul.f32 v29, v24  }
0x161: {  	v29 =	vor.u32 s9, v19;
	v32 =	vunpack.i.l.bf16.f32 v27;
	v23 =	vmul.f32 v30, v23  }
0x162: {  	v27 =	vunpack.i.u.bf16.f32 v27;
	v50 =	vmul.f32 v32, v21;
	v28 =	vadd.f32 v31, v28  }
0x163: {  	v51 =	vunpack.i.l.bf16.f32 v26;
	v21 =	vmul.f32 v27, v21;
	v23 =	vadd.f32 v23, v24  }
0x164: {  	v24 =	vunpack.i.u.bf16.f32 v26;
	v27 =	vmul.f32 v51, v22;
	v26 =	vadd.f32 v50, v28  }
0x165: {  	v22 =	vmul.f32 v24, v22;
	v21 =	vadd.f32 v21, v23  }
0x166: {  	v23 =	vadd.f32 v27, v26  }
0x167: {  	v21 =	vadd.f32 v22, v21  }
0x168: {  	s2 =	sadd.s32 s6, s17;
	[tilespmem:v29+s25+$0x0] =	vst.idx.msk $0xffff, v23  }
0x169: {  	[tilespmem:v25+s25+$0x0] =	vst.idx.msk $0xffff, v21;
	v21 =	vadd.s32 s2, v1  }
0x16a: {  	[tilespmem:$0x16700] =	vst v21;
	v21 =	vadd.s32 s2, v4  }
0x16b: {  	[tilespmem:$0x16710] =	vst v21;
	v21 =	vadd.s32 s2, v5  }
0x16c: {  	[tilespmem:$0x16720] =	vst v21;
	v21 =	vadd.s32 s2, v9  }
0x16d: {  	[tilespmem:$0x16730] =	vst v21;
	v21 =	vadd.s32 s2, v10  }
0x16e: {  	[tilespmem:$0x16740] =	vst v21;
	v21 =	vadd.s32 s2, v11  }
0x16f: {  	s17 =	sshll.u32 s7, $0x8;
	[tilespmem:$0x16750] =	vst v21  }
0x170: {  	[hbm4b:s4+s26] =	stream.indirect.scatter [tilespmem:s25], [sflag:$0x3], $0x80, s28, s26, $0xb8;
	[tilespmem:$0x16780] =	vst v63  }
0x171: {  	v21 =	vld [tilespmem:s17+$0x100]  }
0x172: {  	v22 =	vld [tilespmem:s17+$0x1980];
	_ =	sdelay $0x4  }
0x173: {  	v21 =	vmul.f32 $2.230000000e+02, v21;
	v22 =	vmul.f32 $2.230000000e+02, v22;
	_ =	sdelay $0x1  }
0x174: {  	v23 =	vtrunc.f32 v21;
	v24 =	vtrunc.f32 v22  }
0x175: {  	v23 =	vcvt.f32.s32 v23;
	v24 =	vcvt.f32.s32 v24;
	_ =	sdelay $0x1  }
0x176: {  	v25 =	vcvt.s32.f32 v23;
	v26 =	vcvt.s32.f32 v24;
	_ =	sdelay $0x1  }
0x177: {  	v21 =	vsub.f32 v21, v25;
	v22 =	vsub.f32 v22, v26;
	_ =	sdelay $0x1  }
0x178: {  	v25 =	vsub.f32 $1.000000000e+00, v21;
	v26 =	vsub.f32 $1.000000000e+00, v22  }
0x179: {  	v24 =	vmul.u32 $0xE0, v24  }
0x17a: {  	v23 =	vadd.s32 v23, v2;
	v27 =	vmul.f32 v26, v25;
	v26 =	vmul.f32 v26, v21  }
0x17b: {  	v25 =	vmul.f32 v22, v25;
	v21 =	vmul.f32 v22, v21;
	v22 =	vadd.s32 v24, v23  }
0x17c: {  	[tilespmem:$0x3100] =	vst v22  }
0x17d: {  	[tilespmem:$0x3200] =	vst v27  }
0x17e: {  	v23 =	vadd.s32 $0x1, v22;
	[tilespmem:$0x3280] =	vst v26  }
0x17f: {  	[tilespmem:$0x3300] =	vst v25;
	vm0 =	vlt.s32 v23, v3  }
0x180: {  	[tilespmem:$0x3380] =	vst v21;
	v21 =	vsel vm0, v23, v3  }
0x181: {  	[tilespmem:$0x3180] =	vst v21  }
0x182: {  	v21 =	vld [tilespmem:s17+$0x110]  }
0x183: {  	v22 =	vld [tilespmem:s17+$0x1990];
	_ =	sdelay $0x4  }
0x184: {  	v21 =	vmul.f32 $2.230000000e+02, v21;
	v22 =	vmul.f32 $2.230000000e+02, v22;
	_ =	sdelay $0x1  }
0x185: {  	v23 =	vtrunc.f32 v21;
	v24 =	vtrunc.f32 v22  }
0x186: {  	v23 =	vcvt.f32.s32 v23;
	v24 =	vcvt.f32.s32 v24;
	_ =	sdelay $0x1  }
0x187: {  	v25 =	vcvt.s32.f32 v23;
	v26 =	vcvt.s32.f32 v24;
	_ =	sdelay $0x1  }
0x188: {  	v21 =	vsub.f32 v21, v25;
	v22 =	vsub.f32 v22, v26;
	_ =	sdelay $0x1  }
0x189: {  	v25 =	vsub.f32 $1.000000000e+00, v21;
	v26 =	vsub.f32 $1.000000000e+00, v22  }
0x18a: {  	v24 =	vmul.u32 $0xE0, v24  }
0x18b: {  	v23 =	vadd.s32 v23, v2;
	v27 =	vmul.f32 v26, v25;
	v26 =	vmul.f32 v26, v21  }
0x18c: {  	v25 =	vmul.f32 v22, v25;
	v21 =	vmul.f32 v22, v21;
	v22 =	vadd.s32 v24, v23  }
0x18d: {  	[tilespmem:$0x3110] =	vst v22  }
0x18e: {  	[tilespmem:$0x3210] =	vst v27  }
0x18f: {  	v23 =	vadd.s32 $0x1, v22;
	[tilespmem:$0x3290] =	vst v26  }
0x190: {  	[tilespmem:$0x3310] =	vst v25;
	vm9 =	vlt.s32 v23, v3  }
0x191: {  	[tilespmem:$0x3390] =	vst v21;
	v21 =	vsel vm9, v23, v3  }
0x192: {  	[tilespmem:$0x3190] =	vst v21  }
0x193: {  	v21 =	vld [tilespmem:s17+$0x120]  }
0x194: {  	v22 =	vld [tilespmem:s17+$0x19A0];
	_ =	sdelay $0x4  }
0x195: {  	v21 =	vmul.f32 $2.230000000e+02, v21;
	v22 =	vmul.f32 $2.230000000e+02, v22;
	_ =	sdelay $0x1  }
0x196: {  	v23 =	vtrunc.f32 v21;
	v24 =	vtrunc.f32 v22  }
0x197: {  	v23 =	vcvt.f32.s32 v23;
	v24 =	vcvt.f32.s32 v24;
	_ =	sdelay $0x1  }
0x198: {  	v25 =	vcvt.s32.f32 v23;
	v26 =	vcvt.s32.f32 v24;
	_ =	sdelay $0x1  }
0x199: {  	v21 =	vsub.f32 v21, v25;
	v22 =	vsub.f32 v22, v26;
	_ =	sdelay $0x1  }
0x19a: {  	v25 =	vsub.f32 $1.000000000e+00, v21;
	v26 =	vsub.f32 $1.000000000e+00, v22  }
0x19b: {  	v24 =	vmul.u32 $0xE0, v24  }
0x19c: {  	v23 =	vadd.s32 v23, v2;
	v27 =	vmul.f32 v26, v25;
	v26 =	vmul.f32 v26, v21  }
0x19d: {  	v25 =	vmul.f32 v22, v25;
	v21 =	vmul.f32 v22, v21;
	v22 =	vadd.s32 v24, v23  }
0x19e: {  	[tilespmem:$0x3120] =	vst v22  }
0x19f: {  	[tilespmem:$0x3220] =	vst v27  }
0x1a0: {  	v23 =	vadd.s32 $0x1, v22;
	[tilespmem:$0x32A0] =	vst v26  }
0x1a1: {  	[tilespmem:$0x3320] =	vst v25;
	vm10 =	vlt.s32 v23, v3  }
0x1a2: {  	[tilespmem:$0x33A0] =	vst v21;
	v21 =	vsel vm10, v23, v3  }
0x1a3: {  	[tilespmem:$0x31A0] =	vst v21  }
0x1a4: {  	v21 =	vld [tilespmem:s17+$0x130]  }
0x1a5: {  	v22 =	vld [tilespmem:s17+$0x19B0];
	_ =	sdelay $0x4  }
0x1a6: {  	v21 =	vmul.f32 $2.230000000e+02, v21;
	v22 =	vmul.f32 $2.230000000e+02, v22;
	_ =	sdelay $0x1  }
0x1a7: {  	v23 =	vtrunc.f32 v21;
	v24 =	vtrunc.f32 v22  }
0x1a8: {  	v23 =	vcvt.f32.s32 v23;
	v24 =	vcvt.f32.s32 v24;
	_ =	sdelay $0x1  }
0x1a9: {  	v25 =	vcvt.s32.f32 v23;
	v26 =	vcvt.s32.f32 v24;
	_ =	sdelay $0x1  }
0x1aa: {  	v21 =	vsub.f32 v21, v25;
	v22 =	vsub.f32 v22, v26;
	_ =	sdelay $0x1  }
0x1ab: {  	v25 =	vsub.f32 $1.000000000e+00, v21;
	v26 =	vsub.f32 $1.000000000e+00, v22  }
0x1ac: {  	v24 =	vmul.u32 $0xE0, v24  }
0x1ad: {  	v23 =	vadd.s32 v23, v2;
	v27 =	vmul.f32 v26, v25;
	v26 =	vmul.f32 v26, v21  }
0x1ae: {  	v25 =	vmul.f32 v22, v25;
	v21 =	vmul.f32 v22, v21;
	v22 =	vadd.s32 v24, v23  }
0x1af: {  	[tilespmem:$0x3130] =	vst v22  }
0x1b0: {  	[tilespmem:$0x3230] =	vst v27  }
0x1b1: {  	v23 =	vadd.s32 $0x1, v22;
	[tilespmem:$0x32B0] =	vst v26  }
0x1b2: {  	[tilespmem:$0x3330] =	vst v25;
	vm11 =	vlt.s32 v23, v3  }
0x1b3: {  	[tilespmem:$0x33B0] =	vst v21;
	v21 =	vsel vm11, v23, v3  }
0x1b4: {  	[tilespmem:$0x31B0] =	vst v21  }
0x1b5: {  	v21 =	vld [tilespmem:s17+$0x140]  }
0x1b6: {  	v22 =	vld [tilespmem:s17+$0x19C0];
	_ =	sdelay $0x4  }
0x1b7: {  	v21 =	vmul.f32 $2.230000000e+02, v21;
	v22 =	vmul.f32 $2.230000000e+02, v22;
	_ =	sdelay $0x1  }
0x1b8: {  	v23 =	vtrunc.f32 v21;
	v24 =	vtrunc.f32 v22  }
0x1b9: {  	v23 =	vcvt.f32.s32 v23;
	v24 =	vcvt.f32.s32 v24;
	_ =	sdelay $0x1  }
0x1ba: {  	v25 =	vcvt.s32.f32 v23;
	v26 =	vcvt.s32.f32 v24;
	_ =	sdelay $0x1  }
0x1bb: {  	v21 =	vsub.f32 v21, v25;
	v22 =	vsub.f32 v22, v26;
	_ =	sdelay $0x1  }
0x1bc: {  	v25 =	vsub.f32 $1.000000000e+00, v21;
	v26 =	vsub.f32 $1.000000000e+00, v22  }
0x1bd: {  	v24 =	vmul.u32 $0xE0, v24  }
0x1be: {  	v23 =	vadd.s32 v23, v2;
	v27 =	vmul.f32 v26, v25;
	v26 =	vmul.f32 v26, v21  }
0x1bf: {  	v25 =	vmul.f32 v22, v25;
	v21 =	vmul.f32 v22, v21;
	v22 =	vadd.s32 v24, v23  }
0x1c0: {  	[tilespmem:$0x3140] =	vst v22  }
0x1c1: {  	[tilespmem:$0x3240] =	vst v27  }
0x1c2: {  	v23 =	vadd.s32 $0x1, v22;
	[tilespmem:$0x32C0] =	vst v26  }
0x1c3: {  	[tilespmem:$0x3340] =	vst v25;
	vm12 =	vlt.s32 v23, v3  }
0x1c4: {  	[tilespmem:$0x33C0] =	vst v21;
	v21 =	vsel vm12, v23, v3  }
0x1c5: {  	[tilespmem:$0x31C0] =	vst v21  }
0x1c6: {  	v21 =	vld [tilespmem:s17+$0x150]  }
0x1c7: {  	v22 =	vld [tilespmem:s17+$0x19D0];
	_ =	sdelay $0x4  }
0x1c8: {  	v21 =	vmul.f32 $2.230000000e+02, v21;
	v22 =	vmul.f32 $2.230000000e+02, v22;
	_ =	sdelay $0x1  }
0x1c9: {  	v23 =	vtrunc.f32 v21;
	v24 =	vtrunc.f32 v22  }
0x1ca: {  	v23 =	vcvt.f32.s32 v23;
	v24 =	vcvt.f32.s32 v24;
	_ =	sdelay $0x1  }
0x1cb: {  	v25 =	vcvt.s32.f32 v23;
	v26 =	vcvt.s32.f32 v24;
	_ =	sdelay $0x1  }
0x1cc: {  	v21 =	vsub.f32 v21, v25;
	v22 =	vsub.f32 v22, v26;
	_ =	sdelay $0x1  }
0x1cd: {  	v25 =	vsub.f32 $1.000000000e+00, v21;
	v26 =	vsub.f32 $1.000000000e+00, v22  }
0x1ce: {  	v24 =	vmul.u32 $0xE0, v24  }
0x1cf: {  	v23 =	vadd.s32 v23, v2;
	v27 =	vmul.f32 v26, v25;
	v26 =	vmul.f32 v26, v21  }
0x1d0: {  	v25 =	vmul.f32 v22, v25;
	v21 =	vmul.f32 v22, v21;
	v22 =	vadd.s32 v24, v23  }
0x1d1: {  	[tilespmem:$0x3150] =	vst v22  }
0x1d2: {  	[tilespmem:$0x3250] =	vst v27  }
0x1d3: {  	v23 =	vadd.s32 $0x1, v22;
	[tilespmem:$0x32D0] =	vst v26  }
0x1d4: {  	[tilespmem:$0x3350] =	vst v25;
	vm13 =	vlt.s32 v23, v3  }
0x1d5: {  	[tilespmem:$0x33D0] =	vst v21;
	v21 =	vsel vm13, v23, v3  }
0x1d6: {  	[tilespmem:$0x31D0] =	vst v21  }
0x1d7: {  	v21 =	vld [tilespmem:s17+$0x160]  }
0x1d8: {  	v22 =	vld [tilespmem:s17+$0x19E0];
	_ =	sdelay $0x4  }
0x1d9: {  	v21 =	vmul.f32 $2.230000000e+02, v21;
	v22 =	vmul.f32 $2.230000000e+02, v22;
	_ =	sdelay $0x1  }
0x1da: {  	v23 =	vtrunc.f32 v21;
	v24 =	vtrunc.f32 v22  }
0x1db: {  	v23 =	vcvt.f32.s32 v23;
	v24 =	vcvt.f32.s32 v24;
	_ =	sdelay $0x1  }
0x1dc: {  	v25 =	vcvt.s32.f32 v23;
	v26 =	vcvt.s32.f32 v24;
	_ =	sdelay $0x1  }
0x1dd: {  	v21 =	vsub.f32 v21, v25;
	v22 =	vsub.f32 v22, v26;
	_ =	sdelay $0x1  }
0x1de: {  	v25 =	vsub.f32 $1.000000000e+00, v21;
	v26 =	vsub.f32 $1.000000000e+00, v22  }
0x1df: {  	v24 =	vmul.u32 $0xE0, v24  }
0x1e0: {  	v23 =	vadd.s32 v23, v2;
	v27 =	vmul.f32 v26, v25;
	v26 =	vmul.f32 v26, v21  }
0x1e1: {  	v25 =	vmul.f32 v22, v25;
	v21 =	vmul.f32 v22, v21;
	v22 =	vadd.s32 v24, v23  }
0x1e2: {  	[tilespmem:$0x3160] =	vst v22  }
0x1e3: {  	[tilespmem:$0x3260] =	vst v27  }
0x1e4: {  	v23 =	vadd.s32 $0x1, v22;
	[tilespmem:$0x32E0] =	vst v26  }
0x1e5: {  	[tilespmem:$0x3360] =	vst v25;
	vm14 =	vlt.s32 v23, v3  }
0x1e6: {  	[tilespmem:$0x33E0] =	vst v21;
	v21 =	vsel vm14, v23, v3  }
0x1e7: {  	[tilespmem:$0x31E0] =	vst v21  }
0x1e8: {  	v21 =	vld [tilespmem:s17+$0x170]  }
0x1e9: {  	v22 =	vld [tilespmem:s17+$0x19F0];
	_ =	sdelay $0x4  }
0x1ea: {  	v21 =	vmul.f32 $2.230000000e+02, v21;
	v22 =	vmul.f32 $2.230000000e+02, v22;
	_ =	sdelay $0x1  }
0x1eb: {  	v23 =	vtrunc.f32 v21;
	v24 =	vtrunc.f32 v22  }
0x1ec: {  	v23 =	vcvt.f32.s32 v23;
	v24 =	vcvt.f32.s32 v24;
	_ =	sdelay $0x1  }
0x1ed: {  	v25 =	vcvt.s32.f32 v23;
	v26 =	vcvt.s32.f32 v24;
	_ =	sdelay $0x1  }
0x1ee: {  	v21 =	vsub.f32 v21, v25;
	v22 =	vsub.f32 v22, v26;
	_ =	sdelay $0x1  }
0x1ef: {  	v25 =	vsub.f32 $1.000000000e+00, v21;
	v26 =	vsub.f32 $1.000000000e+00, v22  }
0x1f0: {  	v24 =	vmul.u32 $0xE0, v24  }
0x1f1: {  	v23 =	vadd.s32 v23, v2;
	v27 =	vmul.f32 v26, v25;
	v26 =	vmul.f32 v26, v21  }
0x1f2: {  	v25 =	vmul.f32 v22, v25;
	v21 =	vmul.f32 v22, v21;
	v22 =	vadd.s32 v24, v23  }
0x1f3: {  	[tilespmem:$0x3170] =	vst v22  }
0x1f4: {  	[tilespmem:$0x3270] =	vst v27  }
0x1f5: {  	v23 =	vadd.s32 $0x1, v22;
	[tilespmem:$0x32F0] =	vst v26  }
0x1f6: {  	[tilespmem:$0x3370] =	vst v25;
	vm15 =	vlt.s32 v23, v3  }
0x1f7: {  	[tilespmem:$0x33F0] =	vst v21;
	v21 =	vsel vm15, v23, v3  }
0x1f8: {  	[tilespmem:$0x31F0] =	vst v21  }
0x1f9: {  	[tilespmem:s14], [sflag:$0x1] =	stream.indirect.gather [hbm4b:s3+s12], $0x80, s13, s12, $0xb8;
	[tilespmem:$0x16780] =	vst v63  }
0x1fa: {  	_ = 	snop  }
0x1fb: {  	[tilespmem:s16], [sflag:$0x1] =	stream.indirect.gather [hbm4b:s3+s12], $0x80, s15, s12, $0xb8;
	[tilespmem:$0x16780] =	vst v63  }
0x1fc: {  	_ =	swait.ge [sflag:s29], $0x4000  }
0x1fd: {  	[sflag:s29] =	ssyncset.done $0x0  }
0x1fe: {  	[sflag:s29] =	ssyncadd.s32 $0xFFFFC000  }
0x1ff: {  	_ =	swait.ge [sflag:s29], $0x4000  }
0x200: {  	[sflag:s29] =	ssyncset.done $0x0  }
0x201: {  	s18 =	simm.s32 $0x0;
	[sflag:s29] =	ssyncadd.s32 $0xFFFFC000  }
0x202: {  	v21 =	vmov s18;
	_ =	swait.ge [sflag:s30], $0x3000  }
0x203: {  	[sflag:s30] =	ssyncset.done $0x0  }
0x204: {  	s9 =	simm.s32 $0xB740;
	[sflag:s30] =	ssyncadd.s32 $0xFFFFD000  }
0x205: {  	s10 =	simm.s32 $0xF740;
	v22 =	vld [tilespmem:s9+$0xFFFFFFC0]  }
0x206: {  	v23 =	vld [tilespmem:s10+$0xFFFFFFC0]  }
0x207: {  	v24 =	vld.idx.msk [tilespmem:v21+s31+$0x0], $0xffff  }
0x208: {  	v25 =	vld.idx.msk [tilespmem:v21+s1+$0x0], $0xffff  }
0x209: {  	v26 =	vld [tilespmem:s9+$0x0]  }
0x20a: {  	v27 =	vld.idx.msk [tilespmem:v21+s0+$0x0], $0xffff  }
0x20b: {  	v28 =	vld [tilespmem:s10+$0x0];
	v29 =	vunpack.i.u.bf16.f32 v22;
	v22 =	vunpack.i.l.bf16.f32 v22  }
0x20c: {  	v55 =	vor.u32 s18, v16;
	v53 =	vld.idx.msk [tilespmem:v21+s11+$0x0], $0xffff;
	v52 =	vunpack.i.l.bf16.f32 v23;
	v22 =	vmul.f32 v22, v24  }
0x20d: {  	v21 =	vunpack.i.u.bf16.f32 v23;
	v23 =	vmul.f32 v29, v24;
	v29 =	vmul.f32 v52, v25  }
0x20e: {  	v54 =	vunpack.i.u.bf16.f32 v26;
	v26 =	vunpack.i.l.bf16.f32 v26;
	v21 =	vmul.f32 v21, v25  }
0x20f: {  	v56 =	vor.u32 s18, v15;
	v26 =	vmul.f32 v26, v27;
	v22 =	vadd.f32 v29, v22  }
0x210: {  	v21 =	vadd.f32 v21, v23;
	v23 =	vunpack.i.l.bf16.f32 v28;
	v29 =	vmul.f32 v54, v27  }
0x211: {  	v28 =	vunpack.i.u.bf16.f32 v28;
	v23 =	vmul.f32 v23, v53;
	v22 =	vadd.f32 v26, v22  }
0x212: {  	v21 =	vadd.f32 v29, v21;
	v26 =	vmul.f32 v28, v53  }
0x213: {  	v22 =	vadd.f32 v23, v22  }
0x214: {  	v21 =	vadd.f32 v26, v21  }
0x215: {  	[tilespmem:v56+s25+$0x0] =	vst.idx.msk $0xffff, v22  }
0x216: {  	[tilespmem:v55+s25+$0x0] =	vst.idx.msk $0xffff, v21  }
0x217: {  	v21 =	vld [tilespmem:s9+$0xFFFFFFD0]  }
0x218: {  	v22 =	vld [tilespmem:s10+$0xFFFFFFD0];
	_ =	sdelay $0x1  }
0x219: {  	v23 =	vld [tilespmem:s9+$0x10];
	_ =	sdelay $0x1  }
0x21a: {  	v57 =	vor.u32 s18, v18;
	v28 =	vld [tilespmem:s10+$0x10];
	v26 =	vunpack.i.u.bf16.f32 v21  }
0x21b: {  	v21 =	vunpack.i.l.bf16.f32 v21;
	v29 =	vunpack.i.u.bf16.f32 v22;
	v22 =	vunpack.i.l.bf16.f32 v22  }
0x21c: {  	v33 =	vor.u32 s18, v17;
	v21 =	vmul.f32 v21, v24;
	v22 =	vmul.f32 v22, v25  }
0x21d: {  	v58 =	vunpack.i.l.bf16.f32 v23;
	v29 =	vmul.f32 v29, v25;
	v26 =	vmul.f32 v26, v24  }
0x21e: {  	v23 =	vunpack.i.u.bf16.f32 v23;
	v21 =	vadd.f32 v22, v21;
	v22 =	vmul.f32 v58, v27  }
0x21f: {  	v59 =	vunpack.i.l.bf16.f32 v28;
	v23 =	vmul.f32 v23, v27;
	v26 =	vadd.f32 v29, v26  }
0x220: {  	v28 =	vunpack.i.u.bf16.f32 v28;
	v21 =	vadd.f32 v22, v21;
	v22 =	vmul.f32 v59, v53  }
0x221: {  	v23 =	vadd.f32 v23, v26;
	v26 =	vmul.f32 v28, v53  }
0x222: {  	v21 =	vadd.f32 v22, v21  }
0x223: {  	v22 =	vadd.f32 v26, v23  }
0x224: {  	[tilespmem:v33+s25+$0x0] =	vst.idx.msk $0xffff, v21  }
0x225: {  	[tilespmem:v57+s25+$0x0] =	vst.idx.msk $0xffff, v22  }
0x226: {  	v21 =	vld [tilespmem:s9+$0xFFFFFFE0]  }
0x227: {  	v22 =	vld [tilespmem:s10+$0xFFFFFFE0]  }
0x228: {  	v23 =	vld [tilespmem:s9+$0x20];
	_ =	sdelay $0x1  }
0x229: {  	v26 =	vld [tilespmem:s10+$0x20];
	_ =	sdelay $0x1  }
0x22a: {  	v28 =	vunpack.i.u.bf16.f32 v21;
	v29 =	vunpack.i.l.bf16.f32 v21;
	v21 =	vor.u32 s18, v20  }
0x22b: {  	v60 =	vunpack.i.u.bf16.f32 v22;
	v22 =	vunpack.i.l.bf16.f32 v22;
	v61 =	vunpack.i.l.bf16.f32 v23  }
0x22c: {  	v23 =	vunpack.i.u.bf16.f32 v23;
	v29 =	vmul.f32 v29, v24;
	v22 =	vmul.f32 v22, v25  }
0x22d: {  	v63 =	vunpack.i.u.bf16.f32 v26;
	v25 =	vmul.f32 v60, v25;
	v24 =	vmul.f32 v28, v24  }
0x22e: {  	v62 =	vmul.f32 v61, v27;
	v28 =	vunpack.i.l.bf16.f32 v26;
	v29 =	vadd.f32 v22, v29  }
0x22f: {  	v23 =	vmul.f32 v23, v27;
	v25 =	vadd.f32 v25, v24;
	v22 =	vor.u32 s18, v19  }
0x230: {  	s2 =	simm.s32 $0x1;
	v27 =	vmul.f32 v28, v53;
	v24 =	vmul.f32 v63, v53;
	v26 =	vadd.f32 v62, v29  }
.LBB2_5:
0x231: {  	p0 =	sne.s32 s2, $0x7F;
	v23 =	vadd.f32 v23, v25;
	s10 =	sadd.s32 $0x80, s10;
	s9 =	sadd.s32 $0x80, s9  }
0x232: {  	v25 =	vmov s2;
	s17 =	smov.u32 s2;
	s2 =	sadd.s32 $0x1, s2;
	v26 =	vadd.f32 v27, v26  }
0x233: {  	v23 =	vadd.f32 v24, v23  }
0x234: {  	[tilespmem:v22+s25+$0x0] =	vst.idx.msk $0xffff, v26  }
0x235: {  	[tilespmem:v21+s25+$0x0] =	vst.idx.msk $0xffff, v23  }
0x236: {  	v21 =	vld [tilespmem:s9+$0xFFFFFFC0]  }
0x237: {  	v22 =	vld [tilespmem:s10+$0xFFFFFFC0]  }
0x238: {  	v23 =	vld.idx.msk [tilespmem:v25+s31+$0x0], $0xffff  }
0x239: {  	v24 =	vld.idx.msk [tilespmem:v25+s1+$0x0], $0xffff  }
0x23a: {  	v26 =	vld [tilespmem:s9+$0x0]  }
0x23b: {  	v27 =	vld.idx.msk [tilespmem:v25+s0+$0x0], $0xffff  }
0x23c: {  	v28 =	vld [tilespmem:s10+$0x0]  }
0x23d: {  	v30 =	vunpack.i.l.bf16.f32 v22;
	v29 =	vld.idx.msk [tilespmem:v25+s11+$0x0], $0xffff;
	v25 =	vunpack.i.u.bf16.f32 v21;
	v21 =	vunpack.i.l.bf16.f32 v21  }
0x23e: {  	v22 =	vunpack.i.u.bf16.f32 v22;
	v21 =	vmul.f32 v21, v23;
	v25 =	vmul.f32 v25, v23  }
0x23f: {  	v30 =	vmul.f32 v30, v24;
	v22 =	vmul.f32 v22, v24  }
0x240: {  	v32 =	vor.u32 s17, v16;
	v31 =	vunpack.i.u.bf16.f32 v26;
	v26 =	vunpack.i.l.bf16.f32 v26  }
0x241: {  	v21 =	vadd.f32 v30, v21;
	v26 =	vmul.f32 v26, v27;
	v22 =	vadd.f32 v22, v25  }
0x242: {  	v30 =	vmul.f32 v31, v27;
	v31 =	vor.u32 s17, v15;
	v25 =	vunpack.i.l.bf16.f32 v28  }
0x243: {  	v28 =	vunpack.i.u.bf16.f32 v28;
	v21 =	vadd.f32 v26, v21;
	v25 =	vmul.f32 v25, v29  }
0x244: {  	v22 =	vadd.f32 v30, v22;
	v26 =	vmul.f32 v28, v29  }
0x245: {  	v21 =	vadd.f32 v25, v21  }
0x246: {  	v22 =	vadd.f32 v26, v22  }
0x247: {  	[tilespmem:v31+s25+$0x0] =	vst.idx.msk $0xffff, v21  }
0x248: {  	[tilespmem:v32+s25+$0x0] =	vst.idx.msk $0xffff, v22  }
0x249: {  	v21 =	vld [tilespmem:s9+$0xFFFFFFD0]  }
0x24a: {  	v22 =	vld [tilespmem:s10+$0xFFFFFFD0];
	_ =	sdelay $0x1  }
0x24b: {  	v25 =	vld [tilespmem:s9+$0x10];
	_ =	sdelay $0x1  }
0x24c: {  	v26 =	vunpack.i.u.bf16.f32 v21;
	v21 =	vunpack.i.l.bf16.f32 v21;
	v28 =	vld [tilespmem:s10+$0x10]  }
0x24d: {  	v30 =	vunpack.i.u.bf16.f32 v22;
	v22 =	vunpack.i.l.bf16.f32 v22;
	v21 =	vmul.f32 v21, v23  }
0x24e: {  	v31 =	vor.u32 s17, v18;
	v22 =	vmul.f32 v22, v24;
	v30 =	vmul.f32 v30, v24  }
0x24f: {  	v33 =	vor.u32 s17, v17;
	v26 =	vmul.f32 v26, v23;
	v32 =	vunpack.i.l.bf16.f32 v25  }
0x250: {  	v25 =	vunpack.i.u.bf16.f32 v25;
	v21 =	vadd.f32 v22, v21;
	v22 =	vmul.f32 v32, v27  }
0x251: {  	v26 =	vadd.f32 v30, v26;
	v25 =	vmul.f32 v25, v27;
	v32 =	vunpack.i.l.bf16.f32 v28  }
0x252: {  	v28 =	vunpack.i.u.bf16.f32 v28;
	v21 =	vadd.f32 v22, v21;
	v22 =	vmul.f32 v32, v29  }
0x253: {  	v25 =	vadd.f32 v25, v26;
	v26 =	vmul.f32 v28, v29  }
0x254: {  	v21 =	vadd.f32 v22, v21  }
0x255: {  	v22 =	vadd.f32 v26, v25  }
0x256: {  	[tilespmem:v33+s25+$0x0] =	vst.idx.msk $0xffff, v21  }
0x257: {  	[tilespmem:v31+s25+$0x0] =	vst.idx.msk $0xffff, v22  }
0x258: {  	v21 =	vld [tilespmem:s9+$0xFFFFFFE0]  }
0x259: {  	v22 =	vld [tilespmem:s10+$0xFFFFFFE0]  }
0x25a: {  	v25 =	vld [tilespmem:s9+$0x20]  }
0x25b: {  	v26 =	vld [tilespmem:s10+$0x20];
	_ =	sdelay $0x1  }
0x25c: {  	v28 =	vunpack.i.u.bf16.f32 v21;
	v30 =	vunpack.i.l.bf16.f32 v21;
	v21 =	vor.u32 s17, v20  }
0x25d: {  	v31 =	vunpack.i.u.bf16.f32 v22;
	v22 =	vunpack.i.l.bf16.f32 v22;
	v30 =	vmul.f32 v30, v23  }
.Ltmp1:
0x25e: {  	v32 =	vunpack.i.l.bf16.f32 v25;
	v22 =	vmul.f32 v22, v24;
	v24 =	vmul.f32 v31, v24;
	(pc) =	sbr.rel @p0 .LBB2_5-.Ltmp1, $4  }
0x25f: {  	v28 =	vmul.f32 v28, v23;
	v25 =	vunpack.i.u.bf16.f32 v25;
	v31 =	vmul.f32 v32, v27  }
0x260: {  	v32 =	vunpack.i.l.bf16.f32 v26;
	v23 =	vmul.f32 v25, v27;
	v30 =	vadd.f32 v22, v30  }
0x261: {  	v33 =	vunpack.i.u.bf16.f32 v26;
	v25 =	vadd.f32 v24, v28;
	v22 =	vor.u32 s17, v19  }
0x262: {  	v27 =	vmul.f32 v32, v29;
	v24 =	vmul.f32 v33, v29;
	v26 =	vadd.f32 v31, v30  }
0x263: {  	_ = 	snop  }
0x264: {  	v23 =	vadd.f32 v23, v25  }
0x265: {  	v63 =	vadd.f32 v27, v26  }
0x266: {  	v23 =	vadd.f32 v24, v23  }
0x267: {  	s2 =	sadd.s32 s6, s8;
	[tilespmem:v22+s25+$0x0] =	vst.idx.msk $0xffff, v63  }
0x268: {  	[tilespmem:v21+s25+$0x0] =	vst.idx.msk $0xffff, v23;
	v21 =	vadd.s32 s2, v1  }
0x269: {  	s7 =	sadd.s32 $0x1, s7;
	[tilespmem:$0x16700] =	vst v21;
	v21 =	vadd.s32 s2, v4  }
0x26a: {  	p0 =	sne.s32 s7, $0x18;
	[tilespmem:$0x16710] =	vst v21;
	v21 =	vadd.s32 s2, v5  }
.Ltmp2:
0x26b: {  	[tilespmem:$0x16720] =	vst v21;
	v21 =	vadd.s32 s2, v9;
	(pc) =	sbr.rel @p0 .LBB2_2-.Ltmp2, $4  }
0x26c: {  	[tilespmem:$0x16730] =	vst v21;
	v21 =	vadd.s32 s2, v10  }
0x26d: {  	[tilespmem:$0x16740] =	vst v21;
	v21 =	vadd.s32 s2, v11  }
0x26e: {  	[tilespmem:$0x16750] =	vst v21  }
0x26f: {  	[hbm4b:s4+s26] =	stream.indirect.scatter [tilespmem:s25], [sflag:$0x3], $0x80, s28, s26, $0xb8;
	[tilespmem:$0x16780] =	vst v63  }
0x270: {  	_ =	swait.ge [sflag:s5], $0x4000  }
0x271: {  	[sflag:s5] =	ssyncset.done $0x0  }
0x272: {  	[sflag:s5] =	ssyncadd.s32 $0xFFFFC000  }
0x273: {  	_ =	swait.ge [sflag:s5], $0x4000  }
0x274: {  	[sflag:s5] =	ssyncset.done $0x0  }
0x275: {  	s2 =	simm.s32 $0x0;
	[sflag:s5] =	ssyncadd.s32 $0xFFFFC000  }
0x276: {  	v21 =	vmov s2;
	_ =	swait.ge [sflag:s30], $0x3000  }
0x277: {  	[sflag:s30] =	ssyncset.done $0x0  }
0x278: {  	s7 =	simm.s32 $0x3440;
	[sflag:s30] =	ssyncadd.s32 $0xFFFFD000  }
0x279: {  	s8 =	simm.s32 $0x7440;
	v22 =	vld [tilespmem:s7+$0xFFFFFFC0]  }
0x27a: {  	v23 =	vld [tilespmem:s8+$0xFFFFFFC0]  }
0x27b: {  	v24 =	vld.idx.msk [tilespmem:v21+s21+$0x0], $0xffff  }
0x27c: {  	v25 =	vld.idx.msk [tilespmem:v21+s22+$0x0], $0xffff  }
0x27d: {  	v26 =	vld [tilespmem:s7+$0x0]  }
0x27e: {  	v27 =	vld.idx.msk [tilespmem:v21+s23+$0x0], $0xffff  }
0x27f: {  	v28 =	vld [tilespmem:s8+$0x0];
	v29 =	vunpack.i.u.bf16.f32 v22;
	v22 =	vunpack.i.l.bf16.f32 v22  }
0x280: {  	v32 =	vor.u32 s2, v16;
	v31 =	vld.idx.msk [tilespmem:v21+s24+$0x0], $0xffff;
	v30 =	vunpack.i.l.bf16.f32 v23;
	v22 =	vmul.f32 v22, v24  }
0x281: {  	v21 =	vunpack.i.u.bf16.f32 v23;
	v23 =	vmul.f32 v29, v24;
	v29 =	vmul.f32 v30, v25  }
0x282: {  	v55 =	vunpack.i.u.bf16.f32 v26;
	v26 =	vunpack.i.l.bf16.f32 v26;
	v21 =	vmul.f32 v21, v25  }
0x283: {  	v56 =	vor.u32 s2, v15;
	v26 =	vmul.f32 v26, v27;
	v22 =	vadd.f32 v29, v22  }
0x284: {  	v21 =	vadd.f32 v21, v23;
	v23 =	vunpack.i.l.bf16.f32 v28;
	v29 =	vmul.f32 v55, v27  }
0x285: {  	v28 =	vunpack.i.u.bf16.f32 v28;
	v23 =	vmul.f32 v23, v31;
	v22 =	vadd.f32 v26, v22  }
0x286: {  	v21 =	vadd.f32 v29, v21;
	v26 =	vmul.f32 v28, v31  }
0x287: {  	v22 =	vadd.f32 v23, v22  }
0x288: {  	v21 =	vadd.f32 v26, v21  }
0x289: {  	[tilespmem:v56+s25+$0x0] =	vst.idx.msk $0xffff, v22  }
0x28a: {  	[tilespmem:v32+s25+$0x0] =	vst.idx.msk $0xffff, v21  }
0x28b: {  	v21 =	vld [tilespmem:s7+$0xFFFFFFD0]  }
0x28c: {  	v22 =	vld [tilespmem:s8+$0xFFFFFFD0];
	_ =	sdelay $0x1  }
0x28d: {  	v23 =	vld [tilespmem:s7+$0x10];
	_ =	sdelay $0x1  }
0x28e: {  	v57 =	vor.u32 s2, v18;
	v28 =	vld [tilespmem:s8+$0x10];
	v26 =	vunpack.i.u.bf16.f32 v21  }
0x28f: {  	v21 =	vunpack.i.l.bf16.f32 v21;
	v29 =	vunpack.i.u.bf16.f32 v22;
	v22 =	vunpack.i.l.bf16.f32 v22  }
0x290: {  	v33 =	vor.u32 s2, v17;
	v21 =	vmul.f32 v21, v24;
	v22 =	vmul.f32 v22, v25  }
0x291: {  	v58 =	vunpack.i.l.bf16.f32 v23;
	v29 =	vmul.f32 v29, v25;
	v26 =	vmul.f32 v26, v24  }
0x292: {  	v23 =	vunpack.i.u.bf16.f32 v23;
	v21 =	vadd.f32 v22, v21;
	v22 =	vmul.f32 v58, v27  }
0x293: {  	v59 =	vunpack.i.l.bf16.f32 v28;
	v23 =	vmul.f32 v23, v27;
	v26 =	vadd.f32 v29, v26  }
0x294: {  	v28 =	vunpack.i.u.bf16.f32 v28;
	v21 =	vadd.f32 v22, v21;
	v22 =	vmul.f32 v59, v31  }
0x295: {  	v23 =	vadd.f32 v23, v26;
	v26 =	vmul.f32 v28, v31  }
0x296: {  	v21 =	vadd.f32 v22, v21  }
0x297: {  	v22 =	vadd.f32 v26, v23  }
0x298: {  	[tilespmem:v33+s25+$0x0] =	vst.idx.msk $0xffff, v21  }
0x299: {  	[tilespmem:v57+s25+$0x0] =	vst.idx.msk $0xffff, v22  }
0x29a: {  	v21 =	vld [tilespmem:s7+$0xFFFFFFE0]  }
0x29b: {  	v22 =	vld [tilespmem:s8+$0xFFFFFFE0]  }
0x29c: {  	v23 =	vld [tilespmem:s7+$0x20];
	_ =	sdelay $0x1  }
0x29d: {  	v26 =	vld [tilespmem:s8+$0x20];
	_ =	sdelay $0x1  }
0x29e: {  	v28 =	vunpack.i.u.bf16.f32 v21;
	v29 =	vunpack.i.l.bf16.f32 v21;
	v21 =	vor.u32 s2, v20  }
0x29f: {  	v60 =	vunpack.i.u.bf16.f32 v22;
	v22 =	vunpack.i.l.bf16.f32 v22;
	v61 =	vunpack.i.l.bf16.f32 v23  }
0x2a0: {  	v23 =	vunpack.i.u.bf16.f32 v23;
	v29 =	vmul.f32 v29, v24;
	v22 =	vmul.f32 v22, v25  }
0x2a1: {  	v63 =	vunpack.i.u.bf16.f32 v26;
	v25 =	vmul.f32 v60, v25;
	v24 =	vmul.f32 v28, v24  }
0x2a2: {  	v62 =	vmul.f32 v61, v27;
	v28 =	vunpack.i.l.bf16.f32 v26;
	v29 =	vadd.f32 v22, v29  }
0x2a3: {  	v23 =	vmul.f32 v23, v27;
	v25 =	vadd.f32 v25, v24;
	v22 =	vor.u32 s2, v19  }
0x2a4: {  	v27 =	vmul.f32 v28, v31;
	s2 =	simm.s32 $0x1;
	v24 =	vmul.f32 v63, v31;
	v26 =	vadd.f32 v62, v29  }
.LBB2_8:
0x2a5: {  	p0 =	sne.s32 s2, $0x7F;
	v23 =	vadd.f32 v23, v25;
	s8 =	sadd.s32 $0x80, s8;
	s7 =	sadd.s32 $0x80, s7  }
0x2a6: {  	v25 =	vmov s2;
	s9 =	smov.u32 s2;
	s2 =	sadd.s32 $0x1, s2;
	v26 =	vadd.f32 v27, v26  }
0x2a7: {  	v23 =	vadd.f32 v24, v23  }
0x2a8: {  	[tilespmem:v22+s25+$0x0] =	vst.idx.msk $0xffff, v26  }
0x2a9: {  	[tilespmem:v21+s25+$0x0] =	vst.idx.msk $0xffff, v23  }
0x2aa: {  	v21 =	vld [tilespmem:s7+$0xFFFFFFC0]  }
0x2ab: {  	v22 =	vld [tilespmem:s8+$0xFFFFFFC0]  }
0x2ac: {  	v23 =	vld.idx.msk [tilespmem:v25+s21+$0x0], $0xffff  }
0x2ad: {  	v24 =	vld.idx.msk [tilespmem:v25+s22+$0x0], $0xffff  }
0x2ae: {  	v26 =	vld [tilespmem:s7+$0x0]  }
0x2af: {  	v27 =	vld.idx.msk [tilespmem:v25+s23+$0x0], $0xffff  }
0x2b0: {  	v28 =	vld [tilespmem:s8+$0x0]  }
0x2b1: {  	v30 =	vunpack.i.l.bf16.f32 v22;
	v29 =	vld.idx.msk [tilespmem:v25+s24+$0x0], $0xffff;
	v25 =	vunpack.i.u.bf16.f32 v21;
	v21 =	vunpack.i.l.bf16.f32 v21  }
0x2b2: {  	v22 =	vunpack.i.u.bf16.f32 v22;
	v21 =	vmul.f32 v21, v23;
	v25 =	vmul.f32 v25, v23  }
0x2b3: {  	v30 =	vmul.f32 v30, v24;
	v22 =	vmul.f32 v22, v24  }
0x2b4: {  	v32 =	vor.u32 s9, v16;
	v31 =	vunpack.i.u.bf16.f32 v26;
	v26 =	vunpack.i.l.bf16.f32 v26  }
0x2b5: {  	v21 =	vadd.f32 v30, v21;
	v26 =	vmul.f32 v26, v27;
	v22 =	vadd.f32 v22, v25  }
0x2b6: {  	v30 =	vmul.f32 v31, v27;
	v31 =	vor.u32 s9, v15;
	v25 =	vunpack.i.l.bf16.f32 v28  }
0x2b7: {  	v28 =	vunpack.i.u.bf16.f32 v28;
	v21 =	vadd.f32 v26, v21;
	v25 =	vmul.f32 v25, v29  }
0x2b8: {  	v22 =	vadd.f32 v30, v22;
	v26 =	vmul.f32 v28, v29  }
0x2b9: {  	v21 =	vadd.f32 v25, v21  }
0x2ba: {  	v22 =	vadd.f32 v26, v22  }
0x2bb: {  	[tilespmem:v31+s25+$0x0] =	vst.idx.msk $0xffff, v21  }
0x2bc: {  	[tilespmem:v32+s25+$0x0] =	vst.idx.msk $0xffff, v22  }
0x2bd: {  	v21 =	vld [tilespmem:s7+$0xFFFFFFD0]  }
0x2be: {  	v22 =	vld [tilespmem:s8+$0xFFFFFFD0];
	_ =	sdelay $0x1  }
0x2bf: {  	v25 =	vld [tilespmem:s7+$0x10];
	_ =	sdelay $0x1  }
0x2c0: {  	v26 =	vunpack.i.u.bf16.f32 v21;
	v21 =	vunpack.i.l.bf16.f32 v21;
	v28 =	vld [tilespmem:s8+$0x10]  }
0x2c1: {  	v30 =	vunpack.i.u.bf16.f32 v22;
	v22 =	vunpack.i.l.bf16.f32 v22;
	v21 =	vmul.f32 v21, v23  }
0x2c2: {  	v31 =	vor.u32 s9, v18;
	v22 =	vmul.f32 v22, v24;
	v30 =	vmul.f32 v30, v24  }
0x2c3: {  	v33 =	vor.u32 s9, v17;
	v26 =	vmul.f32 v26, v23;
	v32 =	vunpack.i.l.bf16.f32 v25  }
0x2c4: {  	v25 =	vunpack.i.u.bf16.f32 v25;
	v21 =	vadd.f32 v22, v21;
	v22 =	vmul.f32 v32, v27  }
0x2c5: {  	v26 =	vadd.f32 v30, v26;
	v25 =	vmul.f32 v25, v27;
	v32 =	vunpack.i.l.bf16.f32 v28  }
0x2c6: {  	v28 =	vunpack.i.u.bf16.f32 v28;
	v21 =	vadd.f32 v22, v21;
	v22 =	vmul.f32 v32, v29  }
0x2c7: {  	v25 =	vadd.f32 v25, v26;
	v26 =	vmul.f32 v28, v29  }
0x2c8: {  	v21 =	vadd.f32 v22, v21  }
0x2c9: {  	v22 =	vadd.f32 v26, v25  }
0x2ca: {  	[tilespmem:v33+s25+$0x0] =	vst.idx.msk $0xffff, v21  }
0x2cb: {  	[tilespmem:v31+s25+$0x0] =	vst.idx.msk $0xffff, v22  }
0x2cc: {  	v21 =	vld [tilespmem:s7+$0xFFFFFFE0]  }
0x2cd: {  	v22 =	vld [tilespmem:s8+$0xFFFFFFE0]  }
0x2ce: {  	v25 =	vld [tilespmem:s7+$0x20]  }
0x2cf: {  	v26 =	vld [tilespmem:s8+$0x20];
	_ =	sdelay $0x1  }
0x2d0: {  	v28 =	vunpack.i.u.bf16.f32 v21;
	v30 =	vunpack.i.l.bf16.f32 v21;
	v21 =	vor.u32 s9, v20  }
0x2d1: {  	v31 =	vunpack.i.u.bf16.f32 v22;
	v22 =	vunpack.i.l.bf16.f32 v22;
	v30 =	vmul.f32 v30, v23  }
.Ltmp3:
0x2d2: {  	v32 =	vunpack.i.l.bf16.f32 v25;
	v22 =	vmul.f32 v22, v24;
	v24 =	vmul.f32 v31, v24;
	(pc) =	sbr.rel @p0 .LBB2_8-.Ltmp3, $4  }
0x2d3: {  	v28 =	vmul.f32 v28, v23;
	v25 =	vunpack.i.u.bf16.f32 v25;
	v31 =	vmul.f32 v32, v27  }
0x2d4: {  	v32 =	vunpack.i.l.bf16.f32 v26;
	v23 =	vmul.f32 v25, v27;
	v30 =	vadd.f32 v22, v30  }
0x2d5: {  	v33 =	vunpack.i.u.bf16.f32 v26;
	v25 =	vadd.f32 v24, v28;
	v22 =	vor.u32 s9, v19  }
0x2d6: {  	v27 =	vmul.f32 v32, v29;
	v24 =	vmul.f32 v33, v29;
	v26 =	vadd.f32 v31, v30  }
0x2d7: {  	_ = 	snop  }
0x2d8: {  	v15 =	vadd.f32 v23, v25  }
0x2d9: {  	v16 =	vadd.f32 v27, v26  }
0x2da: {  	v15 =	vadd.f32 v24, v15  }
0x2db: {  	[tilespmem:v22+s25+$0x0] =	vst.idx.msk $0xffff, v16  }
0x2dc: {  	[tilespmem:v21+s25+$0x0] =	vst.idx.msk $0xffff, v15  }
0x2dd: {  	[tilespmem:$0x16700] =	vst v6  }
0x2de: {  	[tilespmem:$0x16710] =	vst v7  }
0x2df: {  	[tilespmem:$0x16720] =	vst v8  }
0x2e0: {  	[tilespmem:$0x16730] =	vst v12  }
0x2e1: {  	[tilespmem:$0x16740] =	vst v13  }
0x2e2: {  	[tilespmem:$0x16750] =	vst v14  }
0x2e3: {  	[hbm4b:s4+s26] =	stream.indirect.scatter [tilespmem:s25], [sflag:$0x3], $0x80, s28, s26, $0xb8;
	[tilespmem:$0x16780] =	vst v63  }
0x2e4: {  	_ =	swait.ge [sflag:s30], $0x3000  }
0x2e5: {  	s7 =	rddreg [dreg:$0x6]  }
0x2e6: {  	s2 =	rddreg [dreg:$0x5];
	s7 =	sadd.s32 $0x1, s7  }
0x2e7: {  	p0 =	sne.s32 s7, s2  }
.Ltmp4:
0x2e8: {  	_ = 	snop;
	(pc) =	sbr.rel @p0 .LBB2_1-.Ltmp4, $3  }
0x2e9: {  	_ =	sdelay $0x1  }
0x2ea: {  	[sflag:s30] =	ssyncset.done $0x0  }
0x2eb: {  	[sflag:s30] =	ssyncadd.s32 $0xFFFFD000  }
0x2ec: {  	_ =	sfence.sel $0x180000  }
0x2ed: {  	[bflag:$0x0] =	sbarrier.arrive $0xFFFF  }
0x2ee: {  	_ =	strace $0x9000004D  }
0x2ef: {  	s0 =	stileid.u32;
	[bflag:$0x2] =	sbarrier.arrive $0xFFFF  }
0x2f0: {  	p0 =	sne.s32 s0, $0x0;
	s0 =	rddreg [dreg:$0x2]  }
0x2f1: {  	s0 =	sadd.s32 @!p0 $0x100000, s0  }
0x2f2: {  	[sflag:s0] =	ssyncadd.tile.s32 @!p0 $0x1;
	_ =	shalt  }
.Lfunc_end2:
_tile_overlayer_lowered:
.L_overlay_start_2:
0x2f3: {  	(tag) =	ssettag $0x2  }
0x2f4: {  	s0 =	rddreg [dreg:$0x0];
	s2 =	stileid.u32  }
0x2f5: {  	s1 =	rddreg [dreg:$0x1];
	p0 =	sne.s32 s2, $0x0  }
0x2f6: {  	s3 =	rddreg [dreg:$0x2];
	[bflag:$0x3] =	sbarrier.arrive $0xFFFF;
	s2 =	simm.s32 @!p0 $0x1C04  }
0x2f7: {  	[timem:s3], [sflag:s2] =	dma.local @!p0 [hbm:s0], s1  }
0x2f8: {  	s0 =	simm.s32 @!p0 $0x4  }
0x2f9: {  	_ =	swait.ge @!p0 [sflag:s0], s1  }
0x2fa: {  	s1 =	ssub.s32 @!p0 $0x0, s1;
	[sflag:s0] =	ssyncset.done @!p0 $0x0  }
0x2fb: {  	[sflag:s0] =	ssyncadd.s32 @!p0 s1  }
0x2fc: {  	[bflag:$0x3] =	sbarrier.arrive $0xFFFF  }
0x2fd: {  	_ =	shalt  }

// kernel: sparse-core-data-format-call.1.cloned.1.call-start
scs
called_computation.1_lowered:
.L_overlay_start_0:
0x0: {  	s2 =	sld [smem:$0x3FD9]  }
0x1: {  	s3 =	sld [smem:$0x3FFE];
	_ =	sdelay $0x1  }
0x2: {  	s1 =	srdreg.scid  }
0x3: {  	s0 =	sand.u32 $0x1, s1  }
0x4: {  	s18 =	sshll.u32 s0, $0xA;
	s2 =	sadd.s32 s3, s2  }
0x5: {  	s2 =	sadd.s32 s2, s18  }
0x6: {  	[smem:$0x3FC6] =	sst s2  }
0x7: {  	_ = 	snop  }
0x8: {  	s2 =	sld [smem:$0x3FD0];
	(tm) =	ssettm $0x1  }
0x9: {  	s19 =	sld [smem:$0x3FFB];
	_ =	sdelay $0x3  }
0xa: {  	_ =	strace s19  }
0xb: {  	s3 =	sld [smem:$0x3FFC];
	_ =	sdelay $0x3  }
0xc: {  	_ =	strace s3  }
0xd: {  	s3 =	sld [smem:$0x3FFD];
	_ =	sdelay $0x3  }
0xe: {  	_ =	strace s3  }
0xf: {  	_ =	strace $0x8FFFFFFF  }
0x10: {  	s20 =	sld [smem:$0x3FDB];
	_ =	sdelay $0x1  }
0x11: {  	s4 =	simm.s32 $_scs_section_size  }
0x12: {  	s5 =	simm.s32 $_size__tile_overlayer_lowered;
	s6 =	simm.s32 $_tile_overlayer_lowered  }
0x13: {  	s23 =	simm.s32 $0x1BFF;
	s22 =	sshll.u32 s6, $0x1;
	s3 =	sadd.s32 s4, s20  }
0x14: {  	s7 =	simm.s32 $0x0;
	s21 =	sshll.u32 s5, $0x1;
	s5 =	sadd.s32 s22, s3  }
0x15: {  	[timem:s7], [sflag:s23] =	dma.local [hbm:s5], s21  }
0x16: {  	_ =	swait.ge [sflag:s23], s21  }
0x17: {  	s4 =	ssub.s32 $0x0, s21;
	[sflag:s23] =	ssyncset.done $0x0  }
0x18: {  	[sflag:s23] =	ssyncadd.s32 s4;
	_ =	sdelay $0x1  }
0x19: {  	s24 =	simm.s32 $0x1B8B  }
0x1a: {  	_ =	swait.ge [sflag:s24], $0x1  }
0x1b: {  	[sflag:s24] =	ssyncset.done $0x0  }
0x1c: {  	s26 =	simm.s32 $0x1B8E;
	s25 =	sld [smem:$0x3FFE];
	[sflag:s24] =	ssyncadd.s32 $0xFFFFFFFF  }
0x1d: {  	s27 =	simm.s32 $execute0_lowered;
	[smem:$0x3FD2] =	sst s26  }
0x1e: {  	s5 =	sshll.u32 s27, $0x1;
	_ =	strace $0x80000046;
	[dreg:$0x1] =	wrdreg $0xFFFFFFFF  }
0x1f: {  	s28 =	simm.s32 $_size_execute0_lowered;
	s3 =	sadd.s32 s3, s5;
	[dreg:$0x0] =	wrdreg $0x0  }
0x20: {  	s5 =	sshll.u32 s28, $0x1;
	[dreg:$0x2] =	wrdreg s3  }
0x21: {  	[dreg:$0x3] =	wrdreg s5  }
0x22: {  	[dreg:$0x4] =	wrdreg $0xC0  }
0x23: {  	_ =	task [dreg:s7], $0x5FFFF  }
0x24: {  	[dreg:$0x1] =	wrdreg $0xFFFFFFFF  }
0x25: {  	[dreg:$0x0] =	wrdreg $0x60  }
0x26: {  	[dreg:$0x2] =	wrdreg s25  }
0x27: {  	[dreg:$0x3] =	wrdreg s2  }
0x28: {  	[dreg:$0x4] =	wrdreg $0x9  }
0x29: {  	_ =	task.clear_ibuf [dreg:s7], $0x5FFFF;
	_ =	strace $0x90000046  }
0x2a: {  	s29 =	simm.s32 $0x9;
	_ =	strace $0x80000048  }
0x2b: {  	_ =	swait.ge [sflag:s29], $0x1  }
0x2c: {  	[sflag:s29] =	ssyncadd.s32 $0xFFFFFFFF  }
0x2d: {  	_ =	strace $0x90000048  }
0x2e: {  	_ =	sfence  }
0x2f: {  	s30 =	sld [smem:$0x0];
	_ =	sdelay $0x2  }
0x30: {  	s31 =	sshll.u32 s1, $0xD;
	s1 =	sshrl.u32 s1, $0x2  }
0x31: {  	s3 =	sand.u32 $0x4000, s31;
	s1 =	sadd.s32 s1, s30  }
0x32: {  	s0 =	sor.u32 s3, s0;
	s1 =	sshll.u32 s1, $0x11  }
0x33: {  	s0 =	sor.u32 s1, s0  }
0x34: {  	s0 =	sadd.s32 $0x8F2B, s0  }
0x35: {  	[sflag:s0] =	ssyncadd.remote.s32 $0x1  }
0x36: {  	_ =	sfence.sel $0xFFFF  }
0x37: {  	[dreg:$0x0] =	wrdreg $0xFFFFFFFF;
	(pc) =	sbr.abs _section_cstart, $3  }
0x38: {  	[dreg:$0x1] =	wrdreg $0xFFFFFFFF  }
0x39: {  	_ =	task.clear_ibuf [dreg:s7], $0x2FFFF;
	_ =	strace $0x9FFFFFFF  }
0x3a: {  	(tm) =	ssettm $0x7FFFFFFF  }
0x3b: {  	_ =	shalt  }
tec
execute0_lowered:
.L_overlay_start_1:
0x0: {  	(tag) =	ssettag $0x1  }
0x1: {  	s0 =	srdreg.scid  }
0x2: {  	s0 =	sshll.u32 s0, $0x4  }
0x3: {  	s1 =	stileid.u32;
	s0 =	sand.u32 $0x10, s0  }
0x4: {  	s0 =	sor.u32 s1, s0  }
0x5: {  	s30 =	rddreg [dreg:$0x0];
	s7 =	sshll.u32 s0, $0xA  }
0x6: {  	_ =	strace $0x80000047;
	s2 =	simm.s32 $0x1;
	s0 =	ssub.s32 $0xC400, s7  }
0x7: {  	s31 =	simm.s32 $0x2;
	s15 =	simm.s32 $0x0;
	s3 =	sand.u32 $0x7C00, s0  }
0x8: {  	s9 =	simm.s32 $0x0;
	p0 =	sne.s32 s3, $0x0;
	s3 =	simm.s32 $0x1  }
0x9: {  	s14 =	simm.s32 $0x0;
	s0 =	sshrl.u32 s0, $0xF;
	s3 =	simm.s32 @!p0 $0x0  }
.Ltmp0:
0xa: {  	s16 =	simm.s32 $0x0;
	s0 =	sadd.s32 s3, s0;
	(pc) =	sbr.rel .LBB1_1-.Ltmp0, $4  }
0xb: {  	s11 =	simm.s32 $0x0;
	s8 =	sadd.s32 $0xC00, s30;
	s5 =	smul.u32 $0xC, s0  }
0xc: {  	s12 =	simm.s32 $0x0;
	s13 =	simm.s32 $0x0;
	[dreg:$0x6] =	wrdreg s8  }
0xd: {  	[sflag:s2] =	ssyncpa.u1 $0x0;
	[dreg:$0x5] =	wrdreg s7;
	s17 =	sor.u32 $0x1, s5  }
0xe: {  	[sflag:s31] =	ssyncpa.u1 $0x0;
	s10 =	smov.u32 s7;
	[dreg:$0x7] =	wrdreg s17  }
.LBB1_9:
0xf: {  	s0 =	sadd.s32 $0x8000, s10  }
0x10: {  	s1 =	sadd.s32 $0x8, s11;
	s2 =	smov.u32 s11;
	p1 =	sgt.s32 s0, $0xC3FF  }
0x11: {  	s2 =	smov.u32 @p1 s1  }
0x12: {  	s3 =	sadd.s32 $0x4, s12;
	s4 =	smov.u32 s12;
	p2 =	sgt.s32 s2, $0x5F  }
0x13: {  	s4 =	smov.u32 @p2 s3  }
0x14: {  	s0 =	smov.u32 @p1 s7;
	p1 =	sgt.s32 s4, $0x3  }
0x15: {  	p0 =	slt.u32 s13, $0x2;
	s4 =	simm.s32 @p1 $0x0;
	p1 =	sne.s32 s13, s17  }
.Ltmp1:
0x16: {  	s1 =	simm.s32 @!p0 $0x2;
	(pc) =	sbr.rel @!p1 .LBB1_10-.Ltmp1, $4  }
0x17: {  	s15 =	smov.u32 s10;
	s14 =	smov.u32 s11;
	_ =	swait.ge @!p0 [sflag:s1], $0x4000  }
0x18: {  	s16 =	smov.u32 s12;
	s9 =	sadd.s32 $0x8000, s9;
	[sflag:s1] =	ssyncset.done @!p0 $0x0  }
0x19: {  	s10 =	smov.u32 s0;
	s2 =	simm.s32 @p2 $0x0;
	[sflag:s1] =	ssyncadd.s32 @!p0 $0xFFFFC000  }
0x1a: {  	s11 =	smov.u32 s2;
	s13 =	sadd.s32 $0x1, s13;
	s12 =	smov.u32 s4  }
.LBB1_1:
0x1b: {  	p0 =	sge.u32 s13, s5  }
0x1c: {  	s0 =	sshrl.u32 @!p0 s11, $0x3;
	s1 =	sand.u32 @!p0 $0x1, s11  }
0x1d: {  	s3 =	sshll.u32 @!p0 s10, $0x3;
	s4 =	sshll.u32 @!p0 s11, $0x7;
	s0 =	smul.u32 @!p0 $0x62000, s0  }
0x1e: {  	s6 =	sshll.u32 @!p0 s10, $0x1;
	s3 =	sand.u32 @!p0 $0xFFFFFC00, s3;
	s4 =	sand.u32 @!p0 $0x300, s4  }
0x1f: {  	s1 =	sor.u32 @!p0 s1, s4;
	s0 =	sadd.s32 @!p0 s0, s3;
	s3 =	sand.u32 @!p0 $0xFE, s6  }
0x20: {  	s1 =	sor.u32 @!p0 s3, s1;
	s3 =	smulhi.u32 @!p0 $0x5397829D, s0  }
0x21: {  	s0 =	sor.u32 @!p0 s0, s1  }
0x22: {  	s1 =	smulhi.u32 @!p0 $0x5397829D, s0;
	s3 =	sshrl.u32 @!p0 s3, $0xE  }
0x23: {  	s4 =	smulhi.u32 @!p0 $0x2AAAAAB, s3;
	_ =	sdelay $0x1  }
0x24: {  	s1 =	sshrl.u32 @!p0 s1, $0xE;
	s4 =	smul.u32 @!p0 $0x60, s4  }
0x25: {  	s1 =	smul.u32 @!p0 $0xC400, s1  }
0x26: {  	s3 =	ssub.s32 @!p0 s3, s4;
	s4 =	smul.u32 @!p0 $0x49800, s12  }
0x27: {  	s31 =	sadd.s32 $0xFFFFFFFF, s13;
	s3 =	smul.u32 @!p0 $0xC40, s3  }
0x28: {  	s6 =	sxor.u32 @!p0 $0xFFFFFFFF, s13;
	s0 =	ssub.s32 @!p0 s0, s1;
	s1 =	sadd.s32 @!p0 s8, s4  }
0x29: {  	s4 =	sshrl.u32 @!p0 s0, $0x4;
	s0 =	sshll.u32 @!p0 s0, $0x11;
	s1 =	sadd.s32 @!p0 s3, s1  }
0x2a: {  	s3 =	sshll.u32 @!p0 s6, $0xE;
	s0 =	sand.u32 @!p0 $0x1C0000, s0;
	s1 =	sadd.s32 @!p0 s4, s1  }
0x2b: {  	s3 =	sand.u32 @!p0 $0x4000, s3;
	s0 =	sor.u32 @!p0 $0x1000, s0;
	s4 =	simm.s32 @!p0 $0x24C000  }
0x2c: {  	[tilespmem:s3], [sflag:$0x1] =	stream.strided.gather @!p0 [hbm4b:s1+s0], $0x4000, s4, s0, $0x38;
	[tilespmem:$0x10000] =	vst v63  }
0x2d: {  	p0 =	sge.u32 s31, s5  }
.Ltmp2:
0x2e: {  	_ = 	snop;
	(pc) =	sbr.rel @p0 .LBB1_9-.Ltmp2, $1  }
0x2f: {  	_ =	sdelay $0x3  }
0x30: {  	s0 =	sshll.u32 s9, $0x1  }
0x31: {  	s2 =	simm.s32 $0x1;
	s1 =	sshll.u32 s13, $0xE;
	p1 =	por $0x1, $0x1  }
0x32: {  	_ =	swait.ge [sflag:s2], $0x4000;
	s0 =	sand.u32 $0x10000, s0;
	s1 =	sand.u32 $0x4000, s1  }
0x33: {  	[sflag:s2] =	ssyncset.done $0x0;
	s17 =	sor.u32 $0x8000, s1;
	s0 =	sshrl.u32 s0, $0x2  }
0x34: {  	[sflag:s2] =	ssyncadd.s32 $0xFFFFC000;
	s18 =	sadd.s32 $0x1000, s0;
	s0 =	simm.s32 $0x0  }
.LBB1_3:
0x35: {  	s1 =	sshll.u32 s0, $0xC  }
0x36: {  	s31 =	sshll.u32 s0, $0x7;
	p0 =	por p1, p1;
	s1 =	sand.u32 $0x3FFFF000, s1  }
0x37: {  	s20 =	simm.s32 $0x0;
	[dreg:$0x3] =	wrdreg s31;
	s19 =	sadd.s32 s1, s18  }
.LBB1_4:
0x38: {  	s0 =	sshll.u32 s20, $0xB  }
0x39: {  	s0 =	sand.u32 $0x3FFFF800, s0  }
0x3a: {  	s21 =	sadd.s32 s0, s17  }
0x3b: {  	s0 =	sadd.s32 $0x800, s21  }
0x3c: {  	[dreg:$0x4] =	wrdreg s0  }
0x3d: {  	v0 =	vld [tilespmem:s19+$0xFFFFF070]  }
0x3e: {  	v1 =	vld [tilespmem:s19+$0x70]  }
0x3f: {  	v2 =	vld [tilespmem:s19+$0x0]  }
0x40: {  	s22 =	simm.s32 $0x0;
	v3 =	vld [tilespmem:s19+$0xFFFFF010]  }
0x41: {  	s24 =	rddreg [dreg:$0x3];
	s25 =	simm.s32 $0x0;
	s1 =	sand.u32 $0x200, s22;
	v4 =	vld [tilespmem:s19+$0x10]  }
0x42: {  	s23 =	simm.s32 $0x0;
	s4 =	sand.u32 $0x600, s25;
	s0 =	sor.u32 s24, s1;
	v5 =	vld [tilespmem:s19+$0xFFFFF020]  }
0x43: {  	s30 =	sadd.s32 s4, s21;
	s3 =	rddreg [dreg:$0x4];
	s6 =	sor.u32 $0x20, s0;
	v7 =	vld [tilespmem:s19+$0x20]  }
0x44: {  	s26 =	sor.u32 $0xE0, s0;
	s2 =	sor.u32 $0x40, s0;
	v10 =	vld [tilespmem:s19+$0xFFFFF030];
	s8 =	sor.u32 $0x60, s0;
	v6 =	vunpack.i.l.s16.s32 v0;
	v8 =	vunpack.i.u.s16.s32 v0;
	v9 =	vunpack.i.u.s16.s32 v1  }
0x45: {  	s25 =	sor.u32 $0x80, s0;
	v11 =	vld [tilespmem:s19+$0x30];
	s27 =	sor.u32 $0xA0, s0;
	s28 =	sor.u32 $0xC0, s0;
	v1 =	vunpack.i.l.s16.s32 v1;
	v0 =	vunpack.i.u.s16.s32 v2;
	v2 =	vunpack.i.l.s16.s32 v2  }
0x46: {  	v13 =	vld [tilespmem:s19+$0xFFFFF040];
	s29 =	sshrl.u32 s0, $0x1;
	s24 =	sadd.s32 s4, s3;
	s1 =	sshrl.u32 s26, $0x1;
	v12 =	vunpack.i.u.s16.s32 v4;
	v4 =	vunpack.i.l.s16.s32 v4;
	v8 =	vpack.i.b32.b16 v9, v8  }
0x47: {  	v14 =	vld [tilespmem:s19+$0x40];
	s6 =	sshrl.u32 s6, $0x1;
	s3 =	sshrl.u32 s2, $0x1;
	s8 =	sshrl.u32 s8, $0x1;
	v9 =	vunpack.i.u.s16.s32 v3;
	v3 =	vunpack.i.l.s16.s32 v3;
	v1 =	vpack.i.b32.b16 v1, v6  }
0x48: {  	s25 =	sshrl.u32 s25, $0x1;
	s27 =	sshrl.u32 s27, $0x1;
	s26 =	sadd.s32 s1, s24;
	v6 =	vunpack.i.u.s16.s32 v5;
	v5 =	vunpack.i.l.s16.s32 v5;
	v4 =	vpack.i.b32.b16 v4, v3  }
0x49: {  	s28 =	sshrl.u32 s28, $0x1;
	s4 =	sadd.s32 s6, s24;
	s7 =	sadd.s32 s3, s24;
	[tilespmem:s26+$0x0] =	vst v8;
	v8 =	vpack.i.b32.b16 v12, v9;
	v9 =	vunpack.i.u.s16.s32 v7;
	v7 =	vunpack.i.l.s16.s32 v7;
	v3 =	vld [tilespmem:s19+$0xFFFFF050]  }
0x4a: {  	s6 =	sadd.s32 s6, s30;
	s3 =	sadd.s32 s3, s30;
	s0 =	sadd.s32 s25, s24;
	v16 =	vunpack.i.u.s16.s32 v11;
	v12 =	vunpack.i.u.s16.s32 v10;
	[tilespmem:s4+$0x0] =	vst v8;
	v7 =	vpack.i.b32.b16 v7, v5;
	v5 =	vld [tilespmem:s19+$0x50]  }
0x4b: {  	s31 =	sadd.s32 s27, s24;
	s26 =	sadd.s32 s1, s30;
	v8 =	vunpack.i.l.s16.s32 v10;
	s4 =	sadd.s32 s8, s30;
	v15 =	vpack.i.b32.b16 v9, v6;
	v6 =	vunpack.i.l.s16.s32 v11;
	[tilespmem:s6+$0x0] =	vst v4;
	v4 =	vld [tilespmem:s19+$0xFFFFF060]  }
0x4c: {  	v10 =	vunpack.i.l.s16.s32 v13;
	v12 =	vpack.i.b32.b16 v16, v12;
	v11 =	vunpack.i.u.s16.s32 v14;
	s6 =	sadd.s32 s8, s24;
	s8 =	sadd.s32 s25, s30;
	[tilespmem:s3+$0x0] =	vst v7;
	s3 =	sadd.s32 s27, s30;
	v7 =	vld [tilespmem:s19+$0xFFFFF000]  }
0x4d: {  	v9 =	vpack.i.b32.b16 v6, v8;
	v8 =	vunpack.i.u.s16.s32 v13;
	v6 =	vld [tilespmem:s19+$0x60];
	s27 =	sadd.s32 s28, s30;
	v13 =	vunpack.i.l.s16.s32 v14;
	s28 =	sadd.s32 s28, s24;
	s25 =	sadd.s32 $0x200, s19;
	[tilespmem:s7+$0x0] =	vst v15  }
.LBB1_5:
0x4e: {  	v14 =	vld [tilespmem:s25+$0xFFFFF070]  }
0x4f: {  	[tilespmem:s4+$0x0] =	vst v9;
	v9 =	vpack.i.b32.b16 v13, v10;
	v13 =	vld [tilespmem:s25+$0x70];
	v8 =	vpack.i.b32.b16 v11, v8;
	v10 =	vunpack.i.u.s16.s32 v3  }
0x50: {  	s30 =	sadd.s32 s29, s30;
	[tilespmem:s6+$0x0] =	vst v12;
	v12 =	vld [tilespmem:s25+$0x0];
	s22 =	sadd.s32 $0x200, s22;
	v3 =	vunpack.i.l.s16.s32 v3;
	v11 =	vunpack.i.u.s16.s32 v5;
	v5 =	vunpack.i.l.s16.s32 v5  }
0x51: {  	s29 =	sadd.s32 s29, s24;
	s1 =	rddreg [dreg:$0x3];
	[tilespmem:s8+$0x0] =	vst v9;
	s24 =	sand.u32 $0x200, s22;
	v9 =	vld [tilespmem:s25+$0xFFFFF010];
	v15 =	vunpack.i.u.s16.s32 v7;
	v7 =	vunpack.i.l.s16.s32 v7;
	v3 =	vpack.i.b32.b16 v5, v3  }
0x52: {  	s23 =	sadd.s32 $0x80, s23;
	s2 =	rddreg [dreg:$0x4];
	[tilespmem:s0+$0x0] =	vst v8;
	s0 =	sor.u32 s1, s24;
	v5 =	vunpack.i.u.s16.s32 v4;
	v4 =	vunpack.i.l.s16.s32 v4;
	v8 =	vpack.i.b32.b16 v11, v10  }
0x53: {  	p1 =	slt.u32 s23, $0x380;
	s7 =	sshrl.u32 s22, $0x1;
	s8 =	sor.u32 $0xE0, s0;
	v10 =	vunpack.i.u.s16.s32 v6;
	v6 =	vunpack.i.l.s16.s32 v6;
	v11 =	vld [tilespmem:s25+$0x10];
	v2 =	vpack.i.b32.b16 v2, v7;
	[tilespmem:s3+$0x0] =	vst v3  }
0x54: {  	s4 =	sor.u32 $0x20, s0;
	s6 =	sor.u32 $0x40, s0;
	s1 =	sshrl.u32 s8, $0x1;
	v7 =	vpack.i.b32.b16 v0, v15;
	v15 =	vunpack.i.u.s16.s32 v13;
	v3 =	vpack.i.b32.b16 v6, v4;
	v4 =	vld [tilespmem:s25+$0xFFFFF020];
	[tilespmem:s31+$0x0] =	vst v8  }
0x55: {  	s8 =	sor.u32 $0x60, s0;
	s4 =	sshrl.u32 s4, $0x1;
	s6 =	sshrl.u32 s6, $0x1;
	v13 =	vunpack.i.l.s16.s32 v13;
	v0 =	vunpack.i.u.s16.s32 v12;
	v6 =	vunpack.i.l.s16.s32 v14;
	v8 =	vld [tilespmem:s25+$0x20];
	[tilespmem:s30+$0x0] =	vst v2  }
0x56: {  	s8 =	sshrl.u32 s8, $0x1;
	s3 =	sand.u32 $0x600, s7;
	v14 =	vunpack.i.u.s16.s32 v14;
	v2 =	vunpack.i.l.s16.s32 v12;
	v12 =	vld [tilespmem:s25+$0xFFFFF030];
	s30 =	sor.u32 $0x80, s0;
	[tilespmem:s29+$0x0] =	vst v7;
	v7 =	vunpack.i.u.s16.s32 v9  }
0x57: {  	[tilespmem:s26+$0x0] =	vst v1;
	v9 =	vunpack.i.l.s16.s32 v9;
	s7 =	sor.u32 $0xA0, s0;
	v5 =	vpack.i.b32.b16 v10, v5;
	s29 =	sshrl.u32 s0, $0x1;
	s24 =	sadd.s32 s3, s2;
	v14 =	vpack.i.b32.b16 v15, v14;
	v15 =	vld [tilespmem:s25+$0x30]  }
0x58: {  	s2 =	sor.u32 $0xC0, s0;
	v6 =	vpack.i.b32.b16 v13, v6;
	v13 =	vld [tilespmem:s25+$0x40];
	s7 =	sshrl.u32 s7, $0x1;
	[tilespmem:s28+$0x0] =	vst v5;
	s31 =	sadd.s32 s1, s24;
	v10 =	vunpack.i.u.s16.s32 v11;
	v11 =	vunpack.i.l.s16.s32 v11  }
0x59: {  	s2 =	sshrl.u32 s2, $0x1;
	s0 =	sadd.s32 s4, s24;
	s28 =	sadd.s32 s6, s24;
	[tilespmem:s31+$0x0] =	vst v14;
	v14 =	vld [tilespmem:s25+$0xFFFFF040];
	v9 =	vpack.i.b32.b16 v11, v9;
	v11 =	vunpack.i.u.s16.s32 v4;
	v4 =	vunpack.i.l.s16.s32 v4  }
.Ltmp3:
0x5a: {  	[tilespmem:s27+$0x0] =	vst v3;
	v3 =	vld [tilespmem:s25+$0xFFFFF050];
	s31 =	sshrl.u32 s30, $0x1;
	s30 =	sadd.s32 s3, s21;
	v5 =	vpack.i.b32.b16 v10, v7;
	v7 =	vunpack.i.u.s16.s32 v8;
	v8 =	vunpack.i.l.s16.s32 v8;
	(pc) =	sbr.rel @p1 .LBB1_5-.Ltmp3, $4  }
0x5b: {  	s3 =	sadd.s32 s4, s30;
	s26 =	sadd.s32 s6, s30;
	s4 =	sadd.s32 s8, s30;
	v16 =	vunpack.i.u.s16.s32 v12;
	v10 =	vunpack.i.l.s16.s32 v12;
	[tilespmem:s0+$0x0] =	vst v5;
	v8 =	vpack.i.b32.b16 v8, v4;
	v5 =	vld [tilespmem:s25+$0x50]  }
0x5c: {  	v1 =	vmovc v6;
	s6 =	sadd.s32 s8, s24;
	s8 =	sadd.s32 s31, s30;
	s27 =	sadd.s32 s2, s30;
	[tilespmem:s3+$0x0] =	vst v9;
	v11 =	vpack.i.b32.b16 v7, v11;
	v12 =	vunpack.i.u.s16.s32 v15;
	v6 =	vunpack.i.l.s16.s32 v15;
	v4 =	vld [tilespmem:s25+$0xFFFFF060]  }
0x5d: {  	s0 =	sadd.s32 s31, s24;
	s3 =	sadd.s32 s7, s30;
	s31 =	sadd.s32 s7, s24;
	v7 =	vld [tilespmem:s25+$0xFFFFF000];
	v9 =	vpack.i.b32.b16 v6, v10;
	[tilespmem:s28+$0x0] =	vst v11;
	v12 =	vpack.i.b32.b16 v12, v16;
	v11 =	vunpack.i.u.s16.s32 v13  }
0x5e: {  	[tilespmem:s26+$0x0] =	vst v8;
	v6 =	vld [tilespmem:s25+$0x60];
	v13 =	vunpack.i.l.s16.s32 v13;
	s28 =	sadd.s32 s2, s24;
	s26 =	sadd.s32 s1, s30;
	s25 =	sadd.s32 $0x200, s25;
	v8 =	vunpack.i.u.s16.s32 v14;
	v10 =	vunpack.i.l.s16.s32 v14  }
0x5f: {  	[tilespmem:s4+$0x0] =	vst v9  }
0x60: {  	[tilespmem:s26+$0x0] =	vst v1  }
0x61: {  	v51 =	vpack.i.b32.b16 v13, v10;
	[tilespmem:s6+$0x0] =	vst v12  }
0x62: {  	v52 =	vunpack.i.l.s16.s32 v3;
	v8 =	vpack.i.b32.b16 v11, v8;
	v53 =	vunpack.i.l.s16.s32 v5;
	[tilespmem:s8+$0x0] =	vst v51  }
0x63: {  	v54 =	vunpack.i.u.s16.s32 v3;
	v55 =	vunpack.i.u.s16.s32 v5;
	v56 =	vpack.i.b32.b16 v53, v52;
	[tilespmem:s0+$0x0] =	vst v8  }
0x64: {  	p1 =	slt.u32 s20, $0x6;
	v3 =	vpack.i.b32.b16 v55, v54;
	v57 =	vunpack.i.l.s16.s32 v7;
	[tilespmem:s3+$0x0] =	vst v56  }
.Ltmp4:
0x65: {  	s30 =	sadd.s32 s29, s30;
	v58 =	vunpack.i.u.s16.s32 v7;
	v2 =	vpack.i.b32.b16 v2, v57;
	[tilespmem:s31+$0x0] =	vst v3;
	(pc) =	sbr.rel @p1 .LBB1_4-.Ltmp4, $4  }
0x66: {  	s1 =	sadd.s32 s29, s24;
	v59 =	vunpack.i.l.s16.s32 v4;
	v60 =	vunpack.i.l.s16.s32 v6;
	v0 =	vpack.i.b32.b16 v0, v58;
	[tilespmem:s30+$0x0] =	vst v2  }
0x67: {  	v61 =	vunpack.i.u.s16.s32 v4;
	v62 =	vunpack.i.u.s16.s32 v6;
	v3 =	vpack.i.b32.b16 v60, v59;
	[tilespmem:s1+$0x0] =	vst v0  }
0x68: {  	s31 =	sadd.s32 $0x2, s20;
	v63 =	vpack.i.b32.b16 v62, v61;
	[tilespmem:s27+$0x0] =	vst v3  }
0x69: {  	s19 =	sadd.s32 $0x80, s19;
	s20 =	smov.u32 s31;
	[tilespmem:s28+$0x0] =	vst v63  }
.Ltmp5:
0x6a: {  	(pc) =	sbr.rel @p0 .LBB1_3-.Ltmp5, $2  }
0x6b: {  	_ =	sdelay $0x2  }
0x6c: {  	s0 =	simm.s32 $0x2;
	p1 =	por $0x0, $0x0  }
0x6d: {  	s0 =	sshrl.u32 s16, $0x2  }
0x6e: {  	s1 =	sand.u32 $0x1, s16;
	s2 =	sshll.u32 s16, $0x7;
	s3 =	sshll.u32 s15, $0x2  }
0x6f: {  	s4 =	sshll.u32 s15, $0x1;
	s0 =	smul.u32 $0x31000, s0;
	s2 =	sand.u32 $0x100, s2  }
0x70: {  	s3 =	sand.u32 $0xFFFFFE00, s3;
	s4 =	sand.u32 $0xFE, s4;
	s1 =	sor.u32 s1, s2  }
0x71: {  	s0 =	sadd.s32 s0, s3;
	s1 =	sor.u32 s4, s1  }
0x72: {  	s1 =	sor.u32 s0, s1  }
0x73: {  	s25 =	smulhi.u32 $0x5397829D, s1  }
0x74: {  	s0 =	smulhi.u32 $0x5397829D, s0  }
0x75: {  	s26 =	smul.u32 $0x3100, s14;
	s2 =	sshrl.u32 s25, $0xE  }
0x76: {  	s0 =	sshrl.u32 s0, $0xE;
	s2 =	smul.u32 $0xC400, s2  }
0x77: {  	s27 =	rddreg [dreg:$0x1];
	s31 =	simm.s32 $0x18800;
	s0 =	sand.u32 $0x3, s0  }
0x78: {  	s7 =	rddreg [dreg:$0x5];
	s0 =	smul.u32 $0xC40, s0;
	s1 =	ssub.s32 s1, s2  }
.Ltmp6:
0x79: {  	s2 =	sadd.s32 s27, s26;
	s28 =	sshll.u32 s1, $0x11;
	(pc) =	sbr.rel .LBB1_9-.Ltmp6, $4  }
0x7a: {  	s1 =	sshrl.u32 s1, $0x4;
	s0 =	sadd.s32 s0, s2;
	s29 =	sand.u32 $0x1C0000, s28  }
0x7b: {  	s8 =	rddreg [dreg:$0x6];
	s0 =	sadd.s32 s1, s0;
	s30 =	sor.u32 $0x800, s29  }
0x7c: {  	[hbm4b:s0+s30] =	stream.strided.scatter [tilespmem:s17], [sflag:$0x2], $0x4000, s31, s30, $0x38;
	[tilespmem:$0x10000] =	vst v63  }
0x7d: {  	s17 =	rddreg [dreg:$0x7]  }
.LBB1_10:
0x7e: {  	_ =	sfence.sel $0x180000  }
0x7f: {  	s0 =	simm.s32 $0x1;
	[bflag:$0x0] =	sbarrier.arrive $0xFFFF  }
0x80: {  	s30 =	simm.s32 $0x2;
	[sflag:s0] =	ssyncpa.u1 $0x1  }
0x81: {  	[sflag:s30] =	ssyncpa.u1 $0x1  }
0x82: {  	_ =	strace $0x90000047  }
0x83: {  	s31 =	stileid.u32;
	[bflag:$0x2] =	sbarrier.arrive $0xFFFF  }
0x84: {  	p0 =	sne.s32 s31, $0x0;
	s0 =	rddreg [dreg:$0x2]  }
0x85: {  	s0 =	sadd.s32 @!p0 $0x100000, s0  }
0x86: {  	[sflag:s0] =	ssyncadd.tile.s32 @!p0 $0x1;
	_ =	shalt  }
.Lfunc_end1:
_tile_overlayer_lowered:
.L_overlay_start_2:
0x87: {  	(tag) =	ssettag $0x2  }
0x88: {  	s0 =	rddreg [dreg:$0x0];
	s2 =	stileid.u32  }
0x89: {  	s1 =	rddreg [dreg:$0x1];
	p0 =	sne.s32 s2, $0x0  }
0x8a: {  	s3 =	rddreg [dreg:$0x2];
	[bflag:$0x3] =	sbarrier.arrive $0xFFFF;
	s2 =	simm.s32 @!p0 $0x1C01  }
0x8b: {  	[timem:s3], [sflag:s2] =	dma.local @!p0 [hbm:s0], s1  }
0x8c: {  	s0 =	simm.s32 @!p0 $0x1  }
0x8d: {  	_ =	swait.ge @!p0 [sflag:s0], s1  }
0x8e: {  	s1 =	ssub.s32 @!p0 $0x0, s1;
	[sflag:s0] =	ssyncset.done @!p0 $0x0  }
0x8f: {  	[sflag:s0] =	ssyncadd.s32 @!p0 s1  }
0x90: {  	[bflag:$0x3] =	sbarrier.arrive $0xFFFF  }
0x91: {  	_ =	shalt  }

// kernel: sparse-core-data-format-call.cloned.1.call-start
scs
called_computation_lowered:
.L_overlay_start_0:
0x0: {  	s1 =	sld [smem:$0x3FD9]  }
0x1: {  	s2 =	sld [smem:$0x3FFE];
	_ =	sdelay $0x1  }
0x2: {  	s3 =	srdreg.scid  }
0x3: {  	s0 =	sand.u32 $0x1, s3  }
0x4: {  	s17 =	sshll.u32 s0, $0xA;
	s1 =	sadd.s32 s2, s1  }
0x5: {  	s1 =	sadd.s32 s1, s17  }
0x6: {  	[smem:$0x3FC6] =	sst s1  }
0x7: {  	_ = 	snop  }
0x8: {  	(tm) =	ssettm $0x1  }
0x9: {  	s18 =	sld [smem:$0x3FFB];
	_ =	sdelay $0x3  }
0xa: {  	_ =	strace s18  }
0xb: {  	s1 =	sld [smem:$0x3FFC];
	_ =	sdelay $0x3  }
0xc: {  	_ =	strace s1  }
0xd: {  	s1 =	sld [smem:$0x3FFD];
	_ =	sdelay $0x3  }
0xe: {  	_ =	strace s1  }
0xf: {  	_ =	strace $0x8FFFFFFF  }
0x10: {  	s19 =	sld [smem:$0x3FDB];
	_ =	sdelay $0x1  }
0x11: {  	s20 =	simm.s32 $_scs_section_size  }
0x12: {  	s4 =	simm.s32 $_size__tile_overlayer_lowered;
	s5 =	simm.s32 $_tile_overlayer_lowered  }
0x13: {  	s23 =	simm.s32 $0x1BFF;
	s22 =	sshll.u32 s5, $0x1;
	s1 =	sadd.s32 s20, s19  }
0x14: {  	s6 =	simm.s32 $0x0;
	s21 =	sshll.u32 s4, $0x1;
	s4 =	sadd.s32 s22, s1  }
0x15: {  	[timem:s6], [sflag:s23] =	dma.local [hbm:s4], s21  }
0x16: {  	_ =	swait.ge [sflag:s23], s21  }
0x17: {  	s2 =	ssub.s32 $0x0, s21;
	[sflag:s23] =	ssyncset.done $0x0  }
0x18: {  	[sflag:s23] =	ssyncadd.s32 s2;
	_ =	sdelay $0x1  }
0x19: {  	s24 =	simm.s32 $0x1B8B  }
0x1a: {  	_ =	swait.ge [sflag:s24], $0x1  }
0x1b: {  	[sflag:s24] =	ssyncset.done $0x0  }
0x1c: {  	s26 =	simm.s32 $0x1B8E;
	s25 =	sld [smem:$0x3FFE];
	[sflag:s24] =	ssyncadd.s32 $0xFFFFFFFF  }
0x1d: {  	s27 =	simm.s32 $execute0_lowered;
	[smem:$0x3FD2] =	sst s26  }
0x1e: {  	s4 =	sshll.u32 s27, $0x1;
	_ =	strace $0x80000049;
	[dreg:$0x1] =	wrdreg $0xFFFFFFFF  }
0x1f: {  	s28 =	simm.s32 $_size_execute0_lowered;
	s1 =	sadd.s32 s1, s4;
	[dreg:$0x0] =	wrdreg $0x0  }
0x20: {  	s4 =	sshll.u32 s28, $0x1;
	[dreg:$0x2] =	wrdreg s1  }
0x21: {  	[dreg:$0x3] =	wrdreg s4  }
0x22: {  	[dreg:$0x4] =	wrdreg $0xC0  }
0x23: {  	_ =	task [dreg:s6], $0x5FFFF  }
0x24: {  	[dreg:$0x1] =	wrdreg $0xFFFFFFFF  }
0x25: {  	[dreg:$0x0] =	wrdreg $0x60  }
0x26: {  	[dreg:$0x2] =	wrdreg s25  }
0x27: {  	[dreg:$0x3] =	wrdreg $0x9  }
0x28: {  	_ =	task.clear_ibuf [dreg:s6], $0x4FFFF;
	_ =	strace $0x90000049  }
0x29: {  	s29 =	simm.s32 $0x9;
	_ =	strace $0x8000004B  }
0x2a: {  	_ =	swait.ge [sflag:s29], $0x1  }
0x2b: {  	[sflag:s29] =	ssyncadd.s32 $0xFFFFFFFF  }
0x2c: {  	_ =	strace $0x9000004B  }
0x2d: {  	_ =	sfence  }
0x2e: {  	s30 =	sld [smem:$0x0];
	_ =	sdelay $0x2  }
0x2f: {  	s31 =	sshll.u32 s3, $0xD;
	s3 =	sshrl.u32 s3, $0x2  }
0x30: {  	s2 =	sand.u32 $0x4000, s31;
	s1 =	sadd.s32 s3, s30  }
0x31: {  	s0 =	sor.u32 s2, s0;
	s1 =	sshll.u32 s1, $0x11  }
0x32: {  	s0 =	sor.u32 s1, s0  }
0x33: {  	s0 =	sadd.s32 $0x8F2B, s0  }
0x34: {  	[sflag:s0] =	ssyncadd.remote.s32 $0x1  }
0x35: {  	_ =	sfence.sel $0xFFFF  }
0x36: {  	[dreg:$0x0] =	wrdreg $0xFFFFFFFF;
	(pc) =	sbr.abs _section_cstart, $3  }
0x37: {  	[dreg:$0x1] =	wrdreg $0xFFFFFFFF  }
0x38: {  	_ =	task.clear_ibuf [dreg:s6], $0x2FFFF;
	_ =	strace $0x9FFFFFFF  }
0x39: {  	(tm) =	ssettm $0x7FFFFFFF  }
tec
execute0_lowered:
.L_overlay_start_1:
0x0: {  	(tag) =	ssettag $0x1  }
0x1: {  	s0 =	stileid.u32  }
0x2: {  	s1 =	srdreg.scid;
	s4 =	rddreg [dreg:$0x0]  }
0x3: {  	s7 =	simm.s32 $0x1;
	s8 =	simm.s32 $0x2;
	s15 =	simm.s32 $0x0  }
0x4: {  	s14 =	simm.s32 $0x0;
	s2 =	sshll.u32 s0, $0x5;
	s1 =	sshll.u32 s1, $0x9  }
0x5: {  	s13 =	simm.s32 $0x0;
	s11 =	simm.s32 $0x0;
	s2 =	sor.u32 s2, s1  }
0x6: {  	s12 =	simm.s32 $0x0;
	s3 =	sadd.s32 $0x316C00, s4;
	s2 =	sand.u32 $0x380, s2  }
0x7: {  	s4 =	sadd.s32 $0xC00, s4;
	s1 =	rddreg [dreg:$0x1];
	s6 =	ssub.s32 $0xC500, s2  }
.Ltmp0:
0x8: {  	_ =	strace $0x8000004A;
	s5 =	sand.u32 $0x380, s6;
	(pc) =	sbr.rel .LBB1_1-.Ltmp0, $4  }
0x9: {  	s9 =	smov.u32 s2;
	p0 =	sne.s32 s5, $0x0;
	s5 =	simm.s32 $0x1  }
0xa: {  	s6 =	sshrl.u32 s6, $0xA;
	s7 =	simm.s32 @!p0 $0x0;
	[sflag:s5] =	ssyncpa.u1 $0x0  }
0xb: {  	p0 =	por $0x0, $0x0;
	s6 =	sadd.s32 s7, s6;
	s7 =	sand.u32 $0x3, s0  }
0xc: {  	[sflag:s8] =	ssyncpa.u1 $0x0;
	s8 =	sadd.s32 $0x1, s6;
	s10 =	smov.u32 s7  }
.LBB1_4:
0xd: {  	s15 =	sshll.u32 s15, $0x7;
	s21 =	sshll.u32 s13, $0x3  }
0xe: {  	v5 =	vld [tilespmem:s19+$0xFFFFFFD0];
	[tilespmem:s18+$0x2040 ss:$0x81] =	vst.msk $0xffff, v4;
	s22 =	sand.u32 $0xFFFFFC00, s15;
	s21 =	sand.u32 $0xFFFFFC00, s21  }
0xf: {  	v58 =	vld [tilespmem:s19+$0xFFFFFFE0];
	[tilespmem:s18+$0x2850 ss:$0x81] =	vst.msk $0xffff, v2;
	s15 =	sand.u32 $0x380, s15;
	s21 =	sadd.s32 s21, s22  }
0x10: {  	s20 =	sshra.s32 s20, $0x2;
	v59 =	vld [tilespmem:s19+$0xFFFFFFF0];
	[tilespmem:s18+$0x3060 ss:$0x81] =	vst.msk $0xffff, v3;
	s15 =	sor.u32 s15, s21  }
0x11: {  	v60 =	vld [tilespmem:s19+$0x0];
	[tilespmem:s18+$0x0 ss:$0x81] =	vst.msk $0xffff, v0;
	s17 =	sadd.s32 s20, s17;
	s15 =	sshrl.u32 s15, $0x7  }
0x12: {  	v61 =	vld [tilespmem:s19+$0x10];
	[tilespmem:s17+$0x3870 ss:$0x81] =	vst.msk $0xffff, v1;
	s28 =	smulhi.u32 $0x14CAB89, s15  }
0x13: {  	v62 =	vld [tilespmem:s19+$0x20];
	[tilespmem:s17+$0x810 ss:$0x81] =	vst.msk $0xffff, v5  }
0x14: {  	v63 =	vld [tilespmem:s19+$0xFFFFFFC0];
	s14 =	smul.u32 $0xC5000, s14;
	[tilespmem:s17+$0x1020 ss:$0x81] =	vst.msk $0xffff, v58;
	s18 =	sshrl.u32 s28, $0x8  }
0x15: {  	[tilespmem:s17+$0x1830 ss:$0x81] =	vst.msk $0xffff, v59;
	s18 =	smul.u32 $0xC500, s18  }
0x16: {  	s29 =	sshrl.u32 s13, $0x3;
	[tilespmem:s17+$0x2040 ss:$0x81] =	vst.msk $0xffff, v60  }
0x17: {  	s30 =	sand.u32 $0xF, s29;
	s14 =	sadd.s32 s4, s14;
	[tilespmem:s17+$0x2850 ss:$0x81] =	vst.msk $0xffff, v61;
	s15 =	ssub.s32 s15, s18  }
0x18: {  	s14 =	sadd.s32 s30, s14;
	[tilespmem:s17+$0x3060 ss:$0x81] =	vst.msk $0xffff, v62;
	s15 =	sshll.u32 s15, $0x4  }
0x19: {  	s31 =	sand.u32 $0x7, s13;
	[tilespmem:s17+$0x0 ss:$0x81] =	vst.msk $0xffff, v63;
	s14 =	sadd.s32 s15, s14  }
0x1a: {  	[hbm4b:s14+s31] =	stream.linear.scatter [tilespmem:s16], [sflag:$0x2], $0x4000, $0x20;
	[tilespmem:$0x10100] =	vst v63  }
.LBB1_5:
0x1b: {  	s16 =	sadd.s32 $0x400, s9  }
0x1c: {  	s13 =	sadd.s32 $0x4, s10;
	s17 =	smov.u32 s10;
	p2 =	sgt.s32 s16, $0xC4FF  }
0x1d: {  	s17 =	smov.u32 @p2 s13  }
0x1e: {  	s19 =	smov.u32 s11;
	s13 =	sadd.s32 $0x80, s11;
	p3 =	sgt.s32 s17, $0x3  }
0x1f: {  	s19 =	smov.u32 @p3 s13  }
0x20: {  	s16 =	smov.u32 @p2 s2;
	p2 =	sgt.s32 s19, $0x7F  }
0x21: {  	p1 =	slt.u32 s12, $0x2;
	s19 =	simm.s32 @p2 $0x0;
	p2 =	sne.s32 s12, s8  }
.Ltmp1:
0x22: {  	s18 =	simm.s32 @!p1 $0x2;
	(pc) =	sbr.rel @!p2 .LBB1_6-.Ltmp1, $4  }
0x23: {  	s15 =	smov.u32 s9;
	s14 =	smov.u32 s10;
	_ =	swait.ge @!p1 [sflag:s18], $0x4000  }
0x24: {  	p0 =	por !p0, !p0;
	[sflag:s18] =	ssyncset.done @!p1 $0x0;
	s9 =	smov.u32 s16  }
0x25: {  	s17 =	smov.u32 @p3 s7;
	s13 =	smov.u32 s11;
	[sflag:s18] =	ssyncadd.s32 @!p1 $0xFFFFC000  }
0x26: {  	s10 =	smov.u32 s17;
	s12 =	sadd.s32 $0x1, s12;
	s11 =	smov.u32 s19  }
.LBB1_1:
0x27: {  	p1 =	sge.u32 s12, s6  }
0x28: {  	s16 =	sshrl.u32 @!p1 s10, $0x2  }
0x29: {  	s17 =	sshll.u32 @!p1 s9, $0x2;
	s16 =	smul.u32 @!p1 $0x31400, s16  }
0x2a: {  	s18 =	sshll.u32 @!p1 s10, $0x7;
	s17 =	sand.u32 @!p1 $0xFFFFFE00, s17  }
0x2b: {  	s16 =	sadd.s32 @!p1 s16, s17;
	s17 =	sand.u32 @!p1 $0x180, s18  }
0x2c: {  	s16 =	sor.u32 @!p1 s17, s16  }
0x2d: {  	s17 =	sshrl.u32 @!p1 s16, $0x8  }
0x2e: {  	s17 =	smulhi.u32 @!p1 $0x14CAB89, s17  }
0x2f: {  	s31 =	sadd.s32 $0xFFFFFFFF, s12  }
0x30: {  	s19 =	sand.u32 @!p1 $0x7F, s9;
	s18 =	sxor.u32 @!p1 $0xFFFFFFFF, s12;
	s20 =	smul.u32 @!p1 $0xC500, s17  }
0x31: {  	s16 =	sor.u32 @!p1 s19, s16;
	s19 =	smul.u32 @!p1 $0x6280, s11;
	s17 =	sand.u32 @!p1 $0x3, s17  }
0x32: {  	s18 =	sshll.u32 @!p1 s18, $0xE;
	s17 =	smul.u32 @!p1 $0x18A0, s17;
	s16 =	ssub.s32 @!p1 s16, s20  }
0x33: {  	s18 =	sand.u32 @!p1 $0x4000, s18;
	s19 =	sadd.s32 @!p1 s3, s19;
	s20 =	sand.u32 @!p1 $0x7, s16  }
0x34: {  	s16 =	sshrl.u32 @!p1 s16, $0x3;
	s17 =	sadd.s32 @!p1 s17, s19;
	s19 =	sshll.u32 @!p1 s20, $0x12  }
0x35: {  	s16 =	sadd.s32 @!p1 s16, s17;
	s17 =	sor.u32 @!p1 $0x80, s19;
	s19 =	simm.s32 @!p1 $0x31400  }
0x36: {  	[tilespmem:s18], [sflag:$0x1] =	stream.strided.gather @!p1 [hbm4b:s16+s17], $0x4000, s19, s17, $0x38;
	[tilespmem:$0x10100] =	vst v63  }
0x37: {  	p1 =	sge.u32 s31, s6  }
.Ltmp2:
0x38: {  	_ = 	snop;
	(pc) =	sbr.rel @p1 .LBB1_5-.Ltmp2, $1  }
0x39: {  	_ =	sdelay $0x3  }
0x3a: {  	s16 =	simm.s32 $0x1  }
0x3b: {  	_ =	swait.ge [sflag:s5], $0x4000;
	s16 =	simm.s32 @!p0 $0x0  }
0x3c: {  	[sflag:s5] =	ssyncset.done $0x0;
	s17 =	sshll.u32 s16, $0xE  }
0x3d: {  	[sflag:s5] =	ssyncadd.s32 $0xFFFFC000;
	s19 =	sor.u32 $0x40, s17  }
0x3e: {  	s16 =	smul.u32 $0x10200, s16;
	v0 =	vld [tilespmem:s19+$0x30]  }
0x3f: {  	v1 =	vld [tilespmem:s19+$0xFFFFFFD0]  }
0x40: {  	s16 =	sshrl.u32 s16, $0x2;
	v5 =	vld [tilespmem:s19+$0xFFFFFFE0]  }
0x41: {  	v6 =	vld [tilespmem:s19+$0xFFFFFFF0];
	s17 =	sor.u32 $0x8000, s16  }
0x42: {  	s31 =	sand.u32 $0x1, s12;
	v4 =	vld [tilespmem:s19+$0x0];
	s18 =	sadd.s32 $0x0, s17  }
0x43: {  	v2 =	vld [tilespmem:s19+$0x10];
	s16 =	smul.u32 $0x10200, s31;
	[tilespmem:s18+$0x3870 ss:$0x81] =	vst.msk $0xffff, v0  }
0x44: {  	v3 =	vld [tilespmem:s19+$0x20];
	[tilespmem:s18+$0x810 ss:$0x81] =	vst.msk $0xffff, v1  }
0x45: {  	s16 =	sshrl.u32 s16, $0x2;
	v0 =	vld [tilespmem:s19+$0xFFFFFFC0];
	[tilespmem:s18+$0x1020 ss:$0x81] =	vst.msk $0xffff, v5;
	s19 =	sadd.s32 $0x80, s19  }
0x46: {  	s20 =	simm.s32 $0x4;
	s21 =	simm.s32 $0x8;
	s16 =	sor.u32 $0x8000, s16;
	[tilespmem:s18+$0x1830 ss:$0x81] =	vst.msk $0xffff, v6;
	v1 =	vld [tilespmem:s19+$0x30]  }
.LBB1_3:
0x47: {  	p1 =	sne.s32 s21, $0x1FC;
	v5 =	vld [tilespmem:s19+$0xFFFFFFD0];
	[tilespmem:s18+$0x2040 ss:$0x81] =	vst.msk $0xffff, v4  }
0x48: {  	v6 =	vld [tilespmem:s19+$0xFFFFFFE0];
	[tilespmem:s18+$0x2850 ss:$0x81] =	vst.msk $0xffff, v2  }
0x49: {  	s22 =	sshra.s32 s20, $0x2;
	s20 =	smov.u32 s21;
	v7 =	vld [tilespmem:s19+$0xFFFFFFF0];
	[tilespmem:s18+$0x3060 ss:$0x81] =	vst.msk $0xffff, v3  }
.Ltmp3:
0x4a: {  	v4 =	vld [tilespmem:s19+$0x0];
	[tilespmem:s18+$0x0 ss:$0x81] =	vst.msk $0xffff, v0;
	s18 =	sadd.s32 s22, s17;
	(pc) =	sbr.rel @p1 .LBB1_3-.Ltmp3, $4  }
0x4b: {  	v2 =	vld [tilespmem:s19+$0x10];
	[tilespmem:s18+$0x3870 ss:$0x81] =	vst.msk $0xffff, v1  }
0x4c: {  	[tilespmem:s18+$0x810 ss:$0x81] =	vst.msk $0xffff, v5;
	v3 =	vld [tilespmem:s19+$0x20]  }
0x4d: {  	v0 =	vld [tilespmem:s19+$0xFFFFFFC0];
	[tilespmem:s18+$0x1020 ss:$0x81] =	vst.msk $0xffff, v6;
	s19 =	sadd.s32 $0x80, s19  }
0x4e: {  	s21 =	sadd.s32 $0x4, s21;
	v1 =	vld [tilespmem:s19+$0x30];
	[tilespmem:s18+$0x1830 ss:$0x81] =	vst.msk $0xffff, v7  }
.Ltmp4:
0x4f: {  	_ = 	snop;
	(pc) =	sbr.rel .LBB1_4-.Ltmp4, $1  }
0x50: {  	_ =	sdelay $0x3  }
.LBB1_6:
0x51: {  	_ =	sfence.sel $0x180000  }
0x52: {  	s2 =	simm.s32 $0x1;
	[bflag:$0x0] =	sbarrier.arrive $0xFFFF  }
0x53: {  	s31 =	simm.s32 $0x2;
	[sflag:s2] =	ssyncpa.u1 $0x1  }
0x54: {  	[sflag:s31] =	ssyncpa.u1 $0x1  }
0x55: {  	p0 =	sne.s32 s0, $0x0;
	_ =	strace $0x9000004A  }
0x56: {  	s0 =	sadd.s32 @!p0 $0x100000, s1;
	[bflag:$0x2] =	sbarrier.arrive $0xFFFF  }
0x57: {  	[sflag:s0] =	ssyncadd.tile.s32 @!p0 $0x1;
	_ =	shalt  }
.Lfunc_end1:
_tile_overlayer_lowered:
.L_overlay_start_2:
0x58: {  	(tag) =	ssettag $0x2  }
0x59: {  	s0 =	rddreg [dreg:$0x0];
	s2 =	stileid.u32  }
0x5a: {  	s1 =	rddreg [dreg:$0x1];
	p0 =	sne.s32 s2, $0x0  }
0x5b: {  	s3 =	rddreg [dreg:$0x2];
	[bflag:$0x3] =	sbarrier.arrive $0xFFFF;
	s2 =	simm.s32 @!p0 $0x1C01  }
0x5c: {  	[timem:s3], [sflag:s2] =	dma.local @!p0 [hbm:s0], s1  }
0x5d: {  	s0 =	simm.s32 @!p0 $0x1  }
0x5e: {  	_ =	swait.ge @!p0 [sflag:s0], s1  }
0x5f: {  	s1 =	ssub.s32 @!p0 $0x0, s1;
	[sflag:s0] =	ssyncset.done @!p0 $0x0  }
0x60: {  	[sflag:s0] =	ssyncadd.s32 @!p0 s1  }
0x61: {  	[bflag:$0x3] =	sbarrier.arrive $0xFFFF  }
0x62: {  	_ =	shalt  }

</sc_bundles>
